<compile_context>
chip_gen: v7x
topology: tpu7x:2x2x1
jax: 0.10.2.dev20260603
libtpu: 0.0.44.dev20260713+nightly
codegen_flags: <defaults>
</compile_context>

<pallas_src>
import functools

import jax
import jax.numpy as jnp
from jax import lax
from jax.experimental import pallas as pl
from jax.experimental.pallas import tpu as pltpu
from jax.experimental.pallas import tpu_sc as plsc

N = 10000
E = 320000
D = 128
NPAD = 10240
NC = 2
NS = 16
NW = NC * NS
EPW = E // NW
CHUNK = 80
NCHUNK = EPW // CHUNK
RING = 2
RPT = NPAD // NS

_sc_mesh = plsc.VectorSubcoreMesh(core_axis_name="c", subcore_axis_name="s")


@functools.partial(
    pl.kernel,
    out_type=jax.ShapeDtypeStruct((NW, NPAD), jnp.float32),
    mesh=_sc_mesh,
    scratch_types=[
        pltpu.VMEM((EPW,), jnp.int32),
        pltpu.VMEM((NPAD,), jnp.float32),
    ],
    compiler_params=pltpu.CompilerParams(needs_layout_passes=False),
)
def _deg_kernel(dst_hbm, out_hbm, dst_v, deg_v):
    wid = lax.axis_index("c") * NS + lax.axis_index("s")
    zeros16 = jnp.zeros((16,), jnp.float32)

    def _zero(i, carry):
        deg_v[pl.ds(i * 16, 16)] = zeros16
        return carry

    lax.fori_loop(0, NPAD // 16, _zero, 0)
    pltpu.sync_copy(dst_hbm.at[pl.ds(wid * EPW, EPW)], dst_v)
    ones16 = jnp.ones((16,), jnp.float32)

    def _hist(j, carry):
        idx = dst_v[pl.ds(j * 16, 16)]
        plsc.addupdate_scatter(deg_v, [idx], ones16)
        return carry

    lax.fori_loop(0, EPW // 16, _hist, 0)
    pltpu.sync_copy(deg_v, out_hbm.at[wid])


@functools.partial(
    pl.kernel,
    out_type=jax.ShapeDtypeStruct((NC, NPAD, D), jnp.float32),
    mesh=_sc_mesh,
    scratch_types=[
        pltpu.VMEM((EPW,), jnp.int32),
        pltpu.VMEM((NCHUNK, CHUNK), jnp.int32),
        pltpu.VMEM((RING, CHUNK, D), jnp.float32),
        pltpu.VMEM_SHARED((NPAD, D), jnp.float32),
        [pltpu.SemaphoreType.DMA] * RING,
        [pltpu.SemaphoreType.DMA] * RING,
        [pltpu.SemaphoreType.DMA] * RING,
    ],
    compiler_params=pltpu.CompilerParams(needs_layout_passes=False),
)
def _agg_kernel(g_hbm, src_hbm, dst_hbm, out_hbm,
                src_v, dst_v, rows_v, acc_sh, gsem, gsem2, ssem):
    cid = lax.axis_index("c")
    sid = lax.axis_index("s")
    wid = cid * NS + sid
    zeros16 = jnp.zeros((16,), jnp.float32)

    def _zbuf(i, carry):
        rows_v[0, i // 8, pl.ds((i % 8) * 16, 16)] = zeros16
        return carry

    lax.fori_loop(0, CHUNK * 8, _zbuf, 0)
    row0 = sid * RPT
    zcps = [pltpu.async_copy(rows_v.at[0],
                             acc_sh.at[pl.ds(row0 + k * CHUNK, CHUNK)],
                             ssem[0])
            for k in range(RPT // CHUNK)]
    icp0 = pltpu.async_copy(src_hbm.at[wid], src_v, gsem[0])
    icp1 = pltpu.async_copy(dst_hbm.at[wid], dst_v, gsem[1])
    for cp in zcps:
        cp.wait()
    icp0.wait()
    icp1.wait()
    plsc.subcore_barrier()

    H = CHUNK // 2

    def _gather_start(j, b):
        pltpu.async_copy(
            g_hbm.at[src_v.at[pl.ds(j * CHUNK, H)]],
            rows_v.at[b, pl.ds(0, H)], gsem[b])
        pltpu.async_copy(
            g_hbm.at[src_v.at[pl.ds(j * CHUNK + H, H)]],
            rows_v.at[b, pl.ds(H, H)], gsem2[b])

    def _gather_wait(j, b):
        pltpu.make_async_copy(
            g_hbm.at[src_v.at[pl.ds(j * CHUNK, H)]],
            rows_v.at[b, pl.ds(0, H)], gsem[b]).wait()
        pltpu.make_async_copy(
            g_hbm.at[src_v.at[pl.ds(j * CHUNK + H, H)]],
            rows_v.at[b, pl.ds(H, H)], gsem2[b]).wait()

    def _scatter_start(j, b):
        pltpu.async_copy(rows_v.at[b], acc_sh.at[dst_v.at[j]], ssem[b],
                         add=True)

    def _scatter_wait(j, b):
        pltpu.make_async_copy(rows_v.at[b], acc_sh.at[dst_v.at[j]], ssem[b]).wait()

    _gather_start(0, 0)
    _gather_start(1, 1)
    _gather_wait(0, 0)
    _scatter_start(0, 0)
    _scatter_wait(0, 0)
    _gather_start(2, 0)
    _gather_wait(1, 1)
    _scatter_start(1, 1)

    def _steady(k, carry):
        for b in (0, 1):
            j = 2 + 2 * k + b
            _scatter_wait(j - 1, 1 - b)
            _gather_start(j + 1, 1 - b)
            _gather_wait(j, b)
            _scatter_start(j, b)
        return carry

    lax.fori_loop(0, (NCHUNK - 3) // 2, _steady, 0)
    _scatter_wait(NCHUNK - 2, 1)
    _gather_wait(NCHUNK - 1, 0)
    _scatter_start(NCHUNK - 1, 0)
    _scatter_wait(NCHUNK - 1, 0)
    plsc.subcore_barrier()

    pltpu.sync_copy(acc_sh.at[pl.ds(row0, RPT)],
                    out_hbm.at[cid, pl.ds(row0, RPT)])


RBP = 1024
RBF = 1000


def _prep_body(deg_ref, x_ref, w_ref, g_ref):
    dinv = lax.rsqrt(jnp.sum(deg_ref[...], axis=1, keepdims=True) + 1.0)
    g_ref[...] = jnp.dot(x_ref[...], w_ref[...],
                         preferred_element_type=jnp.float32) * dinv


def _mid_body(deg_ref, acc_ref, g_ref, b_ref, w_ref, out_ref):
    dinv = lax.rsqrt(jnp.sum(deg_ref[...], axis=1, keepdims=True) + 1.0)
    s = acc_ref[0] + acc_ref[1] + g_ref[...]
    x = jnp.maximum(dinv * s + b_ref[...], 0.0)
    out_ref[...] = jnp.dot(x, w_ref[...],
                           preferred_element_type=jnp.float32) * dinv


def _fin_body(deg_ref, acc_ref, g_ref, b_ref, out_ref):
    dinv = lax.rsqrt(jnp.sum(deg_ref[...], axis=1, keepdims=True) + 1.0)
    s = acc_ref[0] + acc_ref[1] + g_ref[...]
    out_ref[...] = jnp.maximum(dinv * s + b_ref[...], 0.0)


_prep = pl.pallas_call(
    _prep_body,
    grid=(N // RBF,),
    in_specs=[
        pl.BlockSpec((RBF, NW), lambda i: (i, 0)),
        pl.BlockSpec((RBF, D), lambda i: (i, 0)),
        pl.BlockSpec((D, D), lambda i: (0, 0)),
    ],
    out_specs=pl.BlockSpec((RBF, D), lambda i: (i, 0)),
    out_shape=jax.ShapeDtypeStruct((NPAD, D), jnp.float32),
)

_mid = pl.pallas_call(
    _mid_body,
    grid=(NPAD // RBP,),
    in_specs=[
        pl.BlockSpec((RBP, NW), lambda i: (i, 0)),
        pl.BlockSpec((NC, RBP, D), lambda i: (0, i, 0)),
        pl.BlockSpec((RBP, D), lambda i: (i, 0)),
        pl.BlockSpec((1, D), lambda i: (0, 0)),
        pl.BlockSpec((D, D), lambda i: (0, 0)),
    ],
    out_specs=pl.BlockSpec((RBP, D), lambda i: (i, 0)),
    out_shape=jax.ShapeDtypeStruct((NPAD, D), jnp.float32),
)

_fin = pl.pallas_call(
    _fin_body,
    grid=(N // RBF,),
    in_specs=[
        pl.BlockSpec((RBF, NW), lambda i: (i, 0)),
        pl.BlockSpec((NC, RBF, D), lambda i: (0, i, 0)),
        pl.BlockSpec((RBF, D), lambda i: (i, 0)),
        pl.BlockSpec((1, D), lambda i: (0, 0)),
    ],
    out_specs=pl.BlockSpec((RBF, D), lambda i: (i, 0)),
    out_shape=jax.ShapeDtypeStruct((N, D), jnp.float32),
)


def kernel(map_tensor, edge_index, W1, b1, W2, b2, W3, b3):
    src2 = edge_index[0].reshape(NW, EPW)
    dst3 = edge_index[1].reshape(NW, NCHUNK, CHUNK)
    deg_parts = _deg_kernel(edge_index[1])
    degT = deg_parts.T
    b1r, b2r, b3r = b1.reshape(1, D), b2.reshape(1, D), b3.reshape(1, D)

    g1 = _prep(degT, map_tensor, W1)
    p1 = _agg_kernel(g1, src2, dst3)
    g2 = _mid(degT, p1, g1, b1r, W2)
    p2 = _agg_kernel(g2, src2, dst3)
    g3 = _mid(degT, p2, g2, b2r, W3)
    p3 = _agg_kernel(g3, src2, dst3)
    return _fin(degT, p3, g3, b3r)

# --- scband reference (transcript-rebuilt; emitter-appended) ---
"""Pipeline reference for scband-map-embedding-tower-75531294868021 (READ-ONLY COPY).

The authoritative reference and input builder live on the scoring server;
editing this copy changes nothing except your own understanding.
"""

import jax, jax.numpy as jnp
import numpy as np

N_NODES = 10000
N_EDGES = 320000
D = 128


def setup_inputs(seed: int = 0) -> dict:
    key = jax.random.key(seed)
    ks = jax.random.split(key, 8)
    map_tensor = jax.random.normal(ks[0], (N_NODES, D), dtype=jnp.float32)
    edge_index = jax.random.randint(ks[1], (2, N_EDGES), 0, N_NODES, dtype=jnp.int32)
    scale = 1.0 / np.sqrt(D)
    W1 = jax.random.normal(ks[2], (D, D), dtype=jnp.float32) * scale
    b1 = jnp.zeros((D,), dtype=jnp.float32)
    W2 = jax.random.normal(ks[3], (D, D), dtype=jnp.float32) * scale
    b2 = jnp.zeros((D,), dtype=jnp.float32)
    W3 = jax.random.normal(ks[4], (D, D), dtype=jnp.float32) * scale
    b3 = jnp.zeros((D,), dtype=jnp.float32)
    return {"map_tensor": map_tensor, "edge_index": edge_index,
            "W1": W1, "b1": b1, "W2": W2, "b2": b2, "W3": W3, "b3": b3}


def gcn_conv(x, src, dst, W, b, num_nodes):
    # GCNConv: linear transform, add self-loops, symmetric normalization, scatter-add
    h = x @ W
    loop = jnp.arange(num_nodes, dtype=src.dtype)
    src_f = jnp.concatenate([src, loop])
    dst_f = jnp.concatenate([dst, loop])
    ones = jnp.ones(src_f.shape[0], dtype=x.dtype)
    deg = jax.ops.segment_sum(ones, dst_f, num_segments=num_nodes)
    dinv = jnp.where(deg > 0, 1.0 / jnp.sqrt(deg), 0.0)
    norm = dinv[src_f] * dinv[dst_f]
    msg = h[src_f] * norm[:, None]
    out = jax.ops.segment_sum(msg, dst_f, num_segments=num_nodes)
    return out + b


def reference(map_tensor, edge_index, W1, b1, W2, b2, W3, b3):
    src, dst = edge_index[0], edge_index[1]
    x = jax.nn.relu(gcn_conv(map_tensor, src, dst, W1, b1, N_NODES))
    x = jax.nn.relu(gcn_conv(x, src, dst, W2, b2, N_NODES))
    x = jax.nn.relu(gcn_conv(x, src, dst, W3, b3, N_NODES))
    return x

if __name__ == "__main__":
    import jax
    _d = setup_inputs()
    print(jax.jit(kernel)(*tuple(_d.values())))

</pallas_src>

<mosaic_0001>
#map = affine_map<(d0, d1) -> (0, 0)>
#map1 = affine_map<(d0, d1) -> (0, 0, 0)>
module attributes {stable_mosaic.version = 14 : i64} {
  func.func @_agg_kernel(%arg0: i32, %arg1: i32, %arg2: memref<10240x128xf32, #tpu.memory_space<hbm>>, %arg3: memref<32x10000xi32, #tpu.memory_space<hbm>>, %arg4: memref<32x125x80xi32, #tpu.memory_space<hbm>>, %arg5: memref<2x10240x128xf32, #tpu.memory_space<hbm>>, %arg6: memref<10000xi32, #tpu.memory_space<vmem>>, %arg7: memref<125x80xi32, #tpu.memory_space<vmem>>, %arg8: memref<2x80x128xf32, #tpu.memory_space<vmem>>, %arg9: memref<10240x128xf32, #tpu.memory_space<vmem_shared>>, %arg10: memref<!tpu.dma_semaphore, #tpu.memory_space<semaphore_mem>>, %arg11: memref<!tpu.dma_semaphore, #tpu.memory_space<semaphore_mem>>, %arg12: memref<!tpu.dma_semaphore, #tpu.memory_space<semaphore_mem>>, %arg13: memref<!tpu.dma_semaphore, #tpu.memory_space<semaphore_mem>>, %arg14: memref<!tpu.dma_semaphore, #tpu.memory_space<semaphore_mem>>, %arg15: memref<!tpu.dma_semaphore, #tpu.memory_space<semaphore_mem>>) attributes {dimension_semantics = [#tpu.dimension_semantics<core_parallel>, #tpu.dimension_semantics<subcore_parallel>], iteration_bounds = array<i64: 2, 16>, scalar_prefetch = 0 : i64, scratch_operands = 10 : i64, tpu.core_type = #tpu.core_type<sc_vector_subcore>, window_params = [{transform_indices = #map}, {transform_indices = #map}, {transform_indices = #map1}, {transform_indices = #map1}]} {
    %mul3A = arith.constant 16 : i32
    %mul3A_0 = arith.muli %arg0, %mul3A : i32
    %add3A = arith.addi %mul3A_0, %arg1 : i32
    %broadcast_in_dim3A = arith.constant 0.000000e+00 : f32
    %broadcast_in_dim3A_1 = vector.broadcast %broadcast_in_dim3A : f32 to vector<16xf32>
    %scan3A = arith.constant 0 : i32
    %scan3A_2 = arith.constant 0 : i32
    %scan3A_3 = arith.constant 640 : i32
    %scan3A_4 = arith.addi %scan3A_2, %scan3A_3 : i32
    %scan3A_5 = arith.constant 1 : i32
    scf.for %scan3A_458 = %scan3A_2 to %scan3A_4 step %scan3A_5  : i32 {
      %jit3A = arith.constant 8 : i32
      %div3A = arith.divsi %scan3A_458, %jit3A : i32
      %sign3A = arith.constant 0 : i32
      %sign3A_459 = arith.cmpi sgt, %scan3A_458, %sign3A : i32
      %sign3A_460 = arith.extui %sign3A_459 : i1 to i32
      %sign3A_461 = arith.constant 0 : i32
      %sign3A_462 = arith.cmpi slt, %scan3A_458, %sign3A_461 : i32
      %sign3A_463 = arith.extui %sign3A_462 : i1 to i32
      %sign3A_464 = arith.subi %sign3A_460, %sign3A_463 : i32
      %sign3A_465 = arith.constant 0 : i32
      %sign3A_466 = arith.cmpi sgt, %jit3A, %sign3A_465 : i32
      %sign3A_467 = arith.extui %sign3A_466 : i1 to i32
      %sign3A_468 = arith.constant 0 : i32
      %sign3A_469 = arith.cmpi slt, %jit3A, %sign3A_468 : i32
      %sign3A_470 = arith.extui %sign3A_469 : i1 to i32
      %sign3A_471 = arith.subi %sign3A_467, %sign3A_470 : i32
      %ne3A = arith.cmpi ne, %sign3A_464, %sign3A_471 : i32
      %rem3A = arith.remsi %scan3A_458, %jit3A : i32
      %ne3A_472 = arith.constant 0 : i32
      %ne3A_473 = arith.cmpi ne, %rem3A, %ne3A_472 : i32
      %and3A = arith.andi %ne3A, %ne3A_473 : i1
      %sub3A = arith.constant 1 : i32
      %sub3A_474 = arith.subi %div3A, %sub3A : i32
      %select_n3A = arith.select %and3A, %sub3A_474, %div3A : i32
      %jit3A_475 = arith.constant 8 : i32
      %eq3A = arith.constant 0 : i32
      %eq3A_476 = arith.cmpi eq, %jit3A_475, %eq3A : i32
      %jit3A_477 = arith.constant 1 : i32
      %select_n3A_478 = arith.select %eq3A_476, %jit3A_477, %jit3A_475 : i32
      %rem3A_479 = arith.remsi %scan3A_458, %select_n3A_478 : i32
      %ne3A_480 = arith.constant 0 : i32
      %ne3A_481 = arith.cmpi ne, %rem3A_479, %ne3A_480 : i32
      %lt3A = arith.constant 0 : i32
      %lt3A_482 = arith.cmpi slt, %rem3A_479, %lt3A : i32
      %lt3A_483 = arith.constant 0 : i32
      %lt3A_484 = arith.cmpi slt, %select_n3A_478, %lt3A_483 : i32
      %ne3A_485 = arith.xori %lt3A_482, %lt3A_484 : i1
      %and3A_486 = arith.andi %ne3A_485, %ne3A_481 : i1
      %add3A_487 = arith.addi %rem3A_479, %select_n3A_478 : i32
      %select_n3A_488 = arith.select %and3A_486, %add3A_487, %rem3A_479 : i32
      %mul3A_489 = arith.constant 16 : i32
      %mul3A_490 = arith.muli %select_n3A_488, %mul3A_489 : i32
      %swap3A = arith.constant 0 : i32
      %swap3A_491 = arith.index_cast %swap3A : i32 to index
      %swap3A_492 = arith.index_cast %select_n3A : i32 to index
      %swap3A_493 = arith.index_cast %mul3A_490 : i32 to index
      %swap3A_494 = tpu.vector_load %arg8[%swap3A_491, %swap3A_492, %swap3A_493] {strides = array<i32>} : memref<2x80x128xf32, #tpu.memory_space<vmem>>, vector<16xf32>,
      tpu.vector_store %arg8[%swap3A_491, %swap3A_492, %swap3A_493], %broadcast_in_dim3A_1 {strides = array<i32>} : memref<2x80x128xf32, #tpu.memory_space<vmem>>, vector<16xf32>,
    }
    %scan3A_6 = arith.constant 640 : i32
    %mul3A_7 = arith.constant 640 : i32
    %mul3A_8 = arith.muli %arg1, %mul3A_7 : i32
    %add3A_9 = arith.constant 0 : i32
    %add3A_10 = arith.addi %mul3A_8, %add3A_9 : i32
    %dma_start3A = arith.constant 0 : i32
    %dma_start3A_11 = arith.constant 0 : i32
    %dma_start3A_12 = arith.constant 0 : i32
    %dma_start3A_13 = tpu.memref_slice %arg8[%dma_start3A, %dma_start3A_11, %dma_start3A_12] : memref<2x80x128xf32, #tpu.memory_space<vmem>> -> memref<1x80x128xf32, #tpu.memory_space<vmem>>
    %dma_start3A_14 = tpu.memref_squeeze %dma_start3A_13 : memref<1x80x128xf32, #tpu.memory_space<vmem>> -> memref<80x128xf32, #tpu.memory_space<vmem>>
    %dma_start3A_15 = arith.constant 0 : i32
    %dma_start3A_16 = tpu.memref_slice %arg9[%add3A_10, %dma_start3A_15] : memref<10240x128xf32, #tpu.memory_space<vmem_shared>> -> memref<80x128xf32, #tpu.memory_space<vmem_shared>>
    %dma_start3A_17 = arith.constant 0 : i32
    %dma_start3A_18 = tpu.memref_slice %arg9[%add3A_10, %dma_start3A_17] : memref<10240x128xf32, #tpu.memory_space<vmem_shared>> -> memref<80x128xf32, #tpu.memory_space<vmem_shared>>
    %dma_start3A_19 = arith.constant 0 : i32
    %dma_start3A_20 = arith.constant 0 : i32
    %dma_start3A_21 = tpu.memref_slice %arg8[%dma_start3A, %dma_start3A_19, %dma_start3A_20] : memref<2x80x128xf32, #tpu.memory_space<vmem>> -> memref<1x80x128xf32, #tpu.memory_space<vmem>>
    %dma_start3A_22 = tpu.memref_squeeze %dma_start3A_21 : memref<1x80x128xf32, #tpu.memory_space<vmem>> -> memref<80x128xf32, #tpu.memory_space<vmem>>
    tpu.enqueue_dma source(%dma_start3A_22 : memref<80x128xf32, #tpu.memory_space<vmem>>) target(%dma_start3A_18 : memref<80x128xf32, #tpu.memory_space<vmem_shared>>) target_semaphore(%arg14 : memref<!tpu.dma_semaphore, #tpu.memory_space<semaphore_mem>>)
    %add3A_23 = arith.constant 80 : i32
    %add3A_24 = arith.addi %mul3A_8, %add3A_23 : i32
    %dma_start3A_25 = arith.constant 0 : i32
    %dma_start3A_26 = arith.constant 0 : i32
    %dma_start3A_27 = arith.constant 0 : i32
    %dma_start3A_28 = tpu.memref_slice %arg8[%dma_start3A_25, %dma_start3A_26, %dma_start3A_27] : memref<2x80x128xf32, #tpu.memory_space<vmem>> -> memref<1x80x128xf32, #tpu.memory_space<vmem>>
    %dma_start3A_29 = tpu.memref_squeeze %dma_start3A_28 : memref<1x80x128xf32, #tpu.memory_space<vmem>> -> memref<80x128xf32, #tpu.memory_space<vmem>>
    %dma_start3A_30 = arith.constant 0 : i32
    %dma_start3A_31 = tpu.memref_slice %arg9[%add3A_24, %dma_start3A_30] : memref<10240x128xf32, #tpu.memory_space<vmem_shared>> -> memref<80x128xf32, #tpu.memory_space<vmem_shared>>
    %dma_start3A_32 = arith.constant 0 : i32
    %dma_start3A_33 = tpu.memref_slice %arg9[%add3A_24, %dma_start3A_32] : memref<10240x128xf32, #tpu.memory_space<vmem_shared>> -> memref<80x128xf32, #tpu.memory_space<vmem_shared>>
    %dma_start3A_34 = arith.constant 0 : i32
    %dma_start3A_35 = arith.constant 0 : i32
    %dma_start3A_36 = tpu.memref_slice %arg8[%dma_start3A_25, %dma_start3A_34, %dma_start3A_35] : memref<2x80x128xf32, #tpu.memory_space<vmem>> -> memref<1x80x128xf32, #tpu.memory_space<vmem>>
    %dma_start3A_37 = tpu.memref_squeeze %dma_start3A_36 : memref<1x80x128xf32, #tpu.memory_space<vmem>> -> memref<80x128xf32, #tpu.memory_space<vmem>>
    tpu.enqueue_dma source(%dma_start3A_37 : memref<80x128xf32, #tpu.memory_space<vmem>>) target(%dma_start3A_33 : memref<80x128xf32, #tpu.memory_space<vmem_shared>>) target_semaphore(%arg14 : memref<!tpu.dma_semaphore, #tpu.memory_space<semaphore_mem>>)
    %add3A_38 = arith.constant 160 : i32
    %add3A_39 = arith.addi %mul3A_8, %add3A_38 : i32
    %dma_start3A_40 = arith.constant 0 : i32
    %dma_start3A_41 = arith.constant 0 : i32
    %dma_start3A_42 = arith.constant 0 : i32
    %dma_start3A_43 = tpu.memref_slice %arg8[%dma_start3A_40, %dma_start3A_41, %dma_start3A_42] : memref<2x80x128xf32, #tpu.memory_space<vmem>> -> memref<1x80x128xf32, #tpu.memory_space<vmem>>
    %dma_start3A_44 = tpu.memref_squeeze %dma_start3A_43 : memref<1x80x128xf32, #tpu.memory_space<vmem>> -> memref<80x128xf32, #tpu.memory_space<vmem>>
    %dma_start3A_45 = arith.constant 0 : i32
    %dma_start3A_46 = tpu.memref_slice %arg9[%add3A_39, %dma_start3A_45] : memref<10240x128xf32, #tpu.memory_space<vmem_shared>> -> memref<80x128xf32, #tpu.memory_space<vmem_shared>>
    %dma_start3A_47 = arith.constant 0 : i32
    %dma_start3A_48 = tpu.memref_slice %arg9[%add3A_39, %dma_start3A_47] : memref<10240x128xf32, #tpu.memory_space<vmem_shared>> -> memref<80x128xf32, #tpu.memory_space<vmem_shared>>
    %dma_start3A_49 = arith.constant 0 : i32
    %dma_start3A_50 = arith.constant 0 : i32
    %dma_start3A_51 = tpu.memref_slice %arg8[%dma_start3A_40, %dma_start3A_49, %dma_start3A_50] : memref<2x80x128xf32, #tpu.memory_space<vmem>> -> memref<1x80x128xf32, #tpu.memory_space<vmem>>
    %dma_start3A_52 = tpu.memref_squeeze %dma_start3A_51 : memref<1x80x128xf32, #tpu.memory_space<vmem>> -> memref<80x128xf32, #tpu.memory_space<vmem>>
    tpu.enqueue_dma source(%dma_start3A_52 : memref<80x128xf32, #tpu.memory_space<vmem>>) target(%dma_start3A_48 : memref<80x128xf32, #tpu.memory_space<vmem_shared>>) target_semaphore(%arg14 : memref<!tpu.dma_semaphore, #tpu.memory_space<semaphore_mem>>)
    %add3A_53 = arith.constant 240 : i32
    %add3A_54 = arith.addi %mul3A_8, %add3A_53 : i32
    %dma_start3A_55 = arith.constant 0 : i32
    %dma_start3A_56 = arith.constant 0 : i32
    %dma_start3A_57 = arith.constant 0 : i32
    %dma_start3A_58 = tpu.memref_slice %arg8[%dma_start3A_55, %dma_start3A_56, %dma_start3A_57] : memref<2x80x128xf32, #tpu.memory_space<vmem>> -> memref<1x80x128xf32, #tpu.memory_space<vmem>>
    %dma_start3A_59 = tpu.memref_squeeze %dma_start3A_58 : memref<1x80x128xf32, #tpu.memory_space<vmem>> -> memref<80x128xf32, #tpu.memory_space<vmem>>
    %dma_start3A_60 = arith.constant 0 : i32
    %dma_start3A_61 = tpu.memref_slice %arg9[%add3A_54, %dma_start3A_60] : memref<10240x128xf32, #tpu.memory_space<vmem_shared>> -> memref<80x128xf32, #tpu.memory_space<vmem_shared>>
    %dma_start3A_62 = arith.constant 0 : i32
    %dma_start3A_63 = tpu.memref_slice %arg9[%add3A_54, %dma_start3A_62] : memref<10240x128xf32, #tpu.memory_space<vmem_shared>> -> memref<80x128xf32, #tpu.memory_space<vmem_shared>>
    %dma_start3A_64 = arith.constant 0 : i32
    %dma_start3A_65 = arith.constant 0 : i32
    %dma_start3A_66 = tpu.memref_slice %arg8[%dma_start3A_55, %dma_start3A_64, %dma_start3A_65] : memref<2x80x128xf32, #tpu.memory_space<vmem>> -> memref<1x80x128xf32, #tpu.memory_space<vmem>>
    %dma_start3A_67 = tpu.memref_squeeze %dma_start3A_66 : memref<1x80x128xf32, #tpu.memory_space<vmem>> -> memref<80x128xf32, #tpu.memory_space<vmem>>
    tpu.enqueue_dma source(%dma_start3A_67 : memref<80x128xf32, #tpu.memory_space<vmem>>) target(%dma_start3A_63 : memref<80x128xf32, #tpu.memory_space<vmem_shared>>) target_semaphore(%arg14 : memref<!tpu.dma_semaphore, #tpu.memory_space<semaphore_mem>>)
    %add3A_68 = arith.constant 320 : i32
    %add3A_69 = arith.addi %mul3A_8, %add3A_68 : i32
    %dma_start3A_70 = arith.constant 0 : i32
    %dma_start3A_71 = arith.constant 0 : i32
    %dma_start3A_72 = arith.constant 0 : i32
    %dma_start3A_73 = tpu.memref_slice %arg8[%dma_start3A_70, %dma_start3A_71, %dma_start3A_72] : memref<2x80x128xf32, #tpu.memory_space<vmem>> -> memref<1x80x128xf32, #tpu.memory_space<vmem>>
    %dma_start3A_74 = tpu.memref_squeeze %dma_start3A_73 : memref<1x80x128xf32, #tpu.memory_space<vmem>> -> memref<80x128xf32, #tpu.memory_space<vmem>>
    %dma_start3A_75 = arith.constant 0 : i32
    %dma_start3A_76 = tpu.memref_slice %arg9[%add3A_69, %dma_start3A_75] : memref<10240x128xf32, #tpu.memory_space<vmem_shared>> -> memref<80x128xf32, #tpu.memory_space<vmem_shared>>
    %dma_start3A_77 = arith.constant 0 : i32
    %dma_start3A_78 = tpu.memref_slice %arg9[%add3A_69, %dma_start3A_77] : memref<10240x128xf32, #tpu.memory_space<vmem_shared>> -> memref<80x128xf32, #tpu.memory_space<vmem_shared>>
    %dma_start3A_79 = arith.constant 0 : i32
    %dma_start3A_80 = arith.constant 0 : i32
    %dma_start3A_81 = tpu.memref_slice %arg8[%dma_start3A_70, %dma_start3A_79, %dma_start3A_80] : memref<2x80x128xf32, #tpu.memory_space<vmem>> -> memref<1x80x128xf32, #tpu.memory_space<vmem>>
    %dma_start3A_82 = tpu.memref_squeeze %dma_start3A_81 : memref<1x80x128xf32, #tpu.memory_space<vmem>> -> memref<80x128xf32, #tpu.memory_space<vmem>>
    tpu.enqueue_dma source(%dma_start3A_82 : memref<80x128xf32, #tpu.memory_space<vmem>>) target(%dma_start3A_78 : memref<80x128xf32, #tpu.memory_space<vmem_shared>>) target_semaphore(%arg14 : memref<!tpu.dma_semaphore, #tpu.memory_space<semaphore_mem>>)
    %add3A_83 = arith.constant 400 : i32
    %add3A_84 = arith.addi %mul3A_8, %add3A_83 : i32
    %dma_start3A_85 = arith.constant 0 : i32
    %dma_start3A_86 = arith.constant 0 : i32
    %dma_start3A_87 = arith.constant 0 : i32
    %dma_start3A_88 = tpu.memref_slice %arg8[%dma_start3A_85, %dma_start3A_86, %dma_start3A_87] : memref<2x80x128xf32, #tpu.memory_space<vmem>> -> memref<1x80x128xf32, #tpu.memory_space<vmem>>
    %dma_start3A_89 = tpu.memref_squeeze %dma_start3A_88 : memref<1x80x128xf32, #tpu.memory_space<vmem>> -> memref<80x128xf32, #tpu.memory_space<vmem>>
    %dma_start3A_90 = arith.constant 0 : i32
    %dma_start3A_91 = tpu.memref_slice %arg9[%add3A_84, %dma_start3A_90] : memref<10240x128xf32, #tpu.memory_space<vmem_shared>> -> memref<80x128xf32, #tpu.memory_space<vmem_shared>>
    %dma_start3A_92 = arith.constant 0 : i32
    %dma_start3A_93 = tpu.memref_slice %arg9[%add3A_84, %dma_start3A_92] : memref<10240x128xf32, #tpu.memory_space<vmem_shared>> -> memref<80x128xf32, #tpu.memory_space<vmem_shared>>
    %dma_start3A_94 = arith.constant 0 : i32
    %dma_start3A_95 = arith.constant 0 : i32
    %dma_start3A_96 = tpu.memref_slice %arg8[%dma_start3A_85, %dma_start3A_94, %dma_start3A_95] : memref<2x80x128xf32, #tpu.memory_space<vmem>> -> memref<1x80x128xf32, #tpu.memory_space<vmem>>
    %dma_start3A_97 = tpu.memref_squeeze %dma_start3A_96 : memref<1x80x128xf32, #tpu.memory_space<vmem>> -> memref<80x128xf32, #tpu.memory_space<vmem>>
    tpu.enqueue_dma source(%dma_start3A_97 : memref<80x128xf32, #tpu.memory_space<vmem>>) target(%dma_start3A_93 : memref<80x128xf32, #tpu.memory_space<vmem_shared>>) target_semaphore(%arg14 : memref<!tpu.dma_semaphore, #tpu.memory_space<semaphore_mem>>)
    %add3A_98 = arith.constant 480 : i32
    %add3A_99 = arith.addi %mul3A_8, %add3A_98 : i32
    %dma_start3A_100 = arith.constant 0 : i32
    %dma_start3A_101 = arith.constant 0 : i32
    %dma_start3A_102 = arith.constant 0 : i32
    %dma_start3A_103 = tpu.memref_slice %arg8[%dma_start3A_100, %dma_start3A_101, %dma_start3A_102] : memref<2x80x128xf32, #tpu.memory_space<vmem>> -> memref<1x80x128xf32, #tpu.memory_space<vmem>>
    %dma_start3A_104 = tpu.memref_squeeze %dma_start3A_103 : memref<1x80x128xf32, #tpu.memory_space<vmem>> -> memref<80x128xf32, #tpu.memory_space<vmem>>
    %dma_start3A_105 = arith.constant 0 : i32
    %dma_start3A_106 = tpu.memref_slice %arg9[%add3A_99, %dma_start3A_105] : memref<10240x128xf32, #tpu.memory_space<vmem_shared>> -> memref<80x128xf32, #tpu.memory_space<vmem_shared>>
    %dma_start3A_107 = arith.constant 0 : i32
    %dma_start3A_108 = tpu.memref_slice %arg9[%add3A_99, %dma_start3A_107] : memref<10240x128xf32, #tpu.memory_space<vmem_shared>> -> memref<80x128xf32, #tpu.memory_space<vmem_shared>>
    %dma_start3A_109 = arith.constant 0 : i32
    %dma_start3A_110 = arith.constant 0 : i32
    %dma_start3A_111 = tpu.memref_slice %arg8[%dma_start3A_100, %dma_start3A_109, %dma_start3A_110] : memref<2x80x128xf32, #tpu.memory_space<vmem>> -> memref<1x80x128xf32, #tpu.memory_space<vmem>>
    %dma_start3A_112 = tpu.memref_squeeze %dma_start3A_111 : memref<1x80x128xf32, #tpu.memory_space<vmem>> -> memref<80x128xf32, #tpu.memory_space<vmem>>
    tpu.enqueue_dma source(%dma_start3A_112 : memref<80x128xf32, #tpu.memory_space<vmem>>) target(%dma_start3A_108 : memref<80x128xf32, #tpu.memory_space<vmem_shared>>) target_semaphore(%arg14 : memref<!tpu.dma_semaphore, #tpu.memory_space<semaphore_mem>>)
    %add3A_113 = arith.constant 560 : i32
    %add3A_114 = arith.addi %mul3A_8, %add3A_113 : i32
    %dma_start3A_115 = arith.constant 0 : i32
    %dma_start3A_116 = arith.constant 0 : i32
    %dma_start3A_117 = arith.constant 0 : i32
    %dma_start3A_118 = tpu.memref_slice %arg8[%dma_start3A_115, %dma_start3A_116, %dma_start3A_117] : memref<2x80x128xf32, #tpu.memory_space<vmem>> -> memref<1x80x128xf32, #tpu.memory_space<vmem>>
    %dma_start3A_119 = tpu.memref_squeeze %dma_start3A_118 : memref<1x80x128xf32, #tpu.memory_space<vmem>> -> memref<80x128xf32, #tpu.memory_space<vmem>>
    %dma_start3A_120 = arith.constant 0 : i32
    %dma_start3A_121 = tpu.memref_slice %arg9[%add3A_114, %dma_start3A_120] : memref<10240x128xf32, #tpu.memory_space<vmem_shared>> -> memref<80x128xf32, #tpu.memory_space<vmem_shared>>
    %dma_start3A_122 = arith.constant 0 : i32
    %dma_start3A_123 = tpu.memref_slice %arg9[%add3A_114, %dma_start3A_122] : memref<10240x128xf32, #tpu.memory_space<vmem_shared>> -> memref<80x128xf32, #tpu.memory_space<vmem_shared>>
    %dma_start3A_124 = arith.constant 0 : i32
    %dma_start3A_125 = arith.constant 0 : i32
    %dma_start3A_126 = tpu.memref_slice %arg8[%dma_start3A_115, %dma_start3A_124, %dma_start3A_125] : memref<2x80x128xf32, #tpu.memory_space<vmem>> -> memref<1x80x128xf32, #tpu.memory_space<vmem>>
    %dma_start3A_127 = tpu.memref_squeeze %dma_start3A_126 : memref<1x80x128xf32, #tpu.memory_space<vmem>> -> memref<80x128xf32, #tpu.memory_space<vmem>>
    tpu.enqueue_dma source(%dma_start3A_127 : memref<80x128xf32, #tpu.memory_space<vmem>>) target(%dma_start3A_123 : memref<80x128xf32, #tpu.memory_space<vmem_shared>>) target_semaphore(%arg14 : memref<!tpu.dma_semaphore, #tpu.memory_space<semaphore_mem>>)
    %dma_start3A_128 = arith.constant 0 : i32
    %dma_start3A_129 = tpu.memref_slice %arg3[%add3A, %dma_start3A_128] : memref<32x10000xi32, #tpu.memory_space<hbm>> -> memref<1x10000xi32, #tpu.memory_space<hbm>>
    %dma_start3A_130 = tpu.memref_squeeze %dma_start3A_129 : memref<1x10000xi32, #tpu.memory_space<hbm>> -> memref<10000xi32, #tpu.memory_space<hbm>>
    %dma_start3A_131 = arith.constant 0 : i32
    %dma_start3A_132 = tpu.memref_slice %arg3[%add3A, %dma_start3A_131] : memref<32x10000xi32, #tpu.memory_space<hbm>> -> memref<1x10000xi32, #tpu.memory_space<hbm>>
    %dma_start3A_133 = tpu.memref_squeeze %dma_start3A_132 : memref<1x10000xi32, #tpu.memory_space<hbm>> -> memref<10000xi32, #tpu.memory_space<hbm>>
    tpu.enqueue_dma source(%dma_start3A_133 : memref<10000xi32, #tpu.memory_space<hbm>>) target(%arg6 : memref<10000xi32, #tpu.memory_space<vmem>>) target_semaphore(%arg10 : memref<!tpu.dma_semaphore, #tpu.memory_space<semaphore_mem>>)
    %dma_start3A_134 = arith.constant 0 : i32
    %dma_start3A_135 = arith.constant 0 : i32
    %dma_start3A_136 = tpu.memref_slice %arg4[%add3A, %dma_start3A_134, %dma_start3A_135] : memref<32x125x80xi32, #tpu.memory_space<hbm>> -> memref<1x125x80xi32, #tpu.memory_space<hbm>>
    %dma_start3A_137 = tpu.memref_squeeze %dma_start3A_136 : memref<1x125x80xi32, #tpu.memory_space<hbm>> -> memref<125x80xi32, #tpu.memory_space<hbm>>
    %dma_start3A_138 = arith.constant 0 : i32
    %dma_start3A_139 = arith.constant 0 : i32
    %dma_start3A_140 = tpu.memref_slice %arg4[%add3A, %dma_start3A_138, %dma_start3A_139] : memref<32x125x80xi32, #tpu.memory_space<hbm>> -> memref<1x125x80xi32, #tpu.memory_space<hbm>>
    %dma_start3A_141 = tpu.memref_squeeze %dma_start3A_140 : memref<1x125x80xi32, #tpu.memory_space<hbm>> -> memref<125x80xi32, #tpu.memory_space<hbm>>
    tpu.enqueue_dma source(%dma_start3A_141 : memref<125x80xi32, #tpu.memory_space<hbm>>) target(%arg7 : memref<125x80xi32, #tpu.memory_space<vmem>>) target_semaphore(%arg11 : memref<!tpu.dma_semaphore, #tpu.memory_space<semaphore_mem>>)
    %dma_wait3A = arith.constant 0 : i32
    %dma_wait3A_142 = arith.constant 0 : i32
    %dma_wait3A_143 = arith.constant 0 : i32
    %dma_wait3A_144 = tpu.memref_slice %arg8[%dma_wait3A, %dma_wait3A_142, %dma_wait3A_143] : memref<2x80x128xf32, #tpu.memory_space<vmem>> -> memref<1x80x128xf32, #tpu.memory_space<vmem>>
    %dma_wait3A_145 = tpu.memref_squeeze %dma_wait3A_144 : memref<1x80x128xf32, #tpu.memory_space<vmem>> -> memref<80x128xf32, #tpu.memory_space<vmem>>
    %dma_wait3A_146 = arith.constant 0 : i32
    %dma_wait3A_147 = tpu.memref_slice %arg9[%add3A_10, %dma_wait3A_146] : memref<10240x128xf32, #tpu.memory_space<vmem_shared>> -> memref<80x128xf32, #tpu.memory_space<vmem_shared>>
    %dma_wait3A_148 = arith.constant 0 : i32
    %dma_wait3A_149 = tpu.memref_slice %arg9[%add3A_10, %dma_wait3A_148] : memref<10240x128xf32, #tpu.memory_space<vmem_shared>> -> memref<80x128xf32, #tpu.memory_space<vmem_shared>>
    %dma_wait3A_150 = arith.constant 0 : i32
    %dma_wait3A_151 = arith.constant 0 : i32
    %dma_wait3A_152 = tpu.memref_slice %arg8[%dma_wait3A, %dma_wait3A_150, %dma_wait3A_151] : memref<2x80x128xf32, #tpu.memory_space<vmem>> -> memref<1x80x128xf32, #tpu.memory_space<vmem>>
    %dma_wait3A_153 = tpu.memref_squeeze %dma_wait3A_152 : memref<1x80x128xf32, #tpu.memory_space<vmem>> -> memref<80x128xf32, #tpu.memory_space<vmem>>
    tpu.wait_dma2 semaphore(%arg14 : memref<!tpu.dma_semaphore, #tpu.memory_space<semaphore_mem>>) src(%dma_wait3A_153 : memref<80x128xf32, #tpu.memory_space<vmem>>) dst(%dma_wait3A_149 : memref<80x128xf32, #tpu.memory_space<vmem_shared>>)
    %dma_wait3A_154 = arith.constant 0 : i32
    %dma_wait3A_155 = arith.constant 0 : i32
    %dma_wait3A_156 = arith.constant 0 : i32
    %dma_wait3A_157 = tpu.memref_slice %arg8[%dma_wait3A_154, %dma_wait3A_155, %dma_wait3A_156] : memref<2x80x128xf32, #tpu.memory_space<vmem>> -> memref<1x80x128xf32, #tpu.memory_space<vmem>>
    %dma_wait3A_158 = tpu.memref_squeeze %dma_wait3A_157 : memref<1x80x128xf32, #tpu.memory_space<vmem>> -> memref<80x128xf32, #tpu.memory_space<vmem>>
    %dma_wait3A_159 = arith.constant 0 : i32
    %dma_wait3A_160 = tpu.memref_slice %arg9[%add3A_24, %dma_wait3A_159] : memref<10240x128xf32, #tpu.memory_space<vmem_shared>> -> memref<80x128xf32, #tpu.memory_space<vmem_shared>>
    %dma_wait3A_161 = arith.constant 0 : i32
    %dma_wait3A_162 = tpu.memref_slice %arg9[%add3A_24, %dma_wait3A_161] : memref<10240x128xf32, #tpu.memory_space<vmem_shared>> -> memref<80x128xf32, #tpu.memory_space<vmem_shared>>
    %dma_wait3A_163 = arith.constant 0 : i32
    %dma_wait3A_164 = arith.constant 0 : i32
    %dma_wait3A_165 = tpu.memref_slice %arg8[%dma_wait3A_154, %dma_wait3A_163, %dma_wait3A_164] : memref<2x80x128xf32, #tpu.memory_space<vmem>> -> memref<1x80x128xf32, #tpu.memory_space<vmem>>
    %dma_wait3A_166 = tpu.memref_squeeze %dma_wait3A_165 : memref<1x80x128xf32, #tpu.memory_space<vmem>> -> memref<80x128xf32, #tpu.memory_space<vmem>>
    tpu.wait_dma2 semaphore(%arg14 : memref<!tpu.dma_semaphore, #tpu.memory_space<semaphore_mem>>) src(%dma_wait3A_166 : memref<80x128xf32, #tpu.memory_space<vmem>>) dst(%dma_wait3A_162 : memref<80x128xf32, #tpu.memory_space<vmem_shared>>)
    %dma_wait3A_167 = arith.constant 0 : i32
    %dma_wait3A_168 = arith.constant 0 : i32
    %dma_wait3A_169 = arith.constant 0 : i32
    %dma_wait3A_170 = tpu.memref_slice %arg8[%dma_wait3A_167, %dma_wait3A_168, %dma_wait3A_169] : memref<2x80x128xf32, #tpu.memory_space<vmem>> -> memref<1x80x128xf32, #tpu.memory_space<vmem>>
    %dma_wait3A_171 = tpu.memref_squeeze %dma_wait3A_170 : memref<1x80x128xf32, #tpu.memory_space<vmem>> -> memref<80x128xf32, #tpu.memory_space<vmem>>
    %dma_wait3A_172 = arith.constant 0 : i32
    %dma_wait3A_173 = tpu.memref_slice %arg9[%add3A_39, %dma_wait3A_172] : memref<10240x128xf32, #tpu.memory_space<vmem_shared>> -> memref<80x128xf32, #tpu.memory_space<vmem_shared>>
    %dma_wait3A_174 = arith.constant 0 : i32
    %dma_wait3A_175 = tpu.memref_slice %arg9[%add3A_39, %dma_wait3A_174] : memref<10240x128xf32, #tpu.memory_space<vmem_shared>> -> memref<80x128xf32, #tpu.memory_space<vmem_shared>>
    %dma_wait3A_176 = arith.constant 0 : i32
    %dma_wait3A_177 = arith.constant 0 : i32
    %dma_wait3A_178 = tpu.memref_slice %arg8[%dma_wait3A_167, %dma_wait3A_176, %dma_wait3A_177] : memref<2x80x128xf32, #tpu.memory_space<vmem>> -> memref<1x80x128xf32, #tpu.memory_space<vmem>>
    %dma_wait3A_179 = tpu.memref_squeeze %dma_wait3A_178 : memref<1x80x128xf32, #tpu.memory_space<vmem>> -> memref<80x128xf32, #tpu.memory_space<vmem>>
    tpu.wait_dma2 semaphore(%arg14 : memref<!tpu.dma_semaphore, #tpu.memory_space<semaphore_mem>>) src(%dma_wait3A_179 : memref<80x128xf32, #tpu.memory_space<vmem>>) dst(%dma_wait3A_175 : memref<80x128xf32, #tpu.memory_space<vmem_shared>>)
    %dma_wait3A_180 = arith.constant 0 : i32
    %dma_wait3A_181 = arith.constant 0 : i32
    %dma_wait3A_182 = arith.constant 0 : i32
    %dma_wait3A_183 = tpu.memref_slice %arg8[%dma_wait3A_180, %dma_wait3A_181, %dma_wait3A_182] : memref<2x80x128xf32, #tpu.memory_space<vmem>> -> memref<1x80x128xf32, #tpu.memory_space<vmem>>
    %dma_wait3A_184 = tpu.memref_squeeze %dma_wait3A_183 : memref<1x80x128xf32, #tpu.memory_space<vmem>> -> memref<80x128xf32, #tpu.memory_space<vmem>>
    %dma_wait3A_185 = arith.constant 0 : i32
    %dma_wait3A_186 = tpu.memref_slice %arg9[%add3A_54, %dma_wait3A_185] : memref<10240x128xf32, #tpu.memory_space<vmem_shared>> -> memref<80x128xf32, #tpu.memory_space<vmem_shared>>
    %dma_wait3A_187 = arith.constant 0 : i32
    %dma_wait3A_188 = tpu.memref_slice %arg9[%add3A_54, %dma_wait3A_187] : memref<10240x128xf32, #tpu.memory_space<vmem_shared>> -> memref<80x128xf32, #tpu.memory_space<vmem_shared>>
    %dma_wait3A_189 = arith.constant 0 : i32
    %dma_wait3A_190 = arith.constant 0 : i32
    %dma_wait3A_191 = tpu.memref_slice %arg8[%dma_wait3A_180, %dma_wait3A_189, %dma_wait3A_190] : memref<2x80x128xf32, #tpu.memory_space<vmem>> -> memref<1x80x128xf32, #tpu.memory_space<vmem>>
    %dma_wait3A_192 = tpu.memref_squeeze %dma_wait3A_191 : memref<1x80x128xf32, #tpu.memory_space<vmem>> -> memref<80x128xf32, #tpu.memory_space<vmem>>
    tpu.wait_dma2 semaphore(%arg14 : memref<!tpu.dma_semaphore, #tpu.memory_space<semaphore_mem>>) src(%dma_wait3A_192 : memref<80x128xf32, #tpu.memory_space<vmem>>) dst(%dma_wait3A_188 : memref<80x128xf32, #tpu.memory_space<vmem_shared>>)
    %dma_wait3A_193 = arith.constant 0 : i32
    %dma_wait3A_194 = arith.constant 0 : i32
    %dma_wait3A_195 = arith.constant 0 : i32
    %dma_wait3A_196 = tpu.memref_slice %arg8[%dma_wait3A_193, %dma_wait3A_194, %dma_wait3A_195] : memref<2x80x128xf32, #tpu.memory_space<vmem>> -> memref<1x80x128xf32, #tpu.memory_space<vmem>>
    %dma_wait3A_197 = tpu.memref_squeeze %dma_wait3A_196 : memref<1x80x128xf32, #tpu.memory_space<vmem>> -> memref<80x128xf32, #tpu.memory_space<vmem>>
    %dma_wait3A_198 = arith.constant 0 : i32
    %dma_wait3A_199 = tpu.memref_slice %arg9[%add3A_69, %dma_wait3A_198] : memref<10240x128xf32, #tpu.memory_space<vmem_shared>> -> memref<80x128xf32, #tpu.memory_space<vmem_shared>>
    %dma_wait3A_200 = arith.constant 0 : i32
    %dma_wait3A_201 = tpu.memref_slice %arg9[%add3A_69, %dma_wait3A_200] : memref<10240x128xf32, #tpu.memory_space<vmem_shared>> -> memref<80x128xf32, #tpu.memory_space<vmem_shared>>
    %dma_wait3A_202 = arith.constant 0 : i32
    %dma_wait3A_203 = arith.constant 0 : i32
    %dma_wait3A_204 = tpu.memref_slice %arg8[%dma_wait3A_193, %dma_wait3A_202, %dma_wait3A_203] : memref<2x80x128xf32, #tpu.memory_space<vmem>> -> memref<1x80x128xf32, #tpu.memory_space<vmem>>
    %dma_wait3A_205 = tpu.memref_squeeze %dma_wait3A_204 : memref<1x80x128xf32, #tpu.memory_space<vmem>> -> memref<80x128xf32, #tpu.memory_space<vmem>>
    tpu.wait_dma2 semaphore(%arg14 : memref<!tpu.dma_semaphore, #tpu.memory_space<semaphore_mem>>) src(%dma_wait3A_205 : memref<80x128xf32, #tpu.memory_space<vmem>>) dst(%dma_wait3A_201 : memref<80x128xf32, #tpu.memory_space<vmem_shared>>)
    %dma_wait3A_206 = arith.constant 0 : i32
    %dma_wait3A_207 = arith.constant 0 : i32
    %dma_wait3A_208 = arith.constant 0 : i32
    %dma_wait3A_209 = tpu.memref_slice %arg8[%dma_wait3A_206, %dma_wait3A_207, %dma_wait3A_208] : memref<2x80x128xf32, #tpu.memory_space<vmem>> -> memref<1x80x128xf32, #tpu.memory_space<vmem>>
    %dma_wait3A_210 = tpu.memref_squeeze %dma_wait3A_209 : memref<1x80x128xf32, #tpu.memory_space<vmem>> -> memref<80x128xf32, #tpu.memory_space<vmem>>
    %dma_wait3A_211 = arith.constant 0 : i32
    %dma_wait3A_212 = tpu.memref_slice %arg9[%add3A_84, %dma_wait3A_211] : memref<10240x128xf32, #tpu.memory_space<vmem_shared>> -> memref<80x128xf32, #tpu.memory_space<vmem_shared>>
    %dma_wait3A_213 = arith.constant 0 : i32
    %dma_wait3A_214 = tpu.memref_slice %arg9[%add3A_84, %dma_wait3A_213] : memref<10240x128xf32, #tpu.memory_space<vmem_shared>> -> memref<80x128xf32, #tpu.memory_space<vmem_shared>>
    %dma_wait3A_215 = arith.constant 0 : i32
    %dma_wait3A_216 = arith.constant 0 : i32
    %dma_wait3A_217 = tpu.memref_slice %arg8[%dma_wait3A_206, %dma_wait3A_215, %dma_wait3A_216] : memref<2x80x128xf32, #tpu.memory_space<vmem>> -> memref<1x80x128xf32, #tpu.memory_space<vmem>>
    %dma_wait3A_218 = tpu.memref_squeeze %dma_wait3A_217 : memref<1x80x128xf32, #tpu.memory_space<vmem>> -> memref<80x128xf32, #tpu.memory_space<vmem>>
    tpu.wait_dma2 semaphore(%arg14 : memref<!tpu.dma_semaphore, #tpu.memory_space<semaphore_mem>>) src(%dma_wait3A_218 : memref<80x128xf32, #tpu.memory_space<vmem>>) dst(%dma_wait3A_214 : memref<80x128xf32, #tpu.memory_space<vmem_shared>>)
    %dma_wait3A_219 = arith.constant 0 : i32
    %dma_wait3A_220 = arith.constant 0 : i32
    %dma_wait3A_221 = arith.constant 0 : i32
    %dma_wait3A_222 = tpu.memref_slice %arg8[%dma_wait3A_219, %dma_wait3A_220, %dma_wait3A_221] : memref<2x80x128xf32, #tpu.memory_space<vmem>> -> memref<1x80x128xf32, #tpu.memory_space<vmem>>
    %dma_wait3A_223 = tpu.memref_squeeze %dma_wait3A_222 : memref<1x80x128xf32, #tpu.memory_space<vmem>> -> memref<80x128xf32, #tpu.memory_space<vmem>>
    %dma_wait3A_224 = arith.constant 0 : i32
    %dma_wait3A_225 = tpu.memref_slice %arg9[%add3A_99, %dma_wait3A_224] : memref<10240x128xf32, #tpu.memory_space<vmem_shared>> -> memref<80x128xf32, #tpu.memory_space<vmem_shared>>
    %dma_wait3A_226 = arith.constant 0 : i32
    %dma_wait3A_227 = tpu.memref_slice %arg9[%add3A_99, %dma_wait3A_226] : memref<10240x128xf32, #tpu.memory_space<vmem_shared>> -> memref<80x128xf32, #tpu.memory_space<vmem_shared>>
    %dma_wait3A_228 = arith.constant 0 : i32
    %dma_wait3A_229 = arith.constant 0 : i32
    %dma_wait3A_230 = tpu.memref_slice %arg8[%dma_wait3A_219, %dma_wait3A_228, %dma_wait3A_229] : memref<2x80x128xf32, #tpu.memory_space<vmem>> -> memref<1x80x128xf32, #tpu.memory_space<vmem>>
    %dma_wait3A_231 = tpu.memref_squeeze %dma_wait3A_230 : memref<1x80x128xf32, #tpu.memory_space<vmem>> -> memref<80x128xf32, #tpu.memory_space<vmem>>
    tpu.wait_dma2 semaphore(%arg14 : memref<!tpu.dma_semaphore, #tpu.memory_space<semaphore_mem>>) src(%dma_wait3A_231 : memref<80x128xf32, #tpu.memory_space<vmem>>) dst(%dma_wait3A_227 : memref<80x128xf32, #tpu.memory_space<vmem_shared>>)
    %dma_wait3A_232 = arith.constant 0 : i32
    %dma_wait3A_233 = arith.constant 0 : i32
    %dma_wait3A_234 = arith.constant 0 : i32
    %dma_wait3A_235 = tpu.memref_slice %arg8[%dma_wait3A_232, %dma_wait3A_233, %dma_wait3A_234] : memref<2x80x128xf32, #tpu.memory_space<vmem>> -> memref<1x80x128xf32, #tpu.memory_space<vmem>>
    %dma_wait3A_236 = tpu.memref_squeeze %dma_wait3A_235 : memref<1x80x128xf32, #tpu.memory_space<vmem>> -> memref<80x128xf32, #tpu.memory_space<vmem>>
    %dma_wait3A_237 = arith.constant 0 : i32
    %dma_wait3A_238 = tpu.memref_slice %arg9[%add3A_114, %dma_wait3A_237] : memref<10240x128xf32, #tpu.memory_space<vmem_shared>> -> memref<80x128xf32, #tpu.memory_space<vmem_shared>>
    %dma_wait3A_239 = arith.constant 0 : i32
    %dma_wait3A_240 = tpu.memref_slice %arg9[%add3A_114, %dma_wait3A_239] : memref<10240x128xf32, #tpu.memory_space<vmem_shared>> -> memref<80x128xf32, #tpu.memory_space<vmem_shared>>
    %dma_wait3A_241 = arith.constant 0 : i32
    %dma_wait3A_242 = arith.constant 0 : i32
    %dma_wait3A_243 = tpu.memref_slice %arg8[%dma_wait3A_232, %dma_wait3A_241, %dma_wait3A_242] : memref<2x80x128xf32, #tpu.memory_space<vmem>> -> memref<1x80x128xf32, #tpu.memory_space<vmem>>
    %dma_wait3A_244 = tpu.memref_squeeze %dma_wait3A_243 : memref<1x80x128xf32, #tpu.memory_space<vmem>> -> memref<80x128xf32, #tpu.memory_space<vmem>>
    tpu.wait_dma2 semaphore(%arg14 : memref<!tpu.dma_semaphore, #tpu.memory_space<semaphore_mem>>) src(%dma_wait3A_244 : memref<80x128xf32, #tpu.memory_space<vmem>>) dst(%dma_wait3A_240 : memref<80x128xf32, #tpu.memory_space<vmem_shared>>)
    %dma_wait3A_245 = arith.constant 0 : i32
    %dma_wait3A_246 = tpu.memref_slice %arg3[%add3A, %dma_wait3A_245] : memref<32x10000xi32, #tpu.memory_space<hbm>> -> memref<1x10000xi32, #tpu.memory_space<hbm>>
    %dma_wait3A_247 = tpu.memref_squeeze %dma_wait3A_246 : memref<1x10000xi32, #tpu.memory_space<hbm>> -> memref<10000xi32, #tpu.memory_space<hbm>>
    %dma_wait3A_248 = arith.constant 0 : i32
    %dma_wait3A_249 = tpu.memref_slice %arg3[%add3A, %dma_wait3A_248] : memref<32x10000xi32, #tpu.memory_space<hbm>> -> memref<1x10000xi32, #tpu.memory_space<hbm>>
    %dma_wait3A_250 = tpu.memref_squeeze %dma_wait3A_249 : memref<1x10000xi32, #tpu.memory_space<hbm>> -> memref<10000xi32, #tpu.memory_space<hbm>>
    tpu.wait_dma2 semaphore(%arg10 : memref<!tpu.dma_semaphore, #tpu.memory_space<semaphore_mem>>) src(%dma_wait3A_250 : memref<10000xi32, #tpu.memory_space<hbm>>) dst(%arg6 : memref<10000xi32, #tpu.memory_space<vmem>>)
    %dma_wait3A_251 = arith.constant 0 : i32
    %dma_wait3A_252 = arith.constant 0 : i32
    %dma_wait3A_253 = tpu.memref_slice %arg4[%add3A, %dma_wait3A_251, %dma_wait3A_252] : memref<32x125x80xi32, #tpu.memory_space<hbm>> -> memref<1x125x80xi32, #tpu.memory_space<hbm>>
    %dma_wait3A_254 = tpu.memref_squeeze %dma_wait3A_253 : memref<1x125x80xi32, #tpu.memory_space<hbm>> -> memref<125x80xi32, #tpu.memory_space<hbm>>
    %dma_wait3A_255 = arith.constant 0 : i32
    %dma_wait3A_256 = arith.constant 0 : i32
    %dma_wait3A_257 = tpu.memref_slice %arg4[%add3A, %dma_wait3A_255, %dma_wait3A_256] : memref<32x125x80xi32, #tpu.memory_space<hbm>> -> memref<1x125x80xi32, #tpu.memory_space<hbm>>
    %dma_wait3A_258 = tpu.memref_squeeze %dma_wait3A_257 : memref<1x125x80xi32, #tpu.memory_space<hbm>> -> memref<125x80xi32, #tpu.memory_space<hbm>>
    tpu.wait_dma2 semaphore(%arg11 : memref<!tpu.dma_semaphore, #tpu.memory_space<semaphore_mem>>) src(%dma_wait3A_258 : memref<125x80xi32, #tpu.memory_space<hbm>>) dst(%arg7 : memref<125x80xi32, #tpu.memory_space<vmem>>)
    %barrier3A = arith.constant 0 : index
    tpu.barrier barrier_id(%barrier3A)
    %dma_start3A_259 = arith.constant 0 : i32
    %dma_start3A_260 = arith.constant 0 : i32
    %dma_start3A_261 = arith.constant 0 : i32
    %dma_start3A_262 = tpu.memref_slice %arg8[%dma_start3A_259, %dma_start3A_260, %dma_start3A_261] : memref<2x80x128xf32, #tpu.memory_space<vmem>> -> memref<1x40x128xf32, #tpu.memory_space<vmem>>
    %dma_start3A_263 = tpu.memref_squeeze %dma_start3A_262 : memref<1x40x128xf32, #tpu.memory_space<vmem>> -> memref<40x128xf32, #tpu.memory_space<vmem>>
    %dma_start3A_264 = arith.constant 0 : i32
    %dma_start3A_265 = tpu.memref_slice %arg6[%dma_start3A_264] : memref<10000xi32, #tpu.memory_space<vmem>> -> memref<40xi32, #tpu.memory_space<vmem>>
    %dma_start3A_266 = arith.constant 0 : i32
    %dma_start3A_267 = arith.constant 0 : i32
    %dma_start3A_268 = tpu.memref_slice %arg2[%dma_start3A_266, %dma_start3A_267] : memref<10240x128xf32, #tpu.memory_space<hbm>> -> memref<10240x128xf32, #tpu.memory_space<hbm>>
    tpu.enqueue_indirect_dma source(%dma_start3A_268 : memref<10240x128xf32, #tpu.memory_space<hbm>>) target(%dma_start3A_263 : memref<40x128xf32, #tpu.memory_space<vmem>>) offsets(%dma_start3A_265 : memref<40xi32, #tpu.memory_space<vmem>>) semaphore(%arg10 : memref<!tpu.dma_semaphore, #tpu.memory_space<semaphore_mem>>)
    %dma_start3A_269 = arith.constant 0 : i32
    %dma_start3A_270 = arith.constant 40 : i32
    %dma_start3A_271 = arith.constant 0 : i32
    %dma_start3A_272 = tpu.memref_slice %arg8[%dma_start3A_269, %dma_start3A_270, %dma_start3A_271] : memref<2x80x128xf32, #tpu.memory_space<vmem>> -> memref<1x40x128xf32, #tpu.memory_space<vmem>>
    %dma_start3A_273 = tpu.memref_squeeze %dma_start3A_272 : memref<1x40x128xf32, #tpu.memory_space<vmem>> -> memref<40x128xf32, #tpu.memory_space<vmem>>
    %dma_start3A_274 = arith.constant 40 : i32
    %dma_start3A_275 = tpu.memref_slice %arg6[%dma_start3A_274] : memref<10000xi32, #tpu.memory_space<vmem>> -> memref<40xi32, #tpu.memory_space<vmem>>
    %dma_start3A_276 = arith.constant 0 : i32
    %dma_start3A_277 = arith.constant 0 : i32
    %dma_start3A_278 = tpu.memref_slice %arg2[%dma_start3A_276, %dma_start3A_277] : memref<10240x128xf32, #tpu.memory_space<hbm>> -> memref<10240x128xf32, #tpu.memory_space<hbm>>
    tpu.enqueue_indirect_dma source(%dma_start3A_278 : memref<10240x128xf32, #tpu.memory_space<hbm>>) target(%dma_start3A_273 : memref<40x128xf32, #tpu.memory_space<vmem>>) offsets(%dma_start3A_275 : memref<40xi32, #tpu.memory_space<vmem>>) semaphore(%arg12 : memref<!tpu.dma_semaphore, #tpu.memory_space<semaphore_mem>>)
    %dma_start3A_279 = arith.constant 1 : i32
    %dma_start3A_280 = arith.constant 0 : i32
    %dma_start3A_281 = arith.constant 0 : i32
    %dma_start3A_282 = tpu.memref_slice %arg8[%dma_start3A_279, %dma_start3A_280, %dma_start3A_281] : memref<2x80x128xf32, #tpu.memory_space<vmem>> -> memref<1x40x128xf32, #tpu.memory_space<vmem>>
    %dma_start3A_283 = tpu.memref_squeeze %dma_start3A_282 : memref<1x40x128xf32, #tpu.memory_space<vmem>> -> memref<40x128xf32, #tpu.memory_space<vmem>>
    %dma_start3A_284 = arith.constant 80 : i32
    %dma_start3A_285 = tpu.memref_slice %arg6[%dma_start3A_284] : memref<10000xi32, #tpu.memory_space<vmem>> -> memref<40xi32, #tpu.memory_space<vmem>>
    %dma_start3A_286 = arith.constant 0 : i32
    %dma_start3A_287 = arith.constant 0 : i32
    %dma_start3A_288 = tpu.memref_slice %arg2[%dma_start3A_286, %dma_start3A_287] : memref<10240x128xf32, #tpu.memory_space<hbm>> -> memref<10240x128xf32, #tpu.memory_space<hbm>>
    tpu.enqueue_indirect_dma source(%dma_start3A_288 : memref<10240x128xf32, #tpu.memory_space<hbm>>) target(%dma_start3A_283 : memref<40x128xf32, #tpu.memory_space<vmem>>) offsets(%dma_start3A_285 : memref<40xi32, #tpu.memory_space<vmem>>) semaphore(%arg11 : memref<!tpu.dma_semaphore, #tpu.memory_space<semaphore_mem>>)
    %dma_start3A_289 = arith.constant 1 : i32
    %dma_start3A_290 = arith.constant 40 : i32
    %dma_start3A_291 = arith.constant 0 : i32
    %dma_start3A_292 = tpu.memref_slice %arg8[%dma_start3A_289, %dma_start3A_290, %dma_start3A_291] : memref<2x80x128xf32, #tpu.memory_space<vmem>> -> memref<1x40x128xf32, #tpu.memory_space<vmem>>
    %dma_start3A_293 = tpu.memref_squeeze %dma_start3A_292 : memref<1x40x128xf32, #tpu.memory_space<vmem>> -> memref<40x128xf32, #tpu.memory_space<vmem>>
    %dma_start3A_294 = arith.constant 120 : i32
    %dma_start3A_295 = tpu.memref_slice %arg6[%dma_start3A_294] : memref<10000xi32, #tpu.memory_space<vmem>> -> memref<40xi32, #tpu.memory_space<vmem>>
    %dma_start3A_296 = arith.constant 0 : i32
    %dma_start3A_297 = arith.constant 0 : i32
    %dma_start3A_298 = tpu.memref_slice %arg2[%dma_start3A_296, %dma_start3A_297] : memref<10240x128xf32, #tpu.memory_space<hbm>> -> memref<10240x128xf32, #tpu.memory_space<hbm>>
    tpu.enqueue_indirect_dma source(%dma_start3A_298 : memref<10240x128xf32, #tpu.memory_space<hbm>>) target(%dma_start3A_293 : memref<40x128xf32, #tpu.memory_space<vmem>>) offsets(%dma_start3A_295 : memref<40xi32, #tpu.memory_space<vmem>>) semaphore(%arg13 : memref<!tpu.dma_semaphore, #tpu.memory_space<semaphore_mem>>)
    %dma_wait3A_299 = arith.constant 0 : i32
    %dma_wait3A_300 = arith.constant 0 : i32
    %dma_wait3A_301 = arith.constant 0 : i32
    %dma_wait3A_302 = tpu.memref_slice %arg8[%dma_wait3A_299, %dma_wait3A_300, %dma_wait3A_301] : memref<2x80x128xf32, #tpu.memory_space<vmem>> -> memref<1x40x128xf32, #tpu.memory_space<vmem>>
    %dma_wait3A_303 = tpu.memref_squeeze %dma_wait3A_302 : memref<1x40x128xf32, #tpu.memory_space<vmem>> -> memref<40x128xf32, #tpu.memory_space<vmem>>
    %dma_wait3A_304 = arith.constant 0 : i32
    %dma_wait3A_305 = tpu.memref_slice %arg6[%dma_wait3A_304] : memref<10000xi32, #tpu.memory_space<vmem>> -> memref<40xi32, #tpu.memory_space<vmem>>
    %dma_wait3A_306 = arith.constant 0 : i32
    %dma_wait3A_307 = arith.constant 0 : i32
    %dma_wait3A_308 = tpu.memref_slice %arg2[%dma_wait3A_306, %dma_wait3A_307] : memref<10240x128xf32, #tpu.memory_space<hbm>> -> memref<10240x128xf32, #tpu.memory_space<hbm>>
    tpu.wait_indirect_dma semaphore(%arg10 : memref<!tpu.dma_semaphore, #tpu.memory_space<semaphore_mem>>) src(%dma_wait3A_308 : memref<10240x128xf32, #tpu.memory_space<hbm>>) dst(%dma_wait3A_303 : memref<40x128xf32, #tpu.memory_space<vmem>>)
    %dma_wait3A_309 = arith.constant 0 : i32
    %dma_wait3A_310 = arith.constant 40 : i32
    %dma_wait3A_311 = arith.constant 0 : i32
    %dma_wait3A_312 = tpu.memref_slice %arg8[%dma_wait3A_309, %dma_wait3A_310, %dma_wait3A_311] : memref<2x80x128xf32, #tpu.memory_space<vmem>> -> memref<1x40x128xf32, #tpu.memory_space<vmem>>
    %dma_wait3A_313 = tpu.memref_squeeze %dma_wait3A_312 : memref<1x40x128xf32, #tpu.memory_space<vmem>> -> memref<40x128xf32, #tpu.memory_space<vmem>>
    %dma_wait3A_314 = arith.constant 40 : i32
    %dma_wait3A_315 = tpu.memref_slice %arg6[%dma_wait3A_314] : memref<10000xi32, #tpu.memory_space<vmem>> -> memref<40xi32, #tpu.memory_space<vmem>>
    %dma_wait3A_316 = arith.constant 0 : i32
    %dma_wait3A_317 = arith.constant 0 : i32
    %dma_wait3A_318 = tpu.memref_slice %arg2[%dma_wait3A_316, %dma_wait3A_317] : memref<10240x128xf32, #tpu.memory_space<hbm>> -> memref<10240x128xf32, #tpu.memory_space<hbm>>
    tpu.wait_indirect_dma semaphore(%arg12 : memref<!tpu.dma_semaphore, #tpu.memory_space<semaphore_mem>>) src(%dma_wait3A_318 : memref<10240x128xf32, #tpu.memory_space<hbm>>) dst(%dma_wait3A_313 : memref<40x128xf32, #tpu.memory_space<vmem>>)
    %dma_start3A_319 = arith.constant 0 : i32
    %dma_start3A_320 = arith.constant 0 : i32
    %dma_start3A_321 = arith.constant 0 : i32
    %dma_start3A_322 = arith.constant 0 : i32
    %dma_start3A_323 = tpu.memref_slice %arg8[%dma_start3A_319, %dma_start3A_321, %dma_start3A_322] : memref<2x80x128xf32, #tpu.memory_space<vmem>> -> memref<1x80x128xf32, #tpu.memory_space<vmem>>
    %dma_start3A_324 = tpu.memref_squeeze %dma_start3A_323 : memref<1x80x128xf32, #tpu.memory_space<vmem>> -> memref<80x128xf32, #tpu.memory_space<vmem>>
    %dma_start3A_325 = arith.constant 0 : i32
    %dma_start3A_326 = tpu.memref_slice %arg7[%dma_start3A_320, %dma_start3A_325] : memref<125x80xi32, #tpu.memory_space<vmem>> -> memref<1x80xi32, #tpu.memory_space<vmem>>
    %dma_start3A_327 = tpu.memref_squeeze %dma_start3A_326 : memref<1x80xi32, #tpu.memory_space<vmem>> -> memref<80xi32, #tpu.memory_space<vmem>>
    %dma_start3A_328 = arith.constant 0 : i32
    %dma_start3A_329 = arith.constant 0 : i32
    %dma_start3A_330 = tpu.memref_slice %arg9[%dma_start3A_328, %dma_start3A_329] : memref<10240x128xf32, #tpu.memory_space<vmem_shared>> -> memref<10240x128xf32, #tpu.memory_space<vmem_shared>>
    tpu.enqueue_indirect_dma source(%dma_start3A_324 : memref<80x128xf32, #tpu.memory_space<vmem>>) target(%dma_start3A_330 : memref<10240x128xf32, #tpu.memory_space<vmem_shared>>) offsets(%dma_start3A_327 : memref<80xi32, #tpu.memory_space<vmem>>) semaphore(%arg14 : memref<!tpu.dma_semaphore, #tpu.memory_space<semaphore_mem>>) {add = true}
    %dma_wait3A_331 = arith.constant 0 : i32
    %dma_wait3A_332 = arith.constant 0 : i32
    %dma_wait3A_333 = arith.constant 0 : i32
    %dma_wait3A_334 = arith.constant 0 : i32
    %dma_wait3A_335 = tpu.memref_slice %arg8[%dma_wait3A_331, %dma_wait3A_333, %dma_wait3A_334] : memref<2x80x128xf32, #tpu.memory_space<vmem>> -> memref<1x80x128xf32, #tpu.memory_space<vmem>>
    %dma_wait3A_336 = tpu.memref_squeeze %dma_wait3A_335 : memref<1x80x128xf32, #tpu.memory_space<vmem>> -> memref<80x128xf32, #tpu.memory_space<vmem>>
    %dma_wait3A_337 = arith.constant 0 : i32
    %dma_wait3A_338 = tpu.memref_slice %arg7[%dma_wait3A_332, %dma_wait3A_337] : memref<125x80xi32, #tpu.memory_space<vmem>> -> memref<1x80xi32, #tpu.memory_space<vmem>>
    %dma_wait3A_339 = tpu.memref_squeeze %dma_wait3A_338 : memref<1x80xi32, #tpu.memory_space<vmem>> -> memref<80xi32, #tpu.memory_space<vmem>>
    %dma_wait3A_340 = arith.constant 0 : i32
    %dma_wait3A_341 = arith.constant 0 : i32
    %dma_wait3A_342 = tpu.memref_slice %arg9[%dma_wait3A_340, %dma_wait3A_341] : memref<10240x128xf32, #tpu.memory_space<vmem_shared>> -> memref<10240x128xf32, #tpu.memory_space<vmem_shared>>
    tpu.wait_indirect_dma semaphore(%arg14 : memref<!tpu.dma_semaphore, #tpu.memory_space<semaphore_mem>>) src(%dma_wait3A_336 : memref<80x128xf32, #tpu.memory_space<vmem>>) dst(%dma_wait3A_342 : memref<10240x128xf32, #tpu.memory_space<vmem_shared>>)
    %dma_start3A_343 = arith.constant 0 : i32
    %dma_start3A_344 = arith.constant 0 : i32
    %dma_start3A_345 = arith.constant 0 : i32
    %dma_start3A_346 = tpu.memref_slice %arg8[%dma_start3A_343, %dma_start3A_344, %dma_start3A_345] : memref<2x80x128xf32, #tpu.memory_space<vmem>> -> memref<1x40x128xf32, #tpu.memory_space<vmem>>
    %dma_start3A_347 = tpu.memref_squeeze %dma_start3A_346 : memref<1x40x128xf32, #tpu.memory_space<vmem>> -> memref<40x128xf32, #tpu.memory_space<vmem>>
    %dma_start3A_348 = arith.constant 160 : i32
    %dma_start3A_349 = tpu.memref_slice %arg6[%dma_start3A_348] : memref<10000xi32, #tpu.memory_space<vmem>> -> memref<40xi32, #tpu.memory_space<vmem>>
    %dma_start3A_350 = arith.constant 0 : i32
    %dma_start3A_351 = arith.constant 0 : i32
    %dma_start3A_352 = tpu.memref_slice %arg2[%dma_start3A_350, %dma_start3A_351] : memref<10240x128xf32, #tpu.memory_space<hbm>> -> memref<10240x128xf32, #tpu.memory_space<hbm>>
    tpu.enqueue_indirect_dma source(%dma_start3A_352 : memref<10240x128xf32, #tpu.memory_space<hbm>>) target(%dma_start3A_347 : memref<40x128xf32, #tpu.memory_space<vmem>>) offsets(%dma_start3A_349 : memref<40xi32, #tpu.memory_space<vmem>>) semaphore(%arg10 : memref<!tpu.dma_semaphore, #tpu.memory_space<semaphore_mem>>)
    %dma_start3A_353 = arith.constant 0 : i32
    %dma_start3A_354 = arith.constant 40 : i32
    %dma_start3A_355 = arith.constant 0 : i32
    %dma_start3A_356 = tpu.memref_slice %arg8[%dma_start3A_353, %dma_start3A_354, %dma_start3A_355] : memref<2x80x128xf32, #tpu.memory_space<vmem>> -> memref<1x40x128xf32, #tpu.memory_space<vmem>>
    %dma_start3A_357 = tpu.memref_squeeze %dma_start3A_356 : memref<1x40x128xf32, #tpu.memory_space<vmem>> -> memref<40x128xf32, #tpu.memory_space<vmem>>
    %dma_start3A_358 = arith.constant 200 : i32
    %dma_start3A_359 = tpu.memref_slice %arg6[%dma_start3A_358] : memref<10000xi32, #tpu.memory_space<vmem>> -> memref<40xi32, #tpu.memory_space<vmem>>
    %dma_start3A_360 = arith.constant 0 : i32
    %dma_start3A_361 = arith.constant 0 : i32
    %dma_start3A_362 = tpu.memref_slice %arg2[%dma_start3A_360, %dma_start3A_361] : memref<10240x128xf32, #tpu.memory_space<hbm>> -> memref<10240x128xf32, #tpu.memory_space<hbm>>
    tpu.enqueue_indirect_dma source(%dma_start3A_362 : memref<10240x128xf32, #tpu.memory_space<hbm>>) target(%dma_start3A_357 : memref<40x128xf32, #tpu.memory_space<vmem>>) offsets(%dma_start3A_359 : memref<40xi32, #tpu.memory_space<vmem>>) semaphore(%arg12 : memref<!tpu.dma_semaphore, #tpu.memory_space<semaphore_mem>>)
    %dma_wait3A_363 = arith.constant 1 : i32
    %dma_wait3A_364 = arith.constant 0 : i32
    %dma_wait3A_365 = arith.constant 0 : i32
    %dma_wait3A_366 = tpu.memref_slice %arg8[%dma_wait3A_363, %dma_wait3A_364, %dma_wait3A_365] : memref<2x80x128xf32, #tpu.memory_space<vmem>> -> memref<1x40x128xf32, #tpu.memory_space<vmem>>
    %dma_wait3A_367 = tpu.memref_squeeze %dma_wait3A_366 : memref<1x40x128xf32, #tpu.memory_space<vmem>> -> memref<40x128xf32, #tpu.memory_space<vmem>>
    %dma_wait3A_368 = arith.constant 80 : i32
    %dma_wait3A_369 = tpu.memref_slice %arg6[%dma_wait3A_368] : memref<10000xi32, #tpu.memory_space<vmem>> -> memref<40xi32, #tpu.memory_space<vmem>>
    %dma_wait3A_370 = arith.constant 0 : i32
    %dma_wait3A_371 = arith.constant 0 : i32
    %dma_wait3A_372 = tpu.memref_slice %arg2[%dma_wait3A_370, %dma_wait3A_371] : memref<10240x128xf32, #tpu.memory_space<hbm>> -> memref<10240x128xf32, #tpu.memory_space<hbm>>
    tpu.wait_indirect_dma semaphore(%arg11 : memref<!tpu.dma_semaphore, #tpu.memory_space<semaphore_mem>>) src(%dma_wait3A_372 : memref<10240x128xf32, #tpu.memory_space<hbm>>) dst(%dma_wait3A_367 : memref<40x128xf32, #tpu.memory_space<vmem>>)
    %dma_wait3A_373 = arith.constant 1 : i32
    %dma_wait3A_374 = arith.constant 40 : i32
    %dma_wait3A_375 = arith.constant 0 : i32
    %dma_wait3A_376 = tpu.memref_slice %arg8[%dma_wait3A_373, %dma_wait3A_374, %dma_wait3A_375] : memref<2x80x128xf32, #tpu.memory_space<vmem>> -> memref<1x40x128xf32, #tpu.memory_space<vmem>>
    %dma_wait3A_377 = tpu.memref_squeeze %dma_wait3A_376 : memref<1x40x128xf32, #tpu.memory_space<vmem>> -> memref<40x128xf32, #tpu.memory_space<vmem>>
    %dma_wait3A_378 = arith.constant 120 : i32
    %dma_wait3A_379 = tpu.memref_slice %arg6[%dma_wait3A_378] : memref<10000xi32, #tpu.memory_space<vmem>> -> memref<40xi32, #tpu.memory_space<vmem>>
    %dma_wait3A_380 = arith.constant 0 : i32
    %dma_wait3A_381 = arith.constant 0 : i32
    %dma_wait3A_382 = tpu.memref_slice %arg2[%dma_wait3A_380, %dma_wait3A_381] : memref<10240x128xf32, #tpu.memory_space<hbm>> -> memref<10240x128xf32, #tpu.memory_space<hbm>>
    tpu.wait_indirect_dma semaphore(%arg13 : memref<!tpu.dma_semaphore, #tpu.memory_space<semaphore_mem>>) src(%dma_wait3A_382 : memref<10240x128xf32, #tpu.memory_space<hbm>>) dst(%dma_wait3A_377 : memref<40x128xf32, #tpu.memory_space<vmem>>)
    %dma_start3A_383 = arith.constant 1 : i32
    %dma_start3A_384 = arith.constant 1 : i32
    %dma_start3A_385 = arith.constant 0 : i32
    %dma_start3A_386 = arith.constant 0 : i32
    %dma_start3A_387 = tpu.memref_slice %arg8[%dma_start3A_383, %dma_start3A_385, %dma_start3A_386] : memref<2x80x128xf32, #tpu.memory_space<vmem>> -> memref<1x80x128xf32, #tpu.memory_space<vmem>>
    %dma_start3A_388 = tpu.memref_squeeze %dma_start3A_387 : memref<1x80x128xf32, #tpu.memory_space<vmem>> -> memref<80x128xf32, #tpu.memory_space<vmem>>
    %dma_start3A_389 = arith.constant 0 : i32
    %dma_start3A_390 = tpu.memref_slice %arg7[%dma_start3A_384, %dma_start3A_389] : memref<125x80xi32, #tpu.memory_space<vmem>> -> memref<1x80xi32, #tpu.memory_space<vmem>>
    %dma_start3A_391 = tpu.memref_squeeze %dma_start3A_390 : memref<1x80xi32, #tpu.memory_space<vmem>> -> memref<80xi32, #tpu.memory_space<vmem>>
    %dma_start3A_392 = arith.constant 0 : i32
    %dma_start3A_393 = arith.constant 0 : i32
    %dma_start3A_394 = tpu.memref_slice %arg9[%dma_start3A_392, %dma_start3A_393] : memref<10240x128xf32, #tpu.memory_space<vmem_shared>> -> memref<10240x128xf32, #tpu.memory_space<vmem_shared>>
    tpu.enqueue_indirect_dma source(%dma_start3A_388 : memref<80x128xf32, #tpu.memory_space<vmem>>) target(%dma_start3A_394 : memref<10240x128xf32, #tpu.memory_space<vmem_shared>>) offsets(%dma_start3A_391 : memref<80xi32, #tpu.memory_space<vmem>>) semaphore(%arg15 : memref<!tpu.dma_semaphore, #tpu.memory_space<semaphore_mem>>) {add = true}
    %scan3A_395 = arith.constant 0 : i32
    %scan3A_396 = arith.constant 0 : i32
    %scan3A_397 = arith.constant 61 : i32
    %scan3A_398 = arith.addi %scan3A_396, %scan3A_397 : i32
    %scan3A_399 = arith.constant 1 : i32
    scf.for %scan3A_458 = %scan3A_396 to %scan3A_398 step %scan3A_399  : i32 {
      %mul3A_459 = arith.constant 2 : i32
      %mul3A_460 = arith.muli %mul3A_459, %scan3A_458 : i32
      %add3A_461 = arith.constant 2 : i32
      %add3A_462 = arith.addi %add3A_461, %mul3A_460 : i32
      %add3A_463 = arith.constant 0 : i32
      %add3A_464 = arith.addi %add3A_462, %add3A_463 : i32
      %sub3A = arith.constant 1 : i32
      %sub3A_465 = arith.subi %add3A_464, %sub3A : i32
      %dma_wait3A_466 = arith.constant 1 : i32
      %dma_wait3A_467 = arith.constant 0 : i32
      %dma_wait3A_468 = arith.constant 0 : i32
      %dma_wait3A_469 = tpu.memref_slice %arg8[%dma_wait3A_466, %dma_wait3A_467, %dma_wait3A_468] : memref<2x80x128xf32, #tpu.memory_space<vmem>> -> memref<1x80x128xf32, #tpu.memory_space<vmem>>
      %dma_wait3A_470 = tpu.memref_squeeze %dma_wait3A_469 : memref<1x80x128xf32, #tpu.memory_space<vmem>> -> memref<80x128xf32, #tpu.memory_space<vmem>>
      %dma_wait3A_471 = arith.constant 0 : i32
      %dma_wait3A_472 = tpu.memref_slice %arg7[%sub3A_465, %dma_wait3A_471] : memref<125x80xi32, #tpu.memory_space<vmem>> -> memref<1x80xi32, #tpu.memory_space<vmem>>
      %dma_wait3A_473 = tpu.memref_squeeze %dma_wait3A_472 : memref<1x80xi32, #tpu.memory_space<vmem>> -> memref<80xi32, #tpu.memory_space<vmem>>
      %dma_wait3A_474 = arith.constant 0 : i32
      %dma_wait3A_475 = arith.constant 0 : i32
      %dma_wait3A_476 = tpu.memref_slice %arg9[%dma_wait3A_474, %dma_wait3A_475] : memref<10240x128xf32, #tpu.memory_space<vmem_shared>> -> memref<10240x128xf32, #tpu.memory_space<vmem_shared>>
      tpu.wait_indirect_dma semaphore(%arg15 : memref<!tpu.dma_semaphore, #tpu.memory_space<semaphore_mem>>) src(%dma_wait3A_470 : memref<80x128xf32, #tpu.memory_space<vmem>>) dst(%dma_wait3A_476 : memref<10240x128xf32, #tpu.memory_space<vmem_shared>>)
      %add3A_477 = arith.constant 1 : i32
      %add3A_478 = arith.addi %add3A_464, %add3A_477 : i32
      %mul3A_479 = arith.constant 80 : i32
      %mul3A_480 = arith.muli %add3A_478, %mul3A_479 : i32
      %dma_start3A_481 = arith.constant 1 : i32
      %dma_start3A_482 = arith.constant 0 : i32
      %dma_start3A_483 = arith.constant 0 : i32
      %dma_start3A_484 = tpu.memref_slice %arg8[%dma_start3A_481, %dma_start3A_482, %dma_start3A_483] : memref<2x80x128xf32, #tpu.memory_space<vmem>> -> memref<1x40x128xf32, #tpu.memory_space<vmem>>
      %dma_start3A_485 = tpu.memref_squeeze %dma_start3A_484 : memref<1x40x128xf32, #tpu.memory_space<vmem>> -> memref<40x128xf32, #tpu.memory_space<vmem>>
      %dma_start3A_486 = tpu.memref_slice %arg6[%mul3A_480] : memref<10000xi32, #tpu.memory_space<vmem>> -> memref<40xi32, #tpu.memory_space<vmem>>
      %dma_start3A_487 = arith.constant 0 : i32
      %dma_start3A_488 = arith.constant 0 : i32
      %dma_start3A_489 = tpu.memref_slice %arg2[%dma_start3A_487, %dma_start3A_488] : memref<10240x128xf32, #tpu.memory_space<hbm>> -> memref<10240x128xf32, #tpu.memory_space<hbm>>
      tpu.enqueue_indirect_dma source(%dma_start3A_489 : memref<10240x128xf32, #tpu.memory_space<hbm>>) target(%dma_start3A_485 : memref<40x128xf32, #tpu.memory_space<vmem>>) offsets(%dma_start3A_486 : memref<40xi32, #tpu.memory_space<vmem>>) semaphore(%arg11 : memref<!tpu.dma_semaphore, #tpu.memory_space<semaphore_mem>>)
      %mul3A_490 = arith.constant 80 : i32
      %mul3A_491 = arith.muli %add3A_478, %mul3A_490 : i32
      %add3A_492 = arith.constant 40 : i32
      %add3A_493 = arith.addi %mul3A_491, %add3A_492 : i32
      %dma_start3A_494 = arith.constant 1 : i32
      %dma_start3A_495 = arith.constant 40 : i32
      %dma_start3A_496 = arith.constant 0 : i32
      %dma_start3A_497 = tpu.memref_slice %arg8[%dma_start3A_494, %dma_start3A_495, %dma_start3A_496] : memref<2x80x128xf32, #tpu.memory_space<vmem>> -> memref<1x40x128xf32, #tpu.memory_space<vmem>>
      %dma_start3A_498 = tpu.memref_squeeze %dma_start3A_497 : memref<1x40x128xf32, #tpu.memory_space<vmem>> -> memref<40x128xf32, #tpu.memory_space<vmem>>
      %dma_start3A_499 = tpu.memref_slice %arg6[%add3A_493] : memref<10000xi32, #tpu.memory_space<vmem>> -> memref<40xi32, #tpu.memory_space<vmem>>
      %dma_start3A_500 = arith.constant 0 : i32
      %dma_start3A_501 = arith.constant 0 : i32
      %dma_start3A_502 = tpu.memref_slice %arg2[%dma_start3A_500, %dma_start3A_501] : memref<10240x128xf32, #tpu.memory_space<hbm>> -> memref<10240x128xf32, #tpu.memory_space<hbm>>
      tpu.enqueue_indirect_dma source(%dma_start3A_502 : memref<10240x128xf32, #tpu.memory_space<hbm>>) target(%dma_start3A_498 : memref<40x128xf32, #tpu.memory_space<vmem>>) offsets(%dma_start3A_499 : memref<40xi32, #tpu.memory_space<vmem>>) semaphore(%arg13 : memref<!tpu.dma_semaphore, #tpu.memory_space<semaphore_mem>>)
      %mul3A_503 = arith.constant 80 : i32
      %mul3A_504 = arith.muli %add3A_464, %mul3A_503 : i32
      %dma_wait3A_505 = arith.constant 0 : i32
      %dma_wait3A_506 = arith.constant 0 : i32
      %dma_wait3A_507 = arith.constant 0 : i32
      %dma_wait3A_508 = tpu.memref_slice %arg8[%dma_wait3A_505, %dma_wait3A_506, %dma_wait3A_507] : memref<2x80x128xf32, #tpu.memory_space<vmem>> -> memref<1x40x128xf32, #tpu.memory_space<vmem>>
      %dma_wait3A_509 = tpu.memref_squeeze %dma_wait3A_508 : memref<1x40x128xf32, #tpu.memory_space<vmem>> -> memref<40x128xf32, #tpu.memory_space<vmem>>
      %dma_wait3A_510 = tpu.memref_slice %arg6[%mul3A_504] : memref<10000xi32, #tpu.memory_space<vmem>> -> memref<40xi32, #tpu.memory_space<vmem>>
      %dma_wait3A_511 = arith.constant 0 : i32
      %dma_wait3A_512 = arith.constant 0 : i32
      %dma_wait3A_513 = tpu.memref_slice %arg2[%dma_wait3A_511, %dma_wait3A_512] : memref<10240x128xf32, #tpu.memory_space<hbm>> -> memref<10240x128xf32, #tpu.memory_space<hbm>>
      tpu.wait_indirect_dma semaphore(%arg10 : memref<!tpu.dma_semaphore, #tpu.memory_space<semaphore_mem>>) src(%dma_wait3A_513 : memref<10240x128xf32, #tpu.memory_space<hbm>>) dst(%dma_wait3A_509 : memref<40x128xf32, #tpu.memory_space<vmem>>)
      %mul3A_514 = arith.constant 80 : i32
      %mul3A_515 = arith.muli %add3A_464, %mul3A_514 : i32
      %add3A_516 = arith.constant 40 : i32
      %add3A_517 = arith.addi %mul3A_515, %add3A_516 : i32
      %dma_wait3A_518 = arith.constant 0 : i32
      %dma_wait3A_519 = arith.constant 40 : i32
      %dma_wait3A_520 = arith.constant 0 : i32
      %dma_wait3A_521 = tpu.memref_slice %arg8[%dma_wait3A_518, %dma_wait3A_519, %dma_wait3A_520] : memref<2x80x128xf32, #tpu.memory_space<vmem>> -> memref<1x40x128xf32, #tpu.memory_space<vmem>>
      %dma_wait3A_522 = tpu.memref_squeeze %dma_wait3A_521 : memref<1x40x128xf32, #tpu.memory_space<vmem>> -> memref<40x128xf32, #tpu.memory_space<vmem>>
      %dma_wait3A_523 = tpu.memref_slice %arg6[%add3A_517] : memref<10000xi32, #tpu.memory_space<vmem>> -> memref<40xi32, #tpu.memory_space<vmem>>
      %dma_wait3A_524 = arith.constant 0 : i32
      %dma_wait3A_525 = arith.constant 0 : i32
      %dma_wait3A_526 = tpu.memref_slice %arg2[%dma_wait3A_524, %dma_wait3A_525] : memref<10240x128xf32, #tpu.memory_space<hbm>> -> memref<10240x128xf32, #tpu.memory_space<hbm>>
      tpu.wait_indirect_dma semaphore(%arg12 : memref<!tpu.dma_semaphore, #tpu.memory_space<semaphore_mem>>) src(%dma_wait3A_526 : memref<10240x128xf32, #tpu.memory_space<hbm>>) dst(%dma_wait3A_522 : memref<40x128xf32, #tpu.memory_space<vmem>>)
      %dma_start3A_527 = arith.constant 0 : i32
      %dma_start3A_528 = arith.constant 0 : i32
      %dma_start3A_529 = arith.constant 0 : i32
      %dma_start3A_530 = tpu.memref_slice %arg8[%dma_start3A_527, %dma_start3A_528, %dma_start3A_529] : memref<2x80x128xf32, #tpu.memory_space<vmem>> -> memref<1x80x128xf32, #tpu.memory_space<vmem>>
      %dma_start3A_531 = tpu.memref_squeeze %dma_start3A_530 : memref<1x80x128xf32, #tpu.memory_space<vmem>> -> memref<80x128xf32, #tpu.memory_space<vmem>>
      %dma_start3A_532 = arith.constant 0 : i32
      %dma_start3A_533 = tpu.memref_slice %arg7[%add3A_464, %dma_start3A_532] : memref<125x80xi32, #tpu.memory_space<vmem>> -> memref<1x80xi32, #tpu.memory_space<vmem>>
      %dma_start3A_534 = tpu.memref_squeeze %dma_start3A_533 : memref<1x80xi32, #tpu.memory_space<vmem>> -> memref<80xi32, #tpu.memory_space<vmem>>
      %dma_start3A_535 = arith.constant 0 : i32
      %dma_start3A_536 = arith.constant 0 : i32
      %dma_start3A_537 = tpu.memref_slice %arg9[%dma_start3A_535, %dma_start3A_536] : memref<10240x128xf32, #tpu.memory_space<vmem_shared>> -> memref<10240x128xf32, #tpu.memory_space<vmem_shared>>
      tpu.enqueue_indirect_dma source(%dma_start3A_531 : memref<80x128xf32, #tpu.memory_space<vmem>>) target(%dma_start3A_537 : memref<10240x128xf32, #tpu.memory_space<vmem_shared>>) offsets(%dma_start3A_534 : memref<80xi32, #tpu.memory_space<vmem>>) semaphore(%arg14 : memref<!tpu.dma_semaphore, #tpu.memory_space<semaphore_mem>>) {add = true}
      %mul3A_538 = arith.constant 2 : i32
      %mul3A_539 = arith.muli %mul3A_538, %scan3A_458 : i32
      %add3A_540 = arith.constant 2 : i32
      %add3A_541 = arith.addi %add3A_540, %mul3A_539 : i32
      %add3A_542 = arith.constant 1 : i32
      %add3A_543 = arith.addi %add3A_541, %add3A_542 : i32
      %sub3A_544 = arith.constant 1 : i32
      %sub3A_545 = arith.subi %add3A_543, %sub3A_544 : i32
      %dma_wait3A_546 = arith.constant 0 : i32
      %dma_wait3A_547 = arith.constant 0 : i32
      %dma_wait3A_548 = arith.constant 0 : i32
      %dma_wait3A_549 = tpu.memref_slice %arg8[%dma_wait3A_546, %dma_wait3A_547, %dma_wait3A_548] : memref<2x80x128xf32, #tpu.memory_space<vmem>> -> memref<1x80x128xf32, #tpu.memory_space<vmem>>
      %dma_wait3A_550 = tpu.memref_squeeze %dma_wait3A_549 : memref<1x80x128xf32, #tpu.memory_space<vmem>> -> memref<80x128xf32, #tpu.memory_space<vmem>>
      %dma_wait3A_551 = arith.constant 0 : i32
      %dma_wait3A_552 = tpu.memref_slice %arg7[%sub3A_545, %dma_wait3A_551] : memref<125x80xi32, #tpu.memory_space<vmem>> -> memref<1x80xi32, #tpu.memory_space<vmem>>
      %dma_wait3A_553 = tpu.memref_squeeze %dma_wait3A_552 : memref<1x80xi32, #tpu.memory_space<vmem>> -> memref<80xi32, #tpu.memory_space<vmem>>
      %dma_wait3A_554 = arith.constant 0 : i32
      %dma_wait3A_555 = arith.constant 0 : i32
      %dma_wait3A_556 = tpu.memref_slice %arg9[%dma_wait3A_554, %dma_wait3A_555] : memref<10240x128xf32, #tpu.memory_space<vmem_shared>> -> memref<10240x128xf32, #tpu.memory_space<vmem_shared>>
      tpu.wait_indirect_dma semaphore(%arg14 : memref<!tpu.dma_semaphore, #tpu.memory_space<semaphore_mem>>) src(%dma_wait3A_550 : memref<80x128xf32, #tpu.memory_space<vmem>>) dst(%dma_wait3A_556 : memref<10240x128xf32, #tpu.memory_space<vmem_shared>>)
      %add3A_557 = arith.constant 1 : i32
      %add3A_558 = arith.addi %add3A_543, %add3A_557 : i32
      %mul3A_559 = arith.constant 80 : i32
      %mul3A_560 = arith.muli %add3A_558, %mul3A_559 : i32
      %dma_start3A_561 = arith.constant 0 : i32
      %dma_start3A_562 = arith.constant 0 : i32
      %dma_start3A_563 = arith.constant 0 : i32
      %dma_start3A_564 = tpu.memref_slice %arg8[%dma_start3A_561, %dma_start3A_562, %dma_start3A_563] : memref<2x80x128xf32, #tpu.memory_space<vmem>> -> memref<1x40x128xf32, #tpu.memory_space<vmem>>
      %dma_start3A_565 = tpu.memref_squeeze %dma_start3A_564 : memref<1x40x128xf32, #tpu.memory_space<vmem>> -> memref<40x128xf32, #tpu.memory_space<vmem>>
      %dma_start3A_566 = tpu.memref_slice %arg6[%mul3A_560] : memref<10000xi32, #tpu.memory_space<vmem>> -> memref<40xi32, #tpu.memory_space<vmem>>
      %dma_start3A_567 = arith.constant 0 : i32
      %dma_start3A_568 = arith.constant 0 : i32
      %dma_start3A_569 = tpu.memref_slice %arg2[%dma_start3A_567, %dma_start3A_568] : memref<10240x128xf32, #tpu.memory_space<hbm>> -> memref<10240x128xf32, #tpu.memory_space<hbm>>
      tpu.enqueue_indirect_dma source(%dma_start3A_569 : memref<10240x128xf32, #tpu.memory_space<hbm>>) target(%dma_start3A_565 : memref<40x128xf32, #tpu.memory_space<vmem>>) offsets(%dma_start3A_566 : memref<40xi32, #tpu.memory_space<vmem>>) semaphore(%arg10 : memref<!tpu.dma_semaphore, #tpu.memory_space<semaphore_mem>>)
      %mul3A_570 = arith.constant 80 : i32
      %mul3A_571 = arith.muli %add3A_558, %mul3A_570 : i32
      %add3A_572 = arith.constant 40 : i32
      %add3A_573 = arith.addi %mul3A_571, %add3A_572 : i32
      %dma_start3A_574 = arith.constant 0 : i32
      %dma_start3A_575 = arith.constant 40 : i32
      %dma_start3A_576 = arith.constant 0 : i32
      %dma_start3A_577 = tpu.memref_slice %arg8[%dma_start3A_574, %dma_start3A_575, %dma_start3A_576] : memref<2x80x128xf32, #tpu.memory_space<vmem>> -> memref<1x40x128xf32, #tpu.memory_space<vmem>>
      %dma_start3A_578 = tpu.memref_squeeze %dma_start3A_577 : memref<1x40x128xf32, #tpu.memory_space<vmem>> -> memref<40x128xf32, #tpu.memory_space<vmem>>
      %dma_start3A_579 = tpu.memref_slice %arg6[%add3A_573] : memref<10000xi32, #tpu.memory_space<vmem>> -> memref<40xi32, #tpu.memory_space<vmem>>
      %dma_start3A_580 = arith.constant 0 : i32
      %dma_start3A_581 = arith.constant 0 : i32
      %dma_start3A_582 = tpu.memref_slice %arg2[%dma_start3A_580, %dma_start3A_581] : memref<10240x128xf32, #tpu.memory_space<hbm>> -> memref<10240x128xf32, #tpu.memory_space<hbm>>
      tpu.enqueue_indirect_dma source(%dma_start3A_582 : memref<10240x128xf32, #tpu.memory_space<hbm>>) target(%dma_start3A_578 : memref<40x128xf32, #tpu.memory_space<vmem>>) offsets(%dma_start3A_579 : memref<40xi32, #tpu.memory_space<vmem>>) semaphore(%arg12 : memref<!tpu.dma_semaphore, #tpu.memory_space<semaphore_mem>>)
      %mul3A_583 = arith.constant 80 : i32
      %mul3A_584 = arith.muli %add3A_543, %mul3A_583 : i32
      %dma_wait3A_585 = arith.constant 1 : i32
      %dma_wait3A_586 = arith.constant 0 : i32
      %dma_wait3A_587 = arith.constant 0 : i32
      %dma_wait3A_588 = tpu.memref_slice %arg8[%dma_wait3A_585, %dma_wait3A_586, %dma_wait3A_587] : memref<2x80x128xf32, #tpu.memory_space<vmem>> -> memref<1x40x128xf32, #tpu.memory_space<vmem>>
      %dma_wait3A_589 = tpu.memref_squeeze %dma_wait3A_588 : memref<1x40x128xf32, #tpu.memory_space<vmem>> -> memref<40x128xf32, #tpu.memory_space<vmem>>
      %dma_wait3A_590 = tpu.memref_slice %arg6[%mul3A_584] : memref<10000xi32, #tpu.memory_space<vmem>> -> memref<40xi32, #tpu.memory_space<vmem>>
      %dma_wait3A_591 = arith.constant 0 : i32
      %dma_wait3A_592 = arith.constant 0 : i32
      %dma_wait3A_593 = tpu.memref_slice %arg2[%dma_wait3A_591, %dma_wait3A_592] : memref<10240x128xf32, #tpu.memory_space<hbm>> -> memref<10240x128xf32, #tpu.memory_space<hbm>>
      tpu.wait_indirect_dma semaphore(%arg11 : memref<!tpu.dma_semaphore, #tpu.memory_space<semaphore_mem>>) src(%dma_wait3A_593 : memref<10240x128xf32, #tpu.memory_space<hbm>>) dst(%dma_wait3A_589 : memref<40x128xf32, #tpu.memory_space<vmem>>)
      %mul3A_594 = arith.constant 80 : i32
      %mul3A_595 = arith.muli %add3A_543, %mul3A_594 : i32
      %add3A_596 = arith.constant 40 : i32
      %add3A_597 = arith.addi %mul3A_595, %add3A_596 : i32
      %dma_wait3A_598 = arith.constant 1 : i32
      %dma_wait3A_599 = arith.constant 40 : i32
      %dma_wait3A_600 = arith.constant 0 : i32
      %dma_wait3A_601 = tpu.memref_slice %arg8[%dma_wait3A_598, %dma_wait3A_599, %dma_wait3A_600] : memref<2x80x128xf32, #tpu.memory_space<vmem>> -> memref<1x40x128xf32, #tpu.memory_space<vmem>>
      %dma_wait3A_602 = tpu.memref_squeeze %dma_wait3A_601 : memref<1x40x128xf32, #tpu.memory_space<vmem>> -> memref<40x128xf32, #tpu.memory_space<vmem>>
      %dma_wait3A_603 = tpu.memref_slice %arg6[%add3A_597] : memref<10000xi32, #tpu.memory_space<vmem>> -> memref<40xi32, #tpu.memory_space<vmem>>
      %dma_wait3A_604 = arith.constant 0 : i32
      %dma_wait3A_605 = arith.constant 0 : i32
      %dma_wait3A_606 = tpu.memref_slice %arg2[%dma_wait3A_604, %dma_wait3A_605] : memref<10240x128xf32, #tpu.memory_space<hbm>> -> memref<10240x128xf32, #tpu.memory_space<hbm>>
      tpu.wait_indirect_dma semaphore(%arg13 : memref<!tpu.dma_semaphore, #tpu.memory_space<semaphore_mem>>) src(%dma_wait3A_606 : memref<10240x128xf32, #tpu.memory_space<hbm>>) dst(%dma_wait3A_602 : memref<40x128xf32, #tpu.memory_space<vmem>>)
      %dma_start3A_607 = arith.constant 1 : i32
      %dma_start3A_608 = arith.constant 0 : i32
      %dma_start3A_609 = arith.constant 0 : i32
      %dma_start3A_610 = tpu.memref_slice %arg8[%dma_start3A_607, %dma_start3A_608, %dma_start3A_609] : memref<2x80x128xf32, #tpu.memory_space<vmem>> -> memref<1x80x128xf32, #tpu.memory_space<vmem>>
      %dma_start3A_611 = tpu.memref_squeeze %dma_start3A_610 : memref<1x80x128xf32, #tpu.memory_space<vmem>> -> memref<80x128xf32, #tpu.memory_space<vmem>>
      %dma_start3A_612 = arith.constant 0 : i32
      %dma_start3A_613 = tpu.memref_slice %arg7[%add3A_543, %dma_start3A_612] : memref<125x80xi32, #tpu.memory_space<vmem>> -> memref<1x80xi32, #tpu.memory_space<vmem>>
      %dma_start3A_614 = tpu.memref_squeeze %dma_start3A_613 : memref<1x80xi32, #tpu.memory_space<vmem>> -> memref<80xi32, #tpu.memory_space<vmem>>
      %dma_start3A_615 = arith.constant 0 : i32
      %dma_start3A_616 = arith.constant 0 : i32
      %dma_start3A_617 = tpu.memref_slice %arg9[%dma_start3A_615, %dma_start3A_616] : memref<10240x128xf32, #tpu.memory_space<vmem_shared>> -> memref<10240x128xf32, #tpu.memory_space<vmem_shared>>
      tpu.enqueue_indirect_dma source(%dma_start3A_611 : memref<80x128xf32, #tpu.memory_space<vmem>>) target(%dma_start3A_617 : memref<10240x128xf32, #tpu.memory_space<vmem_shared>>) offsets(%dma_start3A_614 : memref<80xi32, #tpu.memory_space<vmem>>) semaphore(%arg15 : memref<!tpu.dma_semaphore, #tpu.memory_space<semaphore_mem>>) {add = true}
    }
    %scan3A_400 = arith.constant 61 : i32
    %dma_wait3A_401 = arith.constant 1 : i32
    %dma_wait3A_402 = arith.constant 123 : i32
    %dma_wait3A_403 = arith.constant 0 : i32
    %dma_wait3A_404 = arith.constant 0 : i32
    %dma_wait3A_405 = tpu.memref_slice %arg8[%dma_wait3A_401, %dma_wait3A_403, %dma_wait3A_404] : memref<2x80x128xf32, #tpu.memory_space<vmem>> -> memref<1x80x128xf32, #tpu.memory_space<vmem>>
    %dma_wait3A_406 = tpu.memref_squeeze %dma_wait3A_405 : memref<1x80x128xf32, #tpu.memory_space<vmem>> -> memref<80x128xf32, #tpu.memory_space<vmem>>
    %dma_wait3A_407 = arith.constant 0 : i32
    %dma_wait3A_408 = tpu.memref_slice %arg7[%dma_wait3A_402, %dma_wait3A_407] : memref<125x80xi32, #tpu.memory_space<vmem>> -> memref<1x80xi32, #tpu.memory_space<vmem>>
    %dma_wait3A_409 = tpu.memref_squeeze %dma_wait3A_408 : memref<1x80xi32, #tpu.memory_space<vmem>> -> memref<80xi32, #tpu.memory_space<vmem>>
    %dma_wait3A_410 = arith.constant 0 : i32
    %dma_wait3A_411 = arith.constant 0 : i32
    %dma_wait3A_412 = tpu.memref_slice %arg9[%dma_wait3A_410, %dma_wait3A_411] : memref<10240x128xf32, #tpu.memory_space<vmem_shared>> -> memref<10240x128xf32, #tpu.memory_space<vmem_shared>>
    tpu.wait_indirect_dma semaphore(%arg15 : memref<!tpu.dma_semaphore, #tpu.memory_space<semaphore_mem>>) src(%dma_wait3A_406 : memref<80x128xf32, #tpu.memory_space<vmem>>) dst(%dma_wait3A_412 : memref<10240x128xf32, #tpu.memory_space<vmem_shared>>)
    %dma_wait3A_413 = arith.constant 0 : i32
    %dma_wait3A_414 = arith.constant 0 : i32
    %dma_wait3A_415 = arith.constant 0 : i32
    %dma_wait3A_416 = tpu.memref_slice %arg8[%dma_wait3A_413, %dma_wait3A_414, %dma_wait3A_415] : memref<2x80x128xf32, #tpu.memory_space<vmem>> -> memref<1x40x128xf32, #tpu.memory_space<vmem>>
    %dma_wait3A_417 = tpu.memref_squeeze %dma_wait3A_416 : memref<1x40x128xf32, #tpu.memory_space<vmem>> -> memref<40x128xf32, #tpu.memory_space<vmem>>
    %dma_wait3A_418 = arith.constant 9920 : i32
    %dma_wait3A_419 = tpu.memref_slice %arg6[%dma_wait3A_418] : memref<10000xi32, #tpu.memory_space<vmem>> -> memref<40xi32, #tpu.memory_space<vmem>>
    %dma_wait3A_420 = arith.constant 0 : i32
    %dma_wait3A_421 = arith.constant 0 : i32
    %dma_wait3A_422 = tpu.memref_slice %arg2[%dma_wait3A_420, %dma_wait3A_421] : memref<10240x128xf32, #tpu.memory_space<hbm>> -> memref<10240x128xf32, #tpu.memory_space<hbm>>
    tpu.wait_indirect_dma semaphore(%arg10 : memref<!tpu.dma_semaphore, #tpu.memory_space<semaphore_mem>>) src(%dma_wait3A_422 : memref<10240x128xf32, #tpu.memory_space<hbm>>) dst(%dma_wait3A_417 : memref<40x128xf32, #tpu.memory_space<vmem>>)
    %dma_wait3A_423 = arith.constant 0 : i32
    %dma_wait3A_424 = arith.constant 40 : i32
    %dma_wait3A_425 = arith.constant 0 : i32
    %dma_wait3A_426 = tpu.memref_slice %arg8[%dma_wait3A_423, %dma_wait3A_424, %dma_wait3A_425] : memref<2x80x128xf32, #tpu.memory_space<vmem>> -> memref<1x40x128xf32, #tpu.memory_space<vmem>>
    %dma_wait3A_427 = tpu.memref_squeeze %dma_wait3A_426 : memref<1x40x128xf32, #tpu.memory_space<vmem>> -> memref<40x128xf32, #tpu.memory_space<vmem>>
    %dma_wait3A_428 = arith.constant 9960 : i32
    %dma_wait3A_429 = tpu.memref_slice %arg6[%dma_wait3A_428] : memref<10000xi32, #tpu.memory_space<vmem>> -> memref<40xi32, #tpu.memory_space<vmem>>
    %dma_wait3A_430 = arith.constant 0 : i32
    %dma_wait3A_431 = arith.constant 0 : i32
    %dma_wait3A_432 = tpu.memref_slice %arg2[%dma_wait3A_430, %dma_wait3A_431] : memref<10240x128xf32, #tpu.memory_space<hbm>> -> memref<10240x128xf32, #tpu.memory_space<hbm>>
    tpu.wait_indirect_dma semaphore(%arg12 : memref<!tpu.dma_semaphore, #tpu.memory_space<semaphore_mem>>) src(%dma_wait3A_432 : memref<10240x128xf32, #tpu.memory_space<hbm>>) dst(%dma_wait3A_427 : memref<40x128xf32, #tpu.memory_space<vmem>>)
    %dma_start3A_433 = arith.constant 0 : i32
    %dma_start3A_434 = arith.constant 124 : i32
    %dma_start3A_435 = arith.constant 0 : i32
    %dma_start3A_436 = arith.constant 0 : i32
    %dma_start3A_437 = tpu.memref_slice %arg8[%dma_start3A_433, %dma_start3A_435, %dma_start3A_436] : memref<2x80x128xf32, #tpu.memory_space<vmem>> -> memref<1x80x128xf32, #tpu.memory_space<vmem>>
    %dma_start3A_438 = tpu.memref_squeeze %dma_start3A_437 : memref<1x80x128xf32, #tpu.memory_space<vmem>> -> memref<80x128xf32, #tpu.memory_space<vmem>>
    %dma_start3A_439 = arith.constant 0 : i32
    %dma_start3A_440 = tpu.memref_slice %arg7[%dma_start3A_434, %dma_start3A_439] : memref<125x80xi32, #tpu.memory_space<vmem>> -> memref<1x80xi32, #tpu.memory_space<vmem>>
    %dma_start3A_441 = tpu.memref_squeeze %dma_start3A_440 : memref<1x80xi32, #tpu.memory_space<vmem>> -> memref<80xi32, #tpu.memory_space<vmem>>
    %dma_start3A_442 = arith.constant 0 : i32
    %dma_start3A_443 = arith.constant 0 : i32
    %dma_start3A_444 = tpu.memref_slice %arg9[%dma_start3A_442, %dma_start3A_443] : memref<10240x128xf32, #tpu.memory_space<vmem_shared>> -> memref<10240x128xf32, #tpu.memory_space<vmem_shared>>
    tpu.enqueue_indirect_dma source(%dma_start3A_438 : memref<80x128xf32, #tpu.memory_space<vmem>>) target(%dma_start3A_444 : memref<10240x128xf32, #tpu.memory_space<vmem_shared>>) offsets(%dma_start3A_441 : memref<80xi32, #tpu.memory_space<vmem>>) semaphore(%arg14 : memref<!tpu.dma_semaphore, #tpu.memory_space<semaphore_mem>>) {add = true}
    %dma_wait3A_445 = arith.constant 0 : i32
    %dma_wait3A_446 = arith.constant 124 : i32
    %dma_wait3A_447 = arith.constant 0 : i32
    %dma_wait3A_448 = arith.constant 0 : i32
    %dma_wait3A_449 = tpu.memref_slice %arg8[%dma_wait3A_445, %dma_wait3A_447, %dma_wait3A_448] : memref<2x80x128xf32, #tpu.memory_space<vmem>> -> memref<1x80x128xf32, #tpu.memory_space<vmem>>
    %dma_wait3A_450 = tpu.memref_squeeze %dma_wait3A_449 : memref<1x80x128xf32, #tpu.memory_space<vmem>> -> memref<80x128xf32, #tpu.memory_space<vmem>>
    %dma_wait3A_451 = arith.constant 0 : i32
    %dma_wait3A_452 = tpu.memref_slice %arg7[%dma_wait3A_446, %dma_wait3A_451] : memref<125x80xi32, #tpu.memory_space<vmem>> -> memref<1x80xi32, #tpu.memory_space<vmem>>
    %dma_wait3A_453 = tpu.memref_squeeze %dma_wait3A_452 : memref<1x80xi32, #tpu.memory_space<vmem>> -> memref<80xi32, #tpu.memory_space<vmem>>
    %dma_wait3A_454 = arith.constant 0 : i32
    %dma_wait3A_455 = arith.constant 0 : i32
    %dma_wait3A_456 = tpu.memref_slice %arg9[%dma_wait3A_454, %dma_wait3A_455] : memref<10240x128xf32, #tpu.memory_space<vmem_shared>> -> memref<10240x128xf32, #tpu.memory_space<vmem_shared>>
    tpu.wait_indirect_dma semaphore(%arg14 : memref<!tpu.dma_semaphore, #tpu.memory_space<semaphore_mem>>) src(%dma_wait3A_450 : memref<80x128xf32, #tpu.memory_space<vmem>>) dst(%dma_wait3A_456 : memref<10240x128xf32, #tpu.memory_space<vmem_shared>>)
    %barrier3A_457 = arith.constant 0 : index
    tpu.barrier barrier_id(%barrier3A_457)
    "tpu.region"() ({
      %run_scoped3A = tpu.sem_alloc : memref<!tpu.dma_semaphore, #tpu.memory_space<semaphore_mem>>
      %dma_start3A_458 = arith.constant 0 : i32
      %dma_start3A_459 = tpu.memref_slice %arg5[%arg0, %mul3A_8, %dma_start3A_458] : memref<2x10240x128xf32, #tpu.memory_space<hbm>> -> memref<1x640x128xf32, #tpu.memory_space<hbm>>
      %dma_start3A_460 = tpu.memref_squeeze %dma_start3A_459 : memref<1x640x128xf32, #tpu.memory_space<hbm>> -> memref<640x128xf32, #tpu.memory_space<hbm>>
      %dma_start3A_461 = arith.constant 0 : i32
      %dma_start3A_462 = tpu.memref_slice %arg9[%mul3A_8, %dma_start3A_461] : memref<10240x128xf32, #tpu.memory_space<vmem_shared>> -> memref<640x128xf32, #tpu.memory_space<vmem_shared>>
      tpu.enqueue_dma source(%dma_start3A_462 : memref<640x128xf32, #tpu.memory_space<vmem_shared>>) target(%dma_start3A_460 : memref<640x128xf32, #tpu.memory_space<hbm>>) target_semaphore(%run_scoped3A : memref<!tpu.dma_semaphore, #tpu.memory_space<semaphore_mem>>)
      %dma_wait3A_463 = arith.constant 0 : i32
      %dma_wait3A_464 = tpu.memref_slice %arg5[%arg0, %mul3A_8, %dma_wait3A_463] : memref<2x10240x128xf32, #tpu.memory_space<hbm>> -> memref<1x640x128xf32, #tpu.memory_space<hbm>>
      %dma_wait3A_465 = tpu.memref_squeeze %dma_wait3A_464 : memref<1x640x128xf32, #tpu.memory_space<hbm>> -> memref<640x128xf32, #tpu.memory_space<hbm>>
      %dma_wait3A_466 = arith.constant 0 : i32
      %dma_wait3A_467 = tpu.memref_slice %arg9[%mul3A_8, %dma_wait3A_466] : memref<10240x128xf32, #tpu.memory_space<vmem_shared>> -> memref<640x128xf32, #tpu.memory_space<vmem_shared>>
      tpu.wait_dma2 semaphore(%run_scoped3A : memref<!tpu.dma_semaphore, #tpu.memory_space<semaphore_mem>>) src(%dma_wait3A_467 : memref<640x128xf32, #tpu.memory_space<vmem_shared>>) dst(%dma_wait3A_465 : memref<640x128xf32, #tpu.memory_space<hbm>>)
      tpu.yield
    }) : () -> ()
    return
  }
}

#map = affine_map<(d0, d1) -> (0, 0)>
#map1 = affine_map<(d0, d1) -> (0, 0, 0)>
module attributes {stable_mosaic.version = 14 : i64} {
  func.func @_agg_kernel(%arg0: i32, %arg1: i32, %arg2: memref<10240x128xf32, #tpu.memory_space<hbm>>, %arg3: memref<32x10000xi32, #tpu.memory_space<hbm>>, %arg4: memref<32x125x80xi32, #tpu.memory_space<hbm>>, %arg5: memref<2x10240x128xf32, #tpu.memory_space<hbm>>, %arg6: memref<10000xi32, #tpu.memory_space<vmem>>, %arg7: memref<125x80xi32, #tpu.memory_space<vmem>>, %arg8: memref<2x80x128xf32, #tpu.memory_space<vmem>>, %arg9: memref<10240x128xf32, #tpu.memory_space<vmem_shared>>, %arg10: memref<!tpu.dma_semaphore, #tpu.memory_space<semaphore_mem>>, %arg11: memref<!tpu.dma_semaphore, #tpu.memory_space<semaphore_mem>>, %arg12: memref<!tpu.dma_semaphore, #tpu.memory_space<semaphore_mem>>, %arg13: memref<!tpu.dma_semaphore, #tpu.memory_space<semaphore_mem>>, %arg14: memref<!tpu.dma_semaphore, #tpu.memory_space<semaphore_mem>>, %arg15: memref<!tpu.dma_semaphore, #tpu.memory_space<semaphore_mem>>) attributes {dimension_semantics = [#tpu.dimension_semantics<core_parallel>, #tpu.dimension_semantics<subcore_parallel>], iteration_bounds = array<i64: 2, 16>, scalar_prefetch = 0 : i64, scratch_operands = 10 : i64, tpu.core_type = #tpu.core_type<sc_vector_subcore>, window_params = [{transform_indices = #map}, {transform_indices = #map}, {transform_indices = #map1}, {transform_indices = #map1}]} {
    %mul3A = arith.constant 16 : i32
    %mul3A_0 = arith.muli %arg0, %mul3A : i32
    %add3A = arith.addi %mul3A_0, %arg1 : i32
    %broadcast_in_dim3A = arith.constant 0.000000e+00 : f32
    %broadcast_in_dim3A_1 = vector.broadcast %broadcast_in_dim3A : f32 to vector<16xf32>
    %scan3A = arith.constant 0 : i32
    %scan3A_2 = arith.constant 0 : i32
    %scan3A_3 = arith.constant 640 : i32
    %scan3A_4 = arith.addi %scan3A_2, %scan3A_3 : i32
    %scan3A_5 = arith.constant 1 : i32
    scf.for %scan3A_458 = %scan3A_2 to %scan3A_4 step %scan3A_5  : i32 {
      %jit3A = arith.constant 8 : i32
      %div3A = arith.divsi %scan3A_458, %jit3A : i32
      %sign3A = arith.constant 0 : i32
      %sign3A_459 = arith.cmpi sgt, %scan3A_458, %sign3A : i32
      %sign3A_460 = arith.extui %sign3A_459 : i1 to i32
      %sign3A_461 = arith.constant 0 : i32
      %sign3A_462 = arith.cmpi slt, %scan3A_458, %sign3A_461 : i32
      %sign3A_463 = arith.extui %sign3A_462 : i1 to i32
      %sign3A_464 = arith.subi %sign3A_460, %sign3A_463 : i32
      %sign3A_465 = arith.constant 0 : i32
      %sign3A_466 = arith.cmpi sgt, %jit3A, %sign3A_465 : i32
      %sign3A_467 = arith.extui %sign3A_466 : i1 to i32
      %sign3A_468 = arith.constant 0 : i32
      %sign3A_469 = arith.cmpi slt, %jit3A, %sign3A_468 : i32
      %sign3A_470 = arith.extui %sign3A_469 : i1 to i32
      %sign3A_471 = arith.subi %sign3A_467, %sign3A_470 : i32
      %ne3A = arith.cmpi ne, %sign3A_464, %sign3A_471 : i32
      %rem3A = arith.remsi %scan3A_458, %jit3A : i32
      %ne3A_472 = arith.constant 0 : i32
      %ne3A_473 = arith.cmpi ne, %rem3A, %ne3A_472 : i32
      %and3A = arith.andi %ne3A, %ne3A_473 : i1
      %sub3A = arith.constant 1 : i32
      %sub3A_474 = arith.subi %div3A, %sub3A : i32
      %select_n3A = arith.select %and3A, %sub3A_474, %div3A : i32
      %jit3A_475 = arith.constant 8 : i32
      %eq3A = arith.constant 0 : i32
      %eq3A_476 = arith.cmpi eq, %jit3A_475, %eq3A : i32
      %jit3A_477 = arith.constant 1 : i32
      %select_n3A_478 = arith.select %eq3A_476, %jit3A_477, %jit3A_475 : i32
      %rem3A_479 = arith.remsi %scan3A_458, %select_n3A_478 : i32
      %ne3A_480 = arith.constant 0 : i32
      %ne3A_481 = arith.cmpi ne, %rem3A_479, %ne3A_480 : i32
      %lt3A = arith.constant 0 : i32
      %lt3A_482 = arith.cmpi slt, %rem3A_479, %lt3A : i32
      %lt3A_483 = arith.constant 0 : i32
      %lt3A_484 = arith.cmpi slt, %select_n3A_478, %lt3A_483 : i32
      %ne3A_485 = arith.xori %lt3A_482, %lt3A_484 : i1
      %and3A_486 = arith.andi %ne3A_485, %ne3A_481 : i1
      %add3A_487 = arith.addi %rem3A_479, %select_n3A_478 : i32
      %select_n3A_488 = arith.select %and3A_486, %add3A_487, %rem3A_479 : i32
      %mul3A_489 = arith.constant 16 : i32
      %mul3A_490 = arith.muli %select_n3A_488, %mul3A_489 : i32
      %swap3A = arith.constant 0 : i32
      %swap3A_491 = arith.index_cast %swap3A : i32 to index
      %swap3A_492 = arith.index_cast %select_n3A : i32 to index
      %swap3A_493 = arith.index_cast %mul3A_490 : i32 to index
      %swap3A_494 = tpu.vector_load %arg8[%swap3A_491, %swap3A_492, %swap3A_493] {strides = array<i32>} : memref<2x80x128xf32, #tpu.memory_space<vmem>>, vector<16xf32>,
      tpu.vector_store %arg8[%swap3A_491, %swap3A_492, %swap3A_493], %broadcast_in_dim3A_1 {strides = array<i32>} : memref<2x80x128xf32, #tpu.memory_space<vmem>>, vector<16xf32>,
    }
    %scan3A_6 = arith.constant 640 : i32
    %mul3A_7 = arith.constant 640 : i32
    %mul3A_8 = arith.muli %arg1, %mul3A_7 : i32
    %add3A_9 = arith.constant 0 : i32
    %add3A_10 = arith.addi %mul3A_8, %add3A_9 : i32
    %dma_start3A = arith.constant 0 : i32
    %dma_start3A_11 = arith.constant 0 : i32
    %dma_start3A_12 = arith.constant 0 : i32
    %dma_start3A_13 = tpu.memref_slice %arg8[%dma_start3A, %dma_start3A_11, %dma_start3A_12] : memref<2x80x128xf32, #tpu.memory_space<vmem>> -> memref<1x80x128xf32, #tpu.memory_space<vmem>>
    %dma_start3A_14 = tpu.memref_squeeze %dma_start3A_13 : memref<1x80x128xf32, #tpu.memory_space<vmem>> -> memref<80x128xf32, #tpu.memory_space<vmem>>
    %dma_start3A_15 = arith.constant 0 : i32
    %dma_start3A_16 = tpu.memref_slice %arg9[%add3A_10, %dma_start3A_15] : memref<10240x128xf32, #tpu.memory_space<vmem_shared>> -> memref<80x128xf32, #tpu.memory_space<vmem_shared>>
    %dma_start3A_17 = arith.constant 0 : i32
    %dma_start3A_18 = tpu.memref_slice %arg9[%add3A_10, %dma_start3A_17] : memref<10240x128xf32, #tpu.memory_space<vmem_shared>> -> memref<80x128xf32, #tpu.memory_space<vmem_shared>>
    %dma_start3A_19 = arith.constant 0 : i32
    %dma_start3A_20 = arith.constant 0 : i32
    %dma_start3A_21 = tpu.memref_slice %arg8[%dma_start3A, %dma_start3A_19, %dma_start3A_20] : memref<2x80x128xf32, #tpu.memory_space<vmem>> -> memref<1x80x128xf32, #tpu.memory_space<vmem>>
    %dma_start3A_22 = tpu.memref_squeeze %dma_start3A_21 : memref<1x80x128xf32, #tpu.memory_space<vmem>> -> memref<80x128xf32, #tpu.memory_space<vmem>>
    tpu.enqueue_dma source(%dma_start3A_22 : memref<80x128xf32, #tpu.memory_space<vmem>>) target(%dma_start3A_18 : memref<80x128xf32, #tpu.memory_space<vmem_shared>>) target_semaphore(%arg14 : memref<!tpu.dma_semaphore, #tpu.memory_space<semaphore_mem>>)
    %add3A_23 = arith.constant 80 : i32
    %add3A_24 = arith.addi %mul3A_8, %add3A_23 : i32
    %dma_start3A_25 = arith.constant 0 : i32
    %dma_start3A_26 = arith.constant 0 : i32
    %dma_start3A_27 = arith.constant 0 : i32
    %dma_start3A_28 = tpu.memref_slice %arg8[%dma_start3A_25, %dma_start3A_26, %dma_start3A_27] : memref<2x80x128xf32, #tpu.memory_space<vmem>> -> memref<1x80x128xf32, #tpu.memory_space<vmem>>
    %dma_start3A_29 = tpu.memref_squeeze %dma_start3A_28 : memref<1x80x128xf32, #tpu.memory_space<vmem>> -> memref<80x128xf32, #tpu.memory_space<vmem>>
    %dma_start3A_30 = arith.constant 0 : i32
    %dma_start3A_31 = tpu.memref_slice %arg9[%add3A_24, %dma_start3A_30] : memref<10240x128xf32, #tpu.memory_space<vmem_shared>> -> memref<80x128xf32, #tpu.memory_space<vmem_shared>>
    %dma_start3A_32 = arith.constant 0 : i32
    %dma_start3A_33 = tpu.memref_slice %arg9[%add3A_24, %dma_start3A_32] : memref<10240x128xf32, #tpu.memory_space<vmem_shared>> -> memref<80x128xf32, #tpu.memory_space<vmem_shared>>
    %dma_start3A_34 = arith.constant 0 : i32
    %dma_start3A_35 = arith.constant 0 : i32
    %dma_start3A_36 = tpu.memref_slice %arg8[%dma_start3A_25, %dma_start3A_34, %dma_start3A_35] : memref<2x80x128xf32, #tpu.memory_space<vmem>> -> memref<1x80x128xf32, #tpu.memory_space<vmem>>
    %dma_start3A_37 = tpu.memref_squeeze %dma_start3A_36 : memref<1x80x128xf32, #tpu.memory_space<vmem>> -> memref<80x128xf32, #tpu.memory_space<vmem>>
    tpu.enqueue_dma source(%dma_start3A_37 : memref<80x128xf32, #tpu.memory_space<vmem>>) target(%dma_start3A_33 : memref<80x128xf32, #tpu.memory_space<vmem_shared>>) target_semaphore(%arg14 : memref<!tpu.dma_semaphore, #tpu.memory_space<semaphore_mem>>)
    %add3A_38 = arith.constant 160 : i32
    %add3A_39 = arith.addi %mul3A_8, %add3A_38 : i32
    %dma_start3A_40 = arith.constant 0 : i32
    %dma_start3A_41 = arith.constant 0 : i32
    %dma_start3A_42 = arith.constant 0 : i32
    %dma_start3A_43 = tpu.memref_slice %arg8[%dma_start3A_40, %dma_start3A_41, %dma_start3A_42] : memref<2x80x128xf32, #tpu.memory_space<vmem>> -> memref<1x80x128xf32, #tpu.memory_space<vmem>>
    %dma_start3A_44 = tpu.memref_squeeze %dma_start3A_43 : memref<1x80x128xf32, #tpu.memory_space<vmem>> -> memref<80x128xf32, #tpu.memory_space<vmem>>
    %dma_start3A_45 = arith.constant 0 : i32
    %dma_start3A_46 = tpu.memref_slice %arg9[%add3A_39, %dma_start3A_45] : memref<10240x128xf32, #tpu.memory_space<vmem_shared>> -> memref<80x128xf32, #tpu.memory_space<vmem_shared>>
    %dma_start3A_47 = arith.constant 0 : i32
    %dma_start3A_48 = tpu.memref_slice %arg9[%add3A_39, %dma_start3A_47] : memref<10240x128xf32, #tpu.memory_space<vmem_shared>> -> memref<80x128xf32, #tpu.memory_space<vmem_shared>>
    %dma_start3A_49 = arith.constant 0 : i32
    %dma_start3A_50 = arith.constant 0 : i32
    %dma_start3A_51 = tpu.memref_slice %arg8[%dma_start3A_40, %dma_start3A_49, %dma_start3A_50] : memref<2x80x128xf32, #tpu.memory_space<vmem>> -> memref<1x80x128xf32, #tpu.memory_space<vmem>>
    %dma_start3A_52 = tpu.memref_squeeze %dma_start3A_51 : memref<1x80x128xf32, #tpu.memory_space<vmem>> -> memref<80x128xf32, #tpu.memory_space<vmem>>
    tpu.enqueue_dma source(%dma_start3A_52 : memref<80x128xf32, #tpu.memory_space<vmem>>) target(%dma_start3A_48 : memref<80x128xf32, #tpu.memory_space<vmem_shared>>) target_semaphore(%arg14 : memref<!tpu.dma_semaphore, #tpu.memory_space<semaphore_mem>>)
    %add3A_53 = arith.constant 240 : i32
    %add3A_54 = arith.addi %mul3A_8, %add3A_53 : i32
    %dma_start3A_55 = arith.constant 0 : i32
    %dma_start3A_56 = arith.constant 0 : i32
    %dma_start3A_57 = arith.constant 0 : i32
    %dma_start3A_58 = tpu.memref_slice %arg8[%dma_start3A_55, %dma_start3A_56, %dma_start3A_57] : memref<2x80x128xf32, #tpu.memory_space<vmem>> -> memref<1x80x128xf32, #tpu.memory_space<vmem>>
    %dma_start3A_59 = tpu.memref_squeeze %dma_start3A_58 : memref<1x80x128xf32, #tpu.memory_space<vmem>> -> memref<80x128xf32, #tpu.memory_space<vmem>>
    %dma_start3A_60 = arith.constant 0 : i32
    %dma_start3A_61 = tpu.memref_slice %arg9[%add3A_54, %dma_start3A_60] : memref<10240x128xf32, #tpu.memory_space<vmem_shared>> -> memref<80x128xf32, #tpu.memory_space<vmem_shared>>
    %dma_start3A_62 = arith.constant 0 : i32
    %dma_start3A_63 = tpu.memref_slice %arg9[%add3A_54, %dma_start3A_62] : memref<10240x128xf32, #tpu.memory_space<vmem_shared>> -> memref<80x128xf32, #tpu.memory_space<vmem_shared>>
    %dma_start3A_64 = arith.constant 0 : i32
    %dma_start3A_65 = arith.constant 0 : i32
    %dma_start3A_66 = tpu.memref_slice %arg8[%dma_start3A_55, %dma_start3A_64, %dma_start3A_65] : memref<2x80x128xf32, #tpu.memory_space<vmem>> -> memref<1x80x128xf32, #tpu.memory_space<vmem>>
    %dma_start3A_67 = tpu.memref_squeeze %dma_start3A_66 : memref<1x80x128xf32, #tpu.memory_space<vmem>> -> memref<80x128xf32, #tpu.memory_space<vmem>>
    tpu.enqueue_dma source(%dma_start3A_67 : memref<80x128xf32, #tpu.memory_space<vmem>>) target(%dma_start3A_63 : memref<80x128xf32, #tpu.memory_space<vmem_shared>>) target_semaphore(%arg14 : memref<!tpu.dma_semaphore, #tpu.memory_space<semaphore_mem>>)
    %add3A_68 = arith.constant 320 : i32
    %add3A_69 = arith.addi %mul3A_8, %add3A_68 : i32
    %dma_start3A_70 = arith.constant 0 : i32
    %dma_start3A_71 = arith.constant 0 : i32
    %dma_start3A_72 = arith.constant 0 : i32
    %dma_start3A_73 = tpu.memref_slice %arg8[%dma_start3A_70, %dma_start3A_71, %dma_start3A_72] : memref<2x80x128xf32, #tpu.memory_space<vmem>> -> memref<1x80x128xf32, #tpu.memory_space<vmem>>
    %dma_start3A_74 = tpu.memref_squeeze %dma_start3A_73 : memref<1x80x128xf32, #tpu.memory_space<vmem>> -> memref<80x128xf32, #tpu.memory_space<vmem>>
    %dma_start3A_75 = arith.constant 0 : i32
    %dma_start3A_76 = tpu.memref_slice %arg9[%add3A_69, %dma_start3A_75] : memref<10240x128xf32, #tpu.memory_space<vmem_shared>> -> memref<80x128xf32, #tpu.memory_space<vmem_shared>>
    %dma_start3A_77 = arith.constant 0 : i32
    %dma_start3A_78 = tpu.memref_slice %arg9[%add3A_69, %dma_start3A_77] : memref<10240x128xf32, #tpu.memory_space<vmem_shared>> -> memref<80x128xf32, #tpu.memory_space<vmem_shared>>
    %dma_start3A_79 = arith.constant 0 : i32
    %dma_start3A_80 = arith.constant 0 : i32
    %dma_start3A_81 = tpu.memref_slice %arg8[%dma_start3A_70, %dma_start3A_79, %dma_start3A_80] : memref<2x80x128xf32, #tpu.memory_space<vmem>> -> memref<1x80x128xf32, #tpu.memory_space<vmem>>
    %dma_start3A_82 = tpu.memref_squeeze %dma_start3A_81 : memref<1x80x128xf32, #tpu.memory_space<vmem>> -> memref<80x128xf32, #tpu.memory_space<vmem>>
    tpu.enqueue_dma source(%dma_start3A_82 : memref<80x128xf32, #tpu.memory_space<vmem>>) target(%dma_start3A_78 : memref<80x128xf32, #tpu.memory_space<vmem_shared>>) target_semaphore(%arg14 : memref<!tpu.dma_semaphore, #tpu.memory_space<semaphore_mem>>)
    %add3A_83 = arith.constant 400 : i32
    %add3A_84 = arith.addi %mul3A_8, %add3A_83 : i32
    %dma_start3A_85 = arith.constant 0 : i32
    %dma_start3A_86 = arith.constant 0 : i32
    %dma_start3A_87 = arith.constant 0 : i32
    %dma_start3A_88 = tpu.memref_slice %arg8[%dma_start3A_85, %dma_start3A_86, %dma_start3A_87] : memref<2x80x128xf32, #tpu.memory_space<vmem>> -> memref<1x80x128xf32, #tpu.memory_space<vmem>>
    %dma_start3A_89 = tpu.memref_squeeze %dma_start3A_88 : memref<1x80x128xf32, #tpu.memory_space<vmem>> -> memref<80x128xf32, #tpu.memory_space<vmem>>
    %dma_start3A_90 = arith.constant 0 : i32
    %dma_start3A_91 = tpu.memref_slice %arg9[%add3A_84, %dma_start3A_90] : memref<10240x128xf32, #tpu.memory_space<vmem_shared>> -> memref<80x128xf32, #tpu.memory_space<vmem_shared>>
    %dma_start3A_92 = arith.constant 0 : i32
    %dma_start3A_93 = tpu.memref_slice %arg9[%add3A_84, %dma_start3A_92] : memref<10240x128xf32, #tpu.memory_space<vmem_shared>> -> memref<80x128xf32, #tpu.memory_space<vmem_shared>>
    %dma_start3A_94 = arith.constant 0 : i32
    %dma_start3A_95 = arith.constant 0 : i32
    %dma_start3A_96 = tpu.memref_slice %arg8[%dma_start3A_85, %dma_start3A_94, %dma_start3A_95] : memref<2x80x128xf32, #tpu.memory_space<vmem>> -> memref<1x80x128xf32, #tpu.memory_space<vmem>>
    %dma_start3A_97 = tpu.memref_squeeze %dma_start3A_96 : memref<1x80x128xf32, #tpu.memory_space<vmem>> -> memref<80x128xf32, #tpu.memory_space<vmem>>
    tpu.enqueue_dma source(%dma_start3A_97 : memref<80x128xf32, #tpu.memory_space<vmem>>) target(%dma_start3A_93 : memref<80x128xf32, #tpu.memory_space<vmem_shared>>) target_semaphore(%arg14 : memref<!tpu.dma_semaphore, #tpu.memory_space<semaphore_mem>>)
    %add3A_98 = arith.constant 480 : i32
    %add3A_99 = arith.addi %mul3A_8, %add3A_98 : i32
    %dma_start3A_100 = arith.constant 0 : i32
    %dma_start3A_101 = arith.constant 0 : i32
    %dma_start3A_102 = arith.constant 0 : i32
    %dma_start3A_103 = tpu.memref_slice %arg8[%dma_start3A_100, %dma_start3A_101, %dma_start3A_102] : memref<2x80x128xf32, #tpu.memory_space<vmem>> -> memref<1x80x128xf32, #tpu.memory_space<vmem>>
    %dma_start3A_104 = tpu.memref_squeeze %dma_start3A_103 : memref<1x80x128xf32, #tpu.memory_space<vmem>> -> memref<80x128xf32, #tpu.memory_space<vmem>>
    %dma_start3A_105 = arith.constant 0 : i32
    %dma_start3A_106 = tpu.memref_slice %arg9[%add3A_99, %dma_start3A_105] : memref<10240x128xf32, #tpu.memory_space<vmem_shared>> -> memref<80x128xf32, #tpu.memory_space<vmem_shared>>
    %dma_start3A_107 = arith.constant 0 : i32
    %dma_start3A_108 = tpu.memref_slice %arg9[%add3A_99, %dma_start3A_107] : memref<10240x128xf32, #tpu.memory_space<vmem_shared>> -> memref<80x128xf32, #tpu.memory_space<vmem_shared>>
    %dma_start3A_109 = arith.constant 0 : i32
    %dma_start3A_110 = arith.constant 0 : i32
    %dma_start3A_111 = tpu.memref_slice %arg8[%dma_start3A_100, %dma_start3A_109, %dma_start3A_110] : memref<2x80x128xf32, #tpu.memory_space<vmem>> -> memref<1x80x128xf32, #tpu.memory_space<vmem>>
    %dma_start3A_112 = tpu.memref_squeeze %dma_start3A_111 : memref<1x80x128xf32, #tpu.memory_space<vmem>> -> memref<80x128xf32, #tpu.memory_space<vmem>>
    tpu.enqueue_dma source(%dma_start3A_112 : memref<80x128xf32, #tpu.memory_space<vmem>>) target(%dma_start3A_108 : memref<80x128xf32, #tpu.memory_space<vmem_shared>>) target_semaphore(%arg14 : memref<!tpu.dma_semaphore, #tpu.memory_space<semaphore_mem>>)
    %add3A_113 = arith.constant 560 : i32
    %add3A_114 = arith.addi %mul3A_8, %add3A_113 : i32
    %dma_start3A_115 = arith.constant 0 : i32
    %dma_start3A_116 = arith.constant 0 : i32
    %dma_start3A_117 = arith.constant 0 : i32
    %dma_start3A_118 = tpu.memref_slice %arg8[%dma_start3A_115, %dma_start3A_116, %dma_start3A_117] : memref<2x80x128xf32, #tpu.memory_space<vmem>> -> memref<1x80x128xf32, #tpu.memory_space<vmem>>
    %dma_start3A_119 = tpu.memref_squeeze %dma_start3A_118 : memref<1x80x128xf32, #tpu.memory_space<vmem>> -> memref<80x128xf32, #tpu.memory_space<vmem>>
    %dma_start3A_120 = arith.constant 0 : i32
    %dma_start3A_121 = tpu.memref_slice %arg9[%add3A_114, %dma_start3A_120] : memref<10240x128xf32, #tpu.memory_space<vmem_shared>> -> memref<80x128xf32, #tpu.memory_space<vmem_shared>>
    %dma_start3A_122 = arith.constant 0 : i32
    %dma_start3A_123 = tpu.memref_slice %arg9[%add3A_114, %dma_start3A_122] : memref<10240x128xf32, #tpu.memory_space<vmem_shared>> -> memref<80x128xf32, #tpu.memory_space<vmem_shared>>
    %dma_start3A_124 = arith.constant 0 : i32
    %dma_start3A_125 = arith.constant 0 : i32
    %dma_start3A_126 = tpu.memref_slice %arg8[%dma_start3A_115, %dma_start3A_124, %dma_start3A_125] : memref<2x80x128xf32, #tpu.memory_space<vmem>> -> memref<1x80x128xf32, #tpu.memory_space<vmem>>
    %dma_start3A_127 = tpu.memref_squeeze %dma_start3A_126 : memref<1x80x128xf32, #tpu.memory_space<vmem>> -> memref<80x128xf32, #tpu.memory_space<vmem>>
    tpu.enqueue_dma source(%dma_start3A_127 : memref<80x128xf32, #tpu.memory_space<vmem>>) target(%dma_start3A_123 : memref<80x128xf32, #tpu.memory_space<vmem_shared>>) target_semaphore(%arg14 : memref<!tpu.dma_semaphore, #tpu.memory_space<semaphore_mem>>)
    %dma_start3A_128 = arith.constant 0 : i32
    %dma_start3A_129 = tpu.memref_slice %arg3[%add3A, %dma_start3A_128] : memref<32x10000xi32, #tpu.memory_space<hbm>> -> memref<1x10000xi32, #tpu.memory_space<hbm>>
    %dma_start3A_130 = tpu.memref_squeeze %dma_start3A_129 : memref<1x10000xi32, #tpu.memory_space<hbm>> -> memref<10000xi32, #tpu.memory_space<hbm>>
    %dma_start3A_131 = arith.constant 0 : i32
    %dma_start3A_132 = tpu.memref_slice %arg3[%add3A, %dma_start3A_131] : memref<32x10000xi32, #tpu.memory_space<hbm>> -> memref<1x10000xi32, #tpu.memory_space<hbm>>
    %dma_start3A_133 = tpu.memref_squeeze %dma_start3A_132 : memref<1x10000xi32, #tpu.memory_space<hbm>> -> memref<10000xi32, #tpu.memory_space<hbm>>
    tpu.enqueue_dma source(%dma_start3A_133 : memref<10000xi32, #tpu.memory_space<hbm>>) target(%arg6 : memref<10000xi32, #tpu.memory_space<vmem>>) target_semaphore(%arg10 : memref<!tpu.dma_semaphore, #tpu.memory_space<semaphore_mem>>)
    %dma_start3A_134 = arith.constant 0 : i32
    %dma_start3A_135 = arith.constant 0 : i32
    %dma_start3A_136 = tpu.memref_slice %arg4[%add3A, %dma_start3A_134, %dma_start3A_135] : memref<32x125x80xi32, #tpu.memory_space<hbm>> -> memref<1x125x80xi32, #tpu.memory_space<hbm>>
    %dma_start3A_137 = tpu.memref_squeeze %dma_start3A_136 : memref<1x125x80xi32, #tpu.memory_space<hbm>> -> memref<125x80xi32, #tpu.memory_space<hbm>>
    %dma_start3A_138 = arith.constant 0 : i32
    %dma_start3A_139 = arith.constant 0 : i32
    %dma_start3A_140 = tpu.memref_slice %arg4[%add3A, %dma_start3A_138, %dma_start3A_139] : memref<32x125x80xi32, #tpu.memory_space<hbm>> -> memref<1x125x80xi32, #tpu.memory_space<hbm>>
    %dma_start3A_141 = tpu.memref_squeeze %dma_start3A_140 : memref<1x125x80xi32, #tpu.memory_space<hbm>> -> memref<125x80xi32, #tpu.memory_space<hbm>>
    tpu.enqueue_dma source(%dma_start3A_141 : memref<125x80xi32, #tpu.memory_space<hbm>>) target(%arg7 : memref<125x80xi32, #tpu.memory_space<vmem>>) target_semaphore(%arg11 : memref<!tpu.dma_semaphore, #tpu.memory_space<semaphore_mem>>)
    %dma_wait3A = arith.constant 0 : i32
    %dma_wait3A_142 = arith.constant 0 : i32
    %dma_wait3A_143 = arith.constant 0 : i32
    %dma_wait3A_144 = tpu.memref_slice %arg8[%dma_wait3A, %dma_wait3A_142, %dma_wait3A_143] : memref<2x80x128xf32, #tpu.memory_space<vmem>> -> memref<1x80x128xf32, #tpu.memory_space<vmem>>
    %dma_wait3A_145 = tpu.memref_squeeze %dma_wait3A_144 : memref<1x80x128xf32, #tpu.memory_space<vmem>> -> memref<80x128xf32, #tpu.memory_space<vmem>>
    %dma_wait3A_146 = arith.constant 0 : i32
    %dma_wait3A_147 = tpu.memref_slice %arg9[%add3A_10, %dma_wait3A_146] : memref<10240x128xf32, #tpu.memory_space<vmem_shared>> -> memref<80x128xf32, #tpu.memory_space<vmem_shared>>
    %dma_wait3A_148 = arith.constant 0 : i32
    %dma_wait3A_149 = tpu.memref_slice %arg9[%add3A_10, %dma_wait3A_148] : memref<10240x128xf32, #tpu.memory_space<vmem_shared>> -> memref<80x128xf32, #tpu.memory_space<vmem_shared>>
    %dma_wait3A_150 = arith.constant 0 : i32
    %dma_wait3A_151 = arith.constant 0 : i32
    %dma_wait3A_152 = tpu.memref_slice %arg8[%dma_wait3A, %dma_wait3A_150, %dma_wait3A_151] : memref<2x80x128xf32, #tpu.memory_space<vmem>> -> memref<1x80x128xf32, #tpu.memory_space<vmem>>
    %dma_wait3A_153 = tpu.memref_squeeze %dma_wait3A_152 : memref<1x80x128xf32, #tpu.memory_space<vmem>> -> memref<80x128xf32, #tpu.memory_space<vmem>>
    tpu.wait_dma2 semaphore(%arg14 : memref<!tpu.dma_semaphore, #tpu.memory_space<semaphore_mem>>) src(%dma_wait3A_153 : memref<80x128xf32, #tpu.memory_space<vmem>>) dst(%dma_wait3A_149 : memref<80x128xf32, #tpu.memory_space<vmem_shared>>)
    %dma_wait3A_154 = arith.constant 0 : i32
    %dma_wait3A_155 = arith.constant 0 : i32
    %dma_wait3A_156 = arith.constant 0 : i32
    %dma_wait3A_157 = tpu.memref_slice %arg8[%dma_wait3A_154, %dma_wait3A_155, %dma_wait3A_156] : memref<2x80x128xf32, #tpu.memory_space<vmem>> -> memref<1x80x128xf32, #tpu.memory_space<vmem>>
    %dma_wait3A_158 = tpu.memref_squeeze %dma_wait3A_157 : memref<1x80x128xf32, #tpu.memory_space<vmem>> -> memref<80x128xf32, #tpu.memory_space<vmem>>
    %dma_wait3A_159 = arith.constant 0 : i32
    %dma_wait3A_160 = tpu.memref_slice %arg9[%add3A_24, %dma_wait3A_159] : memref<10240x128xf32, #tpu.memory_space<vmem_shared>> -> memref<80x128xf32, #tpu.memory_space<vmem_shared>>
    %dma_wait3A_161 = arith.constant 0 : i32
    %dma_wait3A_162 = tpu.memref_slice %arg9[%add3A_24, %dma_wait3A_161] : memref<10240x128xf32, #tpu.memory_space<vmem_shared>> -> memref<80x128xf32, #tpu.memory_space<vmem_shared>>
    %dma_wait3A_163 = arith.constant 0 : i32
    %dma_wait3A_164 = arith.constant 0 : i32
    %dma_wait3A_165 = tpu.memref_slice %arg8[%dma_wait3A_154, %dma_wait3A_163, %dma_wait3A_164] : memref<2x80x128xf32, #tpu.memory_space<vmem>> -> memref<1x80x128xf32, #tpu.memory_space<vmem>>
    %dma_wait3A_166 = tpu.memref_squeeze %dma_wait3A_165 : memref<1x80x128xf32, #tpu.memory_space<vmem>> -> memref<80x128xf32, #tpu.memory_space<vmem>>
    tpu.wait_dma2 semaphore(%arg14 : memref<!tpu.dma_semaphore, #tpu.memory_space<semaphore_mem>>) src(%dma_wait3A_166 : memref<80x128xf32, #tpu.memory_space<vmem>>) dst(%dma_wait3A_162 : memref<80x128xf32, #tpu.memory_space<vmem_shared>>)
    %dma_wait3A_167 = arith.constant 0 : i32
    %dma_wait3A_168 = arith.constant 0 : i32
    %dma_wait3A_169 = arith.constant 0 : i32
    %dma_wait3A_170 = tpu.memref_slice %arg8[%dma_wait3A_167, %dma_wait3A_168, %dma_wait3A_169] : memref<2x80x128xf32, #tpu.memory_space<vmem>> -> memref<1x80x128xf32, #tpu.memory_space<vmem>>
    %dma_wait3A_171 = tpu.memref_squeeze %dma_wait3A_170 : memref<1x80x128xf32, #tpu.memory_space<vmem>> -> memref<80x128xf32, #tpu.memory_space<vmem>>
    %dma_wait3A_172 = arith.constant 0 : i32
    %dma_wait3A_173 = tpu.memref_slice %arg9[%add3A_39, %dma_wait3A_172] : memref<10240x128xf32, #tpu.memory_space<vmem_shared>> -> memref<80x128xf32, #tpu.memory_space<vmem_shared>>
    %dma_wait3A_174 = arith.constant 0 : i32
    %dma_wait3A_175 = tpu.memref_slice %arg9[%add3A_39, %dma_wait3A_174] : memref<10240x128xf32, #tpu.memory_space<vmem_shared>> -> memref<80x128xf32, #tpu.memory_space<vmem_shared>>
    %dma_wait3A_176 = arith.constant 0 : i32
    %dma_wait3A_177 = arith.constant 0 : i32
    %dma_wait3A_178 = tpu.memref_slice %arg8[%dma_wait3A_167, %dma_wait3A_176, %dma_wait3A_177] : memref<2x80x128xf32, #tpu.memory_space<vmem>> -> memref<1x80x128xf32, #tpu.memory_space<vmem>>
    %dma_wait3A_179 = tpu.memref_squeeze %dma_wait3A_178 : memref<1x80x128xf32, #tpu.memory_space<vmem>> -> memref<80x128xf32, #tpu.memory_space<vmem>>
    tpu.wait_dma2 semaphore(%arg14 : memref<!tpu.dma_semaphore, #tpu.memory_space<semaphore_mem>>) src(%dma_wait3A_179 : memref<80x128xf32, #tpu.memory_space<vmem>>) dst(%dma_wait3A_175 : memref<80x128xf32, #tpu.memory_space<vmem_shared>>)
    %dma_wait3A_180 = arith.constant 0 : i32
    %dma_wait3A_181 = arith.constant 0 : i32
    %dma_wait3A_182 = arith.constant 0 : i32
    %dma_wait3A_183 = tpu.memref_slice %arg8[%dma_wait3A_180, %dma_wait3A_181, %dma_wait3A_182] : memref<2x80x128xf32, #tpu.memory_space<vmem>> -> memref<1x80x128xf32, #tpu.memory_space<vmem>>
    %dma_wait3A_184 = tpu.memref_squeeze %dma_wait3A_183 : memref<1x80x128xf32, #tpu.memory_space<vmem>> -> memref<80x128xf32, #tpu.memory_space<vmem>>
    %dma_wait3A_185 = arith.constant 0 : i32
    %dma_wait3A_186 = tpu.memref_slice %arg9[%add3A_54, %dma_wait3A_185] : memref<10240x128xf32, #tpu.memory_space<vmem_shared>> -> memref<80x128xf32, #tpu.memory_space<vmem_shared>>
    %dma_wait3A_187 = arith.constant 0 : i32
    %dma_wait3A_188 = tpu.memref_slice %arg9[%add3A_54, %dma_wait3A_187] : memref<10240x128xf32, #tpu.memory_space<vmem_shared>> -> memref<80x128xf32, #tpu.memory_space<vmem_shared>>
    %dma_wait3A_189 = arith.constant 0 : i32
    %dma_wait3A_190 = arith.constant 0 : i32
    %dma_wait3A_191 = tpu.memref_slice %arg8[%dma_wait3A_180, %dma_wait3A_189, %dma_wait3A_190] : memref<2x80x128xf32, #tpu.memory_space<vmem>> -> memref<1x80x128xf32, #tpu.memory_space<vmem>>
    %dma_wait3A_192 = tpu.memref_squeeze %dma_wait3A_191 : memref<1x80x128xf32, #tpu.memory_space<vmem>> -> memref<80x128xf32, #tpu.memory_space<vmem>>
    tpu.wait_dma2 semaphore(%arg14 : memref<!tpu.dma_semaphore, #tpu.memory_space<semaphore_mem>>) src(%dma_wait3A_192 : memref<80x128xf32, #tpu.memory_space<vmem>>) dst(%dma_wait3A_188 : memref<80x128xf32, #tpu.memory_space<vmem_shared>>)
    %dma_wait3A_193 = arith.constant 0 : i32
    %dma_wait3A_194 = arith.constant 0 : i32
    %dma_wait3A_195 = arith.constant 0 : i32
    %dma_wait3A_196 = tpu.memref_slice %arg8[%dma_wait3A_193, %dma_wait3A_194, %dma_wait3A_195] : memref<2x80x128xf32, #tpu.memory_space<vmem>> -> memref<1x80x128xf32, #tpu.memory_space<vmem>>
    %dma_wait3A_197 = tpu.memref_squeeze %dma_wait3A_196 : memref<1x80x128xf32, #tpu.memory_space<vmem>> -> memref<80x128xf32, #tpu.memory_space<vmem>>
    %dma_wait3A_198 = arith.constant 0 : i32
    %dma_wait3A_199 = tpu.memref_slice %arg9[%add3A_69, %dma_wait3A_198] : memref<10240x128xf32, #tpu.memory_space<vmem_shared>> -> memref<80x128xf32, #tpu.memory_space<vmem_shared>>
    %dma_wait3A_200 = arith.constant 0 : i32
    %dma_wait3A_201 = tpu.memref_slice %arg9[%add3A_69, %dma_wait3A_200] : memref<10240x128xf32, #tpu.memory_space<vmem_shared>> -> memref<80x128xf32, #tpu.memory_space<vmem_shared>>
    %dma_wait3A_202 = arith.constant 0 : i32
    %dma_wait3A_203 = arith.constant 0 : i32
    %dma_wait3A_204 = tpu.memref_slice %arg8[%dma_wait3A_193, %dma_wait3A_202, %dma_wait3A_203] : memref<2x80x128xf32, #tpu.memory_space<vmem>> -> memref<1x80x128xf32, #tpu.memory_space<vmem>>
    %dma_wait3A_205 = tpu.memref_squeeze %dma_wait3A_204 : memref<1x80x128xf32, #tpu.memory_space<vmem>> -> memref<80x128xf32, #tpu.memory_space<vmem>>
    tpu.wait_dma2 semaphore(%arg14 : memref<!tpu.dma_semaphore, #tpu.memory_space<semaphore_mem>>) src(%dma_wait3A_205 : memref<80x128xf32, #tpu.memory_space<vmem>>) dst(%dma_wait3A_201 : memref<80x128xf32, #tpu.memory_space<vmem_shared>>)
    %dma_wait3A_206 = arith.constant 0 : i32
    %dma_wait3A_207 = arith.constant 0 : i32
    %dma_wait3A_208 = arith.constant 0 : i32
    %dma_wait3A_209 = tpu.memref_slice %arg8[%dma_wait3A_206, %dma_wait3A_207, %dma_wait3A_208] : memref<2x80x128xf32, #tpu.memory_space<vmem>> -> memref<1x80x128xf32, #tpu.memory_space<vmem>>
    %dma_wait3A_210 = tpu.memref_squeeze %dma_wait3A_209 : memref<1x80x128xf32, #tpu.memory_space<vmem>> -> memref<80x128xf32, #tpu.memory_space<vmem>>
    %dma_wait3A_211 = arith.constant 0 : i32
    %dma_wait3A_212 = tpu.memref_slice %arg9[%add3A_84, %dma_wait3A_211] : memref<10240x128xf32, #tpu.memory_space<vmem_shared>> -> memref<80x128xf32, #tpu.memory_space<vmem_shared>>
    %dma_wait3A_213 = arith.constant 0 : i32
    %dma_wait3A_214 = tpu.memref_slice %arg9[%add3A_84, %dma_wait3A_213] : memref<10240x128xf32, #tpu.memory_space<vmem_shared>> -> memref<80x128xf32, #tpu.memory_space<vmem_shared>>
    %dma_wait3A_215 = arith.constant 0 : i32
    %dma_wait3A_216 = arith.constant 0 : i32
    %dma_wait3A_217 = tpu.memref_slice %arg8[%dma_wait3A_206, %dma_wait3A_215, %dma_wait3A_216] : memref<2x80x128xf32, #tpu.memory_space<vmem>> -> memref<1x80x128xf32, #tpu.memory_space<vmem>>
    %dma_wait3A_218 = tpu.memref_squeeze %dma_wait3A_217 : memref<1x80x128xf32, #tpu.memory_space<vmem>> -> memref<80x128xf32, #tpu.memory_space<vmem>>
    tpu.wait_dma2 semaphore(%arg14 : memref<!tpu.dma_semaphore, #tpu.memory_space<semaphore_mem>>) src(%dma_wait3A_218 : memref<80x128xf32, #tpu.memory_space<vmem>>) dst(%dma_wait3A_214 : memref<80x128xf32, #tpu.memory_space<vmem_shared>>)
    %dma_wait3A_219 = arith.constant 0 : i32
    %dma_wait3A_220 = arith.constant 0 : i32
    %dma_wait3A_221 = arith.constant 0 : i32
    %dma_wait3A_222 = tpu.memref_slice %arg8[%dma_wait3A_219, %dma_wait3A_220, %dma_wait3A_221] : memref<2x80x128xf32, #tpu.memory_space<vmem>> -> memref<1x80x128xf32, #tpu.memory_space<vmem>>
    %dma_wait3A_223 = tpu.memref_squeeze %dma_wait3A_222 : memref<1x80x128xf32, #tpu.memory_space<vmem>> -> memref<80x128xf32, #tpu.memory_space<vmem>>
    %dma_wait3A_224 = arith.constant 0 : i32
    %dma_wait3A_225 = tpu.memref_slice %arg9[%add3A_99, %dma_wait3A_224] : memref<10240x128xf32, #tpu.memory_space<vmem_shared>> -> memref<80x128xf32, #tpu.memory_space<vmem_shared>>
    %dma_wait3A_226 = arith.constant 0 : i32
    %dma_wait3A_227 = tpu.memref_slice %arg9[%add3A_99, %dma_wait3A_226] : memref<10240x128xf32, #tpu.memory_space<vmem_shared>> -> memref<80x128xf32, #tpu.memory_space<vmem_shared>>
    %dma_wait3A_228 = arith.constant 0 : i32
    %dma_wait3A_229 = arith.constant 0 : i32
    %dma_wait3A_230 = tpu.memref_slice %arg8[%dma_wait3A_219, %dma_wait3A_228, %dma_wait3A_229] : memref<2x80x128xf32, #tpu.memory_space<vmem>> -> memref<1x80x128xf32, #tpu.memory_space<vmem>>
    %dma_wait3A_231 = tpu.memref_squeeze %dma_wait3A_230 : memref<1x80x128xf32, #tpu.memory_space<vmem>> -> memref<80x128xf32, #tpu.memory_space<vmem>>
    tpu.wait_dma2 semaphore(%arg14 : memref<!tpu.dma_semaphore, #tpu.memory_space<semaphore_mem>>) src(%dma_wait3A_231 : memref<80x128xf32, #tpu.memory_space<vmem>>) dst(%dma_wait3A_227 : memref<80x128xf32, #tpu.memory_space<vmem_shared>>)
    %dma_wait3A_232 = arith.constant 0 : i32
    %dma_wait3A_233 = arith.constant 0 : i32
    %dma_wait3A_234 = arith.constant 0 : i32
    %dma_wait3A_235 = tpu.memref_slice %arg8[%dma_wait3A_232, %dma_wait3A_233, %dma_wait3A_234] : memref<2x80x128xf32, #tpu.memory_space<vmem>> -> memref<1x80x128xf32, #tpu.memory_space<vmem>>
    %dma_wait3A_236 = tpu.memref_squeeze %dma_wait3A_235 : memref<1x80x128xf32, #tpu.memory_space<vmem>> -> memref<80x128xf32, #tpu.memory_space<vmem>>
    %dma_wait3A_237 = arith.constant 0 : i32
    %dma_wait3A_238 = tpu.memref_slice %arg9[%add3A_114, %dma_wait3A_237] : memref<10240x128xf32, #tpu.memory_space<vmem_shared>> -> memref<80x128xf32, #tpu.memory_space<vmem_shared>>
    %dma_wait3A_239 = arith.constant 0 : i32
    %dma_wait3A_240 = tpu.memref_slice %arg9[%add3A_114, %dma_wait3A_239] : memref<10240x128xf32, #tpu.memory_space<vmem_shared>> -> memref<80x128xf32, #tpu.memory_space<vmem_shared>>
    %dma_wait3A_241 = arith.constant 0 : i32
    %dma_wait3A_242 = arith.constant 0 : i32
    %dma_wait3A_243 = tpu.memref_slice %arg8[%dma_wait3A_232, %dma_wait3A_241, %dma_wait3A_242] : memref<2x80x128xf32, #tpu.memory_space<vmem>> -> memref<1x80x128xf32, #tpu.memory_space<vmem>>
    %dma_wait3A_244 = tpu.memref_squeeze %dma_wait3A_243 : memref<1x80x128xf32, #tpu.memory_space<vmem>> -> memref<80x128xf32, #tpu.memory_space<vmem>>
    tpu.wait_dma2 semaphore(%arg14 : memref<!tpu.dma_semaphore, #tpu.memory_space<semaphore_mem>>) src(%dma_wait3A_244 : memref<80x128xf32, #tpu.memory_space<vmem>>) dst(%dma_wait3A_240 : memref<80x128xf32, #tpu.memory_space<vmem_shared>>)
    %dma_wait3A_245 = arith.constant 0 : i32
    %dma_wait3A_246 = tpu.memref_slice %arg3[%add3A, %dma_wait3A_245] : memref<32x10000xi32, #tpu.memory_space<hbm>> -> memref<1x10000xi32, #tpu.memory_space<hbm>>
    %dma_wait3A_247 = tpu.memref_squeeze %dma_wait3A_246 : memref<1x10000xi32, #tpu.memory_space<hbm>> -> memref<10000xi32, #tpu.memory_space<hbm>>
    %dma_wait3A_248 = arith.constant 0 : i32
    %dma_wait3A_249 = tpu.memref_slice %arg3[%add3A, %dma_wait3A_248] : memref<32x10000xi32, #tpu.memory_space<hbm>> -> memref<1x10000xi32, #tpu.memory_space<hbm>>
    %dma_wait3A_250 = tpu.memref_squeeze %dma_wait3A_249 : memref<1x10000xi32, #tpu.memory_space<hbm>> -> memref<10000xi32, #tpu.memory_space<hbm>>
    tpu.wait_dma2 semaphore(%arg10 : memref<!tpu.dma_semaphore, #tpu.memory_space<semaphore_mem>>) src(%dma_wait3A_250 : memref<10000xi32, #tpu.memory_space<hbm>>) dst(%arg6 : memref<10000xi32, #tpu.memory_space<vmem>>)
    %dma_wait3A_251 = arith.constant 0 : i32
    %dma_wait3A_252 = arith.constant 0 : i32
    %dma_wait3A_253 = tpu.memref_slice %arg4[%add3A, %dma_wait3A_251, %dma_wait3A_252] : memref<32x125x80xi32, #tpu.memory_space<hbm>> -> memref<1x125x80xi32, #tpu.memory_space<hbm>>
    %dma_wait3A_254 = tpu.memref_squeeze %dma_wait3A_253 : memref<1x125x80xi32, #tpu.memory_space<hbm>> -> memref<125x80xi32, #tpu.memory_space<hbm>>
    %dma_wait3A_255 = arith.constant 0 : i32
    %dma_wait3A_256 = arith.constant 0 : i32
    %dma_wait3A_257 = tpu.memref_slice %arg4[%add3A, %dma_wait3A_255, %dma_wait3A_256] : memref<32x125x80xi32, #tpu.memory_space<hbm>> -> memref<1x125x80xi32, #tpu.memory_space<hbm>>
    %dma_wait3A_258 = tpu.memref_squeeze %dma_wait3A_257 : memref<1x125x80xi32, #tpu.memory_space<hbm>> -> memref<125x80xi32, #tpu.memory_space<hbm>>
    tpu.wait_dma2 semaphore(%arg11 : memref<!tpu.dma_semaphore, #tpu.memory_space<semaphore_mem>>) src(%dma_wait3A_258 : memref<125x80xi32, #tpu.memory_space<hbm>>) dst(%arg7 : memref<125x80xi32, #tpu.memory_space<vmem>>)
    %barrier3A = arith.constant 0 : index
    tpu.barrier barrier_id(%barrier3A)
    %dma_start3A_259 = arith.constant 0 : i32
    %dma_start3A_260 = arith.constant 0 : i32
    %dma_start3A_261 = arith.constant 0 : i32
    %dma_start3A_262 = tpu.memref_slice %arg8[%dma_start3A_259, %dma_start3A_260, %dma_start3A_261] : memref<2x80x128xf32, #tpu.memory_space<vmem>> -> memref<1x40x128xf32, #tpu.memory_space<vmem>>
    %dma_start3A_263 = tpu.memref_squeeze %dma_start3A_262 : memref<1x40x128xf32, #tpu.memory_space<vmem>> -> memref<40x128xf32, #tpu.memory_space<vmem>>
    %dma_start3A_264 = arith.constant 0 : i32
    %dma_start3A_265 = tpu.memref_slice %arg6[%dma_start3A_264] : memref<10000xi32, #tpu.memory_space<vmem>> -> memref<40xi32, #tpu.memory_space<vmem>>
    %dma_start3A_266 = arith.constant 0 : i32
    %dma_start3A_267 = arith.constant 0 : i32
    %dma_start3A_268 = tpu.memref_slice %arg2[%dma_start3A_266, %dma_start3A_267] : memref<10240x128xf32, #tpu.memory_space<hbm>> -> memref<10240x128xf32, #tpu.memory_space<hbm>>
    tpu.enqueue_indirect_dma source(%dma_start3A_268 : memref<10240x128xf32, #tpu.memory_space<hbm>>) target(%dma_start3A_263 : memref<40x128xf32, #tpu.memory_space<vmem>>) offsets(%dma_start3A_265 : memref<40xi32, #tpu.memory_space<vmem>>) semaphore(%arg10 : memref<!tpu.dma_semaphore, #tpu.memory_space<semaphore_mem>>)
    %dma_start3A_269 = arith.constant 0 : i32
    %dma_start3A_270 = arith.constant 40 : i32
    %dma_start3A_271 = arith.constant 0 : i32
    %dma_start3A_272 = tpu.memref_slice %arg8[%dma_start3A_269, %dma_start3A_270, %dma_start3A_271] : memref<2x80x128xf32, #tpu.memory_space<vmem>> -> memref<1x40x128xf32, #tpu.memory_space<vmem>>
    %dma_start3A_273 = tpu.memref_squeeze %dma_start3A_272 : memref<1x40x128xf32, #tpu.memory_space<vmem>> -> memref<40x128xf32, #tpu.memory_space<vmem>>
    %dma_start3A_274 = arith.constant 40 : i32
    %dma_start3A_275 = tpu.memref_slice %arg6[%dma_start3A_274] : memref<10000xi32, #tpu.memory_space<vmem>> -> memref<40xi32, #tpu.memory_space<vmem>>
    %dma_start3A_276 = arith.constant 0 : i32
    %dma_start3A_277 = arith.constant 0 : i32
    %dma_start3A_278 = tpu.memref_slice %arg2[%dma_start3A_276, %dma_start3A_277] : memref<10240x128xf32, #tpu.memory_space<hbm>> -> memref<10240x128xf32, #tpu.memory_space<hbm>>
    tpu.enqueue_indirect_dma source(%dma_start3A_278 : memref<10240x128xf32, #tpu.memory_space<hbm>>) target(%dma_start3A_273 : memref<40x128xf32, #tpu.memory_space<vmem>>) offsets(%dma_start3A_275 : memref<40xi32, #tpu.memory_space<vmem>>) semaphore(%arg12 : memref<!tpu.dma_semaphore, #tpu.memory_space<semaphore_mem>>)
    %dma_start3A_279 = arith.constant 1 : i32
    %dma_start3A_280 = arith.constant 0 : i32
    %dma_start3A_281 = arith.constant 0 : i32
    %dma_start3A_282 = tpu.memref_slice %arg8[%dma_start3A_279, %dma_start3A_280, %dma_start3A_281] : memref<2x80x128xf32, #tpu.memory_space<vmem>> -> memref<1x40x128xf32, #tpu.memory_space<vmem>>
    %dma_start3A_283 = tpu.memref_squeeze %dma_start3A_282 : memref<1x40x128xf32, #tpu.memory_space<vmem>> -> memref<40x128xf32, #tpu.memory_space<vmem>>
    %dma_start3A_284 = arith.constant 80 : i32
    %dma_start3A_285 = tpu.memref_slice %arg6[%dma_start3A_284] : memref<10000xi32, #tpu.memory_space<vmem>> -> memref<40xi32, #tpu.memory_space<vmem>>
    %dma_start3A_286 = arith.constant 0 : i32
    %dma_start3A_287 = arith.constant 0 : i32
    %dma_start3A_288 = tpu.memref_slice %arg2[%dma_start3A_286, %dma_start3A_287] : memref<10240x128xf32, #tpu.memory_space<hbm>> -> memref<10240x128xf32, #tpu.memory_space<hbm>>
    tpu.enqueue_indirect_dma source(%dma_start3A_288 : memref<10240x128xf32, #tpu.memory_space<hbm>>) target(%dma_start3A_283 : memref<40x128xf32, #tpu.memory_space<vmem>>) offsets(%dma_start3A_285 : memref<40xi32, #tpu.memory_space<vmem>>) semaphore(%arg11 : memref<!tpu.dma_semaphore, #tpu.memory_space<semaphore_mem>>)
    %dma_start3A_289 = arith.constant 1 : i32
    %dma_start3A_290 = arith.constant 40 : i32
    %dma_start3A_291 = arith.constant 0 : i32
    %dma_start3A_292 = tpu.memref_slice %arg8[%dma_start3A_289, %dma_start3A_290, %dma_start3A_291] : memref<2x80x128xf32, #tpu.memory_space<vmem>> -> memref<1x40x128xf32, #tpu.memory_space<vmem>>
    %dma_start3A_293 = tpu.memref_squeeze %dma_start3A_292 : memref<1x40x128xf32, #tpu.memory_space<vmem>> -> memref<40x128xf32, #tpu.memory_space<vmem>>
    %dma_start3A_294 = arith.constant 120 : i32
    %dma_start3A_295 = tpu.memref_slice %arg6[%dma_start3A_294] : memref<10000xi32, #tpu.memory_space<vmem>> -> memref<40xi32, #tpu.memory_space<vmem>>
    %dma_start3A_296 = arith.constant 0 : i32
    %dma_start3A_297 = arith.constant 0 : i32
    %dma_start3A_298 = tpu.memref_slice %arg2[%dma_start3A_296, %dma_start3A_297] : memref<10240x128xf32, #tpu.memory_space<hbm>> -> memref<10240x128xf32, #tpu.memory_space<hbm>>
    tpu.enqueue_indirect_dma source(%dma_start3A_298 : memref<10240x128xf32, #tpu.memory_space<hbm>>) target(%dma_start3A_293 : memref<40x128xf32, #tpu.memory_space<vmem>>) offsets(%dma_start3A_295 : memref<40xi32, #tpu.memory_space<vmem>>) semaphore(%arg13 : memref<!tpu.dma_semaphore, #tpu.memory_space<semaphore_mem>>)
    %dma_wait3A_299 = arith.constant 0 : i32
    %dma_wait3A_300 = arith.constant 0 : i32
    %dma_wait3A_301 = arith.constant 0 : i32
    %dma_wait3A_302 = tpu.memref_slice %arg8[%dma_wait3A_299, %dma_wait3A_300, %dma_wait3A_301] : memref<2x80x128xf32, #tpu.memory_space<vmem>> -> memref<1x40x128xf32, #tpu.memory_space<vmem>>
    %dma_wait3A_303 = tpu.memref_squeeze %dma_wait3A_302 : memref<1x40x128xf32, #tpu.memory_space<vmem>> -> memref<40x128xf32, #tpu.memory_space<vmem>>
    %dma_wait3A_304 = arith.constant 0 : i32
    %dma_wait3A_305 = tpu.memref_slice %arg6[%dma_wait3A_304] : memref<10000xi32, #tpu.memory_space<vmem>> -> memref<40xi32, #tpu.memory_space<vmem>>
    %dma_wait3A_306 = arith.constant 0 : i32
    %dma_wait3A_307 = arith.constant 0 : i32
    %dma_wait3A_308 = tpu.memref_slice %arg2[%dma_wait3A_306, %dma_wait3A_307] : memref<10240x128xf32, #tpu.memory_space<hbm>> -> memref<10240x128xf32, #tpu.memory_space<hbm>>
    tpu.wait_indirect_dma semaphore(%arg10 : memref<!tpu.dma_semaphore, #tpu.memory_space<semaphore_mem>>) src(%dma_wait3A_308 : memref<10240x128xf32, #tpu.memory_space<hbm>>) dst(%dma_wait3A_303 : memref<40x128xf32, #tpu.memory_space<vmem>>)
    %dma_wait3A_309 = arith.constant 0 : i32
    %dma_wait3A_310 = arith.constant 40 : i32
    %dma_wait3A_311 = arith.constant 0 : i32
    %dma_wait3A_312 = tpu.memref_slice %arg8[%dma_wait3A_309, %dma_wait3A_310, %dma_wait3A_311] : memref<2x80x128xf32, #tpu.memory_space<vmem>> -> memref<1x40x128xf32, #tpu.memory_space<vmem>>
    %dma_wait3A_313 = tpu.memref_squeeze %dma_wait3A_312 : memref<1x40x128xf32, #tpu.memory_space<vmem>> -> memref<40x128xf32, #tpu.memory_space<vmem>>
    %dma_wait3A_314 = arith.constant 40 : i32
    %dma_wait3A_315 = tpu.memref_slice %arg6[%dma_wait3A_314] : memref<10000xi32, #tpu.memory_space<vmem>> -> memref<40xi32, #tpu.memory_space<vmem>>
    %dma_wait3A_316 = arith.constant 0 : i32
    %dma_wait3A_317 = arith.constant 0 : i32
    %dma_wait3A_318 = tpu.memref_slice %arg2[%dma_wait3A_316, %dma_wait3A_317] : memref<10240x128xf32, #tpu.memory_space<hbm>> -> memref<10240x128xf32, #tpu.memory_space<hbm>>
    tpu.wait_indirect_dma semaphore(%arg12 : memref<!tpu.dma_semaphore, #tpu.memory_space<semaphore_mem>>) src(%dma_wait3A_318 : memref<10240x128xf32, #tpu.memory_space<hbm>>) dst(%dma_wait3A_313 : memref<40x128xf32, #tpu.memory_space<vmem>>)
    %dma_start3A_319 = arith.constant 0 : i32
    %dma_start3A_320 = arith.constant 0 : i32
    %dma_start3A_321 = arith.constant 0 : i32
    %dma_start3A_322 = arith.constant 0 : i32
    %dma_start3A_323 = tpu.memref_slice %arg8[%dma_start3A_319, %dma_start3A_321, %dma_start3A_322] : memref<2x80x128xf32, #tpu.memory_space<vmem>> -> memref<1x80x128xf32, #tpu.memory_space<vmem>>
    %dma_start3A_324 = tpu.memref_squeeze %dma_start3A_323 : memref<1x80x128xf32, #tpu.memory_space<vmem>> -> memref<80x128xf32, #tpu.memory_space<vmem>>
    %dma_start3A_325 = arith.constant 0 : i32
    %dma_start3A_326 = tpu.memref_slice %arg7[%dma_start3A_320, %dma_start3A_325] : memref<125x80xi32, #tpu.memory_space<vmem>> -> memref<1x80xi32, #tpu.memory_space<vmem>>
    %dma_start3A_327 = tpu.memref_squeeze %dma_start3A_326 : memref<1x80xi32, #tpu.memory_space<vmem>> -> memref<80xi32, #tpu.memory_space<vmem>>
    %dma_start3A_328 = arith.constant 0 : i32
    %dma_start3A_329 = arith.constant 0 : i32
    %dma_start3A_330 = tpu.memref_slice %arg9[%dma_start3A_328, %dma_start3A_329] : memref<10240x128xf32, #tpu.memory_space<vmem_shared>> -> memref<10240x128xf32, #tpu.memory_space<vmem_shared>>
    tpu.enqueue_indirect_dma source(%dma_start3A_324 : memref<80x128xf32, #tpu.memory_space<vmem>>) target(%dma_start3A_330 : memref<10240x128xf32, #tpu.memory_space<vmem_shared>>) offsets(%dma_start3A_327 : memref<80xi32, #tpu.memory_space<vmem>>) semaphore(%arg14 : memref<!tpu.dma_semaphore, #tpu.memory_space<semaphore_mem>>) {add = true}
    %dma_wait3A_331 = arith.constant 0 : i32
    %dma_wait3A_332 = arith.constant 0 : i32
    %dma_wait3A_333 = arith.constant 0 : i32
    %dma_wait3A_334 = arith.constant 0 : i32
    %dma_wait3A_335 = tpu.memref_slice %arg8[%dma_wait3A_331, %dma_wait3A_333, %dma_wait3A_334] : memref<2x80x128xf32, #tpu.memory_space<vmem>> -> memref<1x80x128xf32, #tpu.memory_space<vmem>>
    %dma_wait3A_336 = tpu.memref_squeeze %dma_wait3A_335 : memref<1x80x128xf32, #tpu.memory_space<vmem>> -> memref<80x128xf32, #tpu.memory_space<vmem>>
    %dma_wait3A_337 = arith.constant 0 : i32
    %dma_wait3A_338 = tpu.memref_slice %arg7[%dma_wait3A_332, %dma_wait3A_337] : memref<125x80xi32, #tpu.memory_space<vmem>> -> memref<1x80xi32, #tpu.memory_space<vmem>>
    %dma_wait3A_339 = tpu.memref_squeeze %dma_wait3A_338 : memref<1x80xi32, #tpu.memory_space<vmem>> -> memref<80xi32, #tpu.memory_space<vmem>>
    %dma_wait3A_340 = arith.constant 0 : i32
    %dma_wait3A_341 = arith.constant 0 : i32
    %dma_wait3A_342 = tpu.memref_slice %arg9[%dma_wait3A_340, %dma_wait3A_341] : memref<10240x128xf32, #tpu.memory_space<vmem_shared>> -> memref<10240x128xf32, #tpu.memory_space<vmem_shared>>
    tpu.wait_indirect_dma semaphore(%arg14 : memref<!tpu.dma_semaphore, #tpu.memory_space<semaphore_mem>>) src(%dma_wait3A_336 : memref<80x128xf32, #tpu.memory_space<vmem>>) dst(%dma_wait3A_342 : memref<10240x128xf32, #tpu.memory_space<vmem_shared>>)
    %dma_start3A_343 = arith.constant 0 : i32
    %dma_start3A_344 = arith.constant 0 : i32
    %dma_start3A_345 = arith.constant 0 : i32
    %dma_start3A_346 = tpu.memref_slice %arg8[%dma_start3A_343, %dma_start3A_344, %dma_start3A_345] : memref<2x80x128xf32, #tpu.memory_space<vmem>> -> memref<1x40x128xf32, #tpu.memory_space<vmem>>
    %dma_start3A_347 = tpu.memref_squeeze %dma_start3A_346 : memref<1x40x128xf32, #tpu.memory_space<vmem>> -> memref<40x128xf32, #tpu.memory_space<vmem>>
    %dma_start3A_348 = arith.constant 160 : i32
    %dma_start3A_349 = tpu.memref_slice %arg6[%dma_start3A_348] : memref<10000xi32, #tpu.memory_space<vmem>> -> memref<40xi32, #tpu.memory_space<vmem>>
    %dma_start3A_350 = arith.constant 0 : i32
    %dma_start3A_351 = arith.constant 0 : i32
    %dma_start3A_352 = tpu.memref_slice %arg2[%dma_start3A_350, %dma_start3A_351] : memref<10240x128xf32, #tpu.memory_space<hbm>> -> memref<10240x128xf32, #tpu.memory_space<hbm>>
    tpu.enqueue_indirect_dma source(%dma_start3A_352 : memref<10240x128xf32, #tpu.memory_space<hbm>>) target(%dma_start3A_347 : memref<40x128xf32, #tpu.memory_space<vmem>>) offsets(%dma_start3A_349 : memref<40xi32, #tpu.memory_space<vmem>>) semaphore(%arg10 : memref<!tpu.dma_semaphore, #tpu.memory_space<semaphore_mem>>)
    %dma_start3A_353 = arith.constant 0 : i32
    %dma_start3A_354 = arith.constant 40 : i32
    %dma_start3A_355 = arith.constant 0 : i32
    %dma_start3A_356 = tpu.memref_slice %arg8[%dma_start3A_353, %dma_start3A_354, %dma_start3A_355] : memref<2x80x128xf32, #tpu.memory_space<vmem>> -> memref<1x40x128xf32, #tpu.memory_space<vmem>>
    %dma_start3A_357 = tpu.memref_squeeze %dma_start3A_356 : memref<1x40x128xf32, #tpu.memory_space<vmem>> -> memref<40x128xf32, #tpu.memory_space<vmem>>
    %dma_start3A_358 = arith.constant 200 : i32
    %dma_start3A_359 = tpu.memref_slice %arg6[%dma_start3A_358] : memref<10000xi32, #tpu.memory_space<vmem>> -> memref<40xi32, #tpu.memory_space<vmem>>
    %dma_start3A_360 = arith.constant 0 : i32
    %dma_start3A_361 = arith.constant 0 : i32
    %dma_start3A_362 = tpu.memref_slice %arg2[%dma_start3A_360, %dma_start3A_361] : memref<10240x128xf32, #tpu.memory_space<hbm>> -> memref<10240x128xf32, #tpu.memory_space<hbm>>
    tpu.enqueue_indirect_dma source(%dma_start3A_362 : memref<10240x128xf32, #tpu.memory_space<hbm>>) target(%dma_start3A_357 : memref<40x128xf32, #tpu.memory_space<vmem>>) offsets(%dma_start3A_359 : memref<40xi32, #tpu.memory_space<vmem>>) semaphore(%arg12 : memref<!tpu.dma_semaphore, #tpu.memory_space<semaphore_mem>>)
    %dma_wait3A_363 = arith.constant 1 : i32
    %dma_wait3A_364 = arith.constant 0 : i32
    %dma_wait3A_365 = arith.constant 0 : i32
    %dma_wait3A_366 = tpu.memref_slice %arg8[%dma_wait3A_363, %dma_wait3A_364, %dma_wait3A_365] : memref<2x80x128xf32, #tpu.memory_space<vmem>> -> memref<1x40x128xf32, #tpu.memory_space<vmem>>
    %dma_wait3A_367 = tpu.memref_squeeze %dma_wait3A_366 : memref<1x40x128xf32, #tpu.memory_space<vmem>> -> memref<40x128xf32, #tpu.memory_space<vmem>>
    %dma_wait3A_368 = arith.constant 80 : i32
    %dma_wait3A_369 = tpu.memref_slice %arg6[%dma_wait3A_368] : memref<10000xi32, #tpu.memory_space<vmem>> -> memref<40xi32, #tpu.memory_space<vmem>>
    %dma_wait3A_370 = arith.constant 0 : i32
    %dma_wait3A_371 = arith.constant 0 : i32
    %dma_wait3A_372 = tpu.memref_slice %arg2[%dma_wait3A_370, %dma_wait3A_371] : memref<10240x128xf32, #tpu.memory_space<hbm>> -> memref<10240x128xf32, #tpu.memory_space<hbm>>
    tpu.wait_indirect_dma semaphore(%arg11 : memref<!tpu.dma_semaphore, #tpu.memory_space<semaphore_mem>>) src(%dma_wait3A_372 : memref<10240x128xf32, #tpu.memory_space<hbm>>) dst(%dma_wait3A_367 : memref<40x128xf32, #tpu.memory_space<vmem>>)
    %dma_wait3A_373 = arith.constant 1 : i32
    %dma_wait3A_374 = arith.constant 40 : i32
    %dma_wait3A_375 = arith.constant 0 : i32
    %dma_wait3A_376 = tpu.memref_slice %arg8[%dma_wait3A_373, %dma_wait3A_374, %dma_wait3A_375] : memref<2x80x128xf32, #tpu.memory_space<vmem>> -> memref<1x40x128xf32, #tpu.memory_space<vmem>>
    %dma_wait3A_377 = tpu.memref_squeeze %dma_wait3A_376 : memref<1x40x128xf32, #tpu.memory_space<vmem>> -> memref<40x128xf32, #tpu.memory_space<vmem>>
    %dma_wait3A_378 = arith.constant 120 : i32
    %dma_wait3A_379 = tpu.memref_slice %arg6[%dma_wait3A_378] : memref<10000xi32, #tpu.memory_space<vmem>> -> memref<40xi32, #tpu.memory_space<vmem>>
    %dma_wait3A_380 = arith.constant 0 : i32
    %dma_wait3A_381 = arith.constant 0 : i32
    %dma_wait3A_382 = tpu.memref_slice %arg2[%dma_wait3A_380, %dma_wait3A_381] : memref<10240x128xf32, #tpu.memory_space<hbm>> -> memref<10240x128xf32, #tpu.memory_space<hbm>>
    tpu.wait_indirect_dma semaphore(%arg13 : memref<!tpu.dma_semaphore, #tpu.memory_space<semaphore_mem>>) src(%dma_wait3A_382 : memref<10240x128xf32, #tpu.memory_space<hbm>>) dst(%dma_wait3A_377 : memref<40x128xf32, #tpu.memory_space<vmem>>)
    %dma_start3A_383 = arith.constant 1 : i32
    %dma_start3A_384 = arith.constant 1 : i32
    %dma_start3A_385 = arith.constant 0 : i32
    %dma_start3A_386 = arith.constant 0 : i32
    %dma_start3A_387 = tpu.memref_slice %arg8[%dma_start3A_383, %dma_start3A_385, %dma_start3A_386] : memref<2x80x128xf32, #tpu.memory_space<vmem>> -> memref<1x80x128xf32, #tpu.memory_space<vmem>>
    %dma_start3A_388 = tpu.memref_squeeze %dma_start3A_387 : memref<1x80x128xf32, #tpu.memory_space<vmem>> -> memref<80x128xf32, #tpu.memory_space<vmem>>
    %dma_start3A_389 = arith.constant 0 : i32
    %dma_start3A_390 = tpu.memref_slice %arg7[%dma_start3A_384, %dma_start3A_389] : memref<125x80xi32, #tpu.memory_space<vmem>> -> memref<1x80xi32, #tpu.memory_space<vmem>>
    %dma_start3A_391 = tpu.memref_squeeze %dma_start3A_390 : memref<1x80xi32, #tpu.memory_space<vmem>> -> memref<80xi32, #tpu.memory_space<vmem>>
    %dma_start3A_392 = arith.constant 0 : i32
    %dma_start3A_393 = arith.constant 0 : i32
    %dma_start3A_394 = tpu.memref_slice %arg9[%dma_start3A_392, %dma_start3A_393] : memref<10240x128xf32, #tpu.memory_space<vmem_shared>> -> memref<10240x128xf32, #tpu.memory_space<vmem_shared>>
    tpu.enqueue_indirect_dma source(%dma_start3A_388 : memref<80x128xf32, #tpu.memory_space<vmem>>) target(%dma_start3A_394 : memref<10240x128xf32, #tpu.memory_space<vmem_shared>>) offsets(%dma_start3A_391 : memref<80xi32, #tpu.memory_space<vmem>>) semaphore(%arg15 : memref<!tpu.dma_semaphore, #tpu.memory_space<semaphore_mem>>) {add = true}
    %scan3A_395 = arith.constant 0 : i32
    %scan3A_396 = arith.constant 0 : i32
    %scan3A_397 = arith.constant 61 : i32
    %scan3A_398 = arith.addi %scan3A_396, %scan3A_397 : i32
    %scan3A_399 = arith.constant 1 : i32
    scf.for %scan3A_458 = %scan3A_396 to %scan3A_398 step %scan3A_399  : i32 {
      %mul3A_459 = arith.constant 2 : i32
      %mul3A_460 = arith.muli %mul3A_459, %scan3A_458 : i32
      %add3A_461 = arith.constant 2 : i32
      %add3A_462 = arith.addi %add3A_461, %mul3A_460 : i32
      %add3A_463 = arith.constant 0 : i32
      %add3A_464 = arith.addi %add3A_462, %add3A_463 : i32
      %sub3A = arith.constant 1 : i32
      %sub3A_465 = arith.subi %add3A_464, %sub3A : i32
      %dma_wait3A_466 = arith.constant 1 : i32
      %dma_wait3A_467 = arith.constant 0 : i32
      %dma_wait3A_468 = arith.constant 0 : i32
      %dma_wait3A_469 = tpu.memref_slice %arg8[%dma_wait3A_466, %dma_wait3A_467, %dma_wait3A_468] : memref<2x80x128xf32, #tpu.memory_space<vmem>> -> memref<1x80x128xf32, #tpu.memory_space<vmem>>
      %dma_wait3A_470 = tpu.memref_squeeze %dma_wait3A_469 : memref<1x80x128xf32, #tpu.memory_space<vmem>> -> memref<80x128xf32, #tpu.memory_space<vmem>>
      %dma_wait3A_471 = arith.constant 0 : i32
      %dma_wait3A_472 = tpu.memref_slice %arg7[%sub3A_465, %dma_wait3A_471] : memref<125x80xi32, #tpu.memory_space<vmem>> -> memref<1x80xi32, #tpu.memory_space<vmem>>
      %dma_wait3A_473 = tpu.memref_squeeze %dma_wait3A_472 : memref<1x80xi32, #tpu.memory_space<vmem>> -> memref<80xi32, #tpu.memory_space<vmem>>
      %dma_wait3A_474 = arith.constant 0 : i32
      %dma_wait3A_475 = arith.constant 0 : i32
      %dma_wait3A_476 = tpu.memref_slice %arg9[%dma_wait3A_474, %dma_wait3A_475] : memref<10240x128xf32, #tpu.memory_space<vmem_shared>> -> memref<10240x128xf32, #tpu.memory_space<vmem_shared>>
      tpu.wait_indirect_dma semaphore(%arg15 : memref<!tpu.dma_semaphore, #tpu.memory_space<semaphore_mem>>) src(%dma_wait3A_470 : memref<80x128xf32, #tpu.memory_space<vmem>>) dst(%dma_wait3A_476 : memref<10240x128xf32, #tpu.memory_space<vmem_shared>>)
      %add3A_477 = arith.constant 1 : i32
      %add3A_478 = arith.addi %add3A_464, %add3A_477 : i32
      %mul3A_479 = arith.constant 80 : i32
      %mul3A_480 = arith.muli %add3A_478, %mul3A_479 : i32
      %dma_start3A_481 = arith.constant 1 : i32
      %dma_start3A_482 = arith.constant 0 : i32
      %dma_start3A_483 = arith.constant 0 : i32
      %dma_start3A_484 = tpu.memref_slice %arg8[%dma_start3A_481, %dma_start3A_482, %dma_start3A_483] : memref<2x80x128xf32, #tpu.memory_space<vmem>> -> memref<1x40x128xf32, #tpu.memory_space<vmem>>
      %dma_start3A_485 = tpu.memref_squeeze %dma_start3A_484 : memref<1x40x128xf32, #tpu.memory_space<vmem>> -> memref<40x128xf32, #tpu.memory_space<vmem>>
      %dma_start3A_486 = tpu.memref_slice %arg6[%mul3A_480] : memref<10000xi32, #tpu.memory_space<vmem>> -> memref<40xi32, #tpu.memory_space<vmem>>
      %dma_start3A_487 = arith.constant 0 : i32
      %dma_start3A_488 = arith.constant 0 : i32
      %dma_start3A_489 = tpu.memref_slice %arg2[%dma_start3A_487, %dma_start3A_488] : memref<10240x128xf32, #tpu.memory_space<hbm>> -> memref<10240x128xf32, #tpu.memory_space<hbm>>
      tpu.enqueue_indirect_dma source(%dma_start3A_489 : memref<10240x128xf32, #tpu.memory_space<hbm>>) target(%dma_start3A_485 : memref<40x128xf32, #tpu.memory_space<vmem>>) offsets(%dma_start3A_486 : memref<40xi32, #tpu.memory_space<vmem>>) semaphore(%arg11 : memref<!tpu.dma_semaphore, #tpu.memory_space<semaphore_mem>>)
      %mul3A_490 = arith.constant 80 : i32
      %mul3A_491 = arith.muli %add3A_478, %mul3A_490 : i32
      %add3A_492 = arith.constant 40 : i32
      %add3A_493 = arith.addi %mul3A_491, %add3A_492 : i32
      %dma_start3A_494 = arith.constant 1 : i32
      %dma_start3A_495 = arith.constant 40 : i32
      %dma_start3A_496 = arith.constant 0 : i32
      %dma_start3A_497 = tpu.memref_slice %arg8[%dma_start3A_494, %dma_start3A_495, %dma_start3A_496] : memref<2x80x128xf32, #tpu.memory_space<vmem>> -> memref<1x40x128xf32, #tpu.memory_space<vmem>>
      %dma_start3A_498 = tpu.memref_squeeze %dma_start3A_497 : memref<1x40x128xf32, #tpu.memory_space<vmem>> -> memref<40x128xf32, #tpu.memory_space<vmem>>
      %dma_start3A_499 = tpu.memref_slice %arg6[%add3A_493] : memref<10000xi32, #tpu.memory_space<vmem>> -> memref<40xi32, #tpu.memory_space<vmem>>
      %dma_start3A_500 = arith.constant 0 : i32
      %dma_start3A_501 = arith.constant 0 : i32
      %dma_start3A_502 = tpu.memref_slice %arg2[%dma_start3A_500, %dma_start3A_501] : memref<10240x128xf32, #tpu.memory_space<hbm>> -> memref<10240x128xf32, #tpu.memory_space<hbm>>
      tpu.enqueue_indirect_dma source(%dma_start3A_502 : memref<10240x128xf32, #tpu.memory_space<hbm>>) target(%dma_start3A_498 : memref<40x128xf32, #tpu.memory_space<vmem>>) offsets(%dma_start3A_499 : memref<40xi32, #tpu.memory_space<vmem>>) semaphore(%arg13 : memref<!tpu.dma_semaphore, #tpu.memory_space<semaphore_mem>>)
      %mul3A_503 = arith.constant 80 : i32
      %mul3A_504 = arith.muli %add3A_464, %mul3A_503 : i32
      %dma_wait3A_505 = arith.constant 0 : i32
      %dma_wait3A_506 = arith.constant 0 : i32
      %dma_wait3A_507 = arith.constant 0 : i32
      %dma_wait3A_508 = tpu.memref_slice %arg8[%dma_wait3A_505, %dma_wait3A_506, %dma_wait3A_507] : memref<2x80x128xf32, #tpu.memory_space<vmem>> -> memref<1x40x128xf32, #tpu.memory_space<vmem>>
      %dma_wait3A_509 = tpu.memref_squeeze %dma_wait3A_508 : memref<1x40x128xf32, #tpu.memory_space<vmem>> -> memref<40x128xf32, #tpu.memory_space<vmem>>
      %dma_wait3A_510 = tpu.memref_slice %arg6[%mul3A_504] : memref<10000xi32, #tpu.memory_space<vmem>> -> memref<40xi32, #tpu.memory_space<vmem>>
      %dma_wait3A_511 = arith.constant 0 : i32
      %dma_wait3A_512 = arith.constant 0 : i32
      %dma_wait3A_513 = tpu.memref_slice %arg2[%dma_wait3A_511, %dma_wait3A_512] : memref<10240x128xf32, #tpu.memory_space<hbm>> -> memref<10240x128xf32, #tpu.memory_space<hbm>>
      tpu.wait_indirect_dma semaphore(%arg10 : memref<!tpu.dma_semaphore, #tpu.memory_space<semaphore_mem>>) src(%dma_wait3A_513 : memref<10240x128xf32, #tpu.memory_space<hbm>>) dst(%dma_wait3A_509 : memref<40x128xf32, #tpu.memory_space<vmem>>)
      %mul3A_514 = arith.constant 80 : i32
      %mul3A_515 = arith.muli %add3A_464, %mul3A_514 : i32
      %add3A_516 = arith.constant 40 : i32
      %add3A_517 = arith.addi %mul3A_515, %add3A_516 : i32
      %dma_wait3A_518 = arith.constant 0 : i32
      %dma_wait3A_519 = arith.constant 40 : i32
      %dma_wait3A_520 = arith.constant 0 : i32
      %dma_wait3A_521 = tpu.memref_slice %arg8[%dma_wait3A_518, %dma_wait3A_519, %dma_wait3A_520] : memref<2x80x128xf32, #tpu.memory_space<vmem>> -> memref<1x40x128xf32, #tpu.memory_space<vmem>>
      %dma_wait3A_522 = tpu.memref_squeeze %dma_wait3A_521 : memref<1x40x128xf32, #tpu.memory_space<vmem>> -> memref<40x128xf32, #tpu.memory_space<vmem>>
      %dma_wait3A_523 = tpu.memref_slice %arg6[%add3A_517] : memref<10000xi32, #tpu.memory_space<vmem>> -> memref<40xi32, #tpu.memory_space<vmem>>
      %dma_wait3A_524 = arith.constant 0 : i32
      %dma_wait3A_525 = arith.constant 0 : i32
      %dma_wait3A_526 = tpu.memref_slice %arg2[%dma_wait3A_524, %dma_wait3A_525] : memref<10240x128xf32, #tpu.memory_space<hbm>> -> memref<10240x128xf32, #tpu.memory_space<hbm>>
      tpu.wait_indirect_dma semaphore(%arg12 : memref<!tpu.dma_semaphore, #tpu.memory_space<semaphore_mem>>) src(%dma_wait3A_526 : memref<10240x128xf32, #tpu.memory_space<hbm>>) dst(%dma_wait3A_522 : memref<40x128xf32, #tpu.memory_space<vmem>>)
      %dma_start3A_527 = arith.constant 0 : i32
      %dma_start3A_528 = arith.constant 0 : i32
      %dma_start3A_529 = arith.constant 0 : i32
      %dma_start3A_530 = tpu.memref_slice %arg8[%dma_start3A_527, %dma_start3A_528, %dma_start3A_529] : memref<2x80x128xf32, #tpu.memory_space<vmem>> -> memref<1x80x128xf32, #tpu.memory_space<vmem>>
      %dma_start3A_531 = tpu.memref_squeeze %dma_start3A_530 : memref<1x80x128xf32, #tpu.memory_space<vmem>> -> memref<80x128xf32, #tpu.memory_space<vmem>>
      %dma_start3A_532 = arith.constant 0 : i32
      %dma_start3A_533 = tpu.memref_slice %arg7[%add3A_464, %dma_start3A_532] : memref<125x80xi32, #tpu.memory_space<vmem>> -> memref<1x80xi32, #tpu.memory_space<vmem>>
      %dma_start3A_534 = tpu.memref_squeeze %dma_start3A_533 : memref<1x80xi32, #tpu.memory_space<vmem>> -> memref<80xi32, #tpu.memory_space<vmem>>
      %dma_start3A_535 = arith.constant 0 : i32
      %dma_start3A_536 = arith.constant 0 : i32
      %dma_start3A_537 = tpu.memref_slice %arg9[%dma_start3A_535, %dma_start3A_536] : memref<10240x128xf32, #tpu.memory_space<vmem_shared>> -> memref<10240x128xf32, #tpu.memory_space<vmem_shared>>
      tpu.enqueue_indirect_dma source(%dma_start3A_531 : memref<80x128xf32, #tpu.memory_space<vmem>>) target(%dma_start3A_537 : memref<10240x128xf32, #tpu.memory_space<vmem_shared>>) offsets(%dma_start3A_534 : memref<80xi32, #tpu.memory_space<vmem>>) semaphore(%arg14 : memref<!tpu.dma_semaphore, #tpu.memory_space<semaphore_mem>>) {add = true}
      %mul3A_538 = arith.constant 2 : i32
      %mul3A_539 = arith.muli %mul3A_538, %scan3A_458 : i32
      %add3A_540 = arith.constant 2 : i32
      %add3A_541 = arith.addi %add3A_540, %mul3A_539 : i32
      %add3A_542 = arith.constant 1 : i32
      %add3A_543 = arith.addi %add3A_541, %add3A_542 : i32
      %sub3A_544 = arith.constant 1 : i32
      %sub3A_545 = arith.subi %add3A_543, %sub3A_544 : i32
      %dma_wait3A_546 = arith.constant 0 : i32
      %dma_wait3A_547 = arith.constant 0 : i32
      %dma_wait3A_548 = arith.constant 0 : i32
      %dma_wait3A_549 = tpu.memref_slice %arg8[%dma_wait3A_546, %dma_wait3A_547, %dma_wait3A_548] : memref<2x80x128xf32, #tpu.memory_space<vmem>> -> memref<1x80x128xf32, #tpu.memory_space<vmem>>
      %dma_wait3A_550 = tpu.memref_squeeze %dma_wait3A_549 : memref<1x80x128xf32, #tpu.memory_space<vmem>> -> memref<80x128xf32, #tpu.memory_space<vmem>>
      %dma_wait3A_551 = arith.constant 0 : i32
      %dma_wait3A_552 = tpu.memref_slice %arg7[%sub3A_545, %dma_wait3A_551] : memref<125x80xi32, #tpu.memory_space<vmem>> -> memref<1x80xi32, #tpu.memory_space<vmem>>
      %dma_wait3A_553 = tpu.memref_squeeze %dma_wait3A_552 : memref<1x80xi32, #tpu.memory_space<vmem>> -> memref<80xi32, #tpu.memory_space<vmem>>
      %dma_wait3A_554 = arith.constant 0 : i32
      %dma_wait3A_555 = arith.constant 0 : i32
      %dma_wait3A_556 = tpu.memref_slice %arg9[%dma_wait3A_554, %dma_wait3A_555] : memref<10240x128xf32, #tpu.memory_space<vmem_shared>> -> memref<10240x128xf32, #tpu.memory_space<vmem_shared>>
      tpu.wait_indirect_dma semaphore(%arg14 : memref<!tpu.dma_semaphore, #tpu.memory_space<semaphore_mem>>) src(%dma_wait3A_550 : memref<80x128xf32, #tpu.memory_space<vmem>>) dst(%dma_wait3A_556 : memref<10240x128xf32, #tpu.memory_space<vmem_shared>>)
      %add3A_557 = arith.constant 1 : i32
      %add3A_558 = arith.addi %add3A_543, %add3A_557 : i32
      %mul3A_559 = arith.constant 80 : i32
      %mul3A_560 = arith.muli %add3A_558, %mul3A_559 : i32
      %dma_start3A_561 = arith.constant 0 : i32
      %dma_start3A_562 = arith.constant 0 : i32
      %dma_start3A_563 = arith.constant 0 : i32
      %dma_start3A_564 = tpu.memref_slice %arg8[%dma_start3A_561, %dma_start3A_562, %dma_start3A_563] : memref<2x80x128xf32, #tpu.memory_space<vmem>> -> memref<1x40x128xf32, #tpu.memory_space<vmem>>
      %dma_start3A_565 = tpu.memref_squeeze %dma_start3A_564 : memref<1x40x128xf32, #tpu.memory_space<vmem>> -> memref<40x128xf32, #tpu.memory_space<vmem>>
      %dma_start3A_566 = tpu.memref_slice %arg6[%mul3A_560] : memref<10000xi32, #tpu.memory_space<vmem>> -> memref<40xi32, #tpu.memory_space<vmem>>
      %dma_start3A_567 = arith.constant 0 : i32
      %dma_start3A_568 = arith.constant 0 : i32
      %dma_start3A_569 = tpu.memref_slice %arg2[%dma_start3A_567, %dma_start3A_568] : memref<10240x128xf32, #tpu.memory_space<hbm>> -> memref<10240x128xf32, #tpu.memory_space<hbm>>
      tpu.enqueue_indirect_dma source(%dma_start3A_569 : memref<10240x128xf32, #tpu.memory_space<hbm>>) target(%dma_start3A_565 : memref<40x128xf32, #tpu.memory_space<vmem>>) offsets(%dma_start3A_566 : memref<40xi32, #tpu.memory_space<vmem>>) semaphore(%arg10 : memref<!tpu.dma_semaphore, #tpu.memory_space<semaphore_mem>>)
      %mul3A_570 = arith.constant 80 : i32
      %mul3A_571 = arith.muli %add3A_558, %mul3A_570 : i32
      %add3A_572 = arith.constant 40 : i32
      %add3A_573 = arith.addi %mul3A_571, %add3A_572 : i32
      %dma_start3A_574 = arith.constant 0 : i32
      %dma_start3A_575 = arith.constant 40 : i32
      %dma_start3A_576 = arith.constant 0 : i32
      %dma_start3A_577 = tpu.memref_slice %arg8[%dma_start3A_574, %dma_start3A_575, %dma_start3A_576] : memref<2x80x128xf32, #tpu.memory_space<vmem>> -> memref<1x40x128xf32, #tpu.memory_space<vmem>>
      %dma_start3A_578 = tpu.memref_squeeze %dma_start3A_577 : memref<1x40x128xf32, #tpu.memory_space<vmem>> -> memref<40x128xf32, #tpu.memory_space<vmem>>
      %dma_start3A_579 = tpu.memref_slice %arg6[%add3A_573] : memref<10000xi32, #tpu.memory_space<vmem>> -> memref<40xi32, #tpu.memory_space<vmem>>
      %dma_start3A_580 = arith.constant 0 : i32
      %dma_start3A_581 = arith.constant 0 : i32
      %dma_start3A_582 = tpu.memref_slice %arg2[%dma_start3A_580, %dma_start3A_581] : memref<10240x128xf32, #tpu.memory_space<hbm>> -> memref<10240x128xf32, #tpu.memory_space<hbm>>
      tpu.enqueue_indirect_dma source(%dma_start3A_582 : memref<10240x128xf32, #tpu.memory_space<hbm>>) target(%dma_start3A_578 : memref<40x128xf32, #tpu.memory_space<vmem>>) offsets(%dma_start3A_579 : memref<40xi32, #tpu.memory_space<vmem>>) semaphore(%arg12 : memref<!tpu.dma_semaphore, #tpu.memory_space<semaphore_mem>>)
      %mul3A_583 = arith.constant 80 : i32
      %mul3A_584 = arith.muli %add3A_543, %mul3A_583 : i32
      %dma_wait3A_585 = arith.constant 1 : i32
      %dma_wait3A_586 = arith.constant 0 : i32
      %dma_wait3A_587 = arith.constant 0 : i32
      %dma_wait3A_588 = tpu.memref_slice %arg8[%dma_wait3A_585, %dma_wait3A_586, %dma_wait3A_587] : memref<2x80x128xf32, #tpu.memory_space<vmem>> -> memref<1x40x128xf32, #tpu.memory_space<vmem>>
      %dma_wait3A_589 = tpu.memref_squeeze %dma_wait3A_588 : memref<1x40x128xf32, #tpu.memory_space<vmem>> -> memref<40x128xf32, #tpu.memory_space<vmem>>
      %dma_wait3A_590 = tpu.memref_slice %arg6[%mul3A_584] : memref<10000xi32, #tpu.memory_space<vmem>> -> memref<40xi32, #tpu.memory_space<vmem>>
      %dma_wait3A_591 = arith.constant 0 : i32
      %dma_wait3A_592 = arith.constant 0 : i32
      %dma_wait3A_593 = tpu.memref_slice %arg2[%dma_wait3A_591, %dma_wait3A_592] : memref<10240x128xf32, #tpu.memory_space<hbm>> -> memref<10240x128xf32, #tpu.memory_space<hbm>>
      tpu.wait_indirect_dma semaphore(%arg11 : memref<!tpu.dma_semaphore, #tpu.memory_space<semaphore_mem>>) src(%dma_wait3A_593 : memref<10240x128xf32, #tpu.memory_space<hbm>>) dst(%dma_wait3A_589 : memref<40x128xf32, #tpu.memory_space<vmem>>)
      %mul3A_594 = arith.constant 80 : i32
      %mul3A_595 = arith.muli %add3A_543, %mul3A_594 : i32
      %add3A_596 = arith.constant 40 : i32
      %add3A_597 = arith.addi %mul3A_595, %add3A_596 : i32
      %dma_wait3A_598 = arith.constant 1 : i32
      %dma_wait3A_599 = arith.constant 40 : i32
      %dma_wait3A_600 = arith.constant 0 : i32
      %dma_wait3A_601 = tpu.memref_slice %arg8[%dma_wait3A_598, %dma_wait3A_599, %dma_wait3A_600] : memref<2x80x128xf32, #tpu.memory_space<vmem>> -> memref<1x40x128xf32, #tpu.memory_space<vmem>>
      %dma_wait3A_602 = tpu.memref_squeeze %dma_wait3A_601 : memref<1x40x128xf32, #tpu.memory_space<vmem>> -> memref<40x128xf32, #tpu.memory_space<vmem>>
      %dma_wait3A_603 = tpu.memref_slice %arg6[%add3A_597] : memref<10000xi32, #tpu.memory_space<vmem>> -> memref<40xi32, #tpu.memory_space<vmem>>
      %dma_wait3A_604 = arith.constant 0 : i32
      %dma_wait3A_605 = arith.constant 0 : i32
      %dma_wait3A_606 = tpu.memref_slice %arg2[%dma_wait3A_604, %dma_wait3A_605] : memref<10240x128xf32, #tpu.memory_space<hbm>> -> memref<10240x128xf32, #tpu.memory_space<hbm>>
      tpu.wait_indirect_dma semaphore(%arg13 : memref<!tpu.dma_semaphore, #tpu.memory_space<semaphore_mem>>) src(%dma_wait3A_606 : memref<10240x128xf32, #tpu.memory_space<hbm>>) dst(%dma_wait3A_602 : memref<40x128xf32, #tpu.memory_space<vmem>>)
      %dma_start3A_607 = arith.constant 1 : i32
      %dma_start3A_608 = arith.constant 0 : i32
      %dma_start3A_609 = arith.constant 0 : i32
      %dma_start3A_610 = tpu.memref_slice %arg8[%dma_start3A_607, %dma_start3A_608, %dma_start3A_609] : memref<2x80x128xf32, #tpu.memory_space<vmem>> -> memref<1x80x128xf32, #tpu.memory_space<vmem>>
      %dma_start3A_611 = tpu.memref_squeeze %dma_start3A_610 : memref<1x80x128xf32, #tpu.memory_space<vmem>> -> memref<80x128xf32, #tpu.memory_space<vmem>>
      %dma_start3A_612 = arith.constant 0 : i32
      %dma_start3A_613 = tpu.memref_slice %arg7[%add3A_543, %dma_start3A_612] : memref<125x80xi32, #tpu.memory_space<vmem>> -> memref<1x80xi32, #tpu.memory_space<vmem>>
      %dma_start3A_614 = tpu.memref_squeeze %dma_start3A_613 : memref<1x80xi32, #tpu.memory_space<vmem>> -> memref<80xi32, #tpu.memory_space<vmem>>
      %dma_start3A_615 = arith.constant 0 : i32
      %dma_start3A_616 = arith.constant 0 : i32
      %dma_start3A_617 = tpu.memref_slice %arg9[%dma_start3A_615, %dma_start3A_616] : memref<10240x128xf32, #tpu.memory_space<vmem_shared>> -> memref<10240x128xf32, #tpu.memory_space<vmem_shared>>
      tpu.enqueue_indirect_dma source(%dma_start3A_611 : memref<80x128xf32, #tpu.memory_space<vmem>>) target(%dma_start3A_617 : memref<10240x128xf32, #tpu.memory_space<vmem_shared>>) offsets(%dma_start3A_614 : memref<80xi32, #tpu.memory_space<vmem>>) semaphore(%arg15 : memref<!tpu.dma_semaphore, #tpu.memory_space<semaphore_mem>>) {add = true}
    }
    %scan3A_400 = arith.constant 61 : i32
    %dma_wait3A_401 = arith.constant 1 : i32
    %dma_wait3A_402 = arith.constant 123 : i32
    %dma_wait3A_403 = arith.constant 0 : i32
    %dma_wait3A_404 = arith.constant 0 : i32
    %dma_wait3A_405 = tpu.memref_slice %arg8[%dma_wait3A_401, %dma_wait3A_403, %dma_wait3A_404] : memref<2x80x128xf32, #tpu.memory_space<vmem>> -> memref<1x80x128xf32, #tpu.memory_space<vmem>>
    %dma_wait3A_406 = tpu.memref_squeeze %dma_wait3A_405 : memref<1x80x128xf32, #tpu.memory_space<vmem>> -> memref<80x128xf32, #tpu.memory_space<vmem>>
    %dma_wait3A_407 = arith.constant 0 : i32
    %dma_wait3A_408 = tpu.memref_slice %arg7[%dma_wait3A_402, %dma_wait3A_407] : memref<125x80xi32, #tpu.memory_space<vmem>> -> memref<1x80xi32, #tpu.memory_space<vmem>>
    %dma_wait3A_409 = tpu.memref_squeeze %dma_wait3A_408 : memref<1x80xi32, #tpu.memory_space<vmem>> -> memref<80xi32, #tpu.memory_space<vmem>>
    %dma_wait3A_410 = arith.constant 0 : i32
    %dma_wait3A_411 = arith.constant 0 : i32
    %dma_wait3A_412 = tpu.memref_slice %arg9[%dma_wait3A_410, %dma_wait3A_411] : memref<10240x128xf32, #tpu.memory_space<vmem_shared>> -> memref<10240x128xf32, #tpu.memory_space<vmem_shared>>
    tpu.wait_indirect_dma semaphore(%arg15 : memref<!tpu.dma_semaphore, #tpu.memory_space<semaphore_mem>>) src(%dma_wait3A_406 : memref<80x128xf32, #tpu.memory_space<vmem>>) dst(%dma_wait3A_412 : memref<10240x128xf32, #tpu.memory_space<vmem_shared>>)
    %dma_wait3A_413 = arith.constant 0 : i32
    %dma_wait3A_414 = arith.constant 0 : i32
    %dma_wait3A_415 = arith.constant 0 : i32
    %dma_wait3A_416 = tpu.memref_slice %arg8[%dma_wait3A_413, %dma_wait3A_414, %dma_wait3A_415] : memref<2x80x128xf32, #tpu.memory_space<vmem>> -> memref<1x40x128xf32, #tpu.memory_space<vmem>>
    %dma_wait3A_417 = tpu.memref_squeeze %dma_wait3A_416 : memref<1x40x128xf32, #tpu.memory_space<vmem>> -> memref<40x128xf32, #tpu.memory_space<vmem>>
    %dma_wait3A_418 = arith.constant 9920 : i32
    %dma_wait3A_419 = tpu.memref_slice %arg6[%dma_wait3A_418] : memref<10000xi32, #tpu.memory_space<vmem>> -> memref<40xi32, #tpu.memory_space<vmem>>
    %dma_wait3A_420 = arith.constant 0 : i32
    %dma_wait3A_421 = arith.constant 0 : i32
    %dma_wait3A_422 = tpu.memref_slice %arg2[%dma_wait3A_420, %dma_wait3A_421] : memref<10240x128xf32, #tpu.memory_space<hbm>> -> memref<10240x128xf32, #tpu.memory_space<hbm>>
    tpu.wait_indirect_dma semaphore(%arg10 : memref<!tpu.dma_semaphore, #tpu.memory_space<semaphore_mem>>) src(%dma_wait3A_422 : memref<10240x128xf32, #tpu.memory_space<hbm>>) dst(%dma_wait3A_417 : memref<40x128xf32, #tpu.memory_space<vmem>>)
    %dma_wait3A_423 = arith.constant 0 : i32
    %dma_wait3A_424 = arith.constant 40 : i32
    %dma_wait3A_425 = arith.constant 0 : i32
    %dma_wait3A_426 = tpu.memref_slice %arg8[%dma_wait3A_423, %dma_wait3A_424, %dma_wait3A_425] : memref<2x80x128xf32, #tpu.memory_space<vmem>> -> memref<1x40x128xf32, #tpu.memory_space<vmem>>
    %dma_wait3A_427 = tpu.memref_squeeze %dma_wait3A_426 : memref<1x40x128xf32, #tpu.memory_space<vmem>> -> memref<40x128xf32, #tpu.memory_space<vmem>>
    %dma_wait3A_428 = arith.constant 9960 : i32
    %dma_wait3A_429 = tpu.memref_slice %arg6[%dma_wait3A_428] : memref<10000xi32, #tpu.memory_space<vmem>> -> memref<40xi32, #tpu.memory_space<vmem>>
    %dma_wait3A_430 = arith.constant 0 : i32
    %dma_wait3A_431 = arith.constant 0 : i32
    %dma_wait3A_432 = tpu.memref_slice %arg2[%dma_wait3A_430, %dma_wait3A_431] : memref<10240x128xf32, #tpu.memory_space<hbm>> -> memref<10240x128xf32, #tpu.memory_space<hbm>>
    tpu.wait_indirect_dma semaphore(%arg12 : memref<!tpu.dma_semaphore, #tpu.memory_space<semaphore_mem>>) src(%dma_wait3A_432 : memref<10240x128xf32, #tpu.memory_space<hbm>>) dst(%dma_wait3A_427 : memref<40x128xf32, #tpu.memory_space<vmem>>)
    %dma_start3A_433 = arith.constant 0 : i32
    %dma_start3A_434 = arith.constant 124 : i32
    %dma_start3A_435 = arith.constant 0 : i32
    %dma_start3A_436 = arith.constant 0 : i32
    %dma_start3A_437 = tpu.memref_slice %arg8[%dma_start3A_433, %dma_start3A_435, %dma_start3A_436] : memref<2x80x128xf32, #tpu.memory_space<vmem>> -> memref<1x80x128xf32, #tpu.memory_space<vmem>>
    %dma_start3A_438 = tpu.memref_squeeze %dma_start3A_437 : memref<1x80x128xf32, #tpu.memory_space<vmem>> -> memref<80x128xf32, #tpu.memory_space<vmem>>
    %dma_start3A_439 = arith.constant 0 : i32
    %dma_start3A_440 = tpu.memref_slice %arg7[%dma_start3A_434, %dma_start3A_439] : memref<125x80xi32, #tpu.memory_space<vmem>> -> memref<1x80xi32, #tpu.memory_space<vmem>>
    %dma_start3A_441 = tpu.memref_squeeze %dma_start3A_440 : memref<1x80xi32, #tpu.memory_space<vmem>> -> memref<80xi32, #tpu.memory_space<vmem>>
    %dma_start3A_442 = arith.constant 0 : i32
    %dma_start3A_443 = arith.constant 0 : i32
    %dma_start3A_444 = tpu.memref_slice %arg9[%dma_start3A_442, %dma_start3A_443] : memref<10240x128xf32, #tpu.memory_space<vmem_shared>> -> memref<10240x128xf32, #tpu.memory_space<vmem_shared>>
    tpu.enqueue_indirect_dma source(%dma_start3A_438 : memref<80x128xf32, #tpu.memory_space<vmem>>) target(%dma_start3A_444 : memref<10240x128xf32, #tpu.memory_space<vmem_shared>>) offsets(%dma_start3A_441 : memref<80xi32, #tpu.memory_space<vmem>>) semaphore(%arg14 : memref<!tpu.dma_semaphore, #tpu.memory_space<semaphore_mem>>) {add = true}
    %dma_wait3A_445 = arith.constant 0 : i32
    %dma_wait3A_446 = arith.constant 124 : i32
    %dma_wait3A_447 = arith.constant 0 : i32
    %dma_wait3A_448 = arith.constant 0 : i32
    %dma_wait3A_449 = tpu.memref_slice %arg8[%dma_wait3A_445, %dma_wait3A_447, %dma_wait3A_448] : memref<2x80x128xf32, #tpu.memory_space<vmem>> -> memref<1x80x128xf32, #tpu.memory_space<vmem>>
    %dma_wait3A_450 = tpu.memref_squeeze %dma_wait3A_449 : memref<1x80x128xf32, #tpu.memory_space<vmem>> -> memref<80x128xf32, #tpu.memory_space<vmem>>
    %dma_wait3A_451 = arith.constant 0 : i32
    %dma_wait3A_452 = tpu.memref_slice %arg7[%dma_wait3A_446, %dma_wait3A_451] : memref<125x80xi32, #tpu.memory_space<vmem>> -> memref<1x80xi32, #tpu.memory_space<vmem>>
    %dma_wait3A_453 = tpu.memref_squeeze %dma_wait3A_452 : memref<1x80xi32, #tpu.memory_space<vmem>> -> memref<80xi32, #tpu.memory_space<vmem>>
    %dma_wait3A_454 = arith.constant 0 : i32
    %dma_wait3A_455 = arith.constant 0 : i32
    %dma_wait3A_456 = tpu.memref_slice %arg9[%dma_wait3A_454, %dma_wait3A_455] : memref<10240x128xf32, #tpu.memory_space<vmem_shared>> -> memref<10240x128xf32, #tpu.memory_space<vmem_shared>>
    tpu.wait_indirect_dma semaphore(%arg14 : memref<!tpu.dma_semaphore, #tpu.memory_space<semaphore_mem>>) src(%dma_wait3A_450 : memref<80x128xf32, #tpu.memory_space<vmem>>) dst(%dma_wait3A_456 : memref<10240x128xf32, #tpu.memory_space<vmem_shared>>)
    %barrier3A_457 = arith.constant 0 : index
    tpu.barrier barrier_id(%barrier3A_457)
    "tpu.region"() ({
      %run_scoped3A = tpu.sem_alloc : memref<!tpu.dma_semaphore, #tpu.memory_space<semaphore_mem>>
      %dma_start3A_458 = arith.constant 0 : i32
      %dma_start3A_459 = tpu.memref_slice %arg5[%arg0, %mul3A_8, %dma_start3A_458] : memref<2x10240x128xf32, #tpu.memory_space<hbm>> -> memref<1x640x128xf32, #tpu.memory_space<hbm>>
      %dma_start3A_460 = tpu.memref_squeeze %dma_start3A_459 : memref<1x640x128xf32, #tpu.memory_space<hbm>> -> memref<640x128xf32, #tpu.memory_space<hbm>>
      %dma_start3A_461 = arith.constant 0 : i32
      %dma_start3A_462 = tpu.memref_slice %arg9[%mul3A_8, %dma_start3A_461] : memref<10240x128xf32, #tpu.memory_space<vmem_shared>> -> memref<640x128xf32, #tpu.memory_space<vmem_shared>>
      tpu.enqueue_dma source(%dma_start3A_462 : memref<640x128xf32, #tpu.memory_space<vmem_shared>>) target(%dma_start3A_460 : memref<640x128xf32, #tpu.memory_space<hbm>>) target_semaphore(%run_scoped3A : memref<!tpu.dma_semaphore, #tpu.memory_space<semaphore_mem>>)
      %dma_wait3A_463 = arith.constant 0 : i32
      %dma_wait3A_464 = tpu.memref_slice %arg5[%arg0, %mul3A_8, %dma_wait3A_463] : memref<2x10240x128xf32, #tpu.memory_space<hbm>> -> memref<1x640x128xf32, #tpu.memory_space<hbm>>
      %dma_wait3A_465 = tpu.memref_squeeze %dma_wait3A_464 : memref<1x640x128xf32, #tpu.memory_space<hbm>> -> memref<640x128xf32, #tpu.memory_space<hbm>>
      %dma_wait3A_466 = arith.constant 0 : i32
      %dma_wait3A_467 = tpu.memref_slice %arg9[%mul3A_8, %dma_wait3A_466] : memref<10240x128xf32, #tpu.memory_space<vmem_shared>> -> memref<640x128xf32, #tpu.memory_space<vmem_shared>>
      tpu.wait_dma2 semaphore(%run_scoped3A : memref<!tpu.dma_semaphore, #tpu.memory_space<semaphore_mem>>) src(%dma_wait3A_467 : memref<640x128xf32, #tpu.memory_space<vmem_shared>>) dst(%dma_wait3A_465 : memref<640x128xf32, #tpu.memory_space<hbm>>)
      tpu.yield
    }) : () -> ()
    return
  }
}

#map = affine_map<(d0, d1) -> (0)>
#map1 = affine_map<(d0, d1) -> (0, 0)>
module attributes {stable_mosaic.version = 14 : i64} {
  func.func @_deg_kernel(%arg0: i32, %arg1: i32, %arg2: memref<320000xi32, #tpu.memory_space<hbm>>, %arg3: memref<32x10240xf32, #tpu.memory_space<hbm>>, %arg4: memref<10000xi32, #tpu.memory_space<vmem>>, %arg5: memref<10240xf32, #tpu.memory_space<vmem>>) attributes {dimension_semantics = [#tpu.dimension_semantics<core_parallel>, #tpu.dimension_semantics<subcore_parallel>], iteration_bounds = array<i64: 2, 16>, scalar_prefetch = 0 : i64, scratch_operands = 2 : i64, tpu.core_type = #tpu.core_type<sc_vector_subcore>, window_params = [{transform_indices = #map}, {transform_indices = #map1}]} {
    %mul3A = arith.constant 16 : i32
    %mul3A_0 = arith.muli %arg0, %mul3A : i32
    %add3A = arith.addi %mul3A_0, %arg1 : i32
    %broadcast_in_dim3A = arith.constant 0.000000e+00 : f32
    %broadcast_in_dim3A_1 = vector.broadcast %broadcast_in_dim3A : f32 to vector<16xf32>
    %scan3A = arith.constant 0 : i32
    %scan3A_2 = arith.constant 0 : i32
    %scan3A_3 = arith.constant 640 : i32
    %scan3A_4 = arith.addi %scan3A_2, %scan3A_3 : i32
    %scan3A_5 = arith.constant 1 : i32
    scf.for %scan3A_17 = %scan3A_2 to %scan3A_4 step %scan3A_5  : i32 {
      %mul3A_18 = arith.constant 16 : i32
      %mul3A_19 = arith.muli %scan3A_17, %mul3A_18 : i32
      %swap3A = arith.index_cast %mul3A_19 : i32 to index
      %swap3A_20 = tpu.vector_load %arg5[%swap3A] {strides = array<i32>} : memref<10240xf32, #tpu.memory_space<vmem>>, vector<16xf32>,
      tpu.vector_store %arg5[%swap3A], %broadcast_in_dim3A_1 {strides = array<i32>} : memref<10240xf32, #tpu.memory_space<vmem>>, vector<16xf32>,
    }
    %scan3A_6 = arith.constant 640 : i32
    %mul3A_7 = arith.constant 10000 : i32
    %mul3A_8 = arith.muli %add3A, %mul3A_7 : i32
    "tpu.region"() ({
      %run_scoped3A = tpu.sem_alloc : memref<!tpu.dma_semaphore, #tpu.memory_space<semaphore_mem>>
      %dma_start3A = tpu.memref_slice %arg2[%mul3A_8] : memref<320000xi32, #tpu.memory_space<hbm>> -> memref<10000xi32, #tpu.memory_space<hbm>>
      %dma_start3A_17 = tpu.memref_slice %arg2[%mul3A_8] : memref<320000xi32, #tpu.memory_space<hbm>> -> memref<10000xi32, #tpu.memory_space<hbm>>
      tpu.enqueue_dma source(%dma_start3A_17 : memref<10000xi32, #tpu.memory_space<hbm>>) target(%arg4 : memref<10000xi32, #tpu.memory_space<vmem>>) target_semaphore(%run_scoped3A : memref<!tpu.dma_semaphore, #tpu.memory_space<semaphore_mem>>)
      %dma_wait3A = tpu.memref_slice %arg2[%mul3A_8] : memref<320000xi32, #tpu.memory_space<hbm>> -> memref<10000xi32, #tpu.memory_space<hbm>>
      %dma_wait3A_18 = tpu.memref_slice %arg2[%mul3A_8] : memref<320000xi32, #tpu.memory_space<hbm>> -> memref<10000xi32, #tpu.memory_space<hbm>>
      tpu.wait_dma2 semaphore(%run_scoped3A : memref<!tpu.dma_semaphore, #tpu.memory_space<semaphore_mem>>) src(%dma_wait3A_18 : memref<10000xi32, #tpu.memory_space<hbm>>) dst(%arg4 : memref<10000xi32, #tpu.memory_space<vmem>>)
      tpu.yield
    }) : () -> ()
    %broadcast_in_dim3A_9 = arith.constant 1.000000e+00 : f32
    %broadcast_in_dim3A_10 = vector.broadcast %broadcast_in_dim3A_9 : f32 to vector<16xf32>
    %scan3A_11 = arith.constant 0 : i32
    %scan3A_12 = arith.constant 0 : i32
    %scan3A_13 = arith.constant 625 : i32
    %scan3A_14 = arith.addi %scan3A_12, %scan3A_13 : i32
    %scan3A_15 = arith.constant 1 : i32
    scf.for %scan3A_17 = %scan3A_12 to %scan3A_14 step %scan3A_15  : i32 {
      %mul3A_18 = arith.constant 16 : i32
      %mul3A_19 = arith.muli %scan3A_17, %mul3A_18 : i32
      %get3A = arith.index_cast %mul3A_19 : i32 to index
      %get3A_20 = tpu.vector_load %arg4[%get3A] {strides = array<i32>} : memref<10000xi32, #tpu.memory_space<vmem>>, vector<16xi32>,
      tpu.vector_store_idx %arg5[%get3A_20], %broadcast_in_dim3A_10 {add = true} : memref<10240xf32, #tpu.memory_space<vmem>>[vector<16xi32>], vector<16xf32>,
    }
    %scan3A_16 = arith.constant 625 : i32
    "tpu.region"() ({
      %run_scoped3A = tpu.sem_alloc : memref<!tpu.dma_semaphore, #tpu.memory_space<semaphore_mem>>
      %dma_start3A = arith.constant 0 : i32
      %dma_start3A_17 = tpu.memref_slice %arg3[%add3A, %dma_start3A] : memref<32x10240xf32, #tpu.memory_space<hbm>> -> memref<1x10240xf32, #tpu.memory_space<hbm>>
      %dma_start3A_18 = tpu.memref_squeeze %dma_start3A_17 : memref<1x10240xf32, #tpu.memory_space<hbm>> -> memref<10240xf32, #tpu.memory_space<hbm>>
      %dma_start3A_19 = arith.constant 0 : i32
      %dma_start3A_20 = tpu.memref_slice %arg3[%add3A, %dma_start3A_19] : memref<32x10240xf32, #tpu.memory_space<hbm>> -> memref<1x10240xf32, #tpu.memory_space<hbm>>
      %dma_start3A_21 = tpu.memref_squeeze %dma_start3A_20 : memref<1x10240xf32, #tpu.memory_space<hbm>> -> memref<10240xf32, #tpu.memory_space<hbm>>
      tpu.enqueue_dma source(%arg5 : memref<10240xf32, #tpu.memory_space<vmem>>) target(%dma_start3A_21 : memref<10240xf32, #tpu.memory_space<hbm>>) target_semaphore(%run_scoped3A : memref<!tpu.dma_semaphore, #tpu.memory_space<semaphore_mem>>)
      %dma_wait3A = arith.constant 0 : i32
      %dma_wait3A_22 = tpu.memref_slice %arg3[%add3A, %dma_wait3A] : memref<32x10240xf32, #tpu.memory_space<hbm>> -> memref<1x10240xf32, #tpu.memory_space<hbm>>
      %dma_wait3A_23 = tpu.memref_squeeze %dma_wait3A_22 : memref<1x10240xf32, #tpu.memory_space<hbm>> -> memref<10240xf32, #tpu.memory_space<hbm>>
      %dma_wait3A_24 = arith.constant 0 : i32
      %dma_wait3A_25 = tpu.memref_slice %arg3[%add3A, %dma_wait3A_24] : memref<32x10240xf32, #tpu.memory_space<hbm>> -> memref<1x10240xf32, #tpu.memory_space<hbm>>
      %dma_wait3A_26 = tpu.memref_squeeze %dma_wait3A_25 : memref<1x10240xf32, #tpu.memory_space<hbm>> -> memref<10240xf32, #tpu.memory_space<hbm>>
      tpu.wait_dma2 semaphore(%run_scoped3A : memref<!tpu.dma_semaphore, #tpu.memory_space<semaphore_mem>>) src(%arg5 : memref<10240xf32, #tpu.memory_space<vmem>>) dst(%dma_wait3A_26 : memref<10240xf32, #tpu.memory_space<hbm>>)
      tpu.yield
    }) : () -> ()
    return
  }
}

#map = affine_map<(d0, d1) -> (0, 0)>
#map1 = affine_map<(d0, d1) -> (0, 0, 0)>
module attributes {stable_mosaic.version = 14 : i64} {
  func.func @_agg_kernel(%arg0: i32, %arg1: i32, %arg2: memref<10240x128xf32, #tpu.memory_space<hbm>>, %arg3: memref<32x10000xi32, #tpu.memory_space<hbm>>, %arg4: memref<32x125x80xi32, #tpu.memory_space<hbm>>, %arg5: memref<2x10240x128xf32, #tpu.memory_space<hbm>>, %arg6: memref<10000xi32, #tpu.memory_space<vmem>>, %arg7: memref<125x80xi32, #tpu.memory_space<vmem>>, %arg8: memref<2x80x128xf32, #tpu.memory_space<vmem>>, %arg9: memref<10240x128xf32, #tpu.memory_space<vmem_shared>>, %arg10: memref<!tpu.dma_semaphore, #tpu.memory_space<semaphore_mem>>, %arg11: memref<!tpu.dma_semaphore, #tpu.memory_space<semaphore_mem>>, %arg12: memref<!tpu.dma_semaphore, #tpu.memory_space<semaphore_mem>>, %arg13: memref<!tpu.dma_semaphore, #tpu.memory_space<semaphore_mem>>, %arg14: memref<!tpu.dma_semaphore, #tpu.memory_space<semaphore_mem>>, %arg15: memref<!tpu.dma_semaphore, #tpu.memory_space<semaphore_mem>>) attributes {dimension_semantics = [#tpu.dimension_semantics<core_parallel>, #tpu.dimension_semantics<subcore_parallel>], iteration_bounds = array<i64: 2, 16>, scalar_prefetch = 0 : i64, scratch_operands = 10 : i64, tpu.core_type = #tpu.core_type<sc_vector_subcore>, window_params = [{transform_indices = #map}, {transform_indices = #map}, {transform_indices = #map1}, {transform_indices = #map1}]} {
    %mul3A = arith.constant 16 : i32
    %mul3A_0 = arith.muli %arg0, %mul3A : i32
    %add3A = arith.addi %mul3A_0, %arg1 : i32
    %broadcast_in_dim3A = arith.constant 0.000000e+00 : f32
    %broadcast_in_dim3A_1 = vector.broadcast %broadcast_in_dim3A : f32 to vector<16xf32>
    %scan3A = arith.constant 0 : i32
    %scan3A_2 = arith.constant 0 : i32
    %scan3A_3 = arith.constant 640 : i32
    %scan3A_4 = arith.addi %scan3A_2, %scan3A_3 : i32
    %scan3A_5 = arith.constant 1 : i32
    scf.for %scan3A_458 = %scan3A_2 to %scan3A_4 step %scan3A_5  : i32 {
      %jit3A = arith.constant 8 : i32
      %div3A = arith.divsi %scan3A_458, %jit3A : i32
      %sign3A = arith.constant 0 : i32
      %sign3A_459 = arith.cmpi sgt, %scan3A_458, %sign3A : i32
      %sign3A_460 = arith.extui %sign3A_459 : i1 to i32
      %sign3A_461 = arith.constant 0 : i32
      %sign3A_462 = arith.cmpi slt, %scan3A_458, %sign3A_461 : i32
      %sign3A_463 = arith.extui %sign3A_462 : i1 to i32
      %sign3A_464 = arith.subi %sign3A_460, %sign3A_463 : i32
      %sign3A_465 = arith.constant 0 : i32
      %sign3A_466 = arith.cmpi sgt, %jit3A, %sign3A_465 : i32
      %sign3A_467 = arith.extui %sign3A_466 : i1 to i32
      %sign3A_468 = arith.constant 0 : i32
      %sign3A_469 = arith.cmpi slt, %jit3A, %sign3A_468 : i32
      %sign3A_470 = arith.extui %sign3A_469 : i1 to i32
      %sign3A_471 = arith.subi %sign3A_467, %sign3A_470 : i32
      %ne3A = arith.cmpi ne, %sign3A_464, %sign3A_471 : i32
      %rem3A = arith.remsi %scan3A_458, %jit3A : i32
      %ne3A_472 = arith.constant 0 : i32
      %ne3A_473 = arith.cmpi ne, %rem3A, %ne3A_472 : i32
      %and3A = arith.andi %ne3A, %ne3A_473 : i1
      %sub3A = arith.constant 1 : i32
      %sub3A_474 = arith.subi %div3A, %sub3A : i32
      %select_n3A = arith.select %and3A, %sub3A_474, %div3A : i32
      %jit3A_475 = arith.constant 8 : i32
      %eq3A = arith.constant 0 : i32
      %eq3A_476 = arith.cmpi eq, %jit3A_475, %eq3A : i32
      %jit3A_477 = arith.constant 1 : i32
      %select_n3A_478 = arith.select %eq3A_476, %jit3A_477, %jit3A_475 : i32
      %rem3A_479 = arith.remsi %scan3A_458, %select_n3A_478 : i32
      %ne3A_480 = arith.constant 0 : i32
      %ne3A_481 = arith.cmpi ne, %rem3A_479, %ne3A_480 : i32
      %lt3A = arith.constant 0 : i32
      %lt3A_482 = arith.cmpi slt, %rem3A_479, %lt3A : i32
      %lt3A_483 = arith.constant 0 : i32
      %lt3A_484 = arith.cmpi slt, %select_n3A_478, %lt3A_483 : i32
      %ne3A_485 = arith.xori %lt3A_482, %lt3A_484 : i1
      %and3A_486 = arith.andi %ne3A_485, %ne3A_481 : i1
      %add3A_487 = arith.addi %rem3A_479, %select_n3A_478 : i32
      %select_n3A_488 = arith.select %and3A_486, %add3A_487, %rem3A_479 : i32
      %mul3A_489 = arith.constant 16 : i32
      %mul3A_490 = arith.muli %select_n3A_488, %mul3A_489 : i32
      %swap3A = arith.constant 0 : i32
      %swap3A_491 = arith.index_cast %swap3A : i32 to index
      %swap3A_492 = arith.index_cast %select_n3A : i32 to index
      %swap3A_493 = arith.index_cast %mul3A_490 : i32 to index
      %swap3A_494 = tpu.vector_load %arg8[%swap3A_491, %swap3A_492, %swap3A_493] {strides = array<i32>} : memref<2x80x128xf32, #tpu.memory_space<vmem>>, vector<16xf32>,
      tpu.vector_store %arg8[%swap3A_491, %swap3A_492, %swap3A_493], %broadcast_in_dim3A_1 {strides = array<i32>} : memref<2x80x128xf32, #tpu.memory_space<vmem>>, vector<16xf32>,
    }
    %scan3A_6 = arith.constant 640 : i32
    %mul3A_7 = arith.constant 640 : i32
    %mul3A_8 = arith.muli %arg1, %mul3A_7 : i32
    %add3A_9 = arith.constant 0 : i32
    %add3A_10 = arith.addi %mul3A_8, %add3A_9 : i32
    %dma_start3A = arith.constant 0 : i32
    %dma_start3A_11 = arith.constant 0 : i32
    %dma_start3A_12 = arith.constant 0 : i32
    %dma_start3A_13 = tpu.memref_slice %arg8[%dma_start3A, %dma_start3A_11, %dma_start3A_12] : memref<2x80x128xf32, #tpu.memory_space<vmem>> -> memref<1x80x128xf32, #tpu.memory_space<vmem>>
    %dma_start3A_14 = tpu.memref_squeeze %dma_start3A_13 : memref<1x80x128xf32, #tpu.memory_space<vmem>> -> memref<80x128xf32, #tpu.memory_space<vmem>>
    %dma_start3A_15 = arith.constant 0 : i32
    %dma_start3A_16 = tpu.memref_slice %arg9[%add3A_10, %dma_start3A_15] : memref<10240x128xf32, #tpu.memory_space<vmem_shared>> -> memref<80x128xf32, #tpu.memory_space<vmem_shared>>
    %dma_start3A_17 = arith.constant 0 : i32
    %dma_start3A_18 = tpu.memref_slice %arg9[%add3A_10, %dma_start3A_17] : memref<10240x128xf32, #tpu.memory_space<vmem_shared>> -> memref<80x128xf32, #tpu.memory_space<vmem_shared>>
    %dma_start3A_19 = arith.constant 0 : i32
    %dma_start3A_20 = arith.constant 0 : i32
    %dma_start3A_21 = tpu.memref_slice %arg8[%dma_start3A, %dma_start3A_19, %dma_start3A_20] : memref<2x80x128xf32, #tpu.memory_space<vmem>> -> memref<1x80x128xf32, #tpu.memory_space<vmem>>
    %dma_start3A_22 = tpu.memref_squeeze %dma_start3A_21 : memref<1x80x128xf32, #tpu.memory_space<vmem>> -> memref<80x128xf32, #tpu.memory_space<vmem>>
    tpu.enqueue_dma source(%dma_start3A_22 : memref<80x128xf32, #tpu.memory_space<vmem>>) target(%dma_start3A_18 : memref<80x128xf32, #tpu.memory_space<vmem_shared>>) target_semaphore(%arg14 : memref<!tpu.dma_semaphore, #tpu.memory_space<semaphore_mem>>)
    %add3A_23 = arith.constant 80 : i32
    %add3A_24 = arith.addi %mul3A_8, %add3A_23 : i32
    %dma_start3A_25 = arith.constant 0 : i32
    %dma_start3A_26 = arith.constant 0 : i32
    %dma_start3A_27 = arith.constant 0 : i32
    %dma_start3A_28 = tpu.memref_slice %arg8[%dma_start3A_25, %dma_start3A_26, %dma_start3A_27] : memref<2x80x128xf32, #tpu.memory_space<vmem>> -> memref<1x80x128xf32, #tpu.memory_space<vmem>>
    %dma_start3A_29 = tpu.memref_squeeze %dma_start3A_28 : memref<1x80x128xf32, #tpu.memory_space<vmem>> -> memref<80x128xf32, #tpu.memory_space<vmem>>
    %dma_start3A_30 = arith.constant 0 : i32
    %dma_start3A_31 = tpu.memref_slice %arg9[%add3A_24, %dma_start3A_30] : memref<10240x128xf32, #tpu.memory_space<vmem_shared>> -> memref<80x128xf32, #tpu.memory_space<vmem_shared>>
    %dma_start3A_32 = arith.constant 0 : i32
    %dma_start3A_33 = tpu.memref_slice %arg9[%add3A_24, %dma_start3A_32] : memref<10240x128xf32, #tpu.memory_space<vmem_shared>> -> memref<80x128xf32, #tpu.memory_space<vmem_shared>>
    %dma_start3A_34 = arith.constant 0 : i32
    %dma_start3A_35 = arith.constant 0 : i32
    %dma_start3A_36 = tpu.memref_slice %arg8[%dma_start3A_25, %dma_start3A_34, %dma_start3A_35] : memref<2x80x128xf32, #tpu.memory_space<vmem>> -> memref<1x80x128xf32, #tpu.memory_space<vmem>>
    %dma_start3A_37 = tpu.memref_squeeze %dma_start3A_36 : memref<1x80x128xf32, #tpu.memory_space<vmem>> -> memref<80x128xf32, #tpu.memory_space<vmem>>
    tpu.enqueue_dma source(%dma_start3A_37 : memref<80x128xf32, #tpu.memory_space<vmem>>) target(%dma_start3A_33 : memref<80x128xf32, #tpu.memory_space<vmem_shared>>) target_semaphore(%arg14 : memref<!tpu.dma_semaphore, #tpu.memory_space<semaphore_mem>>)
    %add3A_38 = arith.constant 160 : i32
    %add3A_39 = arith.addi %mul3A_8, %add3A_38 : i32
    %dma_start3A_40 = arith.constant 0 : i32
    %dma_start3A_41 = arith.constant 0 : i32
    %dma_start3A_42 = arith.constant 0 : i32
    %dma_start3A_43 = tpu.memref_slice %arg8[%dma_start3A_40, %dma_start3A_41, %dma_start3A_42] : memref<2x80x128xf32, #tpu.memory_space<vmem>> -> memref<1x80x128xf32, #tpu.memory_space<vmem>>
    %dma_start3A_44 = tpu.memref_squeeze %dma_start3A_43 : memref<1x80x128xf32, #tpu.memory_space<vmem>> -> memref<80x128xf32, #tpu.memory_space<vmem>>
    %dma_start3A_45 = arith.constant 0 : i32
    %dma_start3A_46 = tpu.memref_slice %arg9[%add3A_39, %dma_start3A_45] : memref<10240x128xf32, #tpu.memory_space<vmem_shared>> -> memref<80x128xf32, #tpu.memory_space<vmem_shared>>
    %dma_start3A_47 = arith.constant 0 : i32
    %dma_start3A_48 = tpu.memref_slice %arg9[%add3A_39, %dma_start3A_47] : memref<10240x128xf32, #tpu.memory_space<vmem_shared>> -> memref<80x128xf32, #tpu.memory_space<vmem_shared>>
    %dma_start3A_49 = arith.constant 0 : i32
    %dma_start3A_50 = arith.constant 0 : i32
    %dma_start3A_51 = tpu.memref_slice %arg8[%dma_start3A_40, %dma_start3A_49, %dma_start3A_50] : memref<2x80x128xf32, #tpu.memory_space<vmem>> -> memref<1x80x128xf32, #tpu.memory_space<vmem>>
    %dma_start3A_52 = tpu.memref_squeeze %dma_start3A_51 : memref<1x80x128xf32, #tpu.memory_space<vmem>> -> memref<80x128xf32, #tpu.memory_space<vmem>>
    tpu.enqueue_dma source(%dma_start3A_52 : memref<80x128xf32, #tpu.memory_space<vmem>>) target(%dma_start3A_48 : memref<80x128xf32, #tpu.memory_space<vmem_shared>>) target_semaphore(%arg14 : memref<!tpu.dma_semaphore, #tpu.memory_space<semaphore_mem>>)
    %add3A_53 = arith.constant 240 : i32
    %add3A_54 = arith.addi %mul3A_8, %add3A_53 : i32
    %dma_start3A_55 = arith.constant 0 : i32
    %dma_start3A_56 = arith.constant 0 : i32
    %dma_start3A_57 = arith.constant 0 : i32
    %dma_start3A_58 = tpu.memref_slice %arg8[%dma_start3A_55, %dma_start3A_56, %dma_start3A_57] : memref<2x80x128xf32, #tpu.memory_space<vmem>> -> memref<1x80x128xf32, #tpu.memory_space<vmem>>
    %dma_start3A_59 = tpu.memref_squeeze %dma_start3A_58 : memref<1x80x128xf32, #tpu.memory_space<vmem>> -> memref<80x128xf32, #tpu.memory_space<vmem>>
    %dma_start3A_60 = arith.constant 0 : i32
    %dma_start3A_61 = tpu.memref_slice %arg9[%add3A_54, %dma_start3A_60] : memref<10240x128xf32, #tpu.memory_space<vmem_shared>> -> memref<80x128xf32, #tpu.memory_space<vmem_shared>>
    %dma_start3A_62 = arith.constant 0 : i32
    %dma_start3A_63 = tpu.memref_slice %arg9[%add3A_54, %dma_start3A_62] : memref<10240x128xf32, #tpu.memory_space<vmem_shared>> -> memref<80x128xf32, #tpu.memory_space<vmem_shared>>
    %dma_start3A_64 = arith.constant 0 : i32
    %dma_start3A_65 = arith.constant 0 : i32
    %dma_start3A_66 = tpu.memref_slice %arg8[%dma_start3A_55, %dma_start3A_64, %dma_start3A_65] : memref<2x80x128xf32, #tpu.memory_space<vmem>> -> memref<1x80x128xf32, #tpu.memory_space<vmem>>
    %dma_start3A_67 = tpu.memref_squeeze %dma_start3A_66 : memref<1x80x128xf32, #tpu.memory_space<vmem>> -> memref<80x128xf32, #tpu.memory_space<vmem>>
    tpu.enqueue_dma source(%dma_start3A_67 : memref<80x128xf32, #tpu.memory_space<vmem>>) target(%dma_start3A_63 : memref<80x128xf32, #tpu.memory_space<vmem_shared>>) target_semaphore(%arg14 : memref<!tpu.dma_semaphore, #tpu.memory_space<semaphore_mem>>)
    %add3A_68 = arith.constant 320 : i32
    %add3A_69 = arith.addi %mul3A_8, %add3A_68 : i32
    %dma_start3A_70 = arith.constant 0 : i32
    %dma_start3A_71 = arith.constant 0 : i32
    %dma_start3A_72 = arith.constant 0 : i32
    %dma_start3A_73 = tpu.memref_slice %arg8[%dma_start3A_70, %dma_start3A_71, %dma_start3A_72] : memref<2x80x128xf32, #tpu.memory_space<vmem>> -> memref<1x80x128xf32, #tpu.memory_space<vmem>>
    %dma_start3A_74 = tpu.memref_squeeze %dma_start3A_73 : memref<1x80x128xf32, #tpu.memory_space<vmem>> -> memref<80x128xf32, #tpu.memory_space<vmem>>
    %dma_start3A_75 = arith.constant 0 : i32
    %dma_start3A_76 = tpu.memref_slice %arg9[%add3A_69, %dma_start3A_75] : memref<10240x128xf32, #tpu.memory_space<vmem_shared>> -> memref<80x128xf32, #tpu.memory_space<vmem_shared>>
    %dma_start3A_77 = arith.constant 0 : i32
    %dma_start3A_78 = tpu.memref_slice %arg9[%add3A_69, %dma_start3A_77] : memref<10240x128xf32, #tpu.memory_space<vmem_shared>> -> memref<80x128xf32, #tpu.memory_space<vmem_shared>>
    %dma_start3A_79 = arith.constant 0 : i32
    %dma_start3A_80 = arith.constant 0 : i32
    %dma_start3A_81 = tpu.memref_slice %arg8[%dma_start3A_70, %dma_start3A_79, %dma_start3A_80] : memref<2x80x128xf32, #tpu.memory_space<vmem>> -> memref<1x80x128xf32, #tpu.memory_space<vmem>>
    %dma_start3A_82 = tpu.memref_squeeze %dma_start3A_81 : memref<1x80x128xf32, #tpu.memory_space<vmem>> -> memref<80x128xf32, #tpu.memory_space<vmem>>
    tpu.enqueue_dma source(%dma_start3A_82 : memref<80x128xf32, #tpu.memory_space<vmem>>) target(%dma_start3A_78 : memref<80x128xf32, #tpu.memory_space<vmem_shared>>) target_semaphore(%arg14 : memref<!tpu.dma_semaphore, #tpu.memory_space<semaphore_mem>>)
    %add3A_83 = arith.constant 400 : i32
    %add3A_84 = arith.addi %mul3A_8, %add3A_83 : i32
    %dma_start3A_85 = arith.constant 0 : i32
    %dma_start3A_86 = arith.constant 0 : i32
    %dma_start3A_87 = arith.constant 0 : i32
    %dma_start3A_88 = tpu.memref_slice %arg8[%dma_start3A_85, %dma_start3A_86, %dma_start3A_87] : memref<2x80x128xf32, #tpu.memory_space<vmem>> -> memref<1x80x128xf32, #tpu.memory_space<vmem>>
    %dma_start3A_89 = tpu.memref_squeeze %dma_start3A_88 : memref<1x80x128xf32, #tpu.memory_space<vmem>> -> memref<80x128xf32, #tpu.memory_space<vmem>>
    %dma_start3A_90 = arith.constant 0 : i32
    %dma_start3A_91 = tpu.memref_slice %arg9[%add3A_84, %dma_start3A_90] : memref<10240x128xf32, #tpu.memory_space<vmem_shared>> -> memref<80x128xf32, #tpu.memory_space<vmem_shared>>
    %dma_start3A_92 = arith.constant 0 : i32
    %dma_start3A_93 = tpu.memref_slice %arg9[%add3A_84, %dma_start3A_92] : memref<10240x128xf32, #tpu.memory_space<vmem_shared>> -> memref<80x128xf32, #tpu.memory_space<vmem_shared>>
    %dma_start3A_94 = arith.constant 0 : i32
    %dma_start3A_95 = arith.constant 0 : i32
    %dma_start3A_96 = tpu.memref_slice %arg8[%dma_start3A_85, %dma_start3A_94, %dma_start3A_95] : memref<2x80x128xf32, #tpu.memory_space<vmem>> -> memref<1x80x128xf32, #tpu.memory_space<vmem>>
    %dma_start3A_97 = tpu.memref_squeeze %dma_start3A_96 : memref<1x80x128xf32, #tpu.memory_space<vmem>> -> memref<80x128xf32, #tpu.memory_space<vmem>>
    tpu.enqueue_dma source(%dma_start3A_97 : memref<80x128xf32, #tpu.memory_space<vmem>>) target(%dma_start3A_93 : memref<80x128xf32, #tpu.memory_space<vmem_shared>>) target_semaphore(%arg14 : memref<!tpu.dma_semaphore, #tpu.memory_space<semaphore_mem>>)
    %add3A_98 = arith.constant 480 : i32
    %add3A_99 = arith.addi %mul3A_8, %add3A_98 : i32
    %dma_start3A_100 = arith.constant 0 : i32
    %dma_start3A_101 = arith.constant 0 : i32
    %dma_start3A_102 = arith.constant 0 : i32
    %dma_start3A_103 = tpu.memref_slice %arg8[%dma_start3A_100, %dma_start3A_101, %dma_start3A_102] : memref<2x80x128xf32, #tpu.memory_space<vmem>> -> memref<1x80x128xf32, #tpu.memory_space<vmem>>
    %dma_start3A_104 = tpu.memref_squeeze %dma_start3A_103 : memref<1x80x128xf32, #tpu.memory_space<vmem>> -> memref<80x128xf32, #tpu.memory_space<vmem>>
    %dma_start3A_105 = arith.constant 0 : i32
    %dma_start3A_106 = tpu.memref_slice %arg9[%add3A_99, %dma_start3A_105] : memref<10240x128xf32, #tpu.memory_space<vmem_shared>> -> memref<80x128xf32, #tpu.memory_space<vmem_shared>>
    %dma_start3A_107 = arith.constant 0 : i32
    %dma_start3A_108 = tpu.memref_slice %arg9[%add3A_99, %dma_start3A_107] : memref<10240x128xf32, #tpu.memory_space<vmem_shared>> -> memref<80x128xf32, #tpu.memory_space<vmem_shared>>
    %dma_start3A_109 = arith.constant 0 : i32
    %dma_start3A_110 = arith.constant 0 : i32
    %dma_start3A_111 = tpu.memref_slice %arg8[%dma_start3A_100, %dma_start3A_109, %dma_start3A_110] : memref<2x80x128xf32, #tpu.memory_space<vmem>> -> memref<1x80x128xf32, #tpu.memory_space<vmem>>
    %dma_start3A_112 = tpu.memref_squeeze %dma_start3A_111 : memref<1x80x128xf32, #tpu.memory_space<vmem>> -> memref<80x128xf32, #tpu.memory_space<vmem>>
    tpu.enqueue_dma source(%dma_start3A_112 : memref<80x128xf32, #tpu.memory_space<vmem>>) target(%dma_start3A_108 : memref<80x128xf32, #tpu.memory_space<vmem_shared>>) target_semaphore(%arg14 : memref<!tpu.dma_semaphore, #tpu.memory_space<semaphore_mem>>)
    %add3A_113 = arith.constant 560 : i32
    %add3A_114 = arith.addi %mul3A_8, %add3A_113 : i32
    %dma_start3A_115 = arith.constant 0 : i32
    %dma_start3A_116 = arith.constant 0 : i32
    %dma_start3A_117 = arith.constant 0 : i32
    %dma_start3A_118 = tpu.memref_slice %arg8[%dma_start3A_115, %dma_start3A_116, %dma_start3A_117] : memref<2x80x128xf32, #tpu.memory_space<vmem>> -> memref<1x80x128xf32, #tpu.memory_space<vmem>>
    %dma_start3A_119 = tpu.memref_squeeze %dma_start3A_118 : memref<1x80x128xf32, #tpu.memory_space<vmem>> -> memref<80x128xf32, #tpu.memory_space<vmem>>
    %dma_start3A_120 = arith.constant 0 : i32
    %dma_start3A_121 = tpu.memref_slice %arg9[%add3A_114, %dma_start3A_120] : memref<10240x128xf32, #tpu.memory_space<vmem_shared>> -> memref<80x128xf32, #tpu.memory_space<vmem_shared>>
    %dma_start3A_122 = arith.constant 0 : i32
    %dma_start3A_123 = tpu.memref_slice %arg9[%add3A_114, %dma_start3A_122] : memref<10240x128xf32, #tpu.memory_space<vmem_shared>> -> memref<80x128xf32, #tpu.memory_space<vmem_shared>>
    %dma_start3A_124 = arith.constant 0 : i32
    %dma_start3A_125 = arith.constant 0 : i32
    %dma_start3A_126 = tpu.memref_slice %arg8[%dma_start3A_115, %dma_start3A_124, %dma_start3A_125] : memref<2x80x128xf32, #tpu.memory_space<vmem>> -> memref<1x80x128xf32, #tpu.memory_space<vmem>>
    %dma_start3A_127 = tpu.memref_squeeze %dma_start3A_126 : memref<1x80x128xf32, #tpu.memory_space<vmem>> -> memref<80x128xf32, #tpu.memory_space<vmem>>
    tpu.enqueue_dma source(%dma_start3A_127 : memref<80x128xf32, #tpu.memory_space<vmem>>) target(%dma_start3A_123 : memref<80x128xf32, #tpu.memory_space<vmem_shared>>) target_semaphore(%arg14 : memref<!tpu.dma_semaphore, #tpu.memory_space<semaphore_mem>>)
    %dma_start3A_128 = arith.constant 0 : i32
    %dma_start3A_129 = tpu.memref_slice %arg3[%add3A, %dma_start3A_128] : memref<32x10000xi32, #tpu.memory_space<hbm>> -> memref<1x10000xi32, #tpu.memory_space<hbm>>
    %dma_start3A_130 = tpu.memref_squeeze %dma_start3A_129 : memref<1x10000xi32, #tpu.memory_space<hbm>> -> memref<10000xi32, #tpu.memory_space<hbm>>
    %dma_start3A_131 = arith.constant 0 : i32
    %dma_start3A_132 = tpu.memref_slice %arg3[%add3A, %dma_start3A_131] : memref<32x10000xi32, #tpu.memory_space<hbm>> -> memref<1x10000xi32, #tpu.memory_space<hbm>>
    %dma_start3A_133 = tpu.memref_squeeze %dma_start3A_132 : memref<1x10000xi32, #tpu.memory_space<hbm>> -> memref<10000xi32, #tpu.memory_space<hbm>>
    tpu.enqueue_dma source(%dma_start3A_133 : memref<10000xi32, #tpu.memory_space<hbm>>) target(%arg6 : memref<10000xi32, #tpu.memory_space<vmem>>) target_semaphore(%arg10 : memref<!tpu.dma_semaphore, #tpu.memory_space<semaphore_mem>>)
    %dma_start3A_134 = arith.constant 0 : i32
    %dma_start3A_135 = arith.constant 0 : i32
    %dma_start3A_136 = tpu.memref_slice %arg4[%add3A, %dma_start3A_134, %dma_start3A_135] : memref<32x125x80xi32, #tpu.memory_space<hbm>> -> memref<1x125x80xi32, #tpu.memory_space<hbm>>
    %dma_start3A_137 = tpu.memref_squeeze %dma_start3A_136 : memref<1x125x80xi32, #tpu.memory_space<hbm>> -> memref<125x80xi32, #tpu.memory_space<hbm>>
    %dma_start3A_138 = arith.constant 0 : i32
    %dma_start3A_139 = arith.constant 0 : i32
    %dma_start3A_140 = tpu.memref_slice %arg4[%add3A, %dma_start3A_138, %dma_start3A_139] : memref<32x125x80xi32, #tpu.memory_space<hbm>> -> memref<1x125x80xi32, #tpu.memory_space<hbm>>
    %dma_start3A_141 = tpu.memref_squeeze %dma_start3A_140 : memref<1x125x80xi32, #tpu.memory_space<hbm>> -> memref<125x80xi32, #tpu.memory_space<hbm>>
    tpu.enqueue_dma source(%dma_start3A_141 : memref<125x80xi32, #tpu.memory_space<hbm>>) target(%arg7 : memref<125x80xi32, #tpu.memory_space<vmem>>) target_semaphore(%arg11 : memref<!tpu.dma_semaphore, #tpu.memory_space<semaphore_mem>>)
    %dma_wait3A = arith.constant 0 : i32
    %dma_wait3A_142 = arith.constant 0 : i32
    %dma_wait3A_143 = arith.constant 0 : i32
    %dma_wait3A_144 = tpu.memref_slice %arg8[%dma_wait3A, %dma_wait3A_142, %dma_wait3A_143] : memref<2x80x128xf32, #tpu.memory_space<vmem>> -> memref<1x80x128xf32, #tpu.memory_space<vmem>>
    %dma_wait3A_145 = tpu.memref_squeeze %dma_wait3A_144 : memref<1x80x128xf32, #tpu.memory_space<vmem>> -> memref<80x128xf32, #tpu.memory_space<vmem>>
    %dma_wait3A_146 = arith.constant 0 : i32
    %dma_wait3A_147 = tpu.memref_slice %arg9[%add3A_10, %dma_wait3A_146] : memref<10240x128xf32, #tpu.memory_space<vmem_shared>> -> memref<80x128xf32, #tpu.memory_space<vmem_shared>>
    %dma_wait3A_148 = arith.constant 0 : i32
    %dma_wait3A_149 = tpu.memref_slice %arg9[%add3A_10, %dma_wait3A_148] : memref<10240x128xf32, #tpu.memory_space<vmem_shared>> -> memref<80x128xf32, #tpu.memory_space<vmem_shared>>
    %dma_wait3A_150 = arith.constant 0 : i32
    %dma_wait3A_151 = arith.constant 0 : i32
    %dma_wait3A_152 = tpu.memref_slice %arg8[%dma_wait3A, %dma_wait3A_150, %dma_wait3A_151] : memref<2x80x128xf32, #tpu.memory_space<vmem>> -> memref<1x80x128xf32, #tpu.memory_space<vmem>>
    %dma_wait3A_153 = tpu.memref_squeeze %dma_wait3A_152 : memref<1x80x128xf32, #tpu.memory_space<vmem>> -> memref<80x128xf32, #tpu.memory_space<vmem>>
    tpu.wait_dma2 semaphore(%arg14 : memref<!tpu.dma_semaphore, #tpu.memory_space<semaphore_mem>>) src(%dma_wait3A_153 : memref<80x128xf32, #tpu.memory_space<vmem>>) dst(%dma_wait3A_149 : memref<80x128xf32, #tpu.memory_space<vmem_shared>>)
    %dma_wait3A_154 = arith.constant 0 : i32
    %dma_wait3A_155 = arith.constant 0 : i32
    %dma_wait3A_156 = arith.constant 0 : i32
    %dma_wait3A_157 = tpu.memref_slice %arg8[%dma_wait3A_154, %dma_wait3A_155, %dma_wait3A_156] : memref<2x80x128xf32, #tpu.memory_space<vmem>> -> memref<1x80x128xf32, #tpu.memory_space<vmem>>
    %dma_wait3A_158 = tpu.memref_squeeze %dma_wait3A_157 : memref<1x80x128xf32, #tpu.memory_space<vmem>> -> memref<80x128xf32, #tpu.memory_space<vmem>>
    %dma_wait3A_159 = arith.constant 0 : i32
    %dma_wait3A_160 = tpu.memref_slice %arg9[%add3A_24, %dma_wait3A_159] : memref<10240x128xf32, #tpu.memory_space<vmem_shared>> -> memref<80x128xf32, #tpu.memory_space<vmem_shared>>
    %dma_wait3A_161 = arith.constant 0 : i32
    %dma_wait3A_162 = tpu.memref_slice %arg9[%add3A_24, %dma_wait3A_161] : memref<10240x128xf32, #tpu.memory_space<vmem_shared>> -> memref<80x128xf32, #tpu.memory_space<vmem_shared>>
    %dma_wait3A_163 = arith.constant 0 : i32
    %dma_wait3A_164 = arith.constant 0 : i32
    %dma_wait3A_165 = tpu.memref_slice %arg8[%dma_wait3A_154, %dma_wait3A_163, %dma_wait3A_164] : memref<2x80x128xf32, #tpu.memory_space<vmem>> -> memref<1x80x128xf32, #tpu.memory_space<vmem>>
    %dma_wait3A_166 = tpu.memref_squeeze %dma_wait3A_165 : memref<1x80x128xf32, #tpu.memory_space<vmem>> -> memref<80x128xf32, #tpu.memory_space<vmem>>
    tpu.wait_dma2 semaphore(%arg14 : memref<!tpu.dma_semaphore, #tpu.memory_space<semaphore_mem>>) src(%dma_wait3A_166 : memref<80x128xf32, #tpu.memory_space<vmem>>) dst(%dma_wait3A_162 : memref<80x128xf32, #tpu.memory_space<vmem_shared>>)
    %dma_wait3A_167 = arith.constant 0 : i32
    %dma_wait3A_168 = arith.constant 0 : i32
    %dma_wait3A_169 = arith.constant 0 : i32
    %dma_wait3A_170 = tpu.memref_slice %arg8[%dma_wait3A_167, %dma_wait3A_168, %dma_wait3A_169] : memref<2x80x128xf32, #tpu.memory_space<vmem>> -> memref<1x80x128xf32, #tpu.memory_space<vmem>>
    %dma_wait3A_171 = tpu.memref_squeeze %dma_wait3A_170 : memref<1x80x128xf32, #tpu.memory_space<vmem>> -> memref<80x128xf32, #tpu.memory_space<vmem>>
    %dma_wait3A_172 = arith.constant 0 : i32
    %dma_wait3A_173 = tpu.memref_slice %arg9[%add3A_39, %dma_wait3A_172] : memref<10240x128xf32, #tpu.memory_space<vmem_shared>> -> memref<80x128xf32, #tpu.memory_space<vmem_shared>>
    %dma_wait3A_174 = arith.constant 0 : i32
    %dma_wait3A_175 = tpu.memref_slice %arg9[%add3A_39, %dma_wait3A_174] : memref<10240x128xf32, #tpu.memory_space<vmem_shared>> -> memref<80x128xf32, #tpu.memory_space<vmem_shared>>
    %dma_wait3A_176 = arith.constant 0 : i32
    %dma_wait3A_177 = arith.constant 0 : i32
    %dma_wait3A_178 = tpu.memref_slice %arg8[%dma_wait3A_167, %dma_wait3A_176, %dma_wait3A_177] : memref<2x80x128xf32, #tpu.memory_space<vmem>> -> memref<1x80x128xf32, #tpu.memory_space<vmem>>
    %dma_wait3A_179 = tpu.memref_squeeze %dma_wait3A_178 : memref<1x80x128xf32, #tpu.memory_space<vmem>> -> memref<80x128xf32, #tpu.memory_space<vmem>>
    tpu.wait_dma2 semaphore(%arg14 : memref<!tpu.dma_semaphore, #tpu.memory_space<semaphore_mem>>) src(%dma_wait3A_179 : memref<80x128xf32, #tpu.memory_space<vmem>>) dst(%dma_wait3A_175 : memref<80x128xf32, #tpu.memory_space<vmem_shared>>)
    %dma_wait3A_180 = arith.constant 0 : i32
    %dma_wait3A_181 = arith.constant 0 : i32
    %dma_wait3A_182 = arith.constant 0 : i32
    %dma_wait3A_183 = tpu.memref_slice %arg8[%dma_wait3A_180, %dma_wait3A_181, %dma_wait3A_182] : memref<2x80x128xf32, #tpu.memory_space<vmem>> -> memref<1x80x128xf32, #tpu.memory_space<vmem>>
    %dma_wait3A_184 = tpu.memref_squeeze %dma_wait3A_183 : memref<1x80x128xf32, #tpu.memory_space<vmem>> -> memref<80x128xf32, #tpu.memory_space<vmem>>
    %dma_wait3A_185 = arith.constant 0 : i32
    %dma_wait3A_186 = tpu.memref_slice %arg9[%add3A_54, %dma_wait3A_185] : memref<10240x128xf32, #tpu.memory_space<vmem_shared>> -> memref<80x128xf32, #tpu.memory_space<vmem_shared>>
    %dma_wait3A_187 = arith.constant 0 : i32
    %dma_wait3A_188 = tpu.memref_slice %arg9[%add3A_54, %dma_wait3A_187] : memref<10240x128xf32, #tpu.memory_space<vmem_shared>> -> memref<80x128xf32, #tpu.memory_space<vmem_shared>>
    %dma_wait3A_189 = arith.constant 0 : i32
    %dma_wait3A_190 = arith.constant 0 : i32
    %dma_wait3A_191 = tpu.memref_slice %arg8[%dma_wait3A_180, %dma_wait3A_189, %dma_wait3A_190] : memref<2x80x128xf32, #tpu.memory_space<vmem>> -> memref<1x80x128xf32, #tpu.memory_space<vmem>>
    %dma_wait3A_192 = tpu.memref_squeeze %dma_wait3A_191 : memref<1x80x128xf32, #tpu.memory_space<vmem>> -> memref<80x128xf32, #tpu.memory_space<vmem>>
    tpu.wait_dma2 semaphore(%arg14 : memref<!tpu.dma_semaphore, #tpu.memory_space<semaphore_mem>>) src(%dma_wait3A_192 : memref<80x128xf32, #tpu.memory_space<vmem>>) dst(%dma_wait3A_188 : memref<80x128xf32, #tpu.memory_space<vmem_shared>>)
    %dma_wait3A_193 = arith.constant 0 : i32
    %dma_wait3A_194 = arith.constant 0 : i32
    %dma_wait3A_195 = arith.constant 0 : i32
    %dma_wait3A_196 = tpu.memref_slice %arg8[%dma_wait3A_193, %dma_wait3A_194, %dma_wait3A_195] : memref<2x80x128xf32, #tpu.memory_space<vmem>> -> memref<1x80x128xf32, #tpu.memory_space<vmem>>
    %dma_wait3A_197 = tpu.memref_squeeze %dma_wait3A_196 : memref<1x80x128xf32, #tpu.memory_space<vmem>> -> memref<80x128xf32, #tpu.memory_space<vmem>>
    %dma_wait3A_198 = arith.constant 0 : i32
    %dma_wait3A_199 = tpu.memref_slice %arg9[%add3A_69, %dma_wait3A_198] : memref<10240x128xf32, #tpu.memory_space<vmem_shared>> -> memref<80x128xf32, #tpu.memory_space<vmem_shared>>
    %dma_wait3A_200 = arith.constant 0 : i32
    %dma_wait3A_201 = tpu.memref_slice %arg9[%add3A_69, %dma_wait3A_200] : memref<10240x128xf32, #tpu.memory_space<vmem_shared>> -> memref<80x128xf32, #tpu.memory_space<vmem_shared>>
    %dma_wait3A_202 = arith.constant 0 : i32
    %dma_wait3A_203 = arith.constant 0 : i32
    %dma_wait3A_204 = tpu.memref_slice %arg8[%dma_wait3A_193, %dma_wait3A_202, %dma_wait3A_203] : memref<2x80x128xf32, #tpu.memory_space<vmem>> -> memref<1x80x128xf32, #tpu.memory_space<vmem>>
    %dma_wait3A_205 = tpu.memref_squeeze %dma_wait3A_204 : memref<1x80x128xf32, #tpu.memory_space<vmem>> -> memref<80x128xf32, #tpu.memory_space<vmem>>
    tpu.wait_dma2 semaphore(%arg14 : memref<!tpu.dma_semaphore, #tpu.memory_space<semaphore_mem>>) src(%dma_wait3A_205 : memref<80x128xf32, #tpu.memory_space<vmem>>) dst(%dma_wait3A_201 : memref<80x128xf32, #tpu.memory_space<vmem_shared>>)
    %dma_wait3A_206 = arith.constant 0 : i32
    %dma_wait3A_207 = arith.constant 0 : i32
    %dma_wait3A_208 = arith.constant 0 : i32
    %dma_wait3A_209 = tpu.memref_slice %arg8[%dma_wait3A_206, %dma_wait3A_207, %dma_wait3A_208] : memref<2x80x128xf32, #tpu.memory_space<vmem>> -> memref<1x80x128xf32, #tpu.memory_space<vmem>>
    %dma_wait3A_210 = tpu.memref_squeeze %dma_wait3A_209 : memref<1x80x128xf32, #tpu.memory_space<vmem>> -> memref<80x128xf32, #tpu.memory_space<vmem>>
    %dma_wait3A_211 = arith.constant 0 : i32
    %dma_wait3A_212 = tpu.memref_slice %arg9[%add3A_84, %dma_wait3A_211] : memref<10240x128xf32, #tpu.memory_space<vmem_shared>> -> memref<80x128xf32, #tpu.memory_space<vmem_shared>>
    %dma_wait3A_213 = arith.constant 0 : i32
    %dma_wait3A_214 = tpu.memref_slice %arg9[%add3A_84, %dma_wait3A_213] : memref<10240x128xf32, #tpu.memory_space<vmem_shared>> -> memref<80x128xf32, #tpu.memory_space<vmem_shared>>
    %dma_wait3A_215 = arith.constant 0 : i32
    %dma_wait3A_216 = arith.constant 0 : i32
    %dma_wait3A_217 = tpu.memref_slice %arg8[%dma_wait3A_206, %dma_wait3A_215, %dma_wait3A_216] : memref<2x80x128xf32, #tpu.memory_space<vmem>> -> memref<1x80x128xf32, #tpu.memory_space<vmem>>
    %dma_wait3A_218 = tpu.memref_squeeze %dma_wait3A_217 : memref<1x80x128xf32, #tpu.memory_space<vmem>> -> memref<80x128xf32, #tpu.memory_space<vmem>>
    tpu.wait_dma2 semaphore(%arg14 : memref<!tpu.dma_semaphore, #tpu.memory_space<semaphore_mem>>) src(%dma_wait3A_218 : memref<80x128xf32, #tpu.memory_space<vmem>>) dst(%dma_wait3A_214 : memref<80x128xf32, #tpu.memory_space<vmem_shared>>)
    %dma_wait3A_219 = arith.constant 0 : i32
    %dma_wait3A_220 = arith.constant 0 : i32
    %dma_wait3A_221 = arith.constant 0 : i32
    %dma_wait3A_222 = tpu.memref_slice %arg8[%dma_wait3A_219, %dma_wait3A_220, %dma_wait3A_221] : memref<2x80x128xf32, #tpu.memory_space<vmem>> -> memref<1x80x128xf32, #tpu.memory_space<vmem>>
    %dma_wait3A_223 = tpu.memref_squeeze %dma_wait3A_222 : memref<1x80x128xf32, #tpu.memory_space<vmem>> -> memref<80x128xf32, #tpu.memory_space<vmem>>
    %dma_wait3A_224 = arith.constant 0 : i32
    %dma_wait3A_225 = tpu.memref_slice %arg9[%add3A_99, %dma_wait3A_224] : memref<10240x128xf32, #tpu.memory_space<vmem_shared>> -> memref<80x128xf32, #tpu.memory_space<vmem_shared>>
    %dma_wait3A_226 = arith.constant 0 : i32
    %dma_wait3A_227 = tpu.memref_slice %arg9[%add3A_99, %dma_wait3A_226] : memref<10240x128xf32, #tpu.memory_space<vmem_shared>> -> memref<80x128xf32, #tpu.memory_space<vmem_shared>>
    %dma_wait3A_228 = arith.constant 0 : i32
    %dma_wait3A_229 = arith.constant 0 : i32
    %dma_wait3A_230 = tpu.memref_slice %arg8[%dma_wait3A_219, %dma_wait3A_228, %dma_wait3A_229] : memref<2x80x128xf32, #tpu.memory_space<vmem>> -> memref<1x80x128xf32, #tpu.memory_space<vmem>>
    %dma_wait3A_231 = tpu.memref_squeeze %dma_wait3A_230 : memref<1x80x128xf32, #tpu.memory_space<vmem>> -> memref<80x128xf32, #tpu.memory_space<vmem>>
    tpu.wait_dma2 semaphore(%arg14 : memref<!tpu.dma_semaphore, #tpu.memory_space<semaphore_mem>>) src(%dma_wait3A_231 : memref<80x128xf32, #tpu.memory_space<vmem>>) dst(%dma_wait3A_227 : memref<80x128xf32, #tpu.memory_space<vmem_shared>>)
    %dma_wait3A_232 = arith.constant 0 : i32
    %dma_wait3A_233 = arith.constant 0 : i32
    %dma_wait3A_234 = arith.constant 0 : i32
    %dma_wait3A_235 = tpu.memref_slice %arg8[%dma_wait3A_232, %dma_wait3A_233, %dma_wait3A_234] : memref<2x80x128xf32, #tpu.memory_space<vmem>> -> memref<1x80x128xf32, #tpu.memory_space<vmem>>
    %dma_wait3A_236 = tpu.memref_squeeze %dma_wait3A_235 : memref<1x80x128xf32, #tpu.memory_space<vmem>> -> memref<80x128xf32, #tpu.memory_space<vmem>>
    %dma_wait3A_237 = arith.constant 0 : i32
    %dma_wait3A_238 = tpu.memref_slice %arg9[%add3A_114, %dma_wait3A_237] : memref<10240x128xf32, #tpu.memory_space<vmem_shared>> -> memref<80x128xf32, #tpu.memory_space<vmem_shared>>
    %dma_wait3A_239 = arith.constant 0 : i32
    %dma_wait3A_240 = tpu.memref_slice %arg9[%add3A_114, %dma_wait3A_239] : memref<10240x128xf32, #tpu.memory_space<vmem_shared>> -> memref<80x128xf32, #tpu.memory_space<vmem_shared>>
    %dma_wait3A_241 = arith.constant 0 : i32
    %dma_wait3A_242 = arith.constant 0 : i32
    %dma_wait3A_243 = tpu.memref_slice %arg8[%dma_wait3A_232, %dma_wait3A_241, %dma_wait3A_242] : memref<2x80x128xf32, #tpu.memory_space<vmem>> -> memref<1x80x128xf32, #tpu.memory_space<vmem>>
    %dma_wait3A_244 = tpu.memref_squeeze %dma_wait3A_243 : memref<1x80x128xf32, #tpu.memory_space<vmem>> -> memref<80x128xf32, #tpu.memory_space<vmem>>
    tpu.wait_dma2 semaphore(%arg14 : memref<!tpu.dma_semaphore, #tpu.memory_space<semaphore_mem>>) src(%dma_wait3A_244 : memref<80x128xf32, #tpu.memory_space<vmem>>) dst(%dma_wait3A_240 : memref<80x128xf32, #tpu.memory_space<vmem_shared>>)
    %dma_wait3A_245 = arith.constant 0 : i32
    %dma_wait3A_246 = tpu.memref_slice %arg3[%add3A, %dma_wait3A_245] : memref<32x10000xi32, #tpu.memory_space<hbm>> -> memref<1x10000xi32, #tpu.memory_space<hbm>>
    %dma_wait3A_247 = tpu.memref_squeeze %dma_wait3A_246 : memref<1x10000xi32, #tpu.memory_space<hbm>> -> memref<10000xi32, #tpu.memory_space<hbm>>
    %dma_wait3A_248 = arith.constant 0 : i32
    %dma_wait3A_249 = tpu.memref_slice %arg3[%add3A, %dma_wait3A_248] : memref<32x10000xi32, #tpu.memory_space<hbm>> -> memref<1x10000xi32, #tpu.memory_space<hbm>>
    %dma_wait3A_250 = tpu.memref_squeeze %dma_wait3A_249 : memref<1x10000xi32, #tpu.memory_space<hbm>> -> memref<10000xi32, #tpu.memory_space<hbm>>
    tpu.wait_dma2 semaphore(%arg10 : memref<!tpu.dma_semaphore, #tpu.memory_space<semaphore_mem>>) src(%dma_wait3A_250 : memref<10000xi32, #tpu.memory_space<hbm>>) dst(%arg6 : memref<10000xi32, #tpu.memory_space<vmem>>)
    %dma_wait3A_251 = arith.constant 0 : i32
    %dma_wait3A_252 = arith.constant 0 : i32
    %dma_wait3A_253 = tpu.memref_slice %arg4[%add3A, %dma_wait3A_251, %dma_wait3A_252] : memref<32x125x80xi32, #tpu.memory_space<hbm>> -> memref<1x125x80xi32, #tpu.memory_space<hbm>>
    %dma_wait3A_254 = tpu.memref_squeeze %dma_wait3A_253 : memref<1x125x80xi32, #tpu.memory_space<hbm>> -> memref<125x80xi32, #tpu.memory_space<hbm>>
    %dma_wait3A_255 = arith.constant 0 : i32
    %dma_wait3A_256 = arith.constant 0 : i32
    %dma_wait3A_257 = tpu.memref_slice %arg4[%add3A, %dma_wait3A_255, %dma_wait3A_256] : memref<32x125x80xi32, #tpu.memory_space<hbm>> -> memref<1x125x80xi32, #tpu.memory_space<hbm>>
    %dma_wait3A_258 = tpu.memref_squeeze %dma_wait3A_257 : memref<1x125x80xi32, #tpu.memory_space<hbm>> -> memref<125x80xi32, #tpu.memory_space<hbm>>
    tpu.wait_dma2 semaphore(%arg11 : memref<!tpu.dma_semaphore, #tpu.memory_space<semaphore_mem>>) src(%dma_wait3A_258 : memref<125x80xi32, #tpu.memory_space<hbm>>) dst(%arg7 : memref<125x80xi32, #tpu.memory_space<vmem>>)
    %barrier3A = arith.constant 0 : index
    tpu.barrier barrier_id(%barrier3A)
    %dma_start3A_259 = arith.constant 0 : i32
    %dma_start3A_260 = arith.constant 0 : i32
    %dma_start3A_261 = arith.constant 0 : i32
    %dma_start3A_262 = tpu.memref_slice %arg8[%dma_start3A_259, %dma_start3A_260, %dma_start3A_261] : memref<2x80x128xf32, #tpu.memory_space<vmem>> -> memref<1x40x128xf32, #tpu.memory_space<vmem>>
    %dma_start3A_263 = tpu.memref_squeeze %dma_start3A_262 : memref<1x40x128xf32, #tpu.memory_space<vmem>> -> memref<40x128xf32, #tpu.memory_space<vmem>>
    %dma_start3A_264 = arith.constant 0 : i32
    %dma_start3A_265 = tpu.memref_slice %arg6[%dma_start3A_264] : memref<10000xi32, #tpu.memory_space<vmem>> -> memref<40xi32, #tpu.memory_space<vmem>>
    %dma_start3A_266 = arith.constant 0 : i32
    %dma_start3A_267 = arith.constant 0 : i32
    %dma_start3A_268 = tpu.memref_slice %arg2[%dma_start3A_266, %dma_start3A_267] : memref<10240x128xf32, #tpu.memory_space<hbm>> -> memref<10240x128xf32, #tpu.memory_space<hbm>>
    tpu.enqueue_indirect_dma source(%dma_start3A_268 : memref<10240x128xf32, #tpu.memory_space<hbm>>) target(%dma_start3A_263 : memref<40x128xf32, #tpu.memory_space<vmem>>) offsets(%dma_start3A_265 : memref<40xi32, #tpu.memory_space<vmem>>) semaphore(%arg10 : memref<!tpu.dma_semaphore, #tpu.memory_space<semaphore_mem>>)
    %dma_start3A_269 = arith.constant 0 : i32
    %dma_start3A_270 = arith.constant 40 : i32
    %dma_start3A_271 = arith.constant 0 : i32
    %dma_start3A_272 = tpu.memref_slice %arg8[%dma_start3A_269, %dma_start3A_270, %dma_start3A_271] : memref<2x80x128xf32, #tpu.memory_space<vmem>> -> memref<1x40x128xf32, #tpu.memory_space<vmem>>
    %dma_start3A_273 = tpu.memref_squeeze %dma_start3A_272 : memref<1x40x128xf32, #tpu.memory_space<vmem>> -> memref<40x128xf32, #tpu.memory_space<vmem>>
    %dma_start3A_274 = arith.constant 40 : i32
    %dma_start3A_275 = tpu.memref_slice %arg6[%dma_start3A_274] : memref<10000xi32, #tpu.memory_space<vmem>> -> memref<40xi32, #tpu.memory_space<vmem>>
    %dma_start3A_276 = arith.constant 0 : i32
    %dma_start3A_277 = arith.constant 0 : i32
    %dma_start3A_278 = tpu.memref_slice %arg2[%dma_start3A_276, %dma_start3A_277] : memref<10240x128xf32, #tpu.memory_space<hbm>> -> memref<10240x128xf32, #tpu.memory_space<hbm>>
    tpu.enqueue_indirect_dma source(%dma_start3A_278 : memref<10240x128xf32, #tpu.memory_space<hbm>>) target(%dma_start3A_273 : memref<40x128xf32, #tpu.memory_space<vmem>>) offsets(%dma_start3A_275 : memref<40xi32, #tpu.memory_space<vmem>>) semaphore(%arg12 : memref<!tpu.dma_semaphore, #tpu.memory_space<semaphore_mem>>)
    %dma_start3A_279 = arith.constant 1 : i32
    %dma_start3A_280 = arith.constant 0 : i32
    %dma_start3A_281 = arith.constant 0 : i32
    %dma_start3A_282 = tpu.memref_slice %arg8[%dma_start3A_279, %dma_start3A_280, %dma_start3A_281] : memref<2x80x128xf32, #tpu.memory_space<vmem>> -> memref<1x40x128xf32, #tpu.memory_space<vmem>>
    %dma_start3A_283 = tpu.memref_squeeze %dma_start3A_282 : memref<1x40x128xf32, #tpu.memory_space<vmem>> -> memref<40x128xf32, #tpu.memory_space<vmem>>
    %dma_start3A_284 = arith.constant 80 : i32
    %dma_start3A_285 = tpu.memref_slice %arg6[%dma_start3A_284] : memref<10000xi32, #tpu.memory_space<vmem>> -> memref<40xi32, #tpu.memory_space<vmem>>
    %dma_start3A_286 = arith.constant 0 : i32
    %dma_start3A_287 = arith.constant 0 : i32
    %dma_start3A_288 = tpu.memref_slice %arg2[%dma_start3A_286, %dma_start3A_287] : memref<10240x128xf32, #tpu.memory_space<hbm>> -> memref<10240x128xf32, #tpu.memory_space<hbm>>
    tpu.enqueue_indirect_dma source(%dma_start3A_288 : memref<10240x128xf32, #tpu.memory_space<hbm>>) target(%dma_start3A_283 : memref<40x128xf32, #tpu.memory_space<vmem>>) offsets(%dma_start3A_285 : memref<40xi32, #tpu.memory_space<vmem>>) semaphore(%arg11 : memref<!tpu.dma_semaphore, #tpu.memory_space<semaphore_mem>>)
    %dma_start3A_289 = arith.constant 1 : i32
    %dma_start3A_290 = arith.constant 40 : i32
    %dma_start3A_291 = arith.constant 0 : i32
    %dma_start3A_292 = tpu.memref_slice %arg8[%dma_start3A_289, %dma_start3A_290, %dma_start3A_291] : memref<2x80x128xf32, #tpu.memory_space<vmem>> -> memref<1x40x128xf32, #tpu.memory_space<vmem>>
    %dma_start3A_293 = tpu.memref_squeeze %dma_start3A_292 : memref<1x40x128xf32, #tpu.memory_space<vmem>> -> memref<40x128xf32, #tpu.memory_space<vmem>>
    %dma_start3A_294 = arith.constant 120 : i32
    %dma_start3A_295 = tpu.memref_slice %arg6[%dma_start3A_294] : memref<10000xi32, #tpu.memory_space<vmem>> -> memref<40xi32, #tpu.memory_space<vmem>>
    %dma_start3A_296 = arith.constant 0 : i32
    %dma_start3A_297 = arith.constant 0 : i32
    %dma_start3A_298 = tpu.memref_slice %arg2[%dma_start3A_296, %dma_start3A_297] : memref<10240x128xf32, #tpu.memory_space<hbm>> -> memref<10240x128xf32, #tpu.memory_space<hbm>>
    tpu.enqueue_indirect_dma source(%dma_start3A_298 : memref<10240x128xf32, #tpu.memory_space<hbm>>) target(%dma_start3A_293 : memref<40x128xf32, #tpu.memory_space<vmem>>) offsets(%dma_start3A_295 : memref<40xi32, #tpu.memory_space<vmem>>) semaphore(%arg13 : memref<!tpu.dma_semaphore, #tpu.memory_space<semaphore_mem>>)
    %dma_wait3A_299 = arith.constant 0 : i32
    %dma_wait3A_300 = arith.constant 0 : i32
    %dma_wait3A_301 = arith.constant 0 : i32
    %dma_wait3A_302 = tpu.memref_slice %arg8[%dma_wait3A_299, %dma_wait3A_300, %dma_wait3A_301] : memref<2x80x128xf32, #tpu.memory_space<vmem>> -> memref<1x40x128xf32, #tpu.memory_space<vmem>>
    %dma_wait3A_303 = tpu.memref_squeeze %dma_wait3A_302 : memref<1x40x128xf32, #tpu.memory_space<vmem>> -> memref<40x128xf32, #tpu.memory_space<vmem>>
    %dma_wait3A_304 = arith.constant 0 : i32
    %dma_wait3A_305 = tpu.memref_slice %arg6[%dma_wait3A_304] : memref<10000xi32, #tpu.memory_space<vmem>> -> memref<40xi32, #tpu.memory_space<vmem>>
    %dma_wait3A_306 = arith.constant 0 : i32
    %dma_wait3A_307 = arith.constant 0 : i32
    %dma_wait3A_308 = tpu.memref_slice %arg2[%dma_wait3A_306, %dma_wait3A_307] : memref<10240x128xf32, #tpu.memory_space<hbm>> -> memref<10240x128xf32, #tpu.memory_space<hbm>>
    tpu.wait_indirect_dma semaphore(%arg10 : memref<!tpu.dma_semaphore, #tpu.memory_space<semaphore_mem>>) src(%dma_wait3A_308 : memref<10240x128xf32, #tpu.memory_space<hbm>>) dst(%dma_wait3A_303 : memref<40x128xf32, #tpu.memory_space<vmem>>)
    %dma_wait3A_309 = arith.constant 0 : i32
    %dma_wait3A_310 = arith.constant 40 : i32
    %dma_wait3A_311 = arith.constant 0 : i32
    %dma_wait3A_312 = tpu.memref_slice %arg8[%dma_wait3A_309, %dma_wait3A_310, %dma_wait3A_311] : memref<2x80x128xf32, #tpu.memory_space<vmem>> -> memref<1x40x128xf32, #tpu.memory_space<vmem>>
    %dma_wait3A_313 = tpu.memref_squeeze %dma_wait3A_312 : memref<1x40x128xf32, #tpu.memory_space<vmem>> -> memref<40x128xf32, #tpu.memory_space<vmem>>
    %dma_wait3A_314 = arith.constant 40 : i32
    %dma_wait3A_315 = tpu.memref_slice %arg6[%dma_wait3A_314] : memref<10000xi32, #tpu.memory_space<vmem>> -> memref<40xi32, #tpu.memory_space<vmem>>
    %dma_wait3A_316 = arith.constant 0 : i32
    %dma_wait3A_317 = arith.constant 0 : i32
    %dma_wait3A_318 = tpu.memref_slice %arg2[%dma_wait3A_316, %dma_wait3A_317] : memref<10240x128xf32, #tpu.memory_space<hbm>> -> memref<10240x128xf32, #tpu.memory_space<hbm>>
    tpu.wait_indirect_dma semaphore(%arg12 : memref<!tpu.dma_semaphore, #tpu.memory_space<semaphore_mem>>) src(%dma_wait3A_318 : memref<10240x128xf32, #tpu.memory_space<hbm>>) dst(%dma_wait3A_313 : memref<40x128xf32, #tpu.memory_space<vmem>>)
    %dma_start3A_319 = arith.constant 0 : i32
    %dma_start3A_320 = arith.constant 0 : i32
    %dma_start3A_321 = arith.constant 0 : i32
    %dma_start3A_322 = arith.constant 0 : i32
    %dma_start3A_323 = tpu.memref_slice %arg8[%dma_start3A_319, %dma_start3A_321, %dma_start3A_322] : memref<2x80x128xf32, #tpu.memory_space<vmem>> -> memref<1x80x128xf32, #tpu.memory_space<vmem>>
    %dma_start3A_324 = tpu.memref_squeeze %dma_start3A_323 : memref<1x80x128xf32, #tpu.memory_space<vmem>> -> memref<80x128xf32, #tpu.memory_space<vmem>>
    %dma_start3A_325 = arith.constant 0 : i32
    %dma_start3A_326 = tpu.memref_slice %arg7[%dma_start3A_320, %dma_start3A_325] : memref<125x80xi32, #tpu.memory_space<vmem>> -> memref<1x80xi32, #tpu.memory_space<vmem>>
    %dma_start3A_327 = tpu.memref_squeeze %dma_start3A_326 : memref<1x80xi32, #tpu.memory_space<vmem>> -> memref<80xi32, #tpu.memory_space<vmem>>
    %dma_start3A_328 = arith.constant 0 : i32
    %dma_start3A_329 = arith.constant 0 : i32
    %dma_start3A_330 = tpu.memref_slice %arg9[%dma_start3A_328, %dma_start3A_329] : memref<10240x128xf32, #tpu.memory_space<vmem_shared>> -> memref<10240x128xf32, #tpu.memory_space<vmem_shared>>
    tpu.enqueue_indirect_dma source(%dma_start3A_324 : memref<80x128xf32, #tpu.memory_space<vmem>>) target(%dma_start3A_330 : memref<10240x128xf32, #tpu.memory_space<vmem_shared>>) offsets(%dma_start3A_327 : memref<80xi32, #tpu.memory_space<vmem>>) semaphore(%arg14 : memref<!tpu.dma_semaphore, #tpu.memory_space<semaphore_mem>>) {add = true}
    %dma_wait3A_331 = arith.constant 0 : i32
    %dma_wait3A_332 = arith.constant 0 : i32
    %dma_wait3A_333 = arith.constant 0 : i32
    %dma_wait3A_334 = arith.constant 0 : i32
    %dma_wait3A_335 = tpu.memref_slice %arg8[%dma_wait3A_331, %dma_wait3A_333, %dma_wait3A_334] : memref<2x80x128xf32, #tpu.memory_space<vmem>> -> memref<1x80x128xf32, #tpu.memory_space<vmem>>
    %dma_wait3A_336 = tpu.memref_squeeze %dma_wait3A_335 : memref<1x80x128xf32, #tpu.memory_space<vmem>> -> memref<80x128xf32, #tpu.memory_space<vmem>>
    %dma_wait3A_337 = arith.constant 0 : i32
    %dma_wait3A_338 = tpu.memref_slice %arg7[%dma_wait3A_332, %dma_wait3A_337] : memref<125x80xi32, #tpu.memory_space<vmem>> -> memref<1x80xi32, #tpu.memory_space<vmem>>
    %dma_wait3A_339 = tpu.memref_squeeze %dma_wait3A_338 : memref<1x80xi32, #tpu.memory_space<vmem>> -> memref<80xi32, #tpu.memory_space<vmem>>
    %dma_wait3A_340 = arith.constant 0 : i32
    %dma_wait3A_341 = arith.constant 0 : i32
    %dma_wait3A_342 = tpu.memref_slice %arg9[%dma_wait3A_340, %dma_wait3A_341] : memref<10240x128xf32, #tpu.memory_space<vmem_shared>> -> memref<10240x128xf32, #tpu.memory_space<vmem_shared>>
    tpu.wait_indirect_dma semaphore(%arg14 : memref<!tpu.dma_semaphore, #tpu.memory_space<semaphore_mem>>) src(%dma_wait3A_336 : memref<80x128xf32, #tpu.memory_space<vmem>>) dst(%dma_wait3A_342 : memref<10240x128xf32, #tpu.memory_space<vmem_shared>>)
    %dma_start3A_343 = arith.constant 0 : i32
    %dma_start3A_344 = arith.constant 0 : i32
    %dma_start3A_345 = arith.constant 0 : i32
    %dma_start3A_346 = tpu.memref_slice %arg8[%dma_start3A_343, %dma_start3A_344, %dma_start3A_345] : memref<2x80x128xf32, #tpu.memory_space<vmem>> -> memref<1x40x128xf32, #tpu.memory_space<vmem>>
    %dma_start3A_347 = tpu.memref_squeeze %dma_start3A_346 : memref<1x40x128xf32, #tpu.memory_space<vmem>> -> memref<40x128xf32, #tpu.memory_space<vmem>>
    %dma_start3A_348 = arith.constant 160 : i32
    %dma_start3A_349 = tpu.memref_slice %arg6[%dma_start3A_348] : memref<10000xi32, #tpu.memory_space<vmem>> -> memref<40xi32, #tpu.memory_space<vmem>>
    %dma_start3A_350 = arith.constant 0 : i32
    %dma_start3A_351 = arith.constant 0 : i32
    %dma_start3A_352 = tpu.memref_slice %arg2[%dma_start3A_350, %dma_start3A_351] : memref<10240x128xf32, #tpu.memory_space<hbm>> -> memref<10240x128xf32, #tpu.memory_space<hbm>>
    tpu.enqueue_indirect_dma source(%dma_start3A_352 : memref<10240x128xf32, #tpu.memory_space<hbm>>) target(%dma_start3A_347 : memref<40x128xf32, #tpu.memory_space<vmem>>) offsets(%dma_start3A_349 : memref<40xi32, #tpu.memory_space<vmem>>) semaphore(%arg10 : memref<!tpu.dma_semaphore, #tpu.memory_space<semaphore_mem>>)
    %dma_start3A_353 = arith.constant 0 : i32
    %dma_start3A_354 = arith.constant 40 : i32
    %dma_start3A_355 = arith.constant 0 : i32
    %dma_start3A_356 = tpu.memref_slice %arg8[%dma_start3A_353, %dma_start3A_354, %dma_start3A_355] : memref<2x80x128xf32, #tpu.memory_space<vmem>> -> memref<1x40x128xf32, #tpu.memory_space<vmem>>
    %dma_start3A_357 = tpu.memref_squeeze %dma_start3A_356 : memref<1x40x128xf32, #tpu.memory_space<vmem>> -> memref<40x128xf32, #tpu.memory_space<vmem>>
    %dma_start3A_358 = arith.constant 200 : i32
    %dma_start3A_359 = tpu.memref_slice %arg6[%dma_start3A_358] : memref<10000xi32, #tpu.memory_space<vmem>> -> memref<40xi32, #tpu.memory_space<vmem>>
    %dma_start3A_360 = arith.constant 0 : i32
    %dma_start3A_361 = arith.constant 0 : i32
    %dma_start3A_362 = tpu.memref_slice %arg2[%dma_start3A_360, %dma_start3A_361] : memref<10240x128xf32, #tpu.memory_space<hbm>> -> memref<10240x128xf32, #tpu.memory_space<hbm>>
    tpu.enqueue_indirect_dma source(%dma_start3A_362 : memref<10240x128xf32, #tpu.memory_space<hbm>>) target(%dma_start3A_357 : memref<40x128xf32, #tpu.memory_space<vmem>>) offsets(%dma_start3A_359 : memref<40xi32, #tpu.memory_space<vmem>>) semaphore(%arg12 : memref<!tpu.dma_semaphore, #tpu.memory_space<semaphore_mem>>)
    %dma_wait3A_363 = arith.constant 1 : i32
    %dma_wait3A_364 = arith.constant 0 : i32
    %dma_wait3A_365 = arith.constant 0 : i32
    %dma_wait3A_366 = tpu.memref_slice %arg8[%dma_wait3A_363, %dma_wait3A_364, %dma_wait3A_365] : memref<2x80x128xf32, #tpu.memory_space<vmem>> -> memref<1x40x128xf32, #tpu.memory_space<vmem>>
    %dma_wait3A_367 = tpu.memref_squeeze %dma_wait3A_366 : memref<1x40x128xf32, #tpu.memory_space<vmem>> -> memref<40x128xf32, #tpu.memory_space<vmem>>
    %dma_wait3A_368 = arith.constant 80 : i32
    %dma_wait3A_369 = tpu.memref_slice %arg6[%dma_wait3A_368] : memref<10000xi32, #tpu.memory_space<vmem>> -> memref<40xi32, #tpu.memory_space<vmem>>
    %dma_wait3A_370 = arith.constant 0 : i32
    %dma_wait3A_371 = arith.constant 0 : i32
    %dma_wait3A_372 = tpu.memref_slice %arg2[%dma_wait3A_370, %dma_wait3A_371] : memref<10240x128xf32, #tpu.memory_space<hbm>> -> memref<10240x128xf32, #tpu.memory_space<hbm>>
    tpu.wait_indirect_dma semaphore(%arg11 : memref<!tpu.dma_semaphore, #tpu.memory_space<semaphore_mem>>) src(%dma_wait3A_372 : memref<10240x128xf32, #tpu.memory_space<hbm>>) dst(%dma_wait3A_367 : memref<40x128xf32, #tpu.memory_space<vmem>>)
    %dma_wait3A_373 = arith.constant 1 : i32
    %dma_wait3A_374 = arith.constant 40 : i32
    %dma_wait3A_375 = arith.constant 0 : i32
    %dma_wait3A_376 = tpu.memref_slice %arg8[%dma_wait3A_373, %dma_wait3A_374, %dma_wait3A_375] : memref<2x80x128xf32, #tpu.memory_space<vmem>> -> memref<1x40x128xf32, #tpu.memory_space<vmem>>
    %dma_wait3A_377 = tpu.memref_squeeze %dma_wait3A_376 : memref<1x40x128xf32, #tpu.memory_space<vmem>> -> memref<40x128xf32, #tpu.memory_space<vmem>>
    %dma_wait3A_378 = arith.constant 120 : i32
    %dma_wait3A_379 = tpu.memref_slice %arg6[%dma_wait3A_378] : memref<10000xi32, #tpu.memory_space<vmem>> -> memref<40xi32, #tpu.memory_space<vmem>>
    %dma_wait3A_380 = arith.constant 0 : i32
    %dma_wait3A_381 = arith.constant 0 : i32
    %dma_wait3A_382 = tpu.memref_slice %arg2[%dma_wait3A_380, %dma_wait3A_381] : memref<10240x128xf32, #tpu.memory_space<hbm>> -> memref<10240x128xf32, #tpu.memory_space<hbm>>
    tpu.wait_indirect_dma semaphore(%arg13 : memref<!tpu.dma_semaphore, #tpu.memory_space<semaphore_mem>>) src(%dma_wait3A_382 : memref<10240x128xf32, #tpu.memory_space<hbm>>) dst(%dma_wait3A_377 : memref<40x128xf32, #tpu.memory_space<vmem>>)
    %dma_start3A_383 = arith.constant 1 : i32
    %dma_start3A_384 = arith.constant 1 : i32
    %dma_start3A_385 = arith.constant 0 : i32
    %dma_start3A_386 = arith.constant 0 : i32
    %dma_start3A_387 = tpu.memref_slice %arg8[%dma_start3A_383, %dma_start3A_385, %dma_start3A_386] : memref<2x80x128xf32, #tpu.memory_space<vmem>> -> memref<1x80x128xf32, #tpu.memory_space<vmem>>
    %dma_start3A_388 = tpu.memref_squeeze %dma_start3A_387 : memref<1x80x128xf32, #tpu.memory_space<vmem>> -> memref<80x128xf32, #tpu.memory_space<vmem>>
    %dma_start3A_389 = arith.constant 0 : i32
    %dma_start3A_390 = tpu.memref_slice %arg7[%dma_start3A_384, %dma_start3A_389] : memref<125x80xi32, #tpu.memory_space<vmem>> -> memref<1x80xi32, #tpu.memory_space<vmem>>
    %dma_start3A_391 = tpu.memref_squeeze %dma_start3A_390 : memref<1x80xi32, #tpu.memory_space<vmem>> -> memref<80xi32, #tpu.memory_space<vmem>>
    %dma_start3A_392 = arith.constant 0 : i32
    %dma_start3A_393 = arith.constant 0 : i32
    %dma_start3A_394 = tpu.memref_slice %arg9[%dma_start3A_392, %dma_start3A_393] : memref<10240x128xf32, #tpu.memory_space<vmem_shared>> -> memref<10240x128xf32, #tpu.memory_space<vmem_shared>>
    tpu.enqueue_indirect_dma source(%dma_start3A_388 : memref<80x128xf32, #tpu.memory_space<vmem>>) target(%dma_start3A_394 : memref<10240x128xf32, #tpu.memory_space<vmem_shared>>) offsets(%dma_start3A_391 : memref<80xi32, #tpu.memory_space<vmem>>) semaphore(%arg15 : memref<!tpu.dma_semaphore, #tpu.memory_space<semaphore_mem>>) {add = true}
    %scan3A_395 = arith.constant 0 : i32
    %scan3A_396 = arith.constant 0 : i32
    %scan3A_397 = arith.constant 61 : i32
    %scan3A_398 = arith.addi %scan3A_396, %scan3A_397 : i32
    %scan3A_399 = arith.constant 1 : i32
    scf.for %scan3A_458 = %scan3A_396 to %scan3A_398 step %scan3A_399  : i32 {
      %mul3A_459 = arith.constant 2 : i32
      %mul3A_460 = arith.muli %mul3A_459, %scan3A_458 : i32
      %add3A_461 = arith.constant 2 : i32
      %add3A_462 = arith.addi %add3A_461, %mul3A_460 : i32
      %add3A_463 = arith.constant 0 : i32
      %add3A_464 = arith.addi %add3A_462, %add3A_463 : i32
      %sub3A = arith.constant 1 : i32
      %sub3A_465 = arith.subi %add3A_464, %sub3A : i32
      %dma_wait3A_466 = arith.constant 1 : i32
      %dma_wait3A_467 = arith.constant 0 : i32
      %dma_wait3A_468 = arith.constant 0 : i32
      %dma_wait3A_469 = tpu.memref_slice %arg8[%dma_wait3A_466, %dma_wait3A_467, %dma_wait3A_468] : memref<2x80x128xf32, #tpu.memory_space<vmem>> -> memref<1x80x128xf32, #tpu.memory_space<vmem>>
      %dma_wait3A_470 = tpu.memref_squeeze %dma_wait3A_469 : memref<1x80x128xf32, #tpu.memory_space<vmem>> -> memref<80x128xf32, #tpu.memory_space<vmem>>
      %dma_wait3A_471 = arith.constant 0 : i32
      %dma_wait3A_472 = tpu.memref_slice %arg7[%sub3A_465, %dma_wait3A_471] : memref<125x80xi32, #tpu.memory_space<vmem>> -> memref<1x80xi32, #tpu.memory_space<vmem>>
      %dma_wait3A_473 = tpu.memref_squeeze %dma_wait3A_472 : memref<1x80xi32, #tpu.memory_space<vmem>> -> memref<80xi32, #tpu.memory_space<vmem>>
      %dma_wait3A_474 = arith.constant 0 : i32
      %dma_wait3A_475 = arith.constant 0 : i32
      %dma_wait3A_476 = tpu.memref_slice %arg9[%dma_wait3A_474, %dma_wait3A_475] : memref<10240x128xf32, #tpu.memory_space<vmem_shared>> -> memref<10240x128xf32, #tpu.memory_space<vmem_shared>>
      tpu.wait_indirect_dma semaphore(%arg15 : memref<!tpu.dma_semaphore, #tpu.memory_space<semaphore_mem>>) src(%dma_wait3A_470 : memref<80x128xf32, #tpu.memory_space<vmem>>) dst(%dma_wait3A_476 : memref<10240x128xf32, #tpu.memory_space<vmem_shared>>)
      %add3A_477 = arith.constant 1 : i32
      %add3A_478 = arith.addi %add3A_464, %add3A_477 : i32
      %mul3A_479 = arith.constant 80 : i32
      %mul3A_480 = arith.muli %add3A_478, %mul3A_479 : i32
      %dma_start3A_481 = arith.constant 1 : i32
      %dma_start3A_482 = arith.constant 0 : i32
      %dma_start3A_483 = arith.constant 0 : i32
      %dma_start3A_484 = tpu.memref_slice %arg8[%dma_start3A_481, %dma_start3A_482, %dma_start3A_483] : memref<2x80x128xf32, #tpu.memory_space<vmem>> -> memref<1x40x128xf32, #tpu.memory_space<vmem>>
      %dma_start3A_485 = tpu.memref_squeeze %dma_start3A_484 : memref<1x40x128xf32, #tpu.memory_space<vmem>> -> memref<40x128xf32, #tpu.memory_space<vmem>>
      %dma_start3A_486 = tpu.memref_slice %arg6[%mul3A_480] : memref<10000xi32, #tpu.memory_space<vmem>> -> memref<40xi32, #tpu.memory_space<vmem>>
      %dma_start3A_487 = arith.constant 0 : i32
      %dma_start3A_488 = arith.constant 0 : i32
      %dma_start3A_489 = tpu.memref_slice %arg2[%dma_start3A_487, %dma_start3A_488] : memref<10240x128xf32, #tpu.memory_space<hbm>> -> memref<10240x128xf32, #tpu.memory_space<hbm>>
      tpu.enqueue_indirect_dma source(%dma_start3A_489 : memref<10240x128xf32, #tpu.memory_space<hbm>>) target(%dma_start3A_485 : memref<40x128xf32, #tpu.memory_space<vmem>>) offsets(%dma_start3A_486 : memref<40xi32, #tpu.memory_space<vmem>>) semaphore(%arg11 : memref<!tpu.dma_semaphore, #tpu.memory_space<semaphore_mem>>)
      %mul3A_490 = arith.constant 80 : i32
      %mul3A_491 = arith.muli %add3A_478, %mul3A_490 : i32
      %add3A_492 = arith.constant 40 : i32
      %add3A_493 = arith.addi %mul3A_491, %add3A_492 : i32
      %dma_start3A_494 = arith.constant 1 : i32
      %dma_start3A_495 = arith.constant 40 : i32
      %dma_start3A_496 = arith.constant 0 : i32
      %dma_start3A_497 = tpu.memref_slice %arg8[%dma_start3A_494, %dma_start3A_495, %dma_start3A_496] : memref<2x80x128xf32, #tpu.memory_space<vmem>> -> memref<1x40x128xf32, #tpu.memory_space<vmem>>
      %dma_start3A_498 = tpu.memref_squeeze %dma_start3A_497 : memref<1x40x128xf32, #tpu.memory_space<vmem>> -> memref<40x128xf32, #tpu.memory_space<vmem>>
      %dma_start3A_499 = tpu.memref_slice %arg6[%add3A_493] : memref<10000xi32, #tpu.memory_space<vmem>> -> memref<40xi32, #tpu.memory_space<vmem>>
      %dma_start3A_500 = arith.constant 0 : i32
      %dma_start3A_501 = arith.constant 0 : i32
      %dma_start3A_502 = tpu.memref_slice %arg2[%dma_start3A_500, %dma_start3A_501] : memref<10240x128xf32, #tpu.memory_space<hbm>> -> memref<10240x128xf32, #tpu.memory_space<hbm>>
      tpu.enqueue_indirect_dma source(%dma_start3A_502 : memref<10240x128xf32, #tpu.memory_space<hbm>>) target(%dma_start3A_498 : memref<40x128xf32, #tpu.memory_space<vmem>>) offsets(%dma_start3A_499 : memref<40xi32, #tpu.memory_space<vmem>>) semaphore(%arg13 : memref<!tpu.dma_semaphore, #tpu.memory_space<semaphore_mem>>)
      %mul3A_503 = arith.constant 80 : i32
      %mul3A_504 = arith.muli %add3A_464, %mul3A_503 : i32
      %dma_wait3A_505 = arith.constant 0 : i32
      %dma_wait3A_506 = arith.constant 0 : i32
      %dma_wait3A_507 = arith.constant 0 : i32
      %dma_wait3A_508 = tpu.memref_slice %arg8[%dma_wait3A_505, %dma_wait3A_506, %dma_wait3A_507] : memref<2x80x128xf32, #tpu.memory_space<vmem>> -> memref<1x40x128xf32, #tpu.memory_space<vmem>>
      %dma_wait3A_509 = tpu.memref_squeeze %dma_wait3A_508 : memref<1x40x128xf32, #tpu.memory_space<vmem>> -> memref<40x128xf32, #tpu.memory_space<vmem>>
      %dma_wait3A_510 = tpu.memref_slice %arg6[%mul3A_504] : memref<10000xi32, #tpu.memory_space<vmem>> -> memref<40xi32, #tpu.memory_space<vmem>>
      %dma_wait3A_511 = arith.constant 0 : i32
      %dma_wait3A_512 = arith.constant 0 : i32
      %dma_wait3A_513 = tpu.memref_slice %arg2[%dma_wait3A_511, %dma_wait3A_512] : memref<10240x128xf32, #tpu.memory_space<hbm>> -> memref<10240x128xf32, #tpu.memory_space<hbm>>
      tpu.wait_indirect_dma semaphore(%arg10 : memref<!tpu.dma_semaphore, #tpu.memory_space<semaphore_mem>>) src(%dma_wait3A_513 : memref<10240x128xf32, #tpu.memory_space<hbm>>) dst(%dma_wait3A_509 : memref<40x128xf32, #tpu.memory_space<vmem>>)
      %mul3A_514 = arith.constant 80 : i32
      %mul3A_515 = arith.muli %add3A_464, %mul3A_514 : i32
      %add3A_516 = arith.constant 40 : i32
      %add3A_517 = arith.addi %mul3A_515, %add3A_516 : i32
      %dma_wait3A_518 = arith.constant 0 : i32
      %dma_wait3A_519 = arith.constant 40 : i32
      %dma_wait3A_520 = arith.constant 0 : i32
      %dma_wait3A_521 = tpu.memref_slice %arg8[%dma_wait3A_518, %dma_wait3A_519, %dma_wait3A_520] : memref<2x80x128xf32, #tpu.memory_space<vmem>> -> memref<1x40x128xf32, #tpu.memory_space<vmem>>
      %dma_wait3A_522 = tpu.memref_squeeze %dma_wait3A_521 : memref<1x40x128xf32, #tpu.memory_space<vmem>> -> memref<40x128xf32, #tpu.memory_space<vmem>>
      %dma_wait3A_523 = tpu.memref_slice %arg6[%add3A_517] : memref<10000xi32, #tpu.memory_space<vmem>> -> memref<40xi32, #tpu.memory_space<vmem>>
      %dma_wait3A_524 = arith.constant 0 : i32
      %dma_wait3A_525 = arith.constant 0 : i32
      %dma_wait3A_526 = tpu.memref_slice %arg2[%dma_wait3A_524, %dma_wait3A_525] : memref<10240x128xf32, #tpu.memory_space<hbm>> -> memref<10240x128xf32, #tpu.memory_space<hbm>>
      tpu.wait_indirect_dma semaphore(%arg12 : memref<!tpu.dma_semaphore, #tpu.memory_space<semaphore_mem>>) src(%dma_wait3A_526 : memref<10240x128xf32, #tpu.memory_space<hbm>>) dst(%dma_wait3A_522 : memref<40x128xf32, #tpu.memory_space<vmem>>)
      %dma_start3A_527 = arith.constant 0 : i32
      %dma_start3A_528 = arith.constant 0 : i32
      %dma_start3A_529 = arith.constant 0 : i32
      %dma_start3A_530 = tpu.memref_slice %arg8[%dma_start3A_527, %dma_start3A_528, %dma_start3A_529] : memref<2x80x128xf32, #tpu.memory_space<vmem>> -> memref<1x80x128xf32, #tpu.memory_space<vmem>>
      %dma_start3A_531 = tpu.memref_squeeze %dma_start3A_530 : memref<1x80x128xf32, #tpu.memory_space<vmem>> -> memref<80x128xf32, #tpu.memory_space<vmem>>
      %dma_start3A_532 = arith.constant 0 : i32
      %dma_start3A_533 = tpu.memref_slice %arg7[%add3A_464, %dma_start3A_532] : memref<125x80xi32, #tpu.memory_space<vmem>> -> memref<1x80xi32, #tpu.memory_space<vmem>>
      %dma_start3A_534 = tpu.memref_squeeze %dma_start3A_533 : memref<1x80xi32, #tpu.memory_space<vmem>> -> memref<80xi32, #tpu.memory_space<vmem>>
      %dma_start3A_535 = arith.constant 0 : i32
      %dma_start3A_536 = arith.constant 0 : i32
      %dma_start3A_537 = tpu.memref_slice %arg9[%dma_start3A_535, %dma_start3A_536] : memref<10240x128xf32, #tpu.memory_space<vmem_shared>> -> memref<10240x128xf32, #tpu.memory_space<vmem_shared>>
      tpu.enqueue_indirect_dma source(%dma_start3A_531 : memref<80x128xf32, #tpu.memory_space<vmem>>) target(%dma_start3A_537 : memref<10240x128xf32, #tpu.memory_space<vmem_shared>>) offsets(%dma_start3A_534 : memref<80xi32, #tpu.memory_space<vmem>>) semaphore(%arg14 : memref<!tpu.dma_semaphore, #tpu.memory_space<semaphore_mem>>) {add = true}
      %mul3A_538 = arith.constant 2 : i32
      %mul3A_539 = arith.muli %mul3A_538, %scan3A_458 : i32
      %add3A_540 = arith.constant 2 : i32
      %add3A_541 = arith.addi %add3A_540, %mul3A_539 : i32
      %add3A_542 = arith.constant 1 : i32
      %add3A_543 = arith.addi %add3A_541, %add3A_542 : i32
      %sub3A_544 = arith.constant 1 : i32
      %sub3A_545 = arith.subi %add3A_543, %sub3A_544 : i32
      %dma_wait3A_546 = arith.constant 0 : i32
      %dma_wait3A_547 = arith.constant 0 : i32
      %dma_wait3A_548 = arith.constant 0 : i32
      %dma_wait3A_549 = tpu.memref_slice %arg8[%dma_wait3A_546, %dma_wait3A_547, %dma_wait3A_548] : memref<2x80x128xf32, #tpu.memory_space<vmem>> -> memref<1x80x128xf32, #tpu.memory_space<vmem>>
      %dma_wait3A_550 = tpu.memref_squeeze %dma_wait3A_549 : memref<1x80x128xf32, #tpu.memory_space<vmem>> -> memref<80x128xf32, #tpu.memory_space<vmem>>
      %dma_wait3A_551 = arith.constant 0 : i32
      %dma_wait3A_552 = tpu.memref_slice %arg7[%sub3A_545, %dma_wait3A_551] : memref<125x80xi32, #tpu.memory_space<vmem>> -> memref<1x80xi32, #tpu.memory_space<vmem>>
      %dma_wait3A_553 = tpu.memref_squeeze %dma_wait3A_552 : memref<1x80xi32, #tpu.memory_space<vmem>> -> memref<80xi32, #tpu.memory_space<vmem>>
      %dma_wait3A_554 = arith.constant 0 : i32
      %dma_wait3A_555 = arith.constant 0 : i32
      %dma_wait3A_556 = tpu.memref_slice %arg9[%dma_wait3A_554, %dma_wait3A_555] : memref<10240x128xf32, #tpu.memory_space<vmem_shared>> -> memref<10240x128xf32, #tpu.memory_space<vmem_shared>>
      tpu.wait_indirect_dma semaphore(%arg14 : memref<!tpu.dma_semaphore, #tpu.memory_space<semaphore_mem>>) src(%dma_wait3A_550 : memref<80x128xf32, #tpu.memory_space<vmem>>) dst(%dma_wait3A_556 : memref<10240x128xf32, #tpu.memory_space<vmem_shared>>)
      %add3A_557 = arith.constant 1 : i32
      %add3A_558 = arith.addi %add3A_543, %add3A_557 : i32
      %mul3A_559 = arith.constant 80 : i32
      %mul3A_560 = arith.muli %add3A_558, %mul3A_559 : i32
      %dma_start3A_561 = arith.constant 0 : i32
      %dma_start3A_562 = arith.constant 0 : i32
      %dma_start3A_563 = arith.constant 0 : i32
      %dma_start3A_564 = tpu.memref_slice %arg8[%dma_start3A_561, %dma_start3A_562, %dma_start3A_563] : memref<2x80x128xf32, #tpu.memory_space<vmem>> -> memref<1x40x128xf32, #tpu.memory_space<vmem>>
      %dma_start3A_565 = tpu.memref_squeeze %dma_start3A_564 : memref<1x40x128xf32, #tpu.memory_space<vmem>> -> memref<40x128xf32, #tpu.memory_space<vmem>>
      %dma_start3A_566 = tpu.memref_slice %arg6[%mul3A_560] : memref<10000xi32, #tpu.memory_space<vmem>> -> memref<40xi32, #tpu.memory_space<vmem>>
      %dma_start3A_567 = arith.constant 0 : i32
      %dma_start3A_568 = arith.constant 0 : i32
      %dma_start3A_569 = tpu.memref_slice %arg2[%dma_start3A_567, %dma_start3A_568] : memref<10240x128xf32, #tpu.memory_space<hbm>> -> memref<10240x128xf32, #tpu.memory_space<hbm>>
      tpu.enqueue_indirect_dma source(%dma_start3A_569 : memref<10240x128xf32, #tpu.memory_space<hbm>>) target(%dma_start3A_565 : memref<40x128xf32, #tpu.memory_space<vmem>>) offsets(%dma_start3A_566 : memref<40xi32, #tpu.memory_space<vmem>>) semaphore(%arg10 : memref<!tpu.dma_semaphore, #tpu.memory_space<semaphore_mem>>)
      %mul3A_570 = arith.constant 80 : i32
      %mul3A_571 = arith.muli %add3A_558, %mul3A_570 : i32
      %add3A_572 = arith.constant 40 : i32
      %add3A_573 = arith.addi %mul3A_571, %add3A_572 : i32
      %dma_start3A_574 = arith.constant 0 : i32
      %dma_start3A_575 = arith.constant 40 : i32
      %dma_start3A_576 = arith.constant 0 : i32
      %dma_start3A_577 = tpu.memref_slice %arg8[%dma_start3A_574, %dma_start3A_575, %dma_start3A_576] : memref<2x80x128xf32, #tpu.memory_space<vmem>> -> memref<1x40x128xf32, #tpu.memory_space<vmem>>
      %dma_start3A_578 = tpu.memref_squeeze %dma_start3A_577 : memref<1x40x128xf32, #tpu.memory_space<vmem>> -> memref<40x128xf32, #tpu.memory_space<vmem>>
      %dma_start3A_579 = tpu.memref_slice %arg6[%add3A_573] : memref<10000xi32, #tpu.memory_space<vmem>> -> memref<40xi32, #tpu.memory_space<vmem>>
      %dma_start3A_580 = arith.constant 0 : i32
      %dma_start3A_581 = arith.constant 0 : i32
      %dma_start3A_582 = tpu.memref_slice %arg2[%dma_start3A_580, %dma_start3A_581] : memref<10240x128xf32, #tpu.memory_space<hbm>> -> memref<10240x128xf32, #tpu.memory_space<hbm>>
      tpu.enqueue_indirect_dma source(%dma_start3A_582 : memref<10240x128xf32, #tpu.memory_space<hbm>>) target(%dma_start3A_578 : memref<40x128xf32, #tpu.memory_space<vmem>>) offsets(%dma_start3A_579 : memref<40xi32, #tpu.memory_space<vmem>>) semaphore(%arg12 : memref<!tpu.dma_semaphore, #tpu.memory_space<semaphore_mem>>)
      %mul3A_583 = arith.constant 80 : i32
      %mul3A_584 = arith.muli %add3A_543, %mul3A_583 : i32
      %dma_wait3A_585 = arith.constant 1 : i32
      %dma_wait3A_586 = arith.constant 0 : i32
      %dma_wait3A_587 = arith.constant 0 : i32
      %dma_wait3A_588 = tpu.memref_slice %arg8[%dma_wait3A_585, %dma_wait3A_586, %dma_wait3A_587] : memref<2x80x128xf32, #tpu.memory_space<vmem>> -> memref<1x40x128xf32, #tpu.memory_space<vmem>>
      %dma_wait3A_589 = tpu.memref_squeeze %dma_wait3A_588 : memref<1x40x128xf32, #tpu.memory_space<vmem>> -> memref<40x128xf32, #tpu.memory_space<vmem>>
      %dma_wait3A_590 = tpu.memref_slice %arg6[%mul3A_584] : memref<10000xi32, #tpu.memory_space<vmem>> -> memref<40xi32, #tpu.memory_space<vmem>>
      %dma_wait3A_591 = arith.constant 0 : i32
      %dma_wait3A_592 = arith.constant 0 : i32
      %dma_wait3A_593 = tpu.memref_slice %arg2[%dma_wait3A_591, %dma_wait3A_592] : memref<10240x128xf32, #tpu.memory_space<hbm>> -> memref<10240x128xf32, #tpu.memory_space<hbm>>
      tpu.wait_indirect_dma semaphore(%arg11 : memref<!tpu.dma_semaphore, #tpu.memory_space<semaphore_mem>>) src(%dma_wait3A_593 : memref<10240x128xf32, #tpu.memory_space<hbm>>) dst(%dma_wait3A_589 : memref<40x128xf32, #tpu.memory_space<vmem>>)
      %mul3A_594 = arith.constant 80 : i32
      %mul3A_595 = arith.muli %add3A_543, %mul3A_594 : i32
      %add3A_596 = arith.constant 40 : i32
      %add3A_597 = arith.addi %mul3A_595, %add3A_596 : i32
      %dma_wait3A_598 = arith.constant 1 : i32
      %dma_wait3A_599 = arith.constant 40 : i32
      %dma_wait3A_600 = arith.constant 0 : i32
      %dma_wait3A_601 = tpu.memref_slice %arg8[%dma_wait3A_598, %dma_wait3A_599, %dma_wait3A_600] : memref<2x80x128xf32, #tpu.memory_space<vmem>> -> memref<1x40x128xf32, #tpu.memory_space<vmem>>
      %dma_wait3A_602 = tpu.memref_squeeze %dma_wait3A_601 : memref<1x40x128xf32, #tpu.memory_space<vmem>> -> memref<40x128xf32, #tpu.memory_space<vmem>>
      %dma_wait3A_603 = tpu.memref_slice %arg6[%add3A_597] : memref<10000xi32, #tpu.memory_space<vmem>> -> memref<40xi32, #tpu.memory_space<vmem>>
      %dma_wait3A_604 = arith.constant 0 : i32
      %dma_wait3A_605 = arith.constant 0 : i32
      %dma_wait3A_606 = tpu.memref_slice %arg2[%dma_wait3A_604, %dma_wait3A_605] : memref<10240x128xf32, #tpu.memory_space<hbm>> -> memref<10240x128xf32, #tpu.memory_space<hbm>>
      tpu.wait_indirect_dma semaphore(%arg13 : memref<!tpu.dma_semaphore, #tpu.memory_space<semaphore_mem>>) src(%dma_wait3A_606 : memref<10240x128xf32, #tpu.memory_space<hbm>>) dst(%dma_wait3A_602 : memref<40x128xf32, #tpu.memory_space<vmem>>)
      %dma_start3A_607 = arith.constant 1 : i32
      %dma_start3A_608 = arith.constant 0 : i32
      %dma_start3A_609 = arith.constant 0 : i32
      %dma_start3A_610 = tpu.memref_slice %arg8[%dma_start3A_607, %dma_start3A_608, %dma_start3A_609] : memref<2x80x128xf32, #tpu.memory_space<vmem>> -> memref<1x80x128xf32, #tpu.memory_space<vmem>>
      %dma_start3A_611 = tpu.memref_squeeze %dma_start3A_610 : memref<1x80x128xf32, #tpu.memory_space<vmem>> -> memref<80x128xf32, #tpu.memory_space<vmem>>
      %dma_start3A_612 = arith.constant 0 : i32
      %dma_start3A_613 = tpu.memref_slice %arg7[%add3A_543, %dma_start3A_612] : memref<125x80xi32, #tpu.memory_space<vmem>> -> memref<1x80xi32, #tpu.memory_space<vmem>>
      %dma_start3A_614 = tpu.memref_squeeze %dma_start3A_613 : memref<1x80xi32, #tpu.memory_space<vmem>> -> memref<80xi32, #tpu.memory_space<vmem>>
      %dma_start3A_615 = arith.constant 0 : i32
      %dma_start3A_616 = arith.constant 0 : i32
      %dma_start3A_617 = tpu.memref_slice %arg9[%dma_start3A_615, %dma_start3A_616] : memref<10240x128xf32, #tpu.memory_space<vmem_shared>> -> memref<10240x128xf32, #tpu.memory_space<vmem_shared>>
      tpu.enqueue_indirect_dma source(%dma_start3A_611 : memref<80x128xf32, #tpu.memory_space<vmem>>) target(%dma_start3A_617 : memref<10240x128xf32, #tpu.memory_space<vmem_shared>>) offsets(%dma_start3A_614 : memref<80xi32, #tpu.memory_space<vmem>>) semaphore(%arg15 : memref<!tpu.dma_semaphore, #tpu.memory_space<semaphore_mem>>) {add = true}
    }
    %scan3A_400 = arith.constant 61 : i32
    %dma_wait3A_401 = arith.constant 1 : i32
    %dma_wait3A_402 = arith.constant 123 : i32
    %dma_wait3A_403 = arith.constant 0 : i32
    %dma_wait3A_404 = arith.constant 0 : i32
    %dma_wait3A_405 = tpu.memref_slice %arg8[%dma_wait3A_401, %dma_wait3A_403, %dma_wait3A_404] : memref<2x80x128xf32, #tpu.memory_space<vmem>> -> memref<1x80x128xf32, #tpu.memory_space<vmem>>
    %dma_wait3A_406 = tpu.memref_squeeze %dma_wait3A_405 : memref<1x80x128xf32, #tpu.memory_space<vmem>> -> memref<80x128xf32, #tpu.memory_space<vmem>>
    %dma_wait3A_407 = arith.constant 0 : i32
    %dma_wait3A_408 = tpu.memref_slice %arg7[%dma_wait3A_402, %dma_wait3A_407] : memref<125x80xi32, #tpu.memory_space<vmem>> -> memref<1x80xi32, #tpu.memory_space<vmem>>
    %dma_wait3A_409 = tpu.memref_squeeze %dma_wait3A_408 : memref<1x80xi32, #tpu.memory_space<vmem>> -> memref<80xi32, #tpu.memory_space<vmem>>
    %dma_wait3A_410 = arith.constant 0 : i32
    %dma_wait3A_411 = arith.constant 0 : i32
    %dma_wait3A_412 = tpu.memref_slice %arg9[%dma_wait3A_410, %dma_wait3A_411] : memref<10240x128xf32, #tpu.memory_space<vmem_shared>> -> memref<10240x128xf32, #tpu.memory_space<vmem_shared>>
    tpu.wait_indirect_dma semaphore(%arg15 : memref<!tpu.dma_semaphore, #tpu.memory_space<semaphore_mem>>) src(%dma_wait3A_406 : memref<80x128xf32, #tpu.memory_space<vmem>>) dst(%dma_wait3A_412 : memref<10240x128xf32, #tpu.memory_space<vmem_shared>>)
    %dma_wait3A_413 = arith.constant 0 : i32
    %dma_wait3A_414 = arith.constant 0 : i32
    %dma_wait3A_415 = arith.constant 0 : i32
    %dma_wait3A_416 = tpu.memref_slice %arg8[%dma_wait3A_413, %dma_wait3A_414, %dma_wait3A_415] : memref<2x80x128xf32, #tpu.memory_space<vmem>> -> memref<1x40x128xf32, #tpu.memory_space<vmem>>
    %dma_wait3A_417 = tpu.memref_squeeze %dma_wait3A_416 : memref<1x40x128xf32, #tpu.memory_space<vmem>> -> memref<40x128xf32, #tpu.memory_space<vmem>>
    %dma_wait3A_418 = arith.constant 9920 : i32
    %dma_wait3A_419 = tpu.memref_slice %arg6[%dma_wait3A_418] : memref<10000xi32, #tpu.memory_space<vmem>> -> memref<40xi32, #tpu.memory_space<vmem>>
    %dma_wait3A_420 = arith.constant 0 : i32
    %dma_wait3A_421 = arith.constant 0 : i32
    %dma_wait3A_422 = tpu.memref_slice %arg2[%dma_wait3A_420, %dma_wait3A_421] : memref<10240x128xf32, #tpu.memory_space<hbm>> -> memref<10240x128xf32, #tpu.memory_space<hbm>>
    tpu.wait_indirect_dma semaphore(%arg10 : memref<!tpu.dma_semaphore, #tpu.memory_space<semaphore_mem>>) src(%dma_wait3A_422 : memref<10240x128xf32, #tpu.memory_space<hbm>>) dst(%dma_wait3A_417 : memref<40x128xf32, #tpu.memory_space<vmem>>)
    %dma_wait3A_423 = arith.constant 0 : i32
    %dma_wait3A_424 = arith.constant 40 : i32
    %dma_wait3A_425 = arith.constant 0 : i32
    %dma_wait3A_426 = tpu.memref_slice %arg8[%dma_wait3A_423, %dma_wait3A_424, %dma_wait3A_425] : memref<2x80x128xf32, #tpu.memory_space<vmem>> -> memref<1x40x128xf32, #tpu.memory_space<vmem>>
    %dma_wait3A_427 = tpu.memref_squeeze %dma_wait3A_426 : memref<1x40x128xf32, #tpu.memory_space<vmem>> -> memref<40x128xf32, #tpu.memory_space<vmem>>
    %dma_wait3A_428 = arith.constant 9960 : i32
    %dma_wait3A_429 = tpu.memref_slice %arg6[%dma_wait3A_428] : memref<10000xi32, #tpu.memory_space<vmem>> -> memref<40xi32, #tpu.memory_space<vmem>>
    %dma_wait3A_430 = arith.constant 0 : i32
    %dma_wait3A_431 = arith.constant 0 : i32
    %dma_wait3A_432 = tpu.memref_slice %arg2[%dma_wait3A_430, %dma_wait3A_431] : memref<10240x128xf32, #tpu.memory_space<hbm>> -> memref<10240x128xf32, #tpu.memory_space<hbm>>
    tpu.wait_indirect_dma semaphore(%arg12 : memref<!tpu.dma_semaphore, #tpu.memory_space<semaphore_mem>>) src(%dma_wait3A_432 : memref<10240x128xf32, #tpu.memory_space<hbm>>) dst(%dma_wait3A_427 : memref<40x128xf32, #tpu.memory_space<vmem>>)
    %dma_start3A_433 = arith.constant 0 : i32
    %dma_start3A_434 = arith.constant 124 : i32
    %dma_start3A_435 = arith.constant 0 : i32
    %dma_start3A_436 = arith.constant 0 : i32
    %dma_start3A_437 = tpu.memref_slice %arg8[%dma_start3A_433, %dma_start3A_435, %dma_start3A_436] : memref<2x80x128xf32, #tpu.memory_space<vmem>> -> memref<1x80x128xf32, #tpu.memory_space<vmem>>
    %dma_start3A_438 = tpu.memref_squeeze %dma_start3A_437 : memref<1x80x128xf32, #tpu.memory_space<vmem>> -> memref<80x128xf32, #tpu.memory_space<vmem>>
    %dma_start3A_439 = arith.constant 0 : i32
    %dma_start3A_440 = tpu.memref_slice %arg7[%dma_start3A_434, %dma_start3A_439] : memref<125x80xi32, #tpu.memory_space<vmem>> -> memref<1x80xi32, #tpu.memory_space<vmem>>
    %dma_start3A_441 = tpu.memref_squeeze %dma_start3A_440 : memref<1x80xi32, #tpu.memory_space<vmem>> -> memref<80xi32, #tpu.memory_space<vmem>>
    %dma_start3A_442 = arith.constant 0 : i32
    %dma_start3A_443 = arith.constant 0 : i32
    %dma_start3A_444 = tpu.memref_slice %arg9[%dma_start3A_442, %dma_start3A_443] : memref<10240x128xf32, #tpu.memory_space<vmem_shared>> -> memref<10240x128xf32, #tpu.memory_space<vmem_shared>>
    tpu.enqueue_indirect_dma source(%dma_start3A_438 : memref<80x128xf32, #tpu.memory_space<vmem>>) target(%dma_start3A_444 : memref<10240x128xf32, #tpu.memory_space<vmem_shared>>) offsets(%dma_start3A_441 : memref<80xi32, #tpu.memory_space<vmem>>) semaphore(%arg14 : memref<!tpu.dma_semaphore, #tpu.memory_space<semaphore_mem>>) {add = true}
    %dma_wait3A_445 = arith.constant 0 : i32
    %dma_wait3A_446 = arith.constant 124 : i32
    %dma_wait3A_447 = arith.constant 0 : i32
    %dma_wait3A_448 = arith.constant 0 : i32
    %dma_wait3A_449 = tpu.memref_slice %arg8[%dma_wait3A_445, %dma_wait3A_447, %dma_wait3A_448] : memref<2x80x128xf32, #tpu.memory_space<vmem>> -> memref<1x80x128xf32, #tpu.memory_space<vmem>>
    %dma_wait3A_450 = tpu.memref_squeeze %dma_wait3A_449 : memref<1x80x128xf32, #tpu.memory_space<vmem>> -> memref<80x128xf32, #tpu.memory_space<vmem>>
    %dma_wait3A_451 = arith.constant 0 : i32
    %dma_wait3A_452 = tpu.memref_slice %arg7[%dma_wait3A_446, %dma_wait3A_451] : memref<125x80xi32, #tpu.memory_space<vmem>> -> memref<1x80xi32, #tpu.memory_space<vmem>>
    %dma_wait3A_453 = tpu.memref_squeeze %dma_wait3A_452 : memref<1x80xi32, #tpu.memory_space<vmem>> -> memref<80xi32, #tpu.memory_space<vmem>>
    %dma_wait3A_454 = arith.constant 0 : i32
    %dma_wait3A_455 = arith.constant 0 : i32
    %dma_wait3A_456 = tpu.memref_slice %arg9[%dma_wait3A_454, %dma_wait3A_455] : memref<10240x128xf32, #tpu.memory_space<vmem_shared>> -> memref<10240x128xf32, #tpu.memory_space<vmem_shared>>
    tpu.wait_indirect_dma semaphore(%arg14 : memref<!tpu.dma_semaphore, #tpu.memory_space<semaphore_mem>>) src(%dma_wait3A_450 : memref<80x128xf32, #tpu.memory_space<vmem>>) dst(%dma_wait3A_456 : memref<10240x128xf32, #tpu.memory_space<vmem_shared>>)
    %barrier3A_457 = arith.constant 0 : index
    tpu.barrier barrier_id(%barrier3A_457)
    "tpu.region"() ({
      %run_scoped3A = tpu.sem_alloc : memref<!tpu.dma_semaphore, #tpu.memory_space<semaphore_mem>>
      %dma_start3A_458 = arith.constant 0 : i32
      %dma_start3A_459 = tpu.memref_slice %arg5[%arg0, %mul3A_8, %dma_start3A_458] : memref<2x10240x128xf32, #tpu.memory_space<hbm>> -> memref<1x640x128xf32, #tpu.memory_space<hbm>>
      %dma_start3A_460 = tpu.memref_squeeze %dma_start3A_459 : memref<1x640x128xf32, #tpu.memory_space<hbm>> -> memref<640x128xf32, #tpu.memory_space<hbm>>
      %dma_start3A_461 = arith.constant 0 : i32
      %dma_start3A_462 = tpu.memref_slice %arg9[%mul3A_8, %dma_start3A_461] : memref<10240x128xf32, #tpu.memory_space<vmem_shared>> -> memref<640x128xf32, #tpu.memory_space<vmem_shared>>
      tpu.enqueue_dma source(%dma_start3A_462 : memref<640x128xf32, #tpu.memory_space<vmem_shared>>) target(%dma_start3A_460 : memref<640x128xf32, #tpu.memory_space<hbm>>) target_semaphore(%run_scoped3A : memref<!tpu.dma_semaphore, #tpu.memory_space<semaphore_mem>>)
      %dma_wait3A_463 = arith.constant 0 : i32
      %dma_wait3A_464 = tpu.memref_slice %arg5[%arg0, %mul3A_8, %dma_wait3A_463] : memref<2x10240x128xf32, #tpu.memory_space<hbm>> -> memref<1x640x128xf32, #tpu.memory_space<hbm>>
      %dma_wait3A_465 = tpu.memref_squeeze %dma_wait3A_464 : memref<1x640x128xf32, #tpu.memory_space<hbm>> -> memref<640x128xf32, #tpu.memory_space<hbm>>
      %dma_wait3A_466 = arith.constant 0 : i32
      %dma_wait3A_467 = tpu.memref_slice %arg9[%mul3A_8, %dma_wait3A_466] : memref<10240x128xf32, #tpu.memory_space<vmem_shared>> -> memref<640x128xf32, #tpu.memory_space<vmem_shared>>
      tpu.wait_dma2 semaphore(%run_scoped3A : memref<!tpu.dma_semaphore, #tpu.memory_space<semaphore_mem>>) src(%dma_wait3A_467 : memref<640x128xf32, #tpu.memory_space<vmem_shared>>) dst(%dma_wait3A_465 : memref<640x128xf32, #tpu.memory_space<hbm>>)
      tpu.yield
    }) : () -> ()
    return
  }
}

module attributes {stable_mosaic.version = 14 : i64} {
  func.func @_prep_body(%arg0: i32, %arg1: memref<1000x32xf32, #tpu.memory_space<vmem>>, %arg2: memref<1000x128xf32, #tpu.memory_space<vmem>>, %arg3: memref<128x128xf32, #tpu.memory_space<vmem>>, %arg4: memref<1000x128xf32, #tpu.memory_space<vmem>>) attributes {dimension_semantics = [#tpu.dimension_semantics<arbitrary>], iteration_bounds = array<i64: 10>, scalar_prefetch = 0 : i64, scratch_operands = 0 : i64, tpu.core_type = #tpu.core_type<tc>, window_params = [{transform_indices = @transform_0, window_bounds = array<i64: 1000, 32>}, {transform_indices = @transform_1, window_bounds = array<i64: 1000, 128>}, {pipeline_mode = #tpu.pipeline_mode<synchronous>, transform_indices = @transform_2, window_bounds = array<i64: 128, 128>}, {transform_indices = @transform_3, window_bounds = array<i64: 1000, 128>}]} {
    %get3A = arith.constant 0 : index
    %get3A_0 = arith.constant 0 : index
    %get3A_1 = vector.load %arg1[%get3A, %get3A_0] : memref<1000x32xf32, #tpu.memory_space<vmem>>, vector<1000x32xf32>
    %reduce_sum3A = arith.constant dense<0.000000e+00> : vector<1000xf32>
    %reduce_sum3A_2 = vector.multi_reduction <add>, %get3A_1, %reduce_sum3A [1] : vector<1000x32xf32> to vector<1000xf32>
    %broadcast_in_dim3A = vector.shape_cast %reduce_sum3A_2 : vector<1000xf32> to vector<1000x1xf32>
    %add3A = arith.constant 1.000000e+00 : f32
    %add3A_3 = vector.broadcast %add3A : f32 to vector<1000x1xf32>
    %add3A_4 = arith.addf %broadcast_in_dim3A, %add3A_3 : vector<1000x1xf32>
    %rsqrt3A = math.rsqrt %add3A_4 : vector<1000x1xf32>
    %get3A_5 = arith.constant 0 : index
    %get3A_6 = arith.constant 0 : index
    %get3A_7 = vector.load %arg2[%get3A_5, %get3A_6] : memref<1000x128xf32, #tpu.memory_space<vmem>>, vector<1000x128xf32>
    %get3A_8 = arith.constant 0 : index
    %get3A_9 = arith.constant 0 : index
    %get3A_10 = vector.load %arg3[%get3A_8, %get3A_9] : memref<128x128xf32, #tpu.memory_space<vmem>>, vector<128x128xf32>
    %dot_general3A = arith.constant dense<0.000000e+00> : vector<1000x128xf32>
    %dot_general3A_11 = tpu.matmul %get3A_7, %get3A_10, %dot_general3A {dimension_numbers = #tpu.dot_dimension_numbers<[1], [0], [0], [1], [0, 0, 1, 1], [], []>, transpose_lhs_hint = false} : vector<1000x128xf32>, vector<128x128xf32>, vector<1000x128xf32> -> vector<1000x128xf32>
    %mul3A = vector.broadcast %rsqrt3A : vector<1000x1xf32> to vector<1000x128xf32>
    %mul3A_12 = arith.mulf %dot_general3A_11, %mul3A : vector<1000x128xf32>
    %swap3A = arith.constant 0 : index
    %swap3A_13 = arith.constant 0 : index
    %swap3A_14 = vector.load %arg4[%swap3A, %swap3A_13] : memref<1000x128xf32, #tpu.memory_space<vmem>>, vector<1000x128xf32>
    tpu.vector_store %arg4[%swap3A, %swap3A_13], %mul3A_12 {strides = array<i32>} : memref<1000x128xf32, #tpu.memory_space<vmem>>, vector<1000x128xf32>,
    return
  }
  func.func @transform_0(%arg0: i32) -> (i32, i32) {
    %c0_i32 = arith.constant 0 : i32
    %c0_i32_0 = arith.constant 0 : i32
    return %arg0, %c0_i32 : i32, i32
  }
  func.func @transform_1(%arg0: i32) -> (i32, i32) {
    %c0_i32 = arith.constant 0 : i32
    %c0_i32_0 = arith.constant 0 : i32
    return %arg0, %c0_i32 : i32, i32
  }
  func.func @transform_2(%arg0: i32) -> (i32, i32) {
    %c0_i32 = arith.constant 0 : i32
    %c0_i32_0 = arith.constant 0 : i32
    %c0_i32_1 = arith.constant 0 : i32
    return %c0_i32, %c0_i32_0 : i32, i32
  }
  func.func @transform_3(%arg0: i32) -> (i32, i32) {
    %c0_i32 = arith.constant 0 : i32
    %c0_i32_0 = arith.constant 0 : i32
    return %arg0, %c0_i32 : i32, i32
  }
}

module attributes {stable_mosaic.version = 14 : i64} {
  func.func @_mid_body(%arg0: i32, %arg1: memref<1024x32xf32, #tpu.memory_space<vmem>>, %arg2: memref<2x1024x128xf32, #tpu.memory_space<vmem>>, %arg3: memref<1024x128xf32, #tpu.memory_space<vmem>>, %arg4: memref<1x128xf32, #tpu.memory_space<vmem>>, %arg5: memref<128x128xf32, #tpu.memory_space<vmem>>, %arg6: memref<1024x128xf32, #tpu.memory_space<vmem>>) attributes {dimension_semantics = [#tpu.dimension_semantics<arbitrary>], iteration_bounds = array<i64: 10>, scalar_prefetch = 0 : i64, scratch_operands = 0 : i64, tpu.core_type = #tpu.core_type<tc>, window_params = [{transform_indices = @transform_0, window_bounds = array<i64: 1024, 32>}, {transform_indices = @transform_1, window_bounds = array<i64: 2, 1024, 128>}, {transform_indices = @transform_2, window_bounds = array<i64: 1024, 128>}, {pipeline_mode = #tpu.pipeline_mode<synchronous>, transform_indices = @transform_3, window_bounds = array<i64: 1, 128>}, {pipeline_mode = #tpu.pipeline_mode<synchronous>, transform_indices = @transform_4, window_bounds = array<i64: 128, 128>}, {transform_indices = @transform_5, window_bounds = array<i64: 1024, 128>}]} {
    %get3A = arith.constant 0 : index
    %get3A_0 = arith.constant 0 : index
    %get3A_1 = vector.load %arg1[%get3A, %get3A_0] : memref<1024x32xf32, #tpu.memory_space<vmem>>, vector<1024x32xf32>
    %reduce_sum3A = arith.constant dense<0.000000e+00> : vector<1024xf32>
    %reduce_sum3A_2 = vector.multi_reduction <add>, %get3A_1, %reduce_sum3A [1] : vector<1024x32xf32> to vector<1024xf32>
    %broadcast_in_dim3A = vector.shape_cast %reduce_sum3A_2 : vector<1024xf32> to vector<1024x1xf32>
    %add3A = arith.constant 1.000000e+00 : f32
    %add3A_3 = vector.broadcast %add3A : f32 to vector<1024x1xf32>
    %add3A_4 = arith.addf %broadcast_in_dim3A, %add3A_3 : vector<1024x1xf32>
    %rsqrt3A = math.rsqrt %add3A_4 : vector<1024x1xf32>
    %get3A_5 = arith.constant 0 : index
    %get3A_6 = arith.constant 0 : index
    %get3A_7 = arith.constant 0 : index
    %get3A_8 = vector.load %arg2[%get3A_5, %get3A_6, %get3A_7] : memref<2x1024x128xf32, #tpu.memory_space<vmem>>, vector<1x1024x128xf32>
    %get3A_9 = vector.shape_cast %get3A_8 : vector<1x1024x128xf32> to vector<1024x128xf32>
    %get3A_10 = arith.constant 1 : index
    %get3A_11 = arith.constant 0 : index
    %get3A_12 = arith.constant 0 : index
    %get3A_13 = vector.load %arg2[%get3A_10, %get3A_11, %get3A_12] : memref<2x1024x128xf32, #tpu.memory_space<vmem>>, vector<1x1024x128xf32>
    %get3A_14 = vector.shape_cast %get3A_13 : vector<1x1024x128xf32> to vector<1024x128xf32>
    %add3A_15 = arith.addf %get3A_9, %get3A_14 : vector<1024x128xf32>
    %get3A_16 = arith.constant 0 : index
    %get3A_17 = arith.constant 0 : index
    %get3A_18 = vector.load %arg3[%get3A_16, %get3A_17] : memref<1024x128xf32, #tpu.memory_space<vmem>>, vector<1024x128xf32>
    %add3A_19 = arith.addf %add3A_15, %get3A_18 : vector<1024x128xf32>
    %mul3A = vector.broadcast %rsqrt3A : vector<1024x1xf32> to vector<1024x128xf32>
    %mul3A_20 = arith.mulf %mul3A, %add3A_19 : vector<1024x128xf32>
    %get3A_21 = arith.constant 0 : index
    %get3A_22 = arith.constant 0 : index
    %get3A_23 = vector.load %arg4[%get3A_21, %get3A_22] : memref<1x128xf32, #tpu.memory_space<vmem>>, vector<1x128xf32>
    %add3A_24 = vector.broadcast %get3A_23 : vector<1x128xf32> to vector<1024x128xf32>
    %add3A_25 = arith.addf %mul3A_20, %add3A_24 : vector<1024x128xf32>
    %max3A = arith.constant 0.000000e+00 : f32
    %max3A_26 = vector.broadcast %max3A : f32 to vector<1024x128xf32>
    %max3A_27 = arith.maximumf %add3A_25, %max3A_26 : vector<1024x128xf32>
    %get3A_28 = arith.constant 0 : index
    %get3A_29 = arith.constant 0 : index
    %get3A_30 = vector.load %arg5[%get3A_28, %get3A_29] : memref<128x128xf32, #tpu.memory_space<vmem>>, vector<128x128xf32>
    %dot_general3A = arith.constant dense<0.000000e+00> : vector<1024x128xf32>
    %dot_general3A_31 = tpu.matmul %max3A_27, %get3A_30, %dot_general3A {dimension_numbers = #tpu.dot_dimension_numbers<[1], [0], [0], [1], [0, 0, 1, 1], [], []>, transpose_lhs_hint = false} : vector<1024x128xf32>, vector<128x128xf32>, vector<1024x128xf32> -> vector<1024x128xf32>
    %mul3A_32 = vector.broadcast %rsqrt3A : vector<1024x1xf32> to vector<1024x128xf32>
    %mul3A_33 = arith.mulf %dot_general3A_31, %mul3A_32 : vector<1024x128xf32>
    %swap3A = arith.constant 0 : index
    %swap3A_34 = arith.constant 0 : index
    %swap3A_35 = vector.load %arg6[%swap3A, %swap3A_34] : memref<1024x128xf32, #tpu.memory_space<vmem>>, vector<1024x128xf32>
    tpu.vector_store %arg6[%swap3A, %swap3A_34], %mul3A_33 {strides = array<i32>} : memref<1024x128xf32, #tpu.memory_space<vmem>>, vector<1024x128xf32>,
    return
  }
  func.func @transform_0(%arg0: i32) -> (i32, i32) {
    %c0_i32 = arith.constant 0 : i32
    %c0_i32_0 = arith.constant 0 : i32
    return %arg0, %c0_i32 : i32, i32
  }
  func.func @transform_1(%arg0: i32) -> (i32, i32, i32) {
    %c0_i32 = arith.constant 0 : i32
    %c0_i32_0 = arith.constant 0 : i32
    %c0_i32_1 = arith.constant 0 : i32
    return %c0_i32, %arg0, %c0_i32_0 : i32, i32, i32
  }
  func.func @transform_2(%arg0: i32) -> (i32, i32) {
    %c0_i32 = arith.constant 0 : i32
    %c0_i32_0 = arith.constant 0 : i32
    return %arg0, %c0_i32 : i32, i32
  }
  func.func @transform_3(%arg0: i32) -> (i32, i32) {
    %c0_i32 = arith.constant 0 : i32
    %c0_i32_0 = arith.constant 0 : i32
    %c0_i32_1 = arith.constant 0 : i32
    return %c0_i32, %c0_i32_0 : i32, i32
  }
  func.func @transform_4(%arg0: i32) -> (i32, i32) {
    %c0_i32 = arith.constant 0 : i32
    %c0_i32_0 = arith.constant 0 : i32
    %c0_i32_1 = arith.constant 0 : i32
    return %c0_i32, %c0_i32_0 : i32, i32
  }
  func.func @transform_5(%arg0: i32) -> (i32, i32) {
    %c0_i32 = arith.constant 0 : i32
    %c0_i32_0 = arith.constant 0 : i32
    return %arg0, %c0_i32 : i32, i32
  }
}

module attributes {stable_mosaic.version = 14 : i64} {
  func.func @_fin_body(%arg0: i32, %arg1: memref<1000x32xf32, #tpu.memory_space<vmem>>, %arg2: memref<2x1000x128xf32, #tpu.memory_space<vmem>>, %arg3: memref<1000x128xf32, #tpu.memory_space<vmem>>, %arg4: memref<1x128xf32, #tpu.memory_space<vmem>>, %arg5: memref<1000x128xf32, #tpu.memory_space<vmem>>) attributes {dimension_semantics = [#tpu.dimension_semantics<arbitrary>], iteration_bounds = array<i64: 10>, scalar_prefetch = 0 : i64, scratch_operands = 0 : i64, tpu.core_type = #tpu.core_type<tc>, window_params = [{transform_indices = @transform_0, window_bounds = array<i64: 1000, 32>}, {transform_indices = @transform_1, window_bounds = array<i64: 2, 1000, 128>}, {transform_indices = @transform_2, window_bounds = array<i64: 1000, 128>}, {pipeline_mode = #tpu.pipeline_mode<synchronous>, transform_indices = @transform_3, window_bounds = array<i64: 1, 128>}, {transform_indices = @transform_4, window_bounds = array<i64: 1000, 128>}]} {
    %get3A = arith.constant 0 : index
    %get3A_0 = arith.constant 0 : index
    %get3A_1 = vector.load %arg1[%get3A, %get3A_0] : memref<1000x32xf32, #tpu.memory_space<vmem>>, vector<1000x32xf32>
    %reduce_sum3A = arith.constant dense<0.000000e+00> : vector<1000xf32>
    %reduce_sum3A_2 = vector.multi_reduction <add>, %get3A_1, %reduce_sum3A [1] : vector<1000x32xf32> to vector<1000xf32>
    %broadcast_in_dim3A = vector.shape_cast %reduce_sum3A_2 : vector<1000xf32> to vector<1000x1xf32>
    %add3A = arith.constant 1.000000e+00 : f32
    %add3A_3 = vector.broadcast %add3A : f32 to vector<1000x1xf32>
    %add3A_4 = arith.addf %broadcast_in_dim3A, %add3A_3 : vector<1000x1xf32>
    %rsqrt3A = math.rsqrt %add3A_4 : vector<1000x1xf32>
    %get3A_5 = arith.constant 0 : index
    %get3A_6 = arith.constant 0 : index
    %get3A_7 = arith.constant 0 : index
    %get3A_8 = vector.load %arg2[%get3A_5, %get3A_6, %get3A_7] : memref<2x1000x128xf32, #tpu.memory_space<vmem>>, vector<1x1000x128xf32>
    %get3A_9 = vector.shape_cast %get3A_8 : vector<1x1000x128xf32> to vector<1000x128xf32>
    %get3A_10 = arith.constant 1 : index
    %get3A_11 = arith.constant 0 : index
    %get3A_12 = arith.constant 0 : index
    %get3A_13 = vector.load %arg2[%get3A_10, %get3A_11, %get3A_12] : memref<2x1000x128xf32, #tpu.memory_space<vmem>>, vector<1x1000x128xf32>
    %get3A_14 = vector.shape_cast %get3A_13 : vector<1x1000x128xf32> to vector<1000x128xf32>
    %add3A_15 = arith.addf %get3A_9, %get3A_14 : vector<1000x128xf32>
    %get3A_16 = arith.constant 0 : index
    %get3A_17 = arith.constant 0 : index
    %get3A_18 = vector.load %arg3[%get3A_16, %get3A_17] : memref<1000x128xf32, #tpu.memory_space<vmem>>, vector<1000x128xf32>
    %add3A_19 = arith.addf %add3A_15, %get3A_18 : vector<1000x128xf32>
    %mul3A = vector.broadcast %rsqrt3A : vector<1000x1xf32> to vector<1000x128xf32>
    %mul3A_20 = arith.mulf %mul3A, %add3A_19 : vector<1000x128xf32>
    %get3A_21 = arith.constant 0 : index
    %get3A_22 = arith.constant 0 : index
    %get3A_23 = vector.load %arg4[%get3A_21, %get3A_22] : memref<1x128xf32, #tpu.memory_space<vmem>>, vector<1x128xf32>
    %add3A_24 = vector.broadcast %get3A_23 : vector<1x128xf32> to vector<1000x128xf32>
    %add3A_25 = arith.addf %mul3A_20, %add3A_24 : vector<1000x128xf32>
    %max3A = arith.constant 0.000000e+00 : f32
    %max3A_26 = vector.broadcast %max3A : f32 to vector<1000x128xf32>
    %max3A_27 = arith.maximumf %add3A_25, %max3A_26 : vector<1000x128xf32>
    %swap3A = arith.constant 0 : index
    %swap3A_28 = arith.constant 0 : index
    %swap3A_29 = vector.load %arg5[%swap3A, %swap3A_28] : memref<1000x128xf32, #tpu.memory_space<vmem>>, vector<1000x128xf32>
    tpu.vector_store %arg5[%swap3A, %swap3A_28], %max3A_27 {strides = array<i32>} : memref<1000x128xf32, #tpu.memory_space<vmem>>, vector<1000x128xf32>,
    return
  }
  func.func @transform_0(%arg0: i32) -> (i32, i32) {
    %c0_i32 = arith.constant 0 : i32
    %c0_i32_0 = arith.constant 0 : i32
    return %arg0, %c0_i32 : i32, i32
  }
  func.func @transform_1(%arg0: i32) -> (i32, i32, i32) {
    %c0_i32 = arith.constant 0 : i32
    %c0_i32_0 = arith.constant 0 : i32
    %c0_i32_1 = arith.constant 0 : i32
    return %c0_i32, %arg0, %c0_i32_0 : i32, i32, i32
  }
  func.func @transform_2(%arg0: i32) -> (i32, i32) {
    %c0_i32 = arith.constant 0 : i32
    %c0_i32_0 = arith.constant 0 : i32
    return %arg0, %c0_i32 : i32, i32
  }
  func.func @transform_3(%arg0: i32) -> (i32, i32) {
    %c0_i32 = arith.constant 0 : i32
    %c0_i32_0 = arith.constant 0 : i32
    %c0_i32_1 = arith.constant 0 : i32
    return %c0_i32, %c0_i32_0 : i32, i32
  }
  func.func @transform_4(%arg0: i32) -> (i32, i32) {
    %c0_i32 = arith.constant 0 : i32
    %c0_i32_0 = arith.constant 0 : i32
    return %arg0, %c0_i32 : i32, i32
  }
}

</mosaic_0001>

<sc_bundles>
// kernel: kernel.10.cloned.1.call-start
scs
__scs_entry_jumppad:
0x0: {  	(pc) =	sbr.rel $0x88, $3  }
0x1: {  	(tag) =	ssettag $0x0;
	lr =	simm.s32 $0x1  }
0x2: {  	[smem:$0x3F99] =	sst lr;
	_ =	strace $0xD0000000  }
0x3: {  	_ = 	snop  }
0x4: {  	_ = 	snop  }
0x5: {  	_ = 	snop  }
0x6: {  	_ = 	snop  }
0x7: {  	_ = 	snop  }
__scs_overlays_trampoline_lowered:
0x8: {  	[smem:$0x3FA8] =	sst s0  }
0x9: {  	[smem:$0x3FA9] =	sst s1  }
0xa: {  	[smem:$0x3FAA] =	sst s2  }
0xb: {  	[smem:$0x3FAB] =	sst s3  }
0xc: {  	[smem:$0x3FAC] =	sst s4  }
0xd: {  	[smem:$0x3FAD] =	sst s5  }
0xe: {  	[smem:$0x3FAE] =	sst s6  }
0xf: {  	[smem:$0x3FAF] =	sst s7  }
0x10: {  	[smem:$0x3FB0] =	sst s8  }
0x11: {  	[smem:$0x3FB1] =	sst s9;
	s0 =	simm.s32 @!p0 $0x0  }
0x12: {  	s1 =	sld [smem:$0x3F97];
	s0 =	simm.s32 @p0 $0x1  }
0x13: {  	[smem:$0x3FB2] =	sst s0;
	s0 =	simm.s32 @!p1 $0x0  }
0x14: {  	s2 =	sld [smem:$0x3F96];
	s0 =	simm.s32 @p1 $0x1  }
0x15: {  	[smem:$0x3FB3] =	sst s0;
	s0 =	simm.s32 @!p2 $0x0  }
0x16: {  	s3 =	sld [smem:$0x3FDB];
	s0 =	simm.s32 @p2 $0x1  }
0x17: {  	s4 =	simm.s32 $0x1BF5;
	[smem:$0x3FB5] =	sst s0  }
0x18: {  	s0 =	sld [smem:$0x3F98];
	_ =	swait.ge [sflag:s4], $0x0  }
0x19: {  	s7 =	sld [smem:$0x3F99]  }
0x1a: {  	s8 =	sadd.s32 $0xFFFFE003, lr  }
0x1b: {  	s9 =	sadd.s32 $0xFFFFFEF7, lr;
	s5 =	simm.s32 $0xFFFFFFFF;
	p2 =	slt.u32 s8, $0xFFFFF086  }
0x1c: {  	p1 =	slt.u32 s9, $0xF7A;
	s5 =	simm.s32 @!p2 $0x0  }
0x1d: {  	s5 =	simm.s32 @p1 $0x1;
	p0 =	seq.s32 s7, s2  }
0x1e: {  	s7 =	smul.u32 @!p0 $0xF7A, s2;
	p2 =	seq.s32 @!p0 s5, $0x0  }
0x1f: {  	s9 =	smul.u32 $0xF7A, s1;
	s8 =	simm.s32 @!p0 $0x1BF5;
	p2 =	por !p2, p0  }
0x20: {  	[sflag:s8] =	ssyncset.s32 @!p0 $0xFFFFF086;
	s6 =	sadd.s32 @!p0 s3, s7;
	s7 =	simm.s32 @!p0 $0x108  }
0x21: {  	s3 =	sadd.s32 s3, s9;
	s6 =	sadd.s32 @!p0 $0x88, s6;
	s7 =	simm.s32 @p2 $0x1082  }
0x22: {  	[simem:s7], [sflag:s8] =	dma.local @!p0 [hbm:s6], $0xF7A  }
0x23: {  	s9 =	sor.u32 $0xD0000000, s2;
	s6 =	simm.s32 $0x108;
	_ =	swait.ge @!p0 [sflag:s8], $0x0  }
0x24: {  	s3 =	sadd.s32 $0x88, s3;
	s6 =	simm.s32 @!p1 $0x1082;
	[sflag:s4] =	ssyncset.s32 $0xFFFFF086  }
0x25: {  	[simem:s6], [sflag:s4] =	dma.local [hbm:s3], $0xF7A  }
0x26: {  	[smem:$0x3F99] =	sst s1;
	(tag) =	ssettag s2;
	_ =	strace s9  }
0x27: {  	s1 =	sld [smem:$0x3FA9]  }
0x28: {  	s2 =	sld [smem:$0x3FAA]  }
0x29: {  	s4 =	sld [smem:$0x3FAC]  }
0x2a: {  	p0 =	seq.s32 s5, $0x0;
	s5 =	sld [smem:$0x3FAD]  }
0x2b: {  	s6 =	sld [smem:$0x3FAE]  }
0x2c: {  	s7 =	sld [smem:$0x3FAF]  }
0x2d: {  	s3 =	simm.s32 $0x108;
	s8 =	sld [smem:$0x3FB0]  }
0x2e: {  	s3 =	simm.s32 @!p0 $0x1082;
	s9 =	sld [smem:$0x3FB1]  }
0x2f: {  	lr =	sadd.s32 s0, s3;
	s0 =	sld [smem:$0x3FA8]  }
0x30: {  	s3 =	sld [smem:$0x3FAB]  }
0x31: {  	[smem:$0x3FB4] =	sst s10  }
0x32: {  	s10 =	sld [smem:$0x3FB2];
	_ =	sdelay $0x3  }
0x33: {  	p0 =	seq.s32 s10, $0x1;
	s10 =	sld [smem:$0x3FB4];
	_ =	sdelay $0x3  }
0x34: {  	[smem:$0x3FB4] =	sst s10  }
0x35: {  	s10 =	sld [smem:$0x3FB3];
	_ =	sdelay $0x3  }
0x36: {  	p1 =	seq.s32 s10, $0x1;
	s10 =	sld [smem:$0x3FB4];
	_ =	sdelay $0x3  }
0x37: {  	[smem:$0x3FB4] =	sst s10  }
0x38: {  	s10 =	sld [smem:$0x3FB5]  }
0x39: {  	_ = 	snop;
	(pc) =	sbr.ind lr, $3  }
0x3a: {  	_ = 	snop  }
0x3b: {  	_ = 	snop  }
0x3c: {  	p2 =	seq.s32 s10, $0x1;
	s10 =	sld [smem:$0x3FB4]  }
0x3d: {  	_ =	shalt  }
0x3e: {  	_ =	shalt  }
0x3f: {  	_ =	shalt  }
0x40: {  	_ =	shalt  }
0x41: {  	_ =	shalt  }
0x42: {  	_ =	shalt  }
0x43: {  	_ =	shalt  }
0x44: {  	_ =	shalt  }
0x45: {  	_ =	shalt  }
0x46: {  	_ =	shalt  }
0x47: {  	_ =	shalt  }
0x48: {  	_ =	shalt  }
0x49: {  	_ =	shalt  }
0x4a: {  	_ =	shalt  }
0x4b: {  	_ =	shalt  }
0x4c: {  	_ =	shalt  }
0x4d: {  	_ =	shalt  }
0x4e: {  	_ =	shalt  }
0x4f: {  	_ =	shalt  }
0x50: {  	_ =	shalt  }
0x51: {  	_ =	shalt  }
0x52: {  	_ =	shalt  }
0x53: {  	_ =	shalt  }
0x54: {  	_ =	shalt  }
0x55: {  	_ =	shalt  }
0x56: {  	_ =	shalt  }
0x57: {  	_ =	shalt  }
0x58: {  	_ =	shalt  }
0x59: {  	_ =	shalt  }
0x5a: {  	_ =	shalt  }
0x5b: {  	_ =	shalt  }
0x5c: {  	_ =	shalt  }
0x5d: {  	_ =	shalt  }
0x5e: {  	_ =	shalt  }
0x5f: {  	_ =	shalt  }
0x60: {  	_ =	shalt  }
0x61: {  	_ =	shalt  }
0x62: {  	_ =	shalt  }
0x63: {  	_ =	shalt  }
0x64: {  	_ =	shalt  }
0x65: {  	_ =	shalt  }
0x66: {  	_ =	shalt  }
0x67: {  	_ =	shalt  }
0x68: {  	_ =	shalt  }
0x69: {  	_ =	shalt  }
0x6a: {  	_ =	shalt  }
0x6b: {  	_ =	shalt  }
0x6c: {  	_ =	shalt  }
0x6d: {  	_ =	shalt  }
0x6e: {  	_ =	shalt  }
0x6f: {  	_ =	shalt  }
0x70: {  	_ =	shalt  }
0x71: {  	_ =	shalt  }
0x72: {  	_ =	shalt  }
0x73: {  	_ =	shalt  }
0x74: {  	_ =	shalt  }
0x75: {  	_ =	shalt  }
0x76: {  	_ =	shalt  }
0x77: {  	_ =	shalt  }
0x78: {  	_ =	shalt  }
0x79: {  	_ =	shalt  }
0x7a: {  	_ =	shalt  }
0x7b: {  	_ =	shalt  }
0x7c: {  	_ =	shalt  }
0x7d: {  	_ =	shalt  }
0x7e: {  	_ =	shalt  }
0x7f: {  	_ =	shalt  }
0x80: {  	_ =	shalt  }
0x81: {  	_ =	shalt  }
0x82: {  	_ =	shalt  }
0x83: {  	_ =	shalt  }
0x84: {  	_ =	shalt  }
0x85: {  	_ =	shalt  }
0x86: {  	_ =	shalt  }
0x87: {  	_ =	shalt  }
.Lfunc_end0:
.L_simem_size_0:
called_computation_lowered:
.L_overlay_start_0:
0x88: {  	s2 =	sld [smem:$0x3FD9]  }
0x89: {  	s3 =	sld [smem:$0x3FFE];
	_ =	sdelay $0x1  }
0x8a: {  	s1 =	srdreg.scid  }
0x8b: {  	s0 =	sand.u32 $0x1, s1  }
0x8c: {  	s16 =	sshll.u32 s0, $0xA;
	s2 =	sadd.s32 s3, s2  }
0x8d: {  	s2 =	sadd.s32 s2, s16  }
0x8e: {  	[smem:$0x3FC0] =	sst s2  }
0x8f: {  	_ = 	snop  }
0x90: {  	(tm) =	ssettm $0x1  }
0x91: {  	s17 =	sld [smem:$0x3FFB];
	_ =	sdelay $0x3  }
0x92: {  	_ =	strace s17  }
0x93: {  	s2 =	sld [smem:$0x3FFC];
	_ =	sdelay $0x3  }
0x94: {  	_ =	strace s2  }
0x95: {  	s2 =	sld [smem:$0x3FFD];
	_ =	sdelay $0x3  }
0x96: {  	_ =	strace s2  }
0x97: {  	_ =	strace $0x8FFFFFFF  }
0x98: {  	s18 =	sld [smem:$0x3FDB];
	_ =	sdelay $0x1  }
0x99: {  	s19 =	simm.s32 $_scs_section_size  }
0x9a: {  	s4 =	simm.s32 $_size__tile_overlayer_lowered;
	s5 =	simm.s32 $_tile_overlayer_lowered  }
0x9b: {  	s22 =	simm.s32 $0x1BFF;
	s21 =	sshll.u32 s5, $0x1;
	s2 =	sadd.s32 s19, s18  }
0x9c: {  	s6 =	simm.s32 $0x0;
	s20 =	sshll.u32 s4, $0x1;
	s4 =	sadd.s32 s21, s2  }
0x9d: {  	[timem:s6], [sflag:s22] =	dma.local [hbm:s4], s20  }
0x9e: {  	_ =	swait.ge [sflag:s22], s20  }
0x9f: {  	s3 =	ssub.s32 $0x0, s20;
	[sflag:s22] =	ssyncset.done $0x0  }
0xa0: {  	[sflag:s22] =	ssyncadd.s32 s3;
	_ =	sdelay $0x1  }
0xa1: {  	s23 =	simm.s32 $0x1B8B  }
0xa2: {  	_ =	swait.ge [sflag:s23], $0x1  }
0xa3: {  	[sflag:s23] =	ssyncset.done $0x0  }
0xa4: {  	s25 =	simm.s32 $0x1B8E;
	s24 =	sld [smem:$0x3FFE];
	[sflag:s23] =	ssyncadd.s32 $0xFFFFFFFF  }
0xa5: {  	s26 =	simm.s32 $execute0_lowered;
	[smem:$0x3FD2] =	sst s25  }
0xa6: {  	s4 =	sshll.u32 s26, $0x1;
	_ =	strace $0x80000046;
	[dreg:$0x1] =	wrdreg $0xFFFFFFFF  }
0xa7: {  	s28 =	simm.s32 $_size_execute0_lowered;
	s2 =	sadd.s32 s2, s4;
	[dreg:$0x0] =	wrdreg $0x0  }
0xa8: {  	s4 =	sshll.u32 s28, $0x1;
	[dreg:$0x2] =	wrdreg s2  }
0xa9: {  	[dreg:$0x3] =	wrdreg s4  }
0xaa: {  	[dreg:$0x4] =	wrdreg $0xC0  }
0xab: {  	_ =	task [dreg:s6], $0x5FFFF  }
0xac: {  	[dreg:$0x1] =	wrdreg $0xFFFFFFFF  }
0xad: {  	[dreg:$0x0] =	wrdreg $0x60  }
0xae: {  	[dreg:$0x2] =	wrdreg s24  }
0xaf: {  	[dreg:$0x3] =	wrdreg $0x9  }
0xb0: {  	_ =	task.clear_ibuf [dreg:s6], $0x4FFFF;
	_ =	strace $0x90000046  }
0xb1: {  	s29 =	simm.s32 $0x9;
	_ =	strace $0x80000048  }
0xb2: {  	_ =	swait.ge [sflag:s29], $0x1  }
0xb3: {  	[sflag:s29] =	ssyncadd.s32 $0xFFFFFFFF  }
0xb4: {  	_ =	strace $0x90000048  }
0xb5: {  	_ =	sfence  }
0xb6: {  	s30 =	sld [smem:$0x0];
	_ =	sdelay $0x2  }
0xb7: {  	s31 =	sshll.u32 s1, $0xD;
	s1 =	sshrl.u32 s1, $0x2  }
0xb8: {  	s3 =	sand.u32 $0x4000, s31;
	s1 =	sadd.s32 s1, s30  }
0xb9: {  	s0 =	sor.u32 s3, s0;
	s1 =	sshll.u32 s1, $0x11  }
0xba: {  	s0 =	sor.u32 s1, s0  }
0xbb: {  	s0 =	sadd.s32 $0x8F2B, s0  }
0xbc: {  	[sflag:s0] =	ssyncadd.remote.s32 $0x1  }
0xbd: {  	_ =	sfence.sel $0xFFFF  }
0xbe: {  	[dreg:$0x0] =	wrdreg $0xFFFFFFFF;
	(pc) =	sbr.abs _section_cstart, $3  }
0xbf: {  	[dreg:$0x1] =	wrdreg $0xFFFFFFFF  }
0xc0: {  	_ =	task.clear_ibuf [dreg:s6], $0x2FFFF;
	_ =	strace $0x9FFFFFFF  }
0xc1: {  	(tm) =	ssettm $0x7FFFFFFF  }
tec
execute0_lowered:
.L_overlay_start_1:
0x0: {  	(tag) =	ssettag $0x1  }
0x1: {  	s0 =	srdreg.scid  }
0x2: {  	s3 =	sand.u32 $0x1, s0  }
0x3: {  	s4 =	rddreg [dreg:$0x0];
	s0 =	stileid.u32;
	s1 =	sshll.u32 s3, $0x4  }
0x4: {  	s2 =	simm.s32 $0x0;
	s8 =	simm.s32 $0x80;
	s5 =	sor.u32 s0, s1  }
0x5: {  	s9 =	simm.s32 $0x400;
	[smem:$0x7FF] =	sst s2;
	s6 =	sshrl.u32 s5, $0x3  }
0x6: {  	s7 =	sshll.u32 s0, $0x7;
	s3 =	ssub.s32 $0x2, s3;
	s6 =	smul.u32 $0x14000, s6  }
0x7: {  	s1 =	rddreg [dreg:$0x1];
	s7 =	sand.u32 $0x380, s7;
	s5 =	smul.u32 $0x4E2, s5  }
0x8: {  	_ =	strace $0x80000047;
	s30 =	sshrl.u32 s3, $0x1;
	s6 =	sor.u32 s7, s6  }
0x9: {  	s31 =	ssub.s32 s3, s30;
	s5 =	sadd.s32 s5, s4;
	s6 =	sshrl.u32 s6, $0x3  }
0xa: {  	s3 =	sadd.s32 $0x2C00, s5;
	s5 =	smax.u32 s31, $0x1;
	s4 =	sadd.s32 s6, s4  }
0xb: {  	v0 =	vimm.f32 $0.0e+00;
	v1 =	vimm.f32 $1.000000000e+00;
	s7 =	simm.s32 $0x2780;
	s6 =	simm.s32 $0x1;
	s4 =	sadd.s32 $0xCA00, s4  }
.LBB2_1:
0xc: {  	s10 =	simm.s32 $0x40;
	s11 =	simm.s32 $0x0  }
.LBB2_2:
0xd: {  	p0 =	sne.s32 s10, $0x9FC0;
	[tilespmem:s11+$0x2780] =	vst v0;
	s11 =	smov.u32 s10;
	s10 =	sadd.s32 $0x40, s10  }
.Ltmp0:
0xe: {  	(pc) =	sbr.rel @p0 .LBB2_2-.Ltmp0, $2  }
0xf: {  	_ =	sdelay $0x2  }
0x10: {  	s11 =	sshra.s32 s11, $0x2  }
0x11: {  	[tilespmem:s11+$0x2780] =	vst v0;
	s10 =	simm.s32 $0x0  }
0x12: {  	[tilespmem:s10], [sflag:$0x1] =	stream.linear.gather [hbm4b:s3+s10], $0x2710, $0x38;
	[tilespmem:$0x4F80] =	vst v63  }
0x13: {  	_ =	swait.ge [sflag:s6], $0x2710  }
0x14: {  	[sflag:s6] =	ssyncset.done $0x0  }
0x15: {  	s11 =	simm.s32 $0x0;
	s10 =	simm.s32 $0x40;
	[sflag:s6] =	ssyncadd.s32 $0xFFFFD8F0  }
.LBB2_4:
0x16: {  	p0 =	sne.s32 s10, $0x9C00;
	v2 =	vld [tilespmem:s11+$0x0];
	_ =	sdelay $0x3  }
.Ltmp1:
0x17: {  	(pc) =	sbr.rel @p0 .LBB2_4-.Ltmp1, $2  }
0x18: {  	_ =	sdelay $0x2  }
0x19: {  	s11 =	sshra.s32 s10, $0x2;
	s10 =	sadd.s32 $0x40, s10;
	[tilespmem:v2+s7+$0x0] =	vst.idx.add.f32.msk $0xffff, v1  }
0x1a: {  	v2 =	vld [tilespmem:s11+$0x0];
	_ =	sdelay $0x5  }
0x1b: {  	s2 =	sadd.s32 $0x1, s2  }
0x1c: {  	p0 =	sne.s32 s2, s5  }
.Ltmp2:
0x1d: {  	[tilespmem:v2+s7+$0x0] =	vst.idx.add.f32.msk $0xffff, v1;
	(pc) =	sbr.rel @p0 .LBB2_1-.Ltmp2, $4  }
0x1e: {  	[hbm4b:s4+s8] =	stream.strided.scatter [tilespmem:s7], [sflag:$0x1], $0x2800, s9, s8, $0x38;
	[tilespmem:$0x4F80] =	vst v63  }
0x1f: {  	_ =	swait.ge [sflag:s6], $0x2800  }
0x20: {  	[sflag:s6] =	ssyncset.done $0x0  }
0x21: {  	[sflag:s6] =	ssyncadd.s32 $0xFFFFD800  }
0x22: {  	_ =	sfence.sel $0x180000  }
0x23: {  	[bflag:$0x0] =	sbarrier.arrive $0xFFFF  }
0x24: {  	p0 =	sne.s32 s0, $0x0;
	_ =	strace $0x90000047  }
0x25: {  	s0 =	sadd.s32 @!p0 $0x100000, s1;
	[bflag:$0x2] =	sbarrier.arrive $0xFFFF  }
0x26: {  	[sflag:s0] =	ssyncadd.tile.s32 @!p0 $0x1;
	_ =	shalt  }
.Lfunc_end2:
_tile_overlayer_lowered:
.L_overlay_start_2:
0x27: {  	(tag) =	ssettag $0x2  }
0x28: {  	s0 =	rddreg [dreg:$0x0];
	s2 =	stileid.u32  }
0x29: {  	s1 =	rddreg [dreg:$0x1];
	p0 =	sne.s32 s2, $0x0  }
0x2a: {  	s3 =	rddreg [dreg:$0x2];
	[bflag:$0x3] =	sbarrier.arrive $0xFFFF;
	s2 =	simm.s32 @!p0 $0x1C01  }
0x2b: {  	[timem:s3], [sflag:s2] =	dma.local @!p0 [hbm:s0], s1  }
0x2c: {  	s0 =	simm.s32 @!p0 $0x1  }
0x2d: {  	_ =	swait.ge @!p0 [sflag:s0], s1  }
0x2e: {  	s1 =	ssub.s32 @!p0 $0x0, s1;
	[sflag:s0] =	ssyncset.done @!p0 $0x0  }
0x2f: {  	[sflag:s0] =	ssyncadd.s32 @!p0 s1  }
0x30: {  	[bflag:$0x3] =	sbarrier.arrive $0xFFFF  }
0x31: {  	_ =	shalt  }

// kernel: kernel.13.cloned.1.call-start
scs
__scs_entry_jumppad:
0x0: {  	(pc) =	sbr.rel $0x88, $3  }
0x1: {  	(tag) =	ssettag $0x0;
	lr =	simm.s32 $0x1  }
0x2: {  	[smem:$0x3F99] =	sst lr;
	_ =	strace $0xD0000000  }
0x3: {  	_ = 	snop  }
0x4: {  	_ = 	snop  }
0x5: {  	_ = 	snop  }
0x6: {  	_ = 	snop  }
0x7: {  	_ = 	snop  }
__scs_overlays_trampoline_lowered:
0x8: {  	[smem:$0x3FA8] =	sst s0  }
0x9: {  	[smem:$0x3FA9] =	sst s1  }
0xa: {  	[smem:$0x3FAA] =	sst s2  }
0xb: {  	[smem:$0x3FAB] =	sst s3  }
0xc: {  	[smem:$0x3FAC] =	sst s4  }
0xd: {  	[smem:$0x3FAD] =	sst s5  }
0xe: {  	[smem:$0x3FAE] =	sst s6  }
0xf: {  	[smem:$0x3FAF] =	sst s7  }
0x10: {  	[smem:$0x3FB0] =	sst s8  }
0x11: {  	[smem:$0x3FB1] =	sst s9;
	s0 =	simm.s32 @!p0 $0x0  }
0x12: {  	s1 =	sld [smem:$0x3F97];
	s0 =	simm.s32 @p0 $0x1  }
0x13: {  	[smem:$0x3FB2] =	sst s0;
	s0 =	simm.s32 @!p1 $0x0  }
0x14: {  	s2 =	sld [smem:$0x3F96];
	s0 =	simm.s32 @p1 $0x1  }
0x15: {  	[smem:$0x3FB3] =	sst s0;
	s0 =	simm.s32 @!p2 $0x0  }
0x16: {  	s3 =	sld [smem:$0x3FDB];
	s0 =	simm.s32 @p2 $0x1  }
0x17: {  	s4 =	simm.s32 $0x1BF5;
	[smem:$0x3FB5] =	sst s0  }
0x18: {  	s0 =	sld [smem:$0x3F98];
	_ =	swait.ge [sflag:s4], $0x0  }
0x19: {  	s7 =	sld [smem:$0x3F99]  }
0x1a: {  	s8 =	sadd.s32 $0xFFFFE003, lr  }
0x1b: {  	s9 =	sadd.s32 $0xFFFFFEF7, lr;
	s5 =	simm.s32 $0xFFFFFFFF;
	p2 =	slt.u32 s8, $0xFFFFF086  }
0x1c: {  	p1 =	slt.u32 s9, $0xF7A;
	s5 =	simm.s32 @!p2 $0x0  }
0x1d: {  	s5 =	simm.s32 @p1 $0x1;
	p0 =	seq.s32 s7, s2  }
0x1e: {  	s7 =	smul.u32 @!p0 $0xF7A, s2;
	p2 =	seq.s32 @!p0 s5, $0x0  }
0x1f: {  	s9 =	smul.u32 $0xF7A, s1;
	s8 =	simm.s32 @!p0 $0x1BF5;
	p2 =	por !p2, p0  }
0x20: {  	[sflag:s8] =	ssyncset.s32 @!p0 $0xFFFFF086;
	s6 =	sadd.s32 @!p0 s3, s7;
	s7 =	simm.s32 @!p0 $0x108  }
0x21: {  	s3 =	sadd.s32 s3, s9;
	s6 =	sadd.s32 @!p0 $0x88, s6;
	s7 =	simm.s32 @p2 $0x1082  }
0x22: {  	[simem:s7], [sflag:s8] =	dma.local @!p0 [hbm:s6], $0xF7A  }
0x23: {  	s9 =	sor.u32 $0xD0000000, s2;
	s6 =	simm.s32 $0x108;
	_ =	swait.ge @!p0 [sflag:s8], $0x0  }
0x24: {  	s3 =	sadd.s32 $0x88, s3;
	s6 =	simm.s32 @!p1 $0x1082;
	[sflag:s4] =	ssyncset.s32 $0xFFFFF086  }
0x25: {  	[simem:s6], [sflag:s4] =	dma.local [hbm:s3], $0xF7A  }
0x26: {  	[smem:$0x3F99] =	sst s1;
	(tag) =	ssettag s2;
	_ =	strace s9  }
0x27: {  	s1 =	sld [smem:$0x3FA9]  }
0x28: {  	s2 =	sld [smem:$0x3FAA]  }
0x29: {  	s4 =	sld [smem:$0x3FAC]  }
0x2a: {  	p0 =	seq.s32 s5, $0x0;
	s5 =	sld [smem:$0x3FAD]  }
0x2b: {  	s6 =	sld [smem:$0x3FAE]  }
0x2c: {  	s7 =	sld [smem:$0x3FAF]  }
0x2d: {  	s3 =	simm.s32 $0x108;
	s8 =	sld [smem:$0x3FB0]  }
0x2e: {  	s3 =	simm.s32 @!p0 $0x1082;
	s9 =	sld [smem:$0x3FB1]  }
0x2f: {  	lr =	sadd.s32 s0, s3;
	s0 =	sld [smem:$0x3FA8]  }
0x30: {  	s3 =	sld [smem:$0x3FAB]  }
0x31: {  	[smem:$0x3FB4] =	sst s10  }
0x32: {  	s10 =	sld [smem:$0x3FB2];
	_ =	sdelay $0x3  }
0x33: {  	p0 =	seq.s32 s10, $0x1;
	s10 =	sld [smem:$0x3FB4];
	_ =	sdelay $0x3  }
0x34: {  	[smem:$0x3FB4] =	sst s10  }
0x35: {  	s10 =	sld [smem:$0x3FB3];
	_ =	sdelay $0x3  }
0x36: {  	p1 =	seq.s32 s10, $0x1;
	s10 =	sld [smem:$0x3FB4];
	_ =	sdelay $0x3  }
0x37: {  	[smem:$0x3FB4] =	sst s10  }
0x38: {  	s10 =	sld [smem:$0x3FB5]  }
0x39: {  	_ = 	snop;
	(pc) =	sbr.ind lr, $3  }
0x3a: {  	_ = 	snop  }
0x3b: {  	_ = 	snop  }
0x3c: {  	p2 =	seq.s32 s10, $0x1;
	s10 =	sld [smem:$0x3FB4]  }
0x3d: {  	_ =	shalt  }
0x3e: {  	_ =	shalt  }
0x3f: {  	_ =	shalt  }
0x40: {  	_ =	shalt  }
0x41: {  	_ =	shalt  }
0x42: {  	_ =	shalt  }
0x43: {  	_ =	shalt  }
0x44: {  	_ =	shalt  }
0x45: {  	_ =	shalt  }
0x46: {  	_ =	shalt  }
0x47: {  	_ =	shalt  }
0x48: {  	_ =	shalt  }
0x49: {  	_ =	shalt  }
0x4a: {  	_ =	shalt  }
0x4b: {  	_ =	shalt  }
0x4c: {  	_ =	shalt  }
0x4d: {  	_ =	shalt  }
0x4e: {  	_ =	shalt  }
0x4f: {  	_ =	shalt  }
0x50: {  	_ =	shalt  }
0x51: {  	_ =	shalt  }
0x52: {  	_ =	shalt  }
0x53: {  	_ =	shalt  }
0x54: {  	_ =	shalt  }
0x55: {  	_ =	shalt  }
0x56: {  	_ =	shalt  }
0x57: {  	_ =	shalt  }
0x58: {  	_ =	shalt  }
0x59: {  	_ =	shalt  }
0x5a: {  	_ =	shalt  }
0x5b: {  	_ =	shalt  }
0x5c: {  	_ =	shalt  }
0x5d: {  	_ =	shalt  }
0x5e: {  	_ =	shalt  }
0x5f: {  	_ =	shalt  }
0x60: {  	_ =	shalt  }
0x61: {  	_ =	shalt  }
0x62: {  	_ =	shalt  }
0x63: {  	_ =	shalt  }
0x64: {  	_ =	shalt  }
0x65: {  	_ =	shalt  }
0x66: {  	_ =	shalt  }
0x67: {  	_ =	shalt  }
0x68: {  	_ =	shalt  }
0x69: {  	_ =	shalt  }
0x6a: {  	_ =	shalt  }
0x6b: {  	_ =	shalt  }
0x6c: {  	_ =	shalt  }
0x6d: {  	_ =	shalt  }
0x6e: {  	_ =	shalt  }
0x6f: {  	_ =	shalt  }
0x70: {  	_ =	shalt  }
0x71: {  	_ =	shalt  }
0x72: {  	_ =	shalt  }
0x73: {  	_ =	shalt  }
0x74: {  	_ =	shalt  }
0x75: {  	_ =	shalt  }
0x76: {  	_ =	shalt  }
0x77: {  	_ =	shalt  }
0x78: {  	_ =	shalt  }
0x79: {  	_ =	shalt  }
0x7a: {  	_ =	shalt  }
0x7b: {  	_ =	shalt  }
0x7c: {  	_ =	shalt  }
0x7d: {  	_ =	shalt  }
0x7e: {  	_ =	shalt  }
0x7f: {  	_ =	shalt  }
0x80: {  	_ =	shalt  }
0x81: {  	_ =	shalt  }
0x82: {  	_ =	shalt  }
0x83: {  	_ =	shalt  }
0x84: {  	_ =	shalt  }
0x85: {  	_ =	shalt  }
0x86: {  	_ =	shalt  }
0x87: {  	_ =	shalt  }
.Lfunc_end0:
.L_simem_size_0:
called_computation.1_lowered:
.L_overlay_start_0:
0x88: {  	s2 =	sld [smem:$0x3FD9]  }
0x89: {  	s3 =	sld [smem:$0x3FFE];
	_ =	sdelay $0x1  }
0x8a: {  	s1 =	srdreg.scid  }
0x8b: {  	s0 =	sand.u32 $0x1, s1  }
0x8c: {  	s17 =	sshll.u32 s0, $0xA;
	s2 =	sadd.s32 s3, s2  }
0x8d: {  	s2 =	sadd.s32 s2, s17  }
0x8e: {  	[smem:$0x3FC0] =	sst s2  }
0x8f: {  	_ = 	snop  }
0x90: {  	s2 =	sld [smem:$0x3FD0];
	(tm) =	ssettm $0x1  }
0x91: {  	s18 =	sld [smem:$0x3FFB];
	_ =	sdelay $0x3  }
0x92: {  	_ =	strace s18  }
0x93: {  	s3 =	sld [smem:$0x3FFC];
	_ =	sdelay $0x3  }
0x94: {  	_ =	strace s3  }
0x95: {  	s3 =	sld [smem:$0x3FFD];
	_ =	sdelay $0x3  }
0x96: {  	_ =	strace s3  }
0x97: {  	_ =	strace $0x8FFFFFFF  }
0x98: {  	s19 =	sld [smem:$0x3FDB];
	_ =	sdelay $0x1  }
0x99: {  	s4 =	simm.s32 $_scs_section_size  }
0x9a: {  	s5 =	simm.s32 $_size__tile_overlayer_lowered;
	s6 =	simm.s32 $_tile_overlayer_lowered  }
0x9b: {  	s22 =	simm.s32 $0x1BFF;
	s21 =	sshll.u32 s6, $0x1;
	s3 =	sadd.s32 s4, s19  }
0x9c: {  	s7 =	simm.s32 $0x0;
	s20 =	sshll.u32 s5, $0x1;
	s5 =	sadd.s32 s21, s3  }
0x9d: {  	[timem:s7], [sflag:s22] =	dma.local [hbm:s5], s20  }
0x9e: {  	_ =	swait.ge [sflag:s22], s20  }
0x9f: {  	s4 =	ssub.s32 $0x0, s20;
	[sflag:s22] =	ssyncset.done $0x0  }
0xa0: {  	[sflag:s22] =	ssyncadd.s32 s4;
	_ =	sdelay $0x1  }
0xa1: {  	s23 =	simm.s32 $0x1B8B  }
0xa2: {  	_ =	swait.ge [sflag:s23], $0x1  }
0xa3: {  	[sflag:s23] =	ssyncset.done $0x0  }
0xa4: {  	s25 =	simm.s32 $0x1B8E;
	s24 =	sld [smem:$0x3FFE];
	[sflag:s23] =	ssyncadd.s32 $0xFFFFFFFF  }
0xa5: {  	s26 =	simm.s32 $execute0_lowered;
	[smem:$0x3FD2] =	sst s25  }
0xa6: {  	s5 =	sshll.u32 s26, $0x1;
	_ =	strace $0x80000049;
	[dreg:$0x1] =	wrdreg $0xFFFFFFFF  }
0xa7: {  	s28 =	simm.s32 $_size_execute0_lowered;
	s3 =	sadd.s32 s3, s5;
	[dreg:$0x0] =	wrdreg $0x0  }
0xa8: {  	s5 =	sshll.u32 s28, $0x1;
	[dreg:$0x2] =	wrdreg s3  }
0xa9: {  	[dreg:$0x3] =	wrdreg s5  }
0xaa: {  	[dreg:$0x4] =	wrdreg $0xC0  }
0xab: {  	_ =	task [dreg:s7], $0x5FFFF  }
0xac: {  	[dreg:$0x1] =	wrdreg $0xFFFFFFFF  }
0xad: {  	[dreg:$0x0] =	wrdreg $0x60  }
0xae: {  	[dreg:$0x2] =	wrdreg s24  }
0xaf: {  	[dreg:$0x3] =	wrdreg s2  }
0xb0: {  	[dreg:$0x4] =	wrdreg $0xB7800  }
0xb1: {  	[dreg:$0x5] =	wrdreg $0x9  }
0xb2: {  	_ =	task.clear_ibuf [dreg:s7], $0x6FFFF;
	_ =	strace $0x90000049  }
0xb3: {  	s29 =	simm.s32 $0x9;
	_ =	strace $0x8000004B  }
0xb4: {  	_ =	swait.ge [sflag:s29], $0x1  }
0xb5: {  	[sflag:s29] =	ssyncadd.s32 $0xFFFFFFFF  }
0xb6: {  	_ =	strace $0x9000004B  }
0xb7: {  	_ =	sfence  }
0xb8: {  	s30 =	sld [smem:$0x0];
	_ =	sdelay $0x2  }
0xb9: {  	s31 =	sshll.u32 s1, $0xD;
	s1 =	sshrl.u32 s1, $0x2  }
0xba: {  	s3 =	sand.u32 $0x4000, s31;
	s1 =	sadd.s32 s1, s30  }
0xbb: {  	s0 =	sor.u32 s3, s0;
	s1 =	sshll.u32 s1, $0x11  }
0xbc: {  	s0 =	sor.u32 s1, s0  }
0xbd: {  	s0 =	sadd.s32 $0x8F2B, s0  }
0xbe: {  	[sflag:s0] =	ssyncadd.remote.s32 $0x1  }
0xbf: {  	_ =	sfence.sel $0xFFFF  }
0xc0: {  	[dreg:$0x0] =	wrdreg $0xFFFFFFFF;
	(pc) =	sbr.abs _section_cstart, $3  }
0xc1: {  	[dreg:$0x1] =	wrdreg $0xFFFFFFFF  }
0xc2: {  	_ =	task.clear_ibuf [dreg:s7], $0x2FFFF;
	_ =	strace $0x9FFFFFFF  }
0xc3: {  	(tm) =	ssettm $0x7FFFFFFF  }
tec
execute0_lowered:
.L_overlay_start_1:
0x0: {  	(tag) =	ssettag $0x1  }
0x1: {  	s3 =	rddreg [dreg:$0x0]  }
0x2: {  	s0 =	srdreg.scid;
	s6 =	rddreg [dreg:$0x1]  }
0x3: {  	s9 =	stileid.u32;
	s2 =	rddreg [dreg:$0x2]  }
0x4: {  	s8 =	simm.s32 $0x0;
	s17 =	simm.s32 $0x6780;
	s20 =	simm.s32 $0x2780  }
0x5: {  	s28 =	simm.s32 $0x8F80;
	s30 =	simm.s32 $0xA380;
	s31 =	simm.s32 $0x3  }
0x6: {  	s18 =	simm.s32 $0x4;
	s29 =	simm.s32 $0x6;
	s19 =	simm.s32 $0x0  }
0x7: {  	s0 =	sand.u32 $0x1, s0;
	s5 =	sshll.u32 s9, $0x7;
	s21 =	smul.u32 $0x14000, s9  }
0x8: {  	[smem:$0x7FF] =	sst s8;
	s1 =	sshll.u32 s0, $0x4;
	s5 =	sand.u32 $0x380, s5  }
0x9: {  	s7 =	smul.u32 $0x140000, s0;
	_ =	strace $0x8000004A;
	s0 =	ssub.s32 $0x2, s0  }
0xa: {  	s1 =	sor.u32 s9, s1;
	s9 =	smul.u32 $0x50000, s9;
	s25 =	sshrl.u32 s0, $0x1  }
0xb: {  	s4 =	sshrl.u32 s1, $0x3;
	s0 =	ssub.s32 s0, s25;
	s1 =	sshll.u32 s1, $0xB  }
0xc: {  	s25 =	simm.s32 $0x7B80;
	s4 =	smul.u32 $0x13C00, s4;
	s23 =	sshrl.u32 s9, $0x2  }
0xd: {  	s14 =	sadd.s32 s6, s1;
	s16 =	smax.u32 s0, $0x1;
	s0 =	simm.s32 $0x7  }
0xe: {  	s4 =	sor.u32 s5, s4;
	s5 =	sadd.s32 s21, s7;
	s21 =	simm.s32 $0x5  }
0xf: {  	s22 =	sshrl.u32 s4, $0x3;
	s4 =	sadd.s32 $0x20800, s3;
	s24 =	sshrl.u32 s5, $0x3  }
0x10: {  	s5 =	sadd.s32 s23, s2;
	s23 =	simm.s32 $0x2;
	s13 =	sadd.s32 s22, s3  }
0x11: {  	s3 =	sadd.s32 s24, s3;
	s7 =	sadd.s32 $0x2800, s5;
	s26 =	sadd.s32 $0x5000, s5  }
0x12: {  	s8 =	sadd.s32 $0x7800, s5;
	s9 =	sadd.s32 $0xA000, s5;
	s10 =	sadd.s32 $0xC800, s5  }
0x13: {  	s11 =	sadd.s32 $0xF000, s5;
	s12 =	sadd.s32 $0x11800, s5;
	[dreg:$0x4] =	wrdreg s7  }
0x14: {  	s22 =	simm.s32 $0x1;
	s24 =	simm.s32 $0x28;
	[dreg:$0x5] =	wrdreg s26  }
0x15: {  	v0 =	vimm.f32 $0.0e+00;
	s13 =	sadd.s32 $0x16A00, s13;
	s15 =	sadd.s32 $0x48800, s3;
	s26 =	simm.s32 $0x50  }
.LBB2_1:
0x16: {  	s3 =	simm.s32 $0x0  }
0x17: {  	s1 =	sand.u32 $0xFE00, s3  }
0x18: {  	s3 =	sand.u32 $0x70, s3;
	s6 =	sshrl.u32 s1, $0x2  }
0x19: {  	s1 =	simm.s32 $0x40;
	s6 =	sor.u32 s3, s6;
	s3 =	simm.s32 $0x0  }
.LBB2_2:
0x1a: {  	p0 =	sne.s32 s1, $0x9FC0  }
0x1b: {  	[tilespmem:s6+$0x6780] =	vst v0;
	s3 =	sadd.s32 $0x10, s3;
	s6 =	smov.u32 s1;
	s1 =	sadd.s32 $0x40, s1  }
.Ltmp0:
0x1c: {  	(pc) =	sbr.rel @p0 .LBB2_2-.Ltmp0, $4  }
0x1d: {  	_ = 	snop  }
0x1e: {  	s6 =	sand.u32 $0xFE00, s6  }
0x1f: {  	s7 =	sand.u32 $0x70, s3;
	s6 =	sshrl.u32 s6, $0x2  }
0x20: {  	s6 =	sor.u32 s7, s6  }
0x21: {  	[tilespmem:s6+$0x6780] =	vst v0  }
0x22: {  	[spmem:s5] =	stream.linear.scatter [tilespmem:s17], [sflag:$0x5], $0x2800, $0x38;
	[tilespmem:$0x1F780] =	vst v63  }
0x23: {  	s1 =	rddreg [dreg:$0x4]  }
0x24: {  	[spmem:s1] =	stream.linear.scatter [tilespmem:s17], [sflag:$0x5], $0x2800, $0x38;
	[tilespmem:$0x1F780] =	vst v63  }
0x25: {  	s6 =	rddreg [dreg:$0x5]  }
0x26: {  	[spmem:s6] =	stream.linear.scatter [tilespmem:s17], [sflag:$0x5], $0x2800, $0x38;
	[tilespmem:$0x1F780] =	vst v63  }
0x27: {  	_ = 	snop  }
0x28: {  	[spmem:s8] =	stream.linear.scatter [tilespmem:s17], [sflag:$0x5], $0x2800, $0x38;
	[tilespmem:$0x1F780] =	vst v63  }
0x29: {  	_ = 	snop  }
0x2a: {  	[spmem:s9] =	stream.linear.scatter [tilespmem:s17], [sflag:$0x5], $0x2800, $0x38;
	[tilespmem:$0x1F780] =	vst v63  }
0x2b: {  	_ = 	snop  }
0x2c: {  	[spmem:s10] =	stream.linear.scatter [tilespmem:s17], [sflag:$0x5], $0x2800, $0x38;
	[tilespmem:$0x1F780] =	vst v63  }
0x2d: {  	_ = 	snop  }
0x2e: {  	[spmem:s11] =	stream.linear.scatter [tilespmem:s17], [sflag:$0x5], $0x2800, $0x38;
	[tilespmem:$0x1F780] =	vst v63  }
0x2f: {  	_ = 	snop  }
0x30: {  	[spmem:s12] =	stream.linear.scatter [tilespmem:s17], [sflag:$0x5], $0x2800, $0x38;
	[tilespmem:$0x1F780] =	vst v63  }
0x31: {  	s3 =	simm.s32 $0x80;
	s7 =	simm.s32 $0x400;
	s1 =	simm.s32 $0x0  }
0x32: {  	[tilespmem:s1], [sflag:$0x1] =	stream.strided.gather [hbm4b:s13+s3], $0x2780, s7, s3, $0x38;
	[tilespmem:$0x1F780] =	vst v63  }
0x33: {  	_ = 	snop  }
0x34: {  	[tilespmem:s20], [sflag:$0x2] =	stream.linear.gather [hbm4b:s14+s1], $0x3E80, $0x38;
	[tilespmem:$0x1F780] =	vst v63  }
0x35: {  	_ =	swait.ge [sflag:s21], $0x2800  }
0x36: {  	[sflag:s21] =	ssyncset.done $0x0  }
0x37: {  	[sflag:s21] =	ssyncadd.s32 $0xFFFFD800  }
0x38: {  	_ =	swait.ge [sflag:s21], $0x2800  }
0x39: {  	[sflag:s21] =	ssyncset.done $0x0  }
0x3a: {  	[sflag:s21] =	ssyncadd.s32 $0xFFFFD800  }
0x3b: {  	_ =	swait.ge [sflag:s21], $0x2800  }
0x3c: {  	[sflag:s21] =	ssyncset.done $0x0  }
0x3d: {  	[sflag:s21] =	ssyncadd.s32 $0xFFFFD800  }
0x3e: {  	_ =	swait.ge [sflag:s21], $0x2800  }
0x3f: {  	[sflag:s21] =	ssyncset.done $0x0  }
0x40: {  	[sflag:s21] =	ssyncadd.s32 $0xFFFFD800  }
0x41: {  	_ =	swait.ge [sflag:s21], $0x2800  }
0x42: {  	[sflag:s21] =	ssyncset.done $0x0  }
0x43: {  	[sflag:s21] =	ssyncadd.s32 $0xFFFFD800  }
0x44: {  	_ =	swait.ge [sflag:s21], $0x2800  }
0x45: {  	[sflag:s21] =	ssyncset.done $0x0  }
0x46: {  	[sflag:s21] =	ssyncadd.s32 $0xFFFFD800  }
0x47: {  	_ =	swait.ge [sflag:s21], $0x2800  }
0x48: {  	[sflag:s21] =	ssyncset.done $0x0  }
0x49: {  	[sflag:s21] =	ssyncadd.s32 $0xFFFFD800  }
0x4a: {  	_ =	swait.ge [sflag:s21], $0x2800  }
0x4b: {  	[sflag:s21] =	ssyncset.done $0x0  }
0x4c: {  	[sflag:s21] =	ssyncadd.s32 $0xFFFFD800  }
0x4d: {  	_ =	swait.ge [sflag:s22], $0x2780  }
0x4e: {  	[sflag:s22] =	ssyncset.done $0x0  }
0x4f: {  	[sflag:s22] =	ssyncadd.s32 $0xFFFFD880  }
0x50: {  	_ =	swait.ge [sflag:s23], $0x3E80  }
0x51: {  	[sflag:s23] =	ssyncset.done $0x0  }
0x52: {  	[sflag:s23] =	ssyncadd.s32 $0xFFFFC180  }
0x53: {  	[bflag:$0x0] =	sbarrier.arrive $0xFFFF  }
0x54: {  	[tilespmem:s17], [sflag:$0x1] =	stream.indirect.gather [hbm4b:s4+s24], $0x80, s1, s24, $0xb8;
	[tilespmem:$0x1F780] =	vst v63  }
0x55: {  	_ = 	snop  }
0x56: {  	[tilespmem:s25], [sflag:$0x3] =	stream.indirect.gather [hbm4b:s4+s24], $0x80, s24, s24, $0xb8;
	[tilespmem:$0x1F780] =	vst v63  }
0x57: {  	_ = 	snop  }
0x58: {  	[tilespmem:s28], [sflag:$0x2] =	stream.indirect.gather [hbm4b:s4+s24], $0x80, s26, s24, $0xb8;
	[tilespmem:$0x1F780] =	vst v63  }
0x59: {  	s3 =	simm.s32 $0x78  }
0x5a: {  	[tilespmem:s30], [sflag:$0x4] =	stream.indirect.gather [hbm4b:s4+s24], $0x80, s3, s24, $0xb8;
	[tilespmem:$0x1F780] =	vst v63  }
0x5b: {  	_ =	swait.ge [sflag:s22], $0x1400  }
0x5c: {  	[sflag:s22] =	ssyncset.done $0x0  }
0x5d: {  	[sflag:s22] =	ssyncadd.s32 $0xFFFFEC00  }
0x5e: {  	_ =	swait.ge [sflag:s31], $0x1400  }
0x5f: {  	[sflag:s31] =	ssyncset.done $0x0  }
0x60: {  	[sflag:s31] =	ssyncadd.s32 $0xFFFFEC00  }
0x61: {  	[spmem:s2] =	stream.indirect.scatter.add.f32 [tilespmem:s17], [sflag:$0x5], $0x80, s20, s26, $0xb8;
	[tilespmem:$0x1F780] =	vst v63  }
0x62: {  	_ =	swait.ge [sflag:s21], $0x2800  }
0x63: {  	[sflag:s21] =	ssyncset.done $0x0  }
0x64: {  	s6 =	simm.s32 $0xA0;
	[sflag:s21] =	ssyncadd.s32 $0xFFFFD800  }
0x65: {  	[tilespmem:s17], [sflag:$0x1] =	stream.indirect.gather [hbm4b:s4+s24], $0x80, s6, s24, $0xb8;
	[tilespmem:$0x1F780] =	vst v63  }
0x66: {  	s7 =	simm.s32 $0xC8  }
0x67: {  	[tilespmem:s25], [sflag:$0x3] =	stream.indirect.gather [hbm4b:s4+s24], $0x80, s7, s24, $0xb8;
	[tilespmem:$0x1F780] =	vst v63  }
0x68: {  	_ =	swait.ge [sflag:s23], $0x1400  }
0x69: {  	[sflag:s23] =	ssyncset.done $0x0  }
0x6a: {  	[sflag:s23] =	ssyncadd.s32 $0xFFFFEC00  }
0x6b: {  	_ =	swait.ge [sflag:s18], $0x1400  }
0x6c: {  	[sflag:s18] =	ssyncset.done $0x0  }
0x6d: {  	s3 =	simm.s32 $0x2800;
	[sflag:s18] =	ssyncadd.s32 $0xFFFFEC00  }
0x6e: {  	[spmem:s2] =	stream.indirect.scatter.add.f32 [tilespmem:s28], [sflag:$0x6], $0x80, s3, s26, $0xb8;
	[tilespmem:$0x1F780] =	vst v63  }
0x6f: {  	_ =	swait.ge [sflag:s29], $0x2800  }
0x70: {  	[sflag:s29] =	ssyncset.done $0x0  }
0x71: {  	s6 =	simm.s32 $0xF0;
	[sflag:s29] =	ssyncadd.s32 $0xFFFFD800  }
0x72: {  	[tilespmem:s28], [sflag:$0x2] =	stream.indirect.gather [hbm4b:s4+s24], $0x80, s6, s24, $0xb8;
	[tilespmem:$0x1F780] =	vst v63  }
0x73: {  	s7 =	simm.s32 $0x118  }
0x74: {  	[tilespmem:s30], [sflag:$0x4] =	stream.indirect.gather [hbm4b:s4+s24], $0x80, s7, s24, $0xb8;
	[tilespmem:$0x1F780] =	vst v63  }
0x75: {  	_ =	swait.ge [sflag:s22], $0x1400  }
0x76: {  	[sflag:s22] =	ssyncset.done $0x0  }
0x77: {  	[sflag:s22] =	ssyncadd.s32 $0xFFFFEC00  }
0x78: {  	_ =	swait.ge [sflag:s31], $0x1400  }
0x79: {  	[sflag:s31] =	ssyncset.done $0x0  }
0x7a: {  	s3 =	simm.s32 $0x2880;
	[sflag:s31] =	ssyncadd.s32 $0xFFFFEC00  }
0x7b: {  	[spmem:s2] =	stream.indirect.scatter.add.f32 [tilespmem:s17], [sflag:$0x5], $0x80, s3, s26, $0xb8;
	[tilespmem:$0x1F780] =	vst v63  }
0x7c: {  	_ =	swait.ge [sflag:s21], $0x2800  }
0x7d: {  	[sflag:s21] =	ssyncset.done $0x0  }
0x7e: {  	s6 =	simm.s32 $0x140;
	[sflag:s21] =	ssyncadd.s32 $0xFFFFD800  }
0x7f: {  	[tilespmem:s17], [sflag:$0x1] =	stream.indirect.gather [hbm4b:s4+s24], $0x80, s6, s24, $0xb8;
	[tilespmem:$0x1F780] =	vst v63  }
0x80: {  	s7 =	simm.s32 $0x168  }
0x81: {  	[tilespmem:s25], [sflag:$0x3] =	stream.indirect.gather [hbm4b:s4+s24], $0x80, s7, s24, $0xb8;
	[tilespmem:$0x1F780] =	vst v63  }
0x82: {  	_ =	swait.ge [sflag:s23], $0x1400  }
0x83: {  	[sflag:s23] =	ssyncset.done $0x0  }
0x84: {  	[sflag:s23] =	ssyncadd.s32 $0xFFFFEC00  }
0x85: {  	_ =	swait.ge [sflag:s18], $0x1400  }
0x86: {  	s1 =	simm.s32 $0x280;
	[sflag:s18] =	ssyncset.done $0x0  }
0x87: {  	s3 =	simm.s32 $0x2980;
	s6 =	simm.s32 $0x2900;
	[sflag:s18] =	ssyncadd.s32 $0xFFFFEC00  }
.LBB2_4:
0x88: {  	[spmem:s2] =	stream.indirect.scatter.add.f32 [tilespmem:s28], [sflag:$0x6], $0x80, s6, s26, $0xb8;
	[tilespmem:$0x1F780] =	vst v63  }
0x89: {  	s6 =	smov.u32 s1  }
0x8a: {  	p0 =	sne.s32 s1, $0x9600;
	s1 =	sadd.s32 $0x280, s1;
	_ =	swait.ge [sflag:s29], $0x2800  }
0x8b: {  	s6 =	sshra.s32 s6, $0x2;
	[sflag:s29] =	ssyncset.done $0x0  }
0x8c: {  	s7 =	sadd.s32 $0xF0, s6;
	[sflag:s29] =	ssyncadd.s32 $0xFFFFD800  }
0x8d: {  	[tilespmem:s28], [sflag:$0x2] =	stream.indirect.gather [hbm4b:s4+s24], $0x80, s7, s24, $0xb8;
	[tilespmem:$0x1F780] =	vst v63  }
0x8e: {  	s7 =	sadd.s32 $0x118, s6  }
0x8f: {  	[tilespmem:s30], [sflag:$0x4] =	stream.indirect.gather [hbm4b:s4+s24], $0x80, s7, s24, $0xb8;
	[tilespmem:$0x1F780] =	vst v63  }
0x90: {  	_ =	swait.ge [sflag:s22], $0x1400  }
0x91: {  	[sflag:s22] =	ssyncset.done $0x0  }
0x92: {  	[sflag:s22] =	ssyncadd.s32 $0xFFFFEC00  }
0x93: {  	_ =	swait.ge [sflag:s31], $0x1400  }
0x94: {  	[sflag:s31] =	ssyncset.done $0x0  }
0x95: {  	[sflag:s31] =	ssyncadd.s32 $0xFFFFEC00  }
0x96: {  	[spmem:s2] =	stream.indirect.scatter.add.f32 [tilespmem:s17], [sflag:$0x5], $0x80, s3, s26, $0xb8;
	[tilespmem:$0x1F780] =	vst v63  }
0x97: {  	_ =	swait.ge [sflag:s21], $0x2800  }
0x98: {  	[sflag:s21] =	ssyncset.done $0x0  }
0x99: {  	s7 =	sadd.s32 $0x140, s6;
	[sflag:s21] =	ssyncadd.s32 $0xFFFFD800  }
0x9a: {  	[tilespmem:s17], [sflag:$0x1] =	stream.indirect.gather [hbm4b:s4+s24], $0x80, s7, s24, $0xb8;
	[tilespmem:$0x1F780] =	vst v63  }
0x9b: {  	s6 =	sadd.s32 $0x168, s6  }
0x9c: {  	[tilespmem:s25], [sflag:$0x3] =	stream.indirect.gather [hbm4b:s4+s24], $0x80, s6, s24, $0xb8;
	[tilespmem:$0x1F780] =	vst v63  }
0x9d: {  	_ =	swait.ge [sflag:s23], $0x1400  }
.Ltmp1:
0x9e: {  	[sflag:s23] =	ssyncset.done $0x0;
	(pc) =	sbr.rel @p0 .LBB2_4-.Ltmp1, $4  }
0x9f: {  	[sflag:s23] =	ssyncadd.s32 $0xFFFFEC00  }
0xa0: {  	_ =	swait.ge [sflag:s18], $0x1400  }
0xa1: {  	[sflag:s18] =	ssyncset.done $0x0  }
0xa2: {  	s6 =	sadd.s32 $0x80, s3;
	s3 =	sadd.s32 $0x100, s3;
	[sflag:s18] =	ssyncadd.s32 $0xFFFFEC00  }
0xa3: {  	[spmem:s2] =	stream.indirect.scatter.add.f32 [tilespmem:s28], [sflag:$0x6], $0x80, s6, s26, $0xb8;
	[tilespmem:$0x1F780] =	vst v63  }
0xa4: {  	_ =	swait.ge [sflag:s29], $0x2800  }
0xa5: {  	[sflag:s29] =	ssyncset.done $0x0  }
0xa6: {  	[sflag:s29] =	ssyncadd.s32 $0xFFFFD800  }
0xa7: {  	_ =	swait.ge [sflag:s22], $0x1400  }
0xa8: {  	[sflag:s22] =	ssyncset.done $0x0  }
0xa9: {  	[sflag:s22] =	ssyncadd.s32 $0xFFFFEC00  }
0xaa: {  	_ =	swait.ge [sflag:s31], $0x1400  }
0xab: {  	[sflag:s31] =	ssyncset.done $0x0  }
0xac: {  	s1 =	simm.s32 $0x6580;
	[sflag:s31] =	ssyncadd.s32 $0xFFFFEC00  }
0xad: {  	[spmem:s2] =	stream.indirect.scatter.add.f32 [tilespmem:s17], [sflag:$0x5], $0x80, s1, s26, $0xb8;
	[tilespmem:$0x1F780] =	vst v63  }
0xae: {  	s7 =	stileid.u32;
	_ =	swait.ge [sflag:s21], $0x2800  }
0xaf: {  	s3 =	sshrl.u32 s5, $0x3;
	s19 =	sadd.s32 $0x1, s19;
	[sflag:s21] =	ssyncset.done $0x0  }
0xb0: {  	p0 =	sne.s32 s19, s16;
	s1 =	sshll.u32 s7, $0x6;
	[sflag:s21] =	ssyncadd.s32 $0xFFFFD800  }
.Ltmp2:
0xb1: {  	s1 =	sor.u32 $0x1C07, s1;
	[bflag:$0x0] =	sbarrier.arrive $0xFFFF;
	(pc) =	sbr.rel @p0 .LBB2_1-.Ltmp2, $4  }
0xb2: {  	[hbm:s15], [sflag:s1] =	dma.local [spmem:s3], $0x2800  }
0xb3: {  	_ =	swait.ge [sflag:s0], $0x2800  }
0xb4: {  	[sflag:s0] =	ssyncset.done $0x0  }
0xb5: {  	[sflag:s0] =	ssyncadd.s32 $0xFFFFD800  }
0xb6: {  	_ =	sfence.sel $0x180000  }
0xb7: {  	[bflag:$0x0] =	sbarrier.arrive $0xFFFF  }
0xb8: {  	_ =	strace $0x9000004A  }
0xb9: {  	s0 =	stileid.u32;
	[bflag:$0x2] =	sbarrier.arrive $0xFFFF  }
0xba: {  	p0 =	sne.s32 s0, $0x0;
	s0 =	rddreg [dreg:$0x3]  }
0xbb: {  	s0 =	sadd.s32 @!p0 $0x100000, s0  }
0xbc: {  	[sflag:s0] =	ssyncadd.tile.s32 @!p0 $0x1;
	_ =	shalt  }
.Lfunc_end2:
_tile_overlayer_lowered:
.L_overlay_start_2:
0xbd: {  	(tag) =	ssettag $0x2  }
0xbe: {  	s0 =	rddreg [dreg:$0x0];
	s2 =	stileid.u32  }
0xbf: {  	s1 =	rddreg [dreg:$0x1];
	p0 =	sne.s32 s2, $0x0  }
0xc0: {  	s3 =	rddreg [dreg:$0x2];
	[bflag:$0x3] =	sbarrier.arrive $0xFFFF;
	s2 =	simm.s32 @!p0 $0x1C07  }
0xc1: {  	[timem:s3], [sflag:s2] =	dma.local @!p0 [hbm:s0], s1  }
0xc2: {  	s0 =	simm.s32 @!p0 $0x7  }
0xc3: {  	_ =	swait.ge @!p0 [sflag:s0], s1  }
0xc4: {  	s1 =	ssub.s32 @!p0 $0x0, s1;
	[sflag:s0] =	ssyncset.done @!p0 $0x0  }
0xc5: {  	[sflag:s0] =	ssyncadd.s32 @!p0 s1  }
0xc6: {  	[bflag:$0x3] =	sbarrier.arrive $0xFFFF  }
0xc7: {  	_ =	shalt  }

// kernel: kernel.16.cloned.1.call-start
scs
__scs_entry_jumppad:
0x0: {  	(pc) =	sbr.rel $0x88, $3  }
0x1: {  	(tag) =	ssettag $0x0;
	lr =	simm.s32 $0x1  }
0x2: {  	[smem:$0x3F99] =	sst lr;
	_ =	strace $0xD0000000  }
0x3: {  	_ = 	snop  }
0x4: {  	_ = 	snop  }
0x5: {  	_ = 	snop  }
0x6: {  	_ = 	snop  }
0x7: {  	_ = 	snop  }
__scs_overlays_trampoline_lowered:
0x8: {  	[smem:$0x3FA8] =	sst s0  }
0x9: {  	[smem:$0x3FA9] =	sst s1  }
0xa: {  	[smem:$0x3FAA] =	sst s2  }
0xb: {  	[smem:$0x3FAB] =	sst s3  }
0xc: {  	[smem:$0x3FAC] =	sst s4  }
0xd: {  	[smem:$0x3FAD] =	sst s5  }
0xe: {  	[smem:$0x3FAE] =	sst s6  }
0xf: {  	[smem:$0x3FAF] =	sst s7  }
0x10: {  	[smem:$0x3FB0] =	sst s8  }
0x11: {  	[smem:$0x3FB1] =	sst s9;
	s0 =	simm.s32 @!p0 $0x0  }
0x12: {  	s1 =	sld [smem:$0x3F97];
	s0 =	simm.s32 @p0 $0x1  }
0x13: {  	[smem:$0x3FB2] =	sst s0;
	s0 =	simm.s32 @!p1 $0x0  }
0x14: {  	s2 =	sld [smem:$0x3F96];
	s0 =	simm.s32 @p1 $0x1  }
0x15: {  	[smem:$0x3FB3] =	sst s0;
	s0 =	simm.s32 @!p2 $0x0  }
0x16: {  	s3 =	sld [smem:$0x3FDB];
	s0 =	simm.s32 @p2 $0x1  }
0x17: {  	s4 =	simm.s32 $0x1BF5;
	[smem:$0x3FB5] =	sst s0  }
0x18: {  	s0 =	sld [smem:$0x3F98];
	_ =	swait.ge [sflag:s4], $0x0  }
0x19: {  	s7 =	sld [smem:$0x3F99]  }
0x1a: {  	s8 =	sadd.s32 $0xFFFFE003, lr  }
0x1b: {  	s9 =	sadd.s32 $0xFFFFFEF7, lr;
	s5 =	simm.s32 $0xFFFFFFFF;
	p2 =	slt.u32 s8, $0xFFFFF086  }
0x1c: {  	p1 =	slt.u32 s9, $0xF7A;
	s5 =	simm.s32 @!p2 $0x0  }
0x1d: {  	s5 =	simm.s32 @p1 $0x1;
	p0 =	seq.s32 s7, s2  }
0x1e: {  	s7 =	smul.u32 @!p0 $0xF7A, s2;
	p2 =	seq.s32 @!p0 s5, $0x0  }
0x1f: {  	s9 =	smul.u32 $0xF7A, s1;
	s8 =	simm.s32 @!p0 $0x1BF5;
	p2 =	por !p2, p0  }
0x20: {  	[sflag:s8] =	ssyncset.s32 @!p0 $0xFFFFF086;
	s6 =	sadd.s32 @!p0 s3, s7;
	s7 =	simm.s32 @!p0 $0x108  }
0x21: {  	s3 =	sadd.s32 s3, s9;
	s6 =	sadd.s32 @!p0 $0x88, s6;
	s7 =	simm.s32 @p2 $0x1082  }
0x22: {  	[simem:s7], [sflag:s8] =	dma.local @!p0 [hbm:s6], $0xF7A  }
0x23: {  	s9 =	sor.u32 $0xD0000000, s2;
	s6 =	simm.s32 $0x108;
	_ =	swait.ge @!p0 [sflag:s8], $0x0  }
0x24: {  	s3 =	sadd.s32 $0x88, s3;
	s6 =	simm.s32 @!p1 $0x1082;
	[sflag:s4] =	ssyncset.s32 $0xFFFFF086  }
0x25: {  	[simem:s6], [sflag:s4] =	dma.local [hbm:s3], $0xF7A  }
0x26: {  	[smem:$0x3F99] =	sst s1;
	(tag) =	ssettag s2;
	_ =	strace s9  }
0x27: {  	s1 =	sld [smem:$0x3FA9]  }
0x28: {  	s2 =	sld [smem:$0x3FAA]  }
0x29: {  	s4 =	sld [smem:$0x3FAC]  }
0x2a: {  	p0 =	seq.s32 s5, $0x0;
	s5 =	sld [smem:$0x3FAD]  }
0x2b: {  	s6 =	sld [smem:$0x3FAE]  }
0x2c: {  	s7 =	sld [smem:$0x3FAF]  }
0x2d: {  	s3 =	simm.s32 $0x108;
	s8 =	sld [smem:$0x3FB0]  }
0x2e: {  	s3 =	simm.s32 @!p0 $0x1082;
	s9 =	sld [smem:$0x3FB1]  }
0x2f: {  	lr =	sadd.s32 s0, s3;
	s0 =	sld [smem:$0x3FA8]  }
0x30: {  	s3 =	sld [smem:$0x3FAB]  }
0x31: {  	[smem:$0x3FB4] =	sst s10  }
0x32: {  	s10 =	sld [smem:$0x3FB2];
	_ =	sdelay $0x3  }
0x33: {  	p0 =	seq.s32 s10, $0x1;
	s10 =	sld [smem:$0x3FB4];
	_ =	sdelay $0x3  }
0x34: {  	[smem:$0x3FB4] =	sst s10  }
0x35: {  	s10 =	sld [smem:$0x3FB3];
	_ =	sdelay $0x3  }
0x36: {  	p1 =	seq.s32 s10, $0x1;
	s10 =	sld [smem:$0x3FB4];
	_ =	sdelay $0x3  }
0x37: {  	[smem:$0x3FB4] =	sst s10  }
0x38: {  	s10 =	sld [smem:$0x3FB5]  }
0x39: {  	_ = 	snop;
	(pc) =	sbr.ind lr, $3  }
0x3a: {  	_ = 	snop  }
0x3b: {  	_ = 	snop  }
0x3c: {  	p2 =	seq.s32 s10, $0x1;
	s10 =	sld [smem:$0x3FB4]  }
0x3d: {  	_ =	shalt  }
0x3e: {  	_ =	shalt  }
0x3f: {  	_ =	shalt  }
0x40: {  	_ =	shalt  }
0x41: {  	_ =	shalt  }
0x42: {  	_ =	shalt  }
0x43: {  	_ =	shalt  }
0x44: {  	_ =	shalt  }
0x45: {  	_ =	shalt  }
0x46: {  	_ =	shalt  }
0x47: {  	_ =	shalt  }
0x48: {  	_ =	shalt  }
0x49: {  	_ =	shalt  }
0x4a: {  	_ =	shalt  }
0x4b: {  	_ =	shalt  }
0x4c: {  	_ =	shalt  }
0x4d: {  	_ =	shalt  }
0x4e: {  	_ =	shalt  }
0x4f: {  	_ =	shalt  }
0x50: {  	_ =	shalt  }
0x51: {  	_ =	shalt  }
0x52: {  	_ =	shalt  }
0x53: {  	_ =	shalt  }
0x54: {  	_ =	shalt  }
0x55: {  	_ =	shalt  }
0x56: {  	_ =	shalt  }
0x57: {  	_ =	shalt  }
0x58: {  	_ =	shalt  }
0x59: {  	_ =	shalt  }
0x5a: {  	_ =	shalt  }
0x5b: {  	_ =	shalt  }
0x5c: {  	_ =	shalt  }
0x5d: {  	_ =	shalt  }
0x5e: {  	_ =	shalt  }
0x5f: {  	_ =	shalt  }
0x60: {  	_ =	shalt  }
0x61: {  	_ =	shalt  }
0x62: {  	_ =	shalt  }
0x63: {  	_ =	shalt  }
0x64: {  	_ =	shalt  }
0x65: {  	_ =	shalt  }
0x66: {  	_ =	shalt  }
0x67: {  	_ =	shalt  }
0x68: {  	_ =	shalt  }
0x69: {  	_ =	shalt  }
0x6a: {  	_ =	shalt  }
0x6b: {  	_ =	shalt  }
0x6c: {  	_ =	shalt  }
0x6d: {  	_ =	shalt  }
0x6e: {  	_ =	shalt  }
0x6f: {  	_ =	shalt  }
0x70: {  	_ =	shalt  }
0x71: {  	_ =	shalt  }
0x72: {  	_ =	shalt  }
0x73: {  	_ =	shalt  }
0x74: {  	_ =	shalt  }
0x75: {  	_ =	shalt  }
0x76: {  	_ =	shalt  }
0x77: {  	_ =	shalt  }
0x78: {  	_ =	shalt  }
0x79: {  	_ =	shalt  }
0x7a: {  	_ =	shalt  }
0x7b: {  	_ =	shalt  }
0x7c: {  	_ =	shalt  }
0x7d: {  	_ =	shalt  }
0x7e: {  	_ =	shalt  }
0x7f: {  	_ =	shalt  }
0x80: {  	_ =	shalt  }
0x81: {  	_ =	shalt  }
0x82: {  	_ =	shalt  }
0x83: {  	_ =	shalt  }
0x84: {  	_ =	shalt  }
0x85: {  	_ =	shalt  }
0x86: {  	_ =	shalt  }
0x87: {  	_ =	shalt  }
.Lfunc_end0:
.L_simem_size_0:
called_computation.2_lowered:
.L_overlay_start_0:
0x88: {  	s2 =	sld [smem:$0x3FD9]  }
0x89: {  	s3 =	sld [smem:$0x3FFE];
	_ =	sdelay $0x1  }
0x8a: {  	s1 =	srdreg.scid  }
0x8b: {  	s0 =	sand.u32 $0x1, s1  }
0x8c: {  	s17 =	sshll.u32 s0, $0xA;
	s2 =	sadd.s32 s3, s2  }
0x8d: {  	s2 =	sadd.s32 s2, s17  }
0x8e: {  	[smem:$0x3FC0] =	sst s2  }
0x8f: {  	_ = 	snop  }
0x90: {  	s2 =	sld [smem:$0x3FD0];
	(tm) =	ssettm $0x1  }
0x91: {  	s18 =	sld [smem:$0x3FFB];
	_ =	sdelay $0x3  }
0x92: {  	_ =	strace s18  }
0x93: {  	s3 =	sld [smem:$0x3FFC];
	_ =	sdelay $0x3  }
0x94: {  	_ =	strace s3  }
0x95: {  	s3 =	sld [smem:$0x3FFD];
	_ =	sdelay $0x3  }
0x96: {  	_ =	strace s3  }
0x97: {  	_ =	strace $0x8FFFFFFF  }
0x98: {  	s19 =	sld [smem:$0x3FDB];
	_ =	sdelay $0x1  }
0x99: {  	s4 =	simm.s32 $_scs_section_size  }
0x9a: {  	s5 =	simm.s32 $_size__tile_overlayer_lowered;
	s6 =	simm.s32 $_tile_overlayer_lowered  }
0x9b: {  	s22 =	simm.s32 $0x1BFF;
	s21 =	sshll.u32 s6, $0x1;
	s3 =	sadd.s32 s4, s19  }
0x9c: {  	s7 =	simm.s32 $0x0;
	s20 =	sshll.u32 s5, $0x1;
	s5 =	sadd.s32 s21, s3  }
0x9d: {  	[timem:s7], [sflag:s22] =	dma.local [hbm:s5], s20  }
0x9e: {  	_ =	swait.ge [sflag:s22], s20  }
0x9f: {  	s4 =	ssub.s32 $0x0, s20;
	[sflag:s22] =	ssyncset.done $0x0  }
0xa0: {  	[sflag:s22] =	ssyncadd.s32 s4;
	_ =	sdelay $0x1  }
0xa1: {  	s23 =	simm.s32 $0x1B8B  }
0xa2: {  	_ =	swait.ge [sflag:s23], $0x1  }
0xa3: {  	[sflag:s23] =	ssyncset.done $0x0  }
0xa4: {  	s25 =	simm.s32 $0x1B8E;
	s24 =	sld [smem:$0x3FFE];
	[sflag:s23] =	ssyncadd.s32 $0xFFFFFFFF  }
0xa5: {  	s26 =	simm.s32 $execute0_lowered;
	[smem:$0x3FD2] =	sst s25  }
0xa6: {  	s5 =	sshll.u32 s26, $0x1;
	_ =	strace $0x8000004C;
	[dreg:$0x1] =	wrdreg $0xFFFFFFFF  }
0xa7: {  	s28 =	simm.s32 $_size_execute0_lowered;
	s3 =	sadd.s32 s3, s5;
	[dreg:$0x0] =	wrdreg $0x0  }
0xa8: {  	s5 =	sshll.u32 s28, $0x1;
	[dreg:$0x2] =	wrdreg s3  }
0xa9: {  	[dreg:$0x3] =	wrdreg s5  }
0xaa: {  	[dreg:$0x4] =	wrdreg $0xC0  }
0xab: {  	_ =	task [dreg:s7], $0x5FFFF  }
0xac: {  	[dreg:$0x1] =	wrdreg $0xFFFFFFFF  }
0xad: {  	[dreg:$0x0] =	wrdreg $0x60  }
0xae: {  	[dreg:$0x2] =	wrdreg s24  }
0xaf: {  	[dreg:$0x3] =	wrdreg s2  }
0xb0: {  	[dreg:$0x4] =	wrdreg $0xB7800  }
0xb1: {  	[dreg:$0x5] =	wrdreg $0x9  }
0xb2: {  	_ =	task.clear_ibuf [dreg:s7], $0x6FFFF;
	_ =	strace $0x9000004C  }
0xb3: {  	s29 =	simm.s32 $0x9;
	_ =	strace $0x8000004E  }
0xb4: {  	_ =	swait.ge [sflag:s29], $0x1  }
0xb5: {  	[sflag:s29] =	ssyncadd.s32 $0xFFFFFFFF  }
0xb6: {  	_ =	strace $0x9000004E  }
0xb7: {  	_ =	sfence  }
0xb8: {  	s30 =	sld [smem:$0x0];
	_ =	sdelay $0x2  }
0xb9: {  	s31 =	sshll.u32 s1, $0xD;
	s1 =	sshrl.u32 s1, $0x2  }
0xba: {  	s3 =	sand.u32 $0x4000, s31;
	s1 =	sadd.s32 s1, s30  }
0xbb: {  	s0 =	sor.u32 s3, s0;
	s1 =	sshll.u32 s1, $0x11  }
0xbc: {  	s0 =	sor.u32 s1, s0  }
0xbd: {  	s0 =	sadd.s32 $0x8F2B, s0  }
0xbe: {  	[sflag:s0] =	ssyncadd.remote.s32 $0x1  }
0xbf: {  	_ =	sfence.sel $0xFFFF  }
0xc0: {  	[dreg:$0x0] =	wrdreg $0xFFFFFFFF;
	(pc) =	sbr.abs _section_cstart, $3  }
0xc1: {  	[dreg:$0x1] =	wrdreg $0xFFFFFFFF  }
0xc2: {  	_ =	task.clear_ibuf [dreg:s7], $0x2FFFF;
	_ =	strace $0x9FFFFFFF  }
0xc3: {  	(tm) =	ssettm $0x7FFFFFFF  }
tec
execute0_lowered:
.L_overlay_start_1:
0x0: {  	(tag) =	ssettag $0x1  }
0x1: {  	s3 =	rddreg [dreg:$0x0]  }
0x2: {  	s0 =	srdreg.scid;
	s6 =	rddreg [dreg:$0x1]  }
0x3: {  	s9 =	stileid.u32;
	s2 =	rddreg [dreg:$0x2]  }
0x4: {  	s8 =	simm.s32 $0x0;
	s17 =	simm.s32 $0x6780;
	s20 =	simm.s32 $0x2780  }
0x5: {  	s28 =	simm.s32 $0x8F80;
	s30 =	simm.s32 $0xA380;
	s31 =	simm.s32 $0x3  }
0x6: {  	s18 =	simm.s32 $0x4;
	s29 =	simm.s32 $0x6;
	s19 =	simm.s32 $0x0  }
0x7: {  	s0 =	sand.u32 $0x1, s0;
	s5 =	sshll.u32 s9, $0x7;
	s21 =	smul.u32 $0x14000, s9  }
0x8: {  	[smem:$0x7FF] =	sst s8;
	s1 =	sshll.u32 s0, $0x4;
	s5 =	sand.u32 $0x380, s5  }
0x9: {  	s7 =	smul.u32 $0x140000, s0;
	_ =	strace $0x8000004D;
	s0 =	ssub.s32 $0x2, s0  }
0xa: {  	s1 =	sor.u32 s9, s1;
	s9 =	smul.u32 $0x50000, s9;
	s25 =	sshrl.u32 s0, $0x1  }
0xb: {  	s4 =	sshrl.u32 s1, $0x3;
	s0 =	ssub.s32 s0, s25;
	s1 =	sshll.u32 s1, $0xB  }
0xc: {  	s25 =	simm.s32 $0x7B80;
	s4 =	smul.u32 $0x13C00, s4;
	s23 =	sshrl.u32 s9, $0x2  }
0xd: {  	s14 =	sadd.s32 s6, s1;
	s16 =	smax.u32 s0, $0x1;
	s0 =	simm.s32 $0x7  }
0xe: {  	s4 =	sor.u32 s5, s4;
	s5 =	sadd.s32 s21, s7;
	s21 =	simm.s32 $0x5  }
0xf: {  	s22 =	sshrl.u32 s4, $0x3;
	s4 =	sadd.s32 $0x20800, s3;
	s24 =	sshrl.u32 s5, $0x3  }
0x10: {  	s5 =	sadd.s32 s23, s2;
	s23 =	simm.s32 $0x2;
	s13 =	sadd.s32 s22, s3  }
0x11: {  	s3 =	sadd.s32 s24, s3;
	s7 =	sadd.s32 $0x2800, s5;
	s26 =	sadd.s32 $0x5000, s5  }
0x12: {  	s8 =	sadd.s32 $0x7800, s5;
	s9 =	sadd.s32 $0xA000, s5;
	s10 =	sadd.s32 $0xC800, s5  }
0x13: {  	s11 =	sadd.s32 $0xF000, s5;
	s12 =	sadd.s32 $0x11800, s5;
	[dreg:$0x4] =	wrdreg s7  }
0x14: {  	s22 =	simm.s32 $0x1;
	s24 =	simm.s32 $0x28;
	[dreg:$0x5] =	wrdreg s26  }
0x15: {  	v0 =	vimm.f32 $0.0e+00;
	s13 =	sadd.s32 $0x16A00, s13;
	s15 =	sadd.s32 $0x48800, s3;
	s26 =	simm.s32 $0x50  }
.LBB2_1:
0x16: {  	s3 =	simm.s32 $0x0  }
0x17: {  	s1 =	sand.u32 $0xFE00, s3  }
0x18: {  	s3 =	sand.u32 $0x70, s3;
	s6 =	sshrl.u32 s1, $0x2  }
0x19: {  	s1 =	simm.s32 $0x40;
	s6 =	sor.u32 s3, s6;
	s3 =	simm.s32 $0x0  }
.LBB2_2:
0x1a: {  	p0 =	sne.s32 s1, $0x9FC0  }
0x1b: {  	[tilespmem:s6+$0x6780] =	vst v0;
	s3 =	sadd.s32 $0x10, s3;
	s6 =	smov.u32 s1;
	s1 =	sadd.s32 $0x40, s1  }
.Ltmp0:
0x1c: {  	(pc) =	sbr.rel @p0 .LBB2_2-.Ltmp0, $4  }
0x1d: {  	_ = 	snop  }
0x1e: {  	s6 =	sand.u32 $0xFE00, s6  }
0x1f: {  	s7 =	sand.u32 $0x70, s3;
	s6 =	sshrl.u32 s6, $0x2  }
0x20: {  	s6 =	sor.u32 s7, s6  }
0x21: {  	[tilespmem:s6+$0x6780] =	vst v0  }
0x22: {  	[spmem:s5] =	stream.linear.scatter [tilespmem:s17], [sflag:$0x5], $0x2800, $0x38;
	[tilespmem:$0x1F780] =	vst v63  }
0x23: {  	s1 =	rddreg [dreg:$0x4]  }
0x24: {  	[spmem:s1] =	stream.linear.scatter [tilespmem:s17], [sflag:$0x5], $0x2800, $0x38;
	[tilespmem:$0x1F780] =	vst v63  }
0x25: {  	s6 =	rddreg [dreg:$0x5]  }
0x26: {  	[spmem:s6] =	stream.linear.scatter [tilespmem:s17], [sflag:$0x5], $0x2800, $0x38;
	[tilespmem:$0x1F780] =	vst v63  }
0x27: {  	_ = 	snop  }
0x28: {  	[spmem:s8] =	stream.linear.scatter [tilespmem:s17], [sflag:$0x5], $0x2800, $0x38;
	[tilespmem:$0x1F780] =	vst v63  }
0x29: {  	_ = 	snop  }
0x2a: {  	[spmem:s9] =	stream.linear.scatter [tilespmem:s17], [sflag:$0x5], $0x2800, $0x38;
	[tilespmem:$0x1F780] =	vst v63  }
0x2b: {  	_ = 	snop  }
0x2c: {  	[spmem:s10] =	stream.linear.scatter [tilespmem:s17], [sflag:$0x5], $0x2800, $0x38;
	[tilespmem:$0x1F780] =	vst v63  }
0x2d: {  	_ = 	snop  }
0x2e: {  	[spmem:s11] =	stream.linear.scatter [tilespmem:s17], [sflag:$0x5], $0x2800, $0x38;
	[tilespmem:$0x1F780] =	vst v63  }
0x2f: {  	_ = 	snop  }
0x30: {  	[spmem:s12] =	stream.linear.scatter [tilespmem:s17], [sflag:$0x5], $0x2800, $0x38;
	[tilespmem:$0x1F780] =	vst v63  }
0x31: {  	s3 =	simm.s32 $0x80;
	s7 =	simm.s32 $0x400;
	s1 =	simm.s32 $0x0  }
0x32: {  	[tilespmem:s1], [sflag:$0x1] =	stream.strided.gather [hbm4b:s13+s3], $0x2780, s7, s3, $0x38;
	[tilespmem:$0x1F780] =	vst v63  }
0x33: {  	_ = 	snop  }
0x34: {  	[tilespmem:s20], [sflag:$0x2] =	stream.linear.gather [hbm4b:s14+s1], $0x3E80, $0x38;
	[tilespmem:$0x1F780] =	vst v63  }
0x35: {  	_ =	swait.ge [sflag:s21], $0x2800  }
0x36: {  	[sflag:s21] =	ssyncset.done $0x0  }
0x37: {  	[sflag:s21] =	ssyncadd.s32 $0xFFFFD800  }
0x38: {  	_ =	swait.ge [sflag:s21], $0x2800  }
0x39: {  	[sflag:s21] =	ssyncset.done $0x0  }
0x3a: {  	[sflag:s21] =	ssyncadd.s32 $0xFFFFD800  }
0x3b: {  	_ =	swait.ge [sflag:s21], $0x2800  }
0x3c: {  	[sflag:s21] =	ssyncset.done $0x0  }
0x3d: {  	[sflag:s21] =	ssyncadd.s32 $0xFFFFD800  }
0x3e: {  	_ =	swait.ge [sflag:s21], $0x2800  }
0x3f: {  	[sflag:s21] =	ssyncset.done $0x0  }
0x40: {  	[sflag:s21] =	ssyncadd.s32 $0xFFFFD800  }
0x41: {  	_ =	swait.ge [sflag:s21], $0x2800  }
0x42: {  	[sflag:s21] =	ssyncset.done $0x0  }
0x43: {  	[sflag:s21] =	ssyncadd.s32 $0xFFFFD800  }
0x44: {  	_ =	swait.ge [sflag:s21], $0x2800  }
0x45: {  	[sflag:s21] =	ssyncset.done $0x0  }
0x46: {  	[sflag:s21] =	ssyncadd.s32 $0xFFFFD800  }
0x47: {  	_ =	swait.ge [sflag:s21], $0x2800  }
0x48: {  	[sflag:s21] =	ssyncset.done $0x0  }
0x49: {  	[sflag:s21] =	ssyncadd.s32 $0xFFFFD800  }
0x4a: {  	_ =	swait.ge [sflag:s21], $0x2800  }
0x4b: {  	[sflag:s21] =	ssyncset.done $0x0  }
0x4c: {  	[sflag:s21] =	ssyncadd.s32 $0xFFFFD800  }
0x4d: {  	_ =	swait.ge [sflag:s22], $0x2780  }
0x4e: {  	[sflag:s22] =	ssyncset.done $0x0  }
0x4f: {  	[sflag:s22] =	ssyncadd.s32 $0xFFFFD880  }
0x50: {  	_ =	swait.ge [sflag:s23], $0x3E80  }
0x51: {  	[sflag:s23] =	ssyncset.done $0x0  }
0x52: {  	[sflag:s23] =	ssyncadd.s32 $0xFFFFC180  }
0x53: {  	[bflag:$0x0] =	sbarrier.arrive $0xFFFF  }
0x54: {  	[tilespmem:s17], [sflag:$0x1] =	stream.indirect.gather [hbm4b:s4+s24], $0x80, s1, s24, $0xb8;
	[tilespmem:$0x1F780] =	vst v63  }
0x55: {  	_ = 	snop  }
0x56: {  	[tilespmem:s25], [sflag:$0x3] =	stream.indirect.gather [hbm4b:s4+s24], $0x80, s24, s24, $0xb8;
	[tilespmem:$0x1F780] =	vst v63  }
0x57: {  	_ = 	snop  }
0x58: {  	[tilespmem:s28], [sflag:$0x2] =	stream.indirect.gather [hbm4b:s4+s24], $0x80, s26, s24, $0xb8;
	[tilespmem:$0x1F780] =	vst v63  }
0x59: {  	s3 =	simm.s32 $0x78  }
0x5a: {  	[tilespmem:s30], [sflag:$0x4] =	stream.indirect.gather [hbm4b:s4+s24], $0x80, s3, s24, $0xb8;
	[tilespmem:$0x1F780] =	vst v63  }
0x5b: {  	_ =	swait.ge [sflag:s22], $0x1400  }
0x5c: {  	[sflag:s22] =	ssyncset.done $0x0  }
0x5d: {  	[sflag:s22] =	ssyncadd.s32 $0xFFFFEC00  }
0x5e: {  	_ =	swait.ge [sflag:s31], $0x1400  }
0x5f: {  	[sflag:s31] =	ssyncset.done $0x0  }
0x60: {  	[sflag:s31] =	ssyncadd.s32 $0xFFFFEC00  }
0x61: {  	[spmem:s2] =	stream.indirect.scatter.add.f32 [tilespmem:s17], [sflag:$0x5], $0x80, s20, s26, $0xb8;
	[tilespmem:$0x1F780] =	vst v63  }
0x62: {  	_ =	swait.ge [sflag:s21], $0x2800  }
0x63: {  	[sflag:s21] =	ssyncset.done $0x0  }
0x64: {  	s6 =	simm.s32 $0xA0;
	[sflag:s21] =	ssyncadd.s32 $0xFFFFD800  }
0x65: {  	[tilespmem:s17], [sflag:$0x1] =	stream.indirect.gather [hbm4b:s4+s24], $0x80, s6, s24, $0xb8;
	[tilespmem:$0x1F780] =	vst v63  }
0x66: {  	s7 =	simm.s32 $0xC8  }
0x67: {  	[tilespmem:s25], [sflag:$0x3] =	stream.indirect.gather [hbm4b:s4+s24], $0x80, s7, s24, $0xb8;
	[tilespmem:$0x1F780] =	vst v63  }
0x68: {  	_ =	swait.ge [sflag:s23], $0x1400  }
0x69: {  	[sflag:s23] =	ssyncset.done $0x0  }
0x6a: {  	[sflag:s23] =	ssyncadd.s32 $0xFFFFEC00  }
0x6b: {  	_ =	swait.ge [sflag:s18], $0x1400  }
0x6c: {  	[sflag:s18] =	ssyncset.done $0x0  }
0x6d: {  	s3 =	simm.s32 $0x2800;
	[sflag:s18] =	ssyncadd.s32 $0xFFFFEC00  }
0x6e: {  	[spmem:s2] =	stream.indirect.scatter.add.f32 [tilespmem:s28], [sflag:$0x6], $0x80, s3, s26, $0xb8;
	[tilespmem:$0x1F780] =	vst v63  }
0x6f: {  	_ =	swait.ge [sflag:s29], $0x2800  }
0x70: {  	[sflag:s29] =	ssyncset.done $0x0  }
0x71: {  	s6 =	simm.s32 $0xF0;
	[sflag:s29] =	ssyncadd.s32 $0xFFFFD800  }
0x72: {  	[tilespmem:s28], [sflag:$0x2] =	stream.indirect.gather [hbm4b:s4+s24], $0x80, s6, s24, $0xb8;
	[tilespmem:$0x1F780] =	vst v63  }
0x73: {  	s7 =	simm.s32 $0x118  }
0x74: {  	[tilespmem:s30], [sflag:$0x4] =	stream.indirect.gather [hbm4b:s4+s24], $0x80, s7, s24, $0xb8;
	[tilespmem:$0x1F780] =	vst v63  }
0x75: {  	_ =	swait.ge [sflag:s22], $0x1400  }
0x76: {  	[sflag:s22] =	ssyncset.done $0x0  }
0x77: {  	[sflag:s22] =	ssyncadd.s32 $0xFFFFEC00  }
0x78: {  	_ =	swait.ge [sflag:s31], $0x1400  }
0x79: {  	[sflag:s31] =	ssyncset.done $0x0  }
0x7a: {  	s3 =	simm.s32 $0x2880;
	[sflag:s31] =	ssyncadd.s32 $0xFFFFEC00  }
0x7b: {  	[spmem:s2] =	stream.indirect.scatter.add.f32 [tilespmem:s17], [sflag:$0x5], $0x80, s3, s26, $0xb8;
	[tilespmem:$0x1F780] =	vst v63  }
0x7c: {  	_ =	swait.ge [sflag:s21], $0x2800  }
0x7d: {  	[sflag:s21] =	ssyncset.done $0x0  }
0x7e: {  	s6 =	simm.s32 $0x140;
	[sflag:s21] =	ssyncadd.s32 $0xFFFFD800  }
0x7f: {  	[tilespmem:s17], [sflag:$0x1] =	stream.indirect.gather [hbm4b:s4+s24], $0x80, s6, s24, $0xb8;
	[tilespmem:$0x1F780] =	vst v63  }
0x80: {  	s7 =	simm.s32 $0x168  }
0x81: {  	[tilespmem:s25], [sflag:$0x3] =	stream.indirect.gather [hbm4b:s4+s24], $0x80, s7, s24, $0xb8;
	[tilespmem:$0x1F780] =	vst v63  }
0x82: {  	_ =	swait.ge [sflag:s23], $0x1400  }
0x83: {  	[sflag:s23] =	ssyncset.done $0x0  }
0x84: {  	[sflag:s23] =	ssyncadd.s32 $0xFFFFEC00  }
0x85: {  	_ =	swait.ge [sflag:s18], $0x1400  }
0x86: {  	s1 =	simm.s32 $0x280;
	[sflag:s18] =	ssyncset.done $0x0  }
0x87: {  	s3 =	simm.s32 $0x2980;
	s6 =	simm.s32 $0x2900;
	[sflag:s18] =	ssyncadd.s32 $0xFFFFEC00  }
.LBB2_4:
0x88: {  	[spmem:s2] =	stream.indirect.scatter.add.f32 [tilespmem:s28], [sflag:$0x6], $0x80, s6, s26, $0xb8;
	[tilespmem:$0x1F780] =	vst v63  }
0x89: {  	s6 =	smov.u32 s1  }
0x8a: {  	p0 =	sne.s32 s1, $0x9600;
	s1 =	sadd.s32 $0x280, s1;
	_ =	swait.ge [sflag:s29], $0x2800  }
0x8b: {  	s6 =	sshra.s32 s6, $0x2;
	[sflag:s29] =	ssyncset.done $0x0  }
0x8c: {  	s7 =	sadd.s32 $0xF0, s6;
	[sflag:s29] =	ssyncadd.s32 $0xFFFFD800  }
0x8d: {  	[tilespmem:s28], [sflag:$0x2] =	stream.indirect.gather [hbm4b:s4+s24], $0x80, s7, s24, $0xb8;
	[tilespmem:$0x1F780] =	vst v63  }
0x8e: {  	s7 =	sadd.s32 $0x118, s6  }
0x8f: {  	[tilespmem:s30], [sflag:$0x4] =	stream.indirect.gather [hbm4b:s4+s24], $0x80, s7, s24, $0xb8;
	[tilespmem:$0x1F780] =	vst v63  }
0x90: {  	_ =	swait.ge [sflag:s22], $0x1400  }
0x91: {  	[sflag:s22] =	ssyncset.done $0x0  }
0x92: {  	[sflag:s22] =	ssyncadd.s32 $0xFFFFEC00  }
0x93: {  	_ =	swait.ge [sflag:s31], $0x1400  }
0x94: {  	[sflag:s31] =	ssyncset.done $0x0  }
0x95: {  	[sflag:s31] =	ssyncadd.s32 $0xFFFFEC00  }
0x96: {  	[spmem:s2] =	stream.indirect.scatter.add.f32 [tilespmem:s17], [sflag:$0x5], $0x80, s3, s26, $0xb8;
	[tilespmem:$0x1F780] =	vst v63  }
0x97: {  	_ =	swait.ge [sflag:s21], $0x2800  }
0x98: {  	[sflag:s21] =	ssyncset.done $0x0  }
0x99: {  	s7 =	sadd.s32 $0x140, s6;
	[sflag:s21] =	ssyncadd.s32 $0xFFFFD800  }
0x9a: {  	[tilespmem:s17], [sflag:$0x1] =	stream.indirect.gather [hbm4b:s4+s24], $0x80, s7, s24, $0xb8;
	[tilespmem:$0x1F780] =	vst v63  }
0x9b: {  	s6 =	sadd.s32 $0x168, s6  }
0x9c: {  	[tilespmem:s25], [sflag:$0x3] =	stream.indirect.gather [hbm4b:s4+s24], $0x80, s6, s24, $0xb8;
	[tilespmem:$0x1F780] =	vst v63  }
0x9d: {  	_ =	swait.ge [sflag:s23], $0x1400  }
.Ltmp1:
0x9e: {  	[sflag:s23] =	ssyncset.done $0x0;
	(pc) =	sbr.rel @p0 .LBB2_4-.Ltmp1, $4  }
0x9f: {  	[sflag:s23] =	ssyncadd.s32 $0xFFFFEC00  }
0xa0: {  	_ =	swait.ge [sflag:s18], $0x1400  }
0xa1: {  	[sflag:s18] =	ssyncset.done $0x0  }
0xa2: {  	s6 =	sadd.s32 $0x80, s3;
	s3 =	sadd.s32 $0x100, s3;
	[sflag:s18] =	ssyncadd.s32 $0xFFFFEC00  }
0xa3: {  	[spmem:s2] =	stream.indirect.scatter.add.f32 [tilespmem:s28], [sflag:$0x6], $0x80, s6, s26, $0xb8;
	[tilespmem:$0x1F780] =	vst v63  }
0xa4: {  	_ =	swait.ge [sflag:s29], $0x2800  }
0xa5: {  	[sflag:s29] =	ssyncset.done $0x0  }
0xa6: {  	[sflag:s29] =	ssyncadd.s32 $0xFFFFD800  }
0xa7: {  	_ =	swait.ge [sflag:s22], $0x1400  }
0xa8: {  	[sflag:s22] =	ssyncset.done $0x0  }
0xa9: {  	[sflag:s22] =	ssyncadd.s32 $0xFFFFEC00  }
0xaa: {  	_ =	swait.ge [sflag:s31], $0x1400  }
0xab: {  	[sflag:s31] =	ssyncset.done $0x0  }
0xac: {  	s1 =	simm.s32 $0x6580;
	[sflag:s31] =	ssyncadd.s32 $0xFFFFEC00  }
0xad: {  	[spmem:s2] =	stream.indirect.scatter.add.f32 [tilespmem:s17], [sflag:$0x5], $0x80, s1, s26, $0xb8;
	[tilespmem:$0x1F780] =	vst v63  }
0xae: {  	s7 =	stileid.u32;
	_ =	swait.ge [sflag:s21], $0x2800  }
0xaf: {  	s3 =	sshrl.u32 s5, $0x3;
	s19 =	sadd.s32 $0x1, s19;
	[sflag:s21] =	ssyncset.done $0x0  }
0xb0: {  	p0 =	sne.s32 s19, s16;
	s1 =	sshll.u32 s7, $0x6;
	[sflag:s21] =	ssyncadd.s32 $0xFFFFD800  }
.Ltmp2:
0xb1: {  	s1 =	sor.u32 $0x1C07, s1;
	[bflag:$0x0] =	sbarrier.arrive $0xFFFF;
	(pc) =	sbr.rel @p0 .LBB2_1-.Ltmp2, $4  }
0xb2: {  	[hbm:s15], [sflag:s1] =	dma.local [spmem:s3], $0x2800  }
0xb3: {  	_ =	swait.ge [sflag:s0], $0x2800  }
0xb4: {  	[sflag:s0] =	ssyncset.done $0x0  }
0xb5: {  	[sflag:s0] =	ssyncadd.s32 $0xFFFFD800  }
0xb6: {  	_ =	sfence.sel $0x180000  }
0xb7: {  	[bflag:$0x0] =	sbarrier.arrive $0xFFFF  }
0xb8: {  	_ =	strace $0x9000004D  }
0xb9: {  	s0 =	stileid.u32;
	[bflag:$0x2] =	sbarrier.arrive $0xFFFF  }
0xba: {  	p0 =	sne.s32 s0, $0x0;
	s0 =	rddreg [dreg:$0x3]  }
0xbb: {  	s0 =	sadd.s32 @!p0 $0x100000, s0  }
0xbc: {  	[sflag:s0] =	ssyncadd.tile.s32 @!p0 $0x1;
	_ =	shalt  }
.Lfunc_end2:
_tile_overlayer_lowered:
.L_overlay_start_2:
0xbd: {  	(tag) =	ssettag $0x2  }
0xbe: {  	s0 =	rddreg [dreg:$0x0];
	s2 =	stileid.u32  }
0xbf: {  	s1 =	rddreg [dreg:$0x1];
	p0 =	sne.s32 s2, $0x0  }
0xc0: {  	s3 =	rddreg [dreg:$0x2];
	[bflag:$0x3] =	sbarrier.arrive $0xFFFF;
	s2 =	simm.s32 @!p0 $0x1C07  }
0xc1: {  	[timem:s3], [sflag:s2] =	dma.local @!p0 [hbm:s0], s1  }
0xc2: {  	s0 =	simm.s32 @!p0 $0x7  }
0xc3: {  	_ =	swait.ge @!p0 [sflag:s0], s1  }
0xc4: {  	s1 =	ssub.s32 @!p0 $0x0, s1;
	[sflag:s0] =	ssyncset.done @!p0 $0x0  }
0xc5: {  	[sflag:s0] =	ssyncadd.s32 @!p0 s1  }
0xc6: {  	[bflag:$0x3] =	sbarrier.arrive $0xFFFF  }
0xc7: {  	_ =	shalt  }

// kernel: kernel.19.cloned.1.call-start
scs
__scs_entry_jumppad:
0x0: {  	(pc) =	sbr.rel $0x88, $3  }
0x1: {  	(tag) =	ssettag $0x0;
	lr =	simm.s32 $0x1  }
0x2: {  	[smem:$0x3F99] =	sst lr;
	_ =	strace $0xD0000000  }
0x3: {  	_ = 	snop  }
0x4: {  	_ = 	snop  }
0x5: {  	_ = 	snop  }
0x6: {  	_ = 	snop  }
0x7: {  	_ = 	snop  }
__scs_overlays_trampoline_lowered:
0x8: {  	[smem:$0x3FA8] =	sst s0  }
0x9: {  	[smem:$0x3FA9] =	sst s1  }
0xa: {  	[smem:$0x3FAA] =	sst s2  }
0xb: {  	[smem:$0x3FAB] =	sst s3  }
0xc: {  	[smem:$0x3FAC] =	sst s4  }
0xd: {  	[smem:$0x3FAD] =	sst s5  }
0xe: {  	[smem:$0x3FAE] =	sst s6  }
0xf: {  	[smem:$0x3FAF] =	sst s7  }
0x10: {  	[smem:$0x3FB0] =	sst s8  }
0x11: {  	[smem:$0x3FB1] =	sst s9;
	s0 =	simm.s32 @!p0 $0x0  }
0x12: {  	s1 =	sld [smem:$0x3F97];
	s0 =	simm.s32 @p0 $0x1  }
0x13: {  	[smem:$0x3FB2] =	sst s0;
	s0 =	simm.s32 @!p1 $0x0  }
0x14: {  	s2 =	sld [smem:$0x3F96];
	s0 =	simm.s32 @p1 $0x1  }
0x15: {  	[smem:$0x3FB3] =	sst s0;
	s0 =	simm.s32 @!p2 $0x0  }
0x16: {  	s3 =	sld [smem:$0x3FDB];
	s0 =	simm.s32 @p2 $0x1  }
0x17: {  	s4 =	simm.s32 $0x1BF5;
	[smem:$0x3FB5] =	sst s0  }
0x18: {  	s0 =	sld [smem:$0x3F98];
	_ =	swait.ge [sflag:s4], $0x0  }
0x19: {  	s7 =	sld [smem:$0x3F99]  }
0x1a: {  	s8 =	sadd.s32 $0xFFFFE003, lr  }
0x1b: {  	s9 =	sadd.s32 $0xFFFFFEF7, lr;
	s5 =	simm.s32 $0xFFFFFFFF;
	p2 =	slt.u32 s8, $0xFFFFF086  }
0x1c: {  	p1 =	slt.u32 s9, $0xF7A;
	s5 =	simm.s32 @!p2 $0x0  }
0x1d: {  	s5 =	simm.s32 @p1 $0x1;
	p0 =	seq.s32 s7, s2  }
0x1e: {  	s7 =	smul.u32 @!p0 $0xF7A, s2;
	p2 =	seq.s32 @!p0 s5, $0x0  }
0x1f: {  	s9 =	smul.u32 $0xF7A, s1;
	s8 =	simm.s32 @!p0 $0x1BF5;
	p2 =	por !p2, p0  }
0x20: {  	[sflag:s8] =	ssyncset.s32 @!p0 $0xFFFFF086;
	s6 =	sadd.s32 @!p0 s3, s7;
	s7 =	simm.s32 @!p0 $0x108  }
0x21: {  	s3 =	sadd.s32 s3, s9;
	s6 =	sadd.s32 @!p0 $0x88, s6;
	s7 =	simm.s32 @p2 $0x1082  }
0x22: {  	[simem:s7], [sflag:s8] =	dma.local @!p0 [hbm:s6], $0xF7A  }
0x23: {  	s9 =	sor.u32 $0xD0000000, s2;
	s6 =	simm.s32 $0x108;
	_ =	swait.ge @!p0 [sflag:s8], $0x0  }
0x24: {  	s3 =	sadd.s32 $0x88, s3;
	s6 =	simm.s32 @!p1 $0x1082;
	[sflag:s4] =	ssyncset.s32 $0xFFFFF086  }
0x25: {  	[simem:s6], [sflag:s4] =	dma.local [hbm:s3], $0xF7A  }
0x26: {  	[smem:$0x3F99] =	sst s1;
	(tag) =	ssettag s2;
	_ =	strace s9  }
0x27: {  	s1 =	sld [smem:$0x3FA9]  }
0x28: {  	s2 =	sld [smem:$0x3FAA]  }
0x29: {  	s4 =	sld [smem:$0x3FAC]  }
0x2a: {  	p0 =	seq.s32 s5, $0x0;
	s5 =	sld [smem:$0x3FAD]  }
0x2b: {  	s6 =	sld [smem:$0x3FAE]  }
0x2c: {  	s7 =	sld [smem:$0x3FAF]  }
0x2d: {  	s3 =	simm.s32 $0x108;
	s8 =	sld [smem:$0x3FB0]  }
0x2e: {  	s3 =	simm.s32 @!p0 $0x1082;
	s9 =	sld [smem:$0x3FB1]  }
0x2f: {  	lr =	sadd.s32 s0, s3;
	s0 =	sld [smem:$0x3FA8]  }
0x30: {  	s3 =	sld [smem:$0x3FAB]  }
0x31: {  	[smem:$0x3FB4] =	sst s10  }
0x32: {  	s10 =	sld [smem:$0x3FB2];
	_ =	sdelay $0x3  }
0x33: {  	p0 =	seq.s32 s10, $0x1;
	s10 =	sld [smem:$0x3FB4];
	_ =	sdelay $0x3  }
0x34: {  	[smem:$0x3FB4] =	sst s10  }
0x35: {  	s10 =	sld [smem:$0x3FB3];
	_ =	sdelay $0x3  }
0x36: {  	p1 =	seq.s32 s10, $0x1;
	s10 =	sld [smem:$0x3FB4];
	_ =	sdelay $0x3  }
0x37: {  	[smem:$0x3FB4] =	sst s10  }
0x38: {  	s10 =	sld [smem:$0x3FB5]  }
0x39: {  	_ = 	snop;
	(pc) =	sbr.ind lr, $3  }
0x3a: {  	_ = 	snop  }
0x3b: {  	_ = 	snop  }
0x3c: {  	p2 =	seq.s32 s10, $0x1;
	s10 =	sld [smem:$0x3FB4]  }
0x3d: {  	_ =	shalt  }
0x3e: {  	_ =	shalt  }
0x3f: {  	_ =	shalt  }
0x40: {  	_ =	shalt  }
0x41: {  	_ =	shalt  }
0x42: {  	_ =	shalt  }
0x43: {  	_ =	shalt  }
0x44: {  	_ =	shalt  }
0x45: {  	_ =	shalt  }
0x46: {  	_ =	shalt  }
0x47: {  	_ =	shalt  }
0x48: {  	_ =	shalt  }
0x49: {  	_ =	shalt  }
0x4a: {  	_ =	shalt  }
0x4b: {  	_ =	shalt  }
0x4c: {  	_ =	shalt  }
0x4d: {  	_ =	shalt  }
0x4e: {  	_ =	shalt  }
0x4f: {  	_ =	shalt  }
0x50: {  	_ =	shalt  }
0x51: {  	_ =	shalt  }
0x52: {  	_ =	shalt  }
0x53: {  	_ =	shalt  }
0x54: {  	_ =	shalt  }
0x55: {  	_ =	shalt  }
0x56: {  	_ =	shalt  }
0x57: {  	_ =	shalt  }
0x58: {  	_ =	shalt  }
0x59: {  	_ =	shalt  }
0x5a: {  	_ =	shalt  }
0x5b: {  	_ =	shalt  }
0x5c: {  	_ =	shalt  }
0x5d: {  	_ =	shalt  }
0x5e: {  	_ =	shalt  }
0x5f: {  	_ =	shalt  }
0x60: {  	_ =	shalt  }
0x61: {  	_ =	shalt  }
0x62: {  	_ =	shalt  }
0x63: {  	_ =	shalt  }
0x64: {  	_ =	shalt  }
0x65: {  	_ =	shalt  }
0x66: {  	_ =	shalt  }
0x67: {  	_ =	shalt  }
0x68: {  	_ =	shalt  }
0x69: {  	_ =	shalt  }
0x6a: {  	_ =	shalt  }
0x6b: {  	_ =	shalt  }
0x6c: {  	_ =	shalt  }
0x6d: {  	_ =	shalt  }
0x6e: {  	_ =	shalt  }
0x6f: {  	_ =	shalt  }
0x70: {  	_ =	shalt  }
0x71: {  	_ =	shalt  }
0x72: {  	_ =	shalt  }
0x73: {  	_ =	shalt  }
0x74: {  	_ =	shalt  }
0x75: {  	_ =	shalt  }
0x76: {  	_ =	shalt  }
0x77: {  	_ =	shalt  }
0x78: {  	_ =	shalt  }
0x79: {  	_ =	shalt  }
0x7a: {  	_ =	shalt  }
0x7b: {  	_ =	shalt  }
0x7c: {  	_ =	shalt  }
0x7d: {  	_ =	shalt  }
0x7e: {  	_ =	shalt  }
0x7f: {  	_ =	shalt  }
0x80: {  	_ =	shalt  }
0x81: {  	_ =	shalt  }
0x82: {  	_ =	shalt  }
0x83: {  	_ =	shalt  }
0x84: {  	_ =	shalt  }
0x85: {  	_ =	shalt  }
0x86: {  	_ =	shalt  }
0x87: {  	_ =	shalt  }
.Lfunc_end0:
.L_simem_size_0:
called_computation.3_lowered:
.L_overlay_start_0:
0x88: {  	s2 =	sld [smem:$0x3FD9]  }
0x89: {  	s3 =	sld [smem:$0x3FFE];
	_ =	sdelay $0x1  }
0x8a: {  	s1 =	srdreg.scid  }
0x8b: {  	s0 =	sand.u32 $0x1, s1  }
0x8c: {  	s17 =	sshll.u32 s0, $0xA;
	s2 =	sadd.s32 s3, s2  }
0x8d: {  	s2 =	sadd.s32 s2, s17  }
0x8e: {  	[smem:$0x3FC0] =	sst s2  }
0x8f: {  	_ = 	snop  }
0x90: {  	s2 =	sld [smem:$0x3FD0];
	(tm) =	ssettm $0x1  }
0x91: {  	s18 =	sld [smem:$0x3FFB];
	_ =	sdelay $0x3  }
0x92: {  	_ =	strace s18  }
0x93: {  	s3 =	sld [smem:$0x3FFC];
	_ =	sdelay $0x3  }
0x94: {  	_ =	strace s3  }
0x95: {  	s3 =	sld [smem:$0x3FFD];
	_ =	sdelay $0x3  }
0x96: {  	_ =	strace s3  }
0x97: {  	_ =	strace $0x8FFFFFFF  }
0x98: {  	s19 =	sld [smem:$0x3FDB];
	_ =	sdelay $0x1  }
0x99: {  	s4 =	simm.s32 $_scs_section_size  }
0x9a: {  	s5 =	simm.s32 $_size__tile_overlayer_lowered;
	s6 =	simm.s32 $_tile_overlayer_lowered  }
0x9b: {  	s22 =	simm.s32 $0x1BFF;
	s21 =	sshll.u32 s6, $0x1;
	s3 =	sadd.s32 s4, s19  }
0x9c: {  	s7 =	simm.s32 $0x0;
	s20 =	sshll.u32 s5, $0x1;
	s5 =	sadd.s32 s21, s3  }
0x9d: {  	[timem:s7], [sflag:s22] =	dma.local [hbm:s5], s20  }
0x9e: {  	_ =	swait.ge [sflag:s22], s20  }
0x9f: {  	s4 =	ssub.s32 $0x0, s20;
	[sflag:s22] =	ssyncset.done $0x0  }
0xa0: {  	[sflag:s22] =	ssyncadd.s32 s4;
	_ =	sdelay $0x1  }
0xa1: {  	s23 =	simm.s32 $0x1B8B  }
0xa2: {  	_ =	swait.ge [sflag:s23], $0x1  }
0xa3: {  	[sflag:s23] =	ssyncset.done $0x0  }
0xa4: {  	s25 =	simm.s32 $0x1B8E;
	s24 =	sld [smem:$0x3FFE];
	[sflag:s23] =	ssyncadd.s32 $0xFFFFFFFF  }
0xa5: {  	s26 =	simm.s32 $execute0_lowered;
	[smem:$0x3FD2] =	sst s25  }
0xa6: {  	s5 =	sshll.u32 s26, $0x1;
	_ =	strace $0x8000004F;
	[dreg:$0x1] =	wrdreg $0xFFFFFFFF  }
0xa7: {  	s28 =	simm.s32 $_size_execute0_lowered;
	s3 =	sadd.s32 s3, s5;
	[dreg:$0x0] =	wrdreg $0x0  }
0xa8: {  	s5 =	sshll.u32 s28, $0x1;
	[dreg:$0x2] =	wrdreg s3  }
0xa9: {  	[dreg:$0x3] =	wrdreg s5  }
0xaa: {  	[dreg:$0x4] =	wrdreg $0xC0  }
0xab: {  	_ =	task [dreg:s7], $0x5FFFF  }
0xac: {  	[dreg:$0x1] =	wrdreg $0xFFFFFFFF  }
0xad: {  	[dreg:$0x0] =	wrdreg $0x60  }
0xae: {  	[dreg:$0x2] =	wrdreg s24  }
0xaf: {  	[dreg:$0x3] =	wrdreg s2  }
0xb0: {  	[dreg:$0x4] =	wrdreg $0xB7800  }
0xb1: {  	[dreg:$0x5] =	wrdreg $0x9  }
0xb2: {  	_ =	task.clear_ibuf [dreg:s7], $0x6FFFF;
	_ =	strace $0x9000004F  }
0xb3: {  	s29 =	simm.s32 $0x9;
	_ =	strace $0x80000051  }
0xb4: {  	_ =	swait.ge [sflag:s29], $0x1  }
0xb5: {  	[sflag:s29] =	ssyncadd.s32 $0xFFFFFFFF  }
0xb6: {  	_ =	strace $0x90000051  }
0xb7: {  	_ =	sfence  }
0xb8: {  	s30 =	sld [smem:$0x0];
	_ =	sdelay $0x2  }
0xb9: {  	s31 =	sshll.u32 s1, $0xD;
	s1 =	sshrl.u32 s1, $0x2  }
0xba: {  	s3 =	sand.u32 $0x4000, s31;
	s1 =	sadd.s32 s1, s30  }
0xbb: {  	s0 =	sor.u32 s3, s0;
	s1 =	sshll.u32 s1, $0x11  }
0xbc: {  	s0 =	sor.u32 s1, s0  }
0xbd: {  	s0 =	sadd.s32 $0x8F2B, s0  }
0xbe: {  	[sflag:s0] =	ssyncadd.remote.s32 $0x1  }
0xbf: {  	_ =	sfence.sel $0xFFFF  }
0xc0: {  	[dreg:$0x0] =	wrdreg $0xFFFFFFFF;
	(pc) =	sbr.abs _section_cstart, $3  }
0xc1: {  	[dreg:$0x1] =	wrdreg $0xFFFFFFFF  }
0xc2: {  	_ =	task.clear_ibuf [dreg:s7], $0x2FFFF;
	_ =	strace $0x9FFFFFFF  }
0xc3: {  	(tm) =	ssettm $0x7FFFFFFF  }
tec
execute0_lowered:
.L_overlay_start_1:
0x0: {  	(tag) =	ssettag $0x1  }
0x1: {  	s3 =	rddreg [dreg:$0x0]  }
0x2: {  	s0 =	srdreg.scid;
	s6 =	rddreg [dreg:$0x1]  }
0x3: {  	s9 =	stileid.u32;
	s2 =	rddreg [dreg:$0x2]  }
0x4: {  	s8 =	simm.s32 $0x0;
	s17 =	simm.s32 $0x6780;
	s20 =	simm.s32 $0x2780  }
0x5: {  	s28 =	simm.s32 $0x8F80;
	s30 =	simm.s32 $0xA380;
	s31 =	simm.s32 $0x3  }
0x6: {  	s18 =	simm.s32 $0x4;
	s29 =	simm.s32 $0x6;
	s19 =	simm.s32 $0x0  }
0x7: {  	s0 =	sand.u32 $0x1, s0;
	s5 =	sshll.u32 s9, $0x7;
	s21 =	smul.u32 $0x14000, s9  }
0x8: {  	[smem:$0x7FF] =	sst s8;
	s1 =	sshll.u32 s0, $0x4;
	s5 =	sand.u32 $0x380, s5  }
0x9: {  	s7 =	smul.u32 $0x140000, s0;
	_ =	strace $0x80000050;
	s0 =	ssub.s32 $0x2, s0  }
0xa: {  	s1 =	sor.u32 s9, s1;
	s9 =	smul.u32 $0x50000, s9;
	s25 =	sshrl.u32 s0, $0x1  }
0xb: {  	s4 =	sshrl.u32 s1, $0x3;
	s0 =	ssub.s32 s0, s25;
	s1 =	sshll.u32 s1, $0xB  }
0xc: {  	s25 =	simm.s32 $0x7B80;
	s4 =	smul.u32 $0x13C00, s4;
	s23 =	sshrl.u32 s9, $0x2  }
0xd: {  	s14 =	sadd.s32 s6, s1;
	s16 =	smax.u32 s0, $0x1;
	s0 =	simm.s32 $0x7  }
0xe: {  	s4 =	sor.u32 s5, s4;
	s5 =	sadd.s32 s21, s7;
	s21 =	simm.s32 $0x5  }
0xf: {  	s22 =	sshrl.u32 s4, $0x3;
	s4 =	sadd.s32 $0x20800, s3;
	s24 =	sshrl.u32 s5, $0x3  }
0x10: {  	s5 =	sadd.s32 s23, s2;
	s23 =	simm.s32 $0x2;
	s13 =	sadd.s32 s22, s3  }
0x11: {  	s3 =	sadd.s32 s24, s3;
	s7 =	sadd.s32 $0x2800, s5;
	s26 =	sadd.s32 $0x5000, s5  }
0x12: {  	s8 =	sadd.s32 $0x7800, s5;
	s9 =	sadd.s32 $0xA000, s5;
	s10 =	sadd.s32 $0xC800, s5  }
0x13: {  	s11 =	sadd.s32 $0xF000, s5;
	s12 =	sadd.s32 $0x11800, s5;
	[dreg:$0x4] =	wrdreg s7  }
0x14: {  	s22 =	simm.s32 $0x1;
	s24 =	simm.s32 $0x28;
	[dreg:$0x5] =	wrdreg s26  }
0x15: {  	v0 =	vimm.f32 $0.0e+00;
	s13 =	sadd.s32 $0x16A00, s13;
	s15 =	sadd.s32 $0x48800, s3;
	s26 =	simm.s32 $0x50  }
.LBB2_1:
0x16: {  	s3 =	simm.s32 $0x0  }
0x17: {  	s1 =	sand.u32 $0xFE00, s3  }
0x18: {  	s3 =	sand.u32 $0x70, s3;
	s6 =	sshrl.u32 s1, $0x2  }
0x19: {  	s1 =	simm.s32 $0x40;
	s6 =	sor.u32 s3, s6;
	s3 =	simm.s32 $0x0  }
.LBB2_2:
0x1a: {  	p0 =	sne.s32 s1, $0x9FC0  }
0x1b: {  	[tilespmem:s6+$0x6780] =	vst v0;
	s3 =	sadd.s32 $0x10, s3;
	s6 =	smov.u32 s1;
	s1 =	sadd.s32 $0x40, s1  }
.Ltmp0:
0x1c: {  	(pc) =	sbr.rel @p0 .LBB2_2-.Ltmp0, $4  }
0x1d: {  	_ = 	snop  }
0x1e: {  	s6 =	sand.u32 $0xFE00, s6  }
0x1f: {  	s7 =	sand.u32 $0x70, s3;
	s6 =	sshrl.u32 s6, $0x2  }
0x20: {  	s6 =	sor.u32 s7, s6  }
0x21: {  	[tilespmem:s6+$0x6780] =	vst v0  }
0x22: {  	[spmem:s5] =	stream.linear.scatter [tilespmem:s17], [sflag:$0x5], $0x2800, $0x38;
	[tilespmem:$0x1F780] =	vst v63  }
0x23: {  	s1 =	rddreg [dreg:$0x4]  }
0x24: {  	[spmem:s1] =	stream.linear.scatter [tilespmem:s17], [sflag:$0x5], $0x2800, $0x38;
	[tilespmem:$0x1F780] =	vst v63  }
0x25: {  	s6 =	rddreg [dreg:$0x5]  }
0x26: {  	[spmem:s6] =	stream.linear.scatter [tilespmem:s17], [sflag:$0x5], $0x2800, $0x38;
	[tilespmem:$0x1F780] =	vst v63  }
0x27: {  	_ = 	snop  }
0x28: {  	[spmem:s8] =	stream.linear.scatter [tilespmem:s17], [sflag:$0x5], $0x2800, $0x38;
	[tilespmem:$0x1F780] =	vst v63  }
0x29: {  	_ = 	snop  }
0x2a: {  	[spmem:s9] =	stream.linear.scatter [tilespmem:s17], [sflag:$0x5], $0x2800, $0x38;
	[tilespmem:$0x1F780] =	vst v63  }
0x2b: {  	_ = 	snop  }
0x2c: {  	[spmem:s10] =	stream.linear.scatter [tilespmem:s17], [sflag:$0x5], $0x2800, $0x38;
	[tilespmem:$0x1F780] =	vst v63  }
0x2d: {  	_ = 	snop  }
0x2e: {  	[spmem:s11] =	stream.linear.scatter [tilespmem:s17], [sflag:$0x5], $0x2800, $0x38;
	[tilespmem:$0x1F780] =	vst v63  }
0x2f: {  	_ = 	snop  }
0x30: {  	[spmem:s12] =	stream.linear.scatter [tilespmem:s17], [sflag:$0x5], $0x2800, $0x38;
	[tilespmem:$0x1F780] =	vst v63  }
0x31: {  	s3 =	simm.s32 $0x80;
	s7 =	simm.s32 $0x400;
	s1 =	simm.s32 $0x0  }
0x32: {  	[tilespmem:s1], [sflag:$0x1] =	stream.strided.gather [hbm4b:s13+s3], $0x2780, s7, s3, $0x38;
	[tilespmem:$0x1F780] =	vst v63  }
0x33: {  	_ = 	snop  }
0x34: {  	[tilespmem:s20], [sflag:$0x2] =	stream.linear.gather [hbm4b:s14+s1], $0x3E80, $0x38;
	[tilespmem:$0x1F780] =	vst v63  }
0x35: {  	_ =	swait.ge [sflag:s21], $0x2800  }
0x36: {  	[sflag:s21] =	ssyncset.done $0x0  }
0x37: {  	[sflag:s21] =	ssyncadd.s32 $0xFFFFD800  }
0x38: {  	_ =	swait.ge [sflag:s21], $0x2800  }
0x39: {  	[sflag:s21] =	ssyncset.done $0x0  }
0x3a: {  	[sflag:s21] =	ssyncadd.s32 $0xFFFFD800  }
0x3b: {  	_ =	swait.ge [sflag:s21], $0x2800  }
0x3c: {  	[sflag:s21] =	ssyncset.done $0x0  }
0x3d: {  	[sflag:s21] =	ssyncadd.s32 $0xFFFFD800  }
0x3e: {  	_ =	swait.ge [sflag:s21], $0x2800  }
0x3f: {  	[sflag:s21] =	ssyncset.done $0x0  }
0x40: {  	[sflag:s21] =	ssyncadd.s32 $0xFFFFD800  }
0x41: {  	_ =	swait.ge [sflag:s21], $0x2800  }
0x42: {  	[sflag:s21] =	ssyncset.done $0x0  }
0x43: {  	[sflag:s21] =	ssyncadd.s32 $0xFFFFD800  }
0x44: {  	_ =	swait.ge [sflag:s21], $0x2800  }
0x45: {  	[sflag:s21] =	ssyncset.done $0x0  }
0x46: {  	[sflag:s21] =	ssyncadd.s32 $0xFFFFD800  }
0x47: {  	_ =	swait.ge [sflag:s21], $0x2800  }
0x48: {  	[sflag:s21] =	ssyncset.done $0x0  }
0x49: {  	[sflag:s21] =	ssyncadd.s32 $0xFFFFD800  }
0x4a: {  	_ =	swait.ge [sflag:s21], $0x2800  }
0x4b: {  	[sflag:s21] =	ssyncset.done $0x0  }
0x4c: {  	[sflag:s21] =	ssyncadd.s32 $0xFFFFD800  }
0x4d: {  	_ =	swait.ge [sflag:s22], $0x2780  }
0x4e: {  	[sflag:s22] =	ssyncset.done $0x0  }
0x4f: {  	[sflag:s22] =	ssyncadd.s32 $0xFFFFD880  }
0x50: {  	_ =	swait.ge [sflag:s23], $0x3E80  }
0x51: {  	[sflag:s23] =	ssyncset.done $0x0  }
0x52: {  	[sflag:s23] =	ssyncadd.s32 $0xFFFFC180  }
0x53: {  	[bflag:$0x0] =	sbarrier.arrive $0xFFFF  }
0x54: {  	[tilespmem:s17], [sflag:$0x1] =	stream.indirect.gather [hbm4b:s4+s24], $0x80, s1, s24, $0xb8;
	[tilespmem:$0x1F780] =	vst v63  }
0x55: {  	_ = 	snop  }
0x56: {  	[tilespmem:s25], [sflag:$0x3] =	stream.indirect.gather [hbm4b:s4+s24], $0x80, s24, s24, $0xb8;
	[tilespmem:$0x1F780] =	vst v63  }
0x57: {  	_ = 	snop  }
0x58: {  	[tilespmem:s28], [sflag:$0x2] =	stream.indirect.gather [hbm4b:s4+s24], $0x80, s26, s24, $0xb8;
	[tilespmem:$0x1F780] =	vst v63  }
0x59: {  	s3 =	simm.s32 $0x78  }
0x5a: {  	[tilespmem:s30], [sflag:$0x4] =	stream.indirect.gather [hbm4b:s4+s24], $0x80, s3, s24, $0xb8;
	[tilespmem:$0x1F780] =	vst v63  }
0x5b: {  	_ =	swait.ge [sflag:s22], $0x1400  }
0x5c: {  	[sflag:s22] =	ssyncset.done $0x0  }
0x5d: {  	[sflag:s22] =	ssyncadd.s32 $0xFFFFEC00  }
0x5e: {  	_ =	swait.ge [sflag:s31], $0x1400  }
0x5f: {  	[sflag:s31] =	ssyncset.done $0x0  }
0x60: {  	[sflag:s31] =	ssyncadd.s32 $0xFFFFEC00  }
0x61: {  	[spmem:s2] =	stream.indirect.scatter.add.f32 [tilespmem:s17], [sflag:$0x5], $0x80, s20, s26, $0xb8;
	[tilespmem:$0x1F780] =	vst v63  }
0x62: {  	_ =	swait.ge [sflag:s21], $0x2800  }
0x63: {  	[sflag:s21] =	ssyncset.done $0x0  }
0x64: {  	s6 =	simm.s32 $0xA0;
	[sflag:s21] =	ssyncadd.s32 $0xFFFFD800  }
0x65: {  	[tilespmem:s17], [sflag:$0x1] =	stream.indirect.gather [hbm4b:s4+s24], $0x80, s6, s24, $0xb8;
	[tilespmem:$0x1F780] =	vst v63  }
0x66: {  	s7 =	simm.s32 $0xC8  }
0x67: {  	[tilespmem:s25], [sflag:$0x3] =	stream.indirect.gather [hbm4b:s4+s24], $0x80, s7, s24, $0xb8;
	[tilespmem:$0x1F780] =	vst v63  }
0x68: {  	_ =	swait.ge [sflag:s23], $0x1400  }
0x69: {  	[sflag:s23] =	ssyncset.done $0x0  }
0x6a: {  	[sflag:s23] =	ssyncadd.s32 $0xFFFFEC00  }
0x6b: {  	_ =	swait.ge [sflag:s18], $0x1400  }
0x6c: {  	[sflag:s18] =	ssyncset.done $0x0  }
0x6d: {  	s3 =	simm.s32 $0x2800;
	[sflag:s18] =	ssyncadd.s32 $0xFFFFEC00  }
0x6e: {  	[spmem:s2] =	stream.indirect.scatter.add.f32 [tilespmem:s28], [sflag:$0x6], $0x80, s3, s26, $0xb8;
	[tilespmem:$0x1F780] =	vst v63  }
0x6f: {  	_ =	swait.ge [sflag:s29], $0x2800  }
0x70: {  	[sflag:s29] =	ssyncset.done $0x0  }
0x71: {  	s6 =	simm.s32 $0xF0;
	[sflag:s29] =	ssyncadd.s32 $0xFFFFD800  }
0x72: {  	[tilespmem:s28], [sflag:$0x2] =	stream.indirect.gather [hbm4b:s4+s24], $0x80, s6, s24, $0xb8;
	[tilespmem:$0x1F780] =	vst v63  }
0x73: {  	s7 =	simm.s32 $0x118  }
0x74: {  	[tilespmem:s30], [sflag:$0x4] =	stream.indirect.gather [hbm4b:s4+s24], $0x80, s7, s24, $0xb8;
	[tilespmem:$0x1F780] =	vst v63  }
0x75: {  	_ =	swait.ge [sflag:s22], $0x1400  }
0x76: {  	[sflag:s22] =	ssyncset.done $0x0  }
0x77: {  	[sflag:s22] =	ssyncadd.s32 $0xFFFFEC00  }
0x78: {  	_ =	swait.ge [sflag:s31], $0x1400  }
0x79: {  	[sflag:s31] =	ssyncset.done $0x0  }
0x7a: {  	s3 =	simm.s32 $0x2880;
	[sflag:s31] =	ssyncadd.s32 $0xFFFFEC00  }
0x7b: {  	[spmem:s2] =	stream.indirect.scatter.add.f32 [tilespmem:s17], [sflag:$0x5], $0x80, s3, s26, $0xb8;
	[tilespmem:$0x1F780] =	vst v63  }
0x7c: {  	_ =	swait.ge [sflag:s21], $0x2800  }
0x7d: {  	[sflag:s21] =	ssyncset.done $0x0  }
0x7e: {  	s6 =	simm.s32 $0x140;
	[sflag:s21] =	ssyncadd.s32 $0xFFFFD800  }
0x7f: {  	[tilespmem:s17], [sflag:$0x1] =	stream.indirect.gather [hbm4b:s4+s24], $0x80, s6, s24, $0xb8;
	[tilespmem:$0x1F780] =	vst v63  }
0x80: {  	s7 =	simm.s32 $0x168  }
0x81: {  	[tilespmem:s25], [sflag:$0x3] =	stream.indirect.gather [hbm4b:s4+s24], $0x80, s7, s24, $0xb8;
	[tilespmem:$0x1F780] =	vst v63  }
0x82: {  	_ =	swait.ge [sflag:s23], $0x1400  }
0x83: {  	[sflag:s23] =	ssyncset.done $0x0  }
0x84: {  	[sflag:s23] =	ssyncadd.s32 $0xFFFFEC00  }
0x85: {  	_ =	swait.ge [sflag:s18], $0x1400  }
0x86: {  	s1 =	simm.s32 $0x280;
	[sflag:s18] =	ssyncset.done $0x0  }
0x87: {  	s3 =	simm.s32 $0x2980;
	s6 =	simm.s32 $0x2900;
	[sflag:s18] =	ssyncadd.s32 $0xFFFFEC00  }
.LBB2_4:
0x88: {  	[spmem:s2] =	stream.indirect.scatter.add.f32 [tilespmem:s28], [sflag:$0x6], $0x80, s6, s26, $0xb8;
	[tilespmem:$0x1F780] =	vst v63  }
0x89: {  	s6 =	smov.u32 s1  }
0x8a: {  	p0 =	sne.s32 s1, $0x9600;
	s1 =	sadd.s32 $0x280, s1;
	_ =	swait.ge [sflag:s29], $0x2800  }
0x8b: {  	s6 =	sshra.s32 s6, $0x2;
	[sflag:s29] =	ssyncset.done $0x0  }
0x8c: {  	s7 =	sadd.s32 $0xF0, s6;
	[sflag:s29] =	ssyncadd.s32 $0xFFFFD800  }
0x8d: {  	[tilespmem:s28], [sflag:$0x2] =	stream.indirect.gather [hbm4b:s4+s24], $0x80, s7, s24, $0xb8;
	[tilespmem:$0x1F780] =	vst v63  }
0x8e: {  	s7 =	sadd.s32 $0x118, s6  }
0x8f: {  	[tilespmem:s30], [sflag:$0x4] =	stream.indirect.gather [hbm4b:s4+s24], $0x80, s7, s24, $0xb8;
	[tilespmem:$0x1F780] =	vst v63  }
0x90: {  	_ =	swait.ge [sflag:s22], $0x1400  }
0x91: {  	[sflag:s22] =	ssyncset.done $0x0  }
0x92: {  	[sflag:s22] =	ssyncadd.s32 $0xFFFFEC00  }
0x93: {  	_ =	swait.ge [sflag:s31], $0x1400  }
0x94: {  	[sflag:s31] =	ssyncset.done $0x0  }
0x95: {  	[sflag:s31] =	ssyncadd.s32 $0xFFFFEC00  }
0x96: {  	[spmem:s2] =	stream.indirect.scatter.add.f32 [tilespmem:s17], [sflag:$0x5], $0x80, s3, s26, $0xb8;
	[tilespmem:$0x1F780] =	vst v63  }
0x97: {  	_ =	swait.ge [sflag:s21], $0x2800  }
0x98: {  	[sflag:s21] =	ssyncset.done $0x0  }
0x99: {  	s7 =	sadd.s32 $0x140, s6;
	[sflag:s21] =	ssyncadd.s32 $0xFFFFD800  }
0x9a: {  	[tilespmem:s17], [sflag:$0x1] =	stream.indirect.gather [hbm4b:s4+s24], $0x80, s7, s24, $0xb8;
	[tilespmem:$0x1F780] =	vst v63  }
0x9b: {  	s6 =	sadd.s32 $0x168, s6  }
0x9c: {  	[tilespmem:s25], [sflag:$0x3] =	stream.indirect.gather [hbm4b:s4+s24], $0x80, s6, s24, $0xb8;
	[tilespmem:$0x1F780] =	vst v63  }
0x9d: {  	_ =	swait.ge [sflag:s23], $0x1400  }
.Ltmp1:
0x9e: {  	[sflag:s23] =	ssyncset.done $0x0;
	(pc) =	sbr.rel @p0 .LBB2_4-.Ltmp1, $4  }
0x9f: {  	[sflag:s23] =	ssyncadd.s32 $0xFFFFEC00  }
0xa0: {  	_ =	swait.ge [sflag:s18], $0x1400  }
0xa1: {  	[sflag:s18] =	ssyncset.done $0x0  }
0xa2: {  	s6 =	sadd.s32 $0x80, s3;
	s3 =	sadd.s32 $0x100, s3;
	[sflag:s18] =	ssyncadd.s32 $0xFFFFEC00  }
0xa3: {  	[spmem:s2] =	stream.indirect.scatter.add.f32 [tilespmem:s28], [sflag:$0x6], $0x80, s6, s26, $0xb8;
	[tilespmem:$0x1F780] =	vst v63  }
0xa4: {  	_ =	swait.ge [sflag:s29], $0x2800  }
0xa5: {  	[sflag:s29] =	ssyncset.done $0x0  }
0xa6: {  	[sflag:s29] =	ssyncadd.s32 $0xFFFFD800  }
0xa7: {  	_ =	swait.ge [sflag:s22], $0x1400  }
0xa8: {  	[sflag:s22] =	ssyncset.done $0x0  }
0xa9: {  	[sflag:s22] =	ssyncadd.s32 $0xFFFFEC00  }
0xaa: {  	_ =	swait.ge [sflag:s31], $0x1400  }
0xab: {  	[sflag:s31] =	ssyncset.done $0x0  }
0xac: {  	s1 =	simm.s32 $0x6580;
	[sflag:s31] =	ssyncadd.s32 $0xFFFFEC00  }
0xad: {  	[spmem:s2] =	stream.indirect.scatter.add.f32 [tilespmem:s17], [sflag:$0x5], $0x80, s1, s26, $0xb8;
	[tilespmem:$0x1F780] =	vst v63  }
0xae: {  	s7 =	stileid.u32;
	_ =	swait.ge [sflag:s21], $0x2800  }
0xaf: {  	s3 =	sshrl.u32 s5, $0x3;
	s19 =	sadd.s32 $0x1, s19;
	[sflag:s21] =	ssyncset.done $0x0  }
0xb0: {  	p0 =	sne.s32 s19, s16;
	s1 =	sshll.u32 s7, $0x6;
	[sflag:s21] =	ssyncadd.s32 $0xFFFFD800  }
.Ltmp2:
0xb1: {  	s1 =	sor.u32 $0x1C07, s1;
	[bflag:$0x0] =	sbarrier.arrive $0xFFFF;
	(pc) =	sbr.rel @p0 .LBB2_1-.Ltmp2, $4  }
0xb2: {  	[hbm:s15], [sflag:s1] =	dma.local [spmem:s3], $0x2800  }
0xb3: {  	_ =	swait.ge [sflag:s0], $0x2800  }
0xb4: {  	[sflag:s0] =	ssyncset.done $0x0  }
0xb5: {  	[sflag:s0] =	ssyncadd.s32 $0xFFFFD800  }
0xb6: {  	_ =	sfence.sel $0x180000  }
0xb7: {  	[bflag:$0x0] =	sbarrier.arrive $0xFFFF  }
0xb8: {  	_ =	strace $0x90000050  }
0xb9: {  	s0 =	stileid.u32;
	[bflag:$0x2] =	sbarrier.arrive $0xFFFF  }
0xba: {  	p0 =	sne.s32 s0, $0x0;
	s0 =	rddreg [dreg:$0x3]  }
0xbb: {  	s0 =	sadd.s32 @!p0 $0x100000, s0  }
0xbc: {  	[sflag:s0] =	ssyncadd.tile.s32 @!p0 $0x1;
	_ =	shalt  }
.Lfunc_end2:
_tile_overlayer_lowered:
.L_overlay_start_2:
0xbd: {  	(tag) =	ssettag $0x2  }
0xbe: {  	s0 =	rddreg [dreg:$0x0];
	s2 =	stileid.u32  }
0xbf: {  	s1 =	rddreg [dreg:$0x1];
	p0 =	sne.s32 s2, $0x0  }
0xc0: {  	s3 =	rddreg [dreg:$0x2];
	[bflag:$0x3] =	sbarrier.arrive $0xFFFF;
	s2 =	simm.s32 @!p0 $0x1C07  }
0xc1: {  	[timem:s3], [sflag:s2] =	dma.local @!p0 [hbm:s0], s1  }
0xc2: {  	s0 =	simm.s32 @!p0 $0x7  }
0xc3: {  	_ =	swait.ge @!p0 [sflag:s0], s1  }
0xc4: {  	s1 =	ssub.s32 @!p0 $0x0, s1;
	[sflag:s0] =	ssyncset.done @!p0 $0x0  }
0xc5: {  	[sflag:s0] =	ssyncadd.s32 @!p0 s1  }
0xc6: {  	[bflag:$0x3] =	sbarrier.arrive $0xFFFF  }
0xc7: {  	_ =	shalt  }

</sc_bundles>
